<compile_context>
chip_gen: v7x
topology: tpu7x:2x2x1
jax: 0.10.2.dev20260603
libtpu: 0.0.44.dev20260713+nightly
codegen_flags: <defaults>
</compile_context>

<pallas_src>
import functools

import jax
import jax.numpy as jnp
from jax import lax
from jax.experimental import pallas as pl
from jax.experimental.pallas import tpu as pltpu
from jax.experimental.pallas import tpu_sc as plsc

N = 10000
E = 320000
D_NODE = 128
D_EDGE = 16
LATENT = 128
OUT_D = 128
N_GRAPHS = 100
MAX_LV = 3

NUM_SC = 2
NUM_TILES = 16
NW = NUM_SC * NUM_TILES

CHUNK = 128
NCH = E // CHUNK
NCHT = 80
NCHPAD = NW * NCHT
SCHUNK = 40
ACC_N = N
TROWS = 640
ZROWS = 80


@functools.cache
def _mesh():
    return plsc.VectorSubcoreMesh(core_axis_name="c", subcore_axis_name="s")


def _make_gs_body(width):
    def body(x_hbm, src_hbm, dst_hbm, z_hbm, out_hbm,
             idx_s, idx_d, buf0, buf1, acc, g0, g1):
        c = lax.axis_index("c")
        t = lax.axis_index("s")
        w = c * NUM_TILES + t
        row0 = pl.multiple_of(w * NCHT, 8)
        nst = jnp.where(w == NW - 1, 1, 2)
        npairs = jnp.where(w == NW - 1, 10, SCHUNK // 2)

        base = t * TROWS
        nrows = jnp.minimum(N - base, TROWS)

        def zc(k, _):
            r = pl.multiple_of(base + k * ZROWS, 8)
            pltpu.sync_copy(z_hbm, acc.at[pl.ds(r, ZROWS)])
            return 0

        lax.fori_loop(0, nrows // ZROWS, zc, 0)
        plsc.subcore_barrier()

        def stage(st, _):
            srow = pl.multiple_of(row0 + st * SCHUNK, 8)
            pltpu.sync_copy(src_hbm.at[pl.ds(srow, SCHUNK)], idx_s)
            pltpu.sync_copy(dst_hbm.at[pl.ds(srow, SCHUNK)], idx_d)
            pltpu.async_copy(x_hbm.at[idx_s.at[0]], buf0, g0)

            def pair(jj, _):
                j0 = 2 * jj
                j1 = 2 * jj + 1
                pltpu.async_copy(x_hbm.at[idx_s.at[j1]], buf1, g1)
                pltpu.make_async_copy(
                    x_hbm.at[idx_s.at[j0]], buf0, g0).wait()
                pltpu.sync_copy(buf0, acc.at[idx_d.at[j0]], add=True)

                @pl.when(jj + 1 < npairs)
                def _():
                    pltpu.async_copy(x_hbm.at[idx_s.at[j0 + 2]], buf0, g0)

                pltpu.make_async_copy(
                    x_hbm.at[idx_s.at[j1]], buf1, g1).wait()
                pltpu.sync_copy(buf1, acc.at[idx_d.at[j1]], add=True)
                return 0

            lax.fori_loop(0, npairs, pair, 0)
            return 0

        lax.fori_loop(0, nst, stage, 0)
        plsc.subcore_barrier()

        def co(k, _):
            r = pl.multiple_of(base + k * ZROWS, 8)
            pltpu.sync_copy(acc.at[pl.ds(r, ZROWS)],
                            out_hbm.at[c, pl.ds(r, ZROWS)])
            return 0

        lax.fori_loop(0, nrows // ZROWS, co, 0)

    return body


@functools.cache
def _gs_kernel(width):
    return pl.kernel(
        _make_gs_body(width),
        out_type=jax.ShapeDtypeStruct((NUM_SC, N, width), jnp.float32),
        name=f"sc_segsum_{width}",
        mesh=_mesh(),
        scratch_types=[
            pltpu.VMEM((SCHUNK, CHUNK), jnp.int32),
            pltpu.VMEM((SCHUNK, CHUNK), jnp.int32),
            pltpu.VMEM((CHUNK, width), jnp.float32),
            pltpu.VMEM((CHUNK, width), jnp.float32),
            pltpu.VMEM_SHARED((ACC_N, width), jnp.float32),
            pltpu.SemaphoreType.DMA,
            pltpu.SemaphoreType.DMA,
        ],
    )


BLK = 1000
NBLK = N // BLK


EBLK = 8000
NEBLK = E // EBLK


def _tc0_body(ef_ref, we_ref, b_ref, emb_ref):
    emb_ref[...] = (
        jnp.dot(ef_ref[...], we_ref[...], preferred_element_type=jnp.float32)
        + b_ref[...])


def _tc0(edge_feat, W_e2l, b):
    return pl.pallas_call(
        _tc0_body,
        grid=(NEBLK,),
        in_specs=[
            pl.BlockSpec((EBLK, D_EDGE), lambda i: (i, 0)),
            pl.BlockSpec((D_EDGE, LATENT), lambda i: (0, 0)),
            pl.BlockSpec((1, LATENT), lambda i: (0, 0)),
        ],
        out_specs=pl.BlockSpec((EBLK, LATENT), lambda i: (i, 0)),
        out_shape=jax.ShapeDtypeStruct((E, LATENT), jnp.float32),
        compiler_params=pltpu.CompilerParams(
            dimension_semantics=("parallel",)),
    )(edge_feat, W_e2l, b)


def _tc1_body(nf_ref, p_ref, wn_ref, b_ref, msg_ref, cur_ref):
    p = p_ref[0] + p_ref[1]
    m = (jnp.dot(nf_ref[...], wn_ref[...], preferred_element_type=jnp.float32)
         + p + b_ref[...])
    msg_ref[...] = m
    cur_ref[...] = jnp.maximum(m, 0.0)


def _tc1(node_feat, pool, W_n2l, b):
    return pl.pallas_call(
        _tc1_body,
        grid=(NBLK,),
        in_specs=[
            pl.BlockSpec((BLK, D_NODE), lambda i: (i, 0)),
            pl.BlockSpec((NUM_SC, BLK, LATENT), lambda i: (0, i, 0)),
            pl.BlockSpec((D_NODE, LATENT), lambda i: (0, 0)),
            pl.BlockSpec((1, LATENT), lambda i: (0, 0)),
        ],
        out_specs=[
            pl.BlockSpec((BLK, LATENT), lambda i: (i, 0)),
            pl.BlockSpec((BLK, LATENT), lambda i: (i, 0)),
        ],
        out_shape=[
            jax.ShapeDtypeStruct((N, LATENT), jnp.float32),
            jax.ShapeDtypeStruct((N, LATENT), jnp.float32),
        ],
        compiler_params=pltpu.CompilerParams(
            dimension_semantics=("parallel",)),
    )(node_feat, pool, W_n2l, b)


def _tc2_body(p_ref, msg_ref, w_ref, b_ref, cur_ref):
    p = p_ref[0] + p_ref[1]
    m = (jnp.dot(p, w_ref[...], preferred_element_type=jnp.float32)
         + b_ref[...] + msg_ref[...])
    cur_ref[...] = jnp.maximum(m, 0.0)


def _tc2(parts, msg, W_conv, b):
    return pl.pallas_call(
        _tc2_body,
        grid=(NBLK,),
        in_specs=[
            pl.BlockSpec((NUM_SC, BLK, LATENT), lambda i: (0, i, 0)),
            pl.BlockSpec((BLK, LATENT), lambda i: (i, 0)),
            pl.BlockSpec((LATENT, LATENT), lambda i: (0, 0)),
            pl.BlockSpec((1, LATENT), lambda i: (0, 0)),
        ],
        out_specs=pl.BlockSpec((BLK, LATENT), lambda i: (i, 0)),
        out_shape=jax.ShapeDtypeStruct((N, LATENT), jnp.float32),
        compiler_params=pltpu.CompilerParams(
            dimension_semantics=("parallel",)),
    )(parts, msg, W_conv, b)


def _tc3_body(cur_ref, gid_ref, w_ref, b_ref, relu_ref, y_ref):
    i = pl.program_id(0)
    r = jnp.maximum(
        jnp.dot(cur_ref[...], w_ref[...], preferred_element_type=jnp.float32)
        + b_ref[...], 0.0)
    relu_ref[...] = r
    gid = gid_ref[0]
    onehot = (lax.broadcasted_iota(jnp.int32, (N_GRAPHS, BLK), 0)
              == gid).astype(jnp.float32)
    part = jnp.dot(onehot, r, preferred_element_type=jnp.float32)

    @pl.when(i == 0)
    def _():
        y_ref[...] = jnp.zeros_like(y_ref)

    acc = y_ref[...] + part
    y_ref[...] = jnp.where(i == NBLK - 1, jnp.maximum(acc, 0.0), acc)


def _tc3(cur, gids3d, W_out, b):
    return pl.pallas_call(
        _tc3_body,
        grid=(NBLK,),
        in_specs=[
            pl.BlockSpec((BLK, LATENT), lambda i: (i, 0)),
            pl.BlockSpec((1, 1, BLK), lambda i: (i, 0, 0)),
            pl.BlockSpec((LATENT, OUT_D), lambda i: (0, 0)),
            pl.BlockSpec((1, OUT_D), lambda i: (0, 0)),
        ],
        out_specs=[
            pl.BlockSpec((BLK, OUT_D), lambda i: (i, 0)),
            pl.BlockSpec((N_GRAPHS, OUT_D), lambda i: (0, 0)),
        ],
        out_shape=[
            jax.ShapeDtypeStruct((N, OUT_D), jnp.float32),
            jax.ShapeDtypeStruct((N_GRAPHS, OUT_D), jnp.float32),
        ],
        compiler_params=pltpu.CompilerParams(
            dimension_semantics=("arbitrary",)),
    )(cur, gids3d, W_out, b)


def kernel(node_feat, edge_feat, edge_index, graph_ids,
           W_n2l, b_n2l, W_e2l, b_e2l, W_conv, b_conv, W_out, b_out):
    pad = ((0, NCHPAD - NCH), (0, 0))
    src2d = jnp.pad(edge_index[0].reshape(NCH, CHUNK), pad)
    dst2d = jnp.pad(edge_index[1].reshape(NCH, CHUNK), pad)
    eidx2d = jnp.pad(jnp.arange(E, dtype=jnp.int32).reshape(NCH, CHUNK), pad)
    gids3d = graph_ids.reshape(NBLK, 1, BLK)
    zrows = jnp.zeros((ZROWS, LATENT), jnp.float32)

    edge_emb = _tc0(edge_feat, W_e2l, b_e2l.reshape(1, LATENT))
    pool = _gs_kernel(LATENT)(edge_emb, eidx2d, dst2d, zrows)
    msg, cur = _tc1(node_feat, pool, W_n2l, b_n2l.reshape(1, LATENT))
    for _ in range(MAX_LV):
        parts = _gs_kernel(LATENT)(cur, src2d, dst2d, zrows)
        cur = _tc2(parts, msg, W_conv, b_conv.reshape(1, LATENT))
    reluact, y = _tc3(cur, gids3d, W_out, b_out.reshape(1, OUT_D))
    return (reluact, y)

# --- scband reference (transcript-rebuilt; emitter-appended) ---
"""Pipeline reference for scband-embed-mean-field-128849018973 (READ-ONLY COPY).

The authoritative reference and input builder live on the scoring server;
editing this copy changes nothing except your own understanding.
"""

import jax, jax.numpy as jnp
import numpy as np

N = 10000
E = 320000
D_NODE = 128
D_EDGE = 16
LATENT = 128
OUT = 128
N_GRAPHS = 100
MAX_LV = 3


def setup_inputs(seed: int = 0) -> dict:
    key = jax.random.key(seed)
    ks = jax.random.split(key, 12)
    node_feat = jax.random.normal(ks[0], (N, D_NODE), dtype=jnp.float32)
    edge_feat = jax.random.normal(ks[1], (E, D_EDGE), dtype=jnp.float32)
    edge_index = jax.random.randint(ks[2], (2, E), 0, N, dtype=jnp.int32)
    graph_ids = jnp.sort(jax.random.randint(ks[3], (N,), 0, N_GRAPHS, dtype=jnp.int32))
    # learned parameters (torch nn.Linear: y = x @ W + b with W stored [in, out] here)
    W_n2l = jax.random.normal(ks[4], (D_NODE, LATENT), dtype=jnp.float32) / np.sqrt(D_NODE)
    b_n2l = jnp.zeros((LATENT,), dtype=jnp.float32)
    W_e2l = jax.random.normal(ks[5], (D_EDGE, LATENT), dtype=jnp.float32) / np.sqrt(D_EDGE)
    b_e2l = jnp.zeros((LATENT,), dtype=jnp.float32)
    W_conv = jax.random.normal(ks[6], (LATENT, LATENT), dtype=jnp.float32) / np.sqrt(LATENT)
    b_conv = jnp.zeros((LATENT,), dtype=jnp.float32)
    W_out = jax.random.normal(ks[7], (LATENT, OUT), dtype=jnp.float32) / np.sqrt(LATENT)
    b_out = jnp.zeros((OUT,), dtype=jnp.float32)
    return {
        "node_feat": node_feat,
        "edge_feat": edge_feat,
        "edge_index": edge_index,
        "graph_ids": graph_ids,
        "W_n2l": W_n2l, "b_n2l": b_n2l,
        "W_e2l": W_e2l, "b_e2l": b_e2l,
        "W_conv": W_conv, "b_conv": b_conv,
        "W_out": W_out, "b_out": b_out,
    }


def reference(node_feat, edge_feat, edge_index, graph_ids,
              W_n2l, b_n2l, W_e2l, b_e2l, W_conv, b_conv, W_out, b_out):
    src = edge_index[0]
    dst = edge_index[1]
    # input_node_linear = self.w_n2l(node_feat)
    input_node_linear = node_feat @ W_n2l + b_n2l
    # e2n spmm: each edge's feature embedding summed into its dst node
    input_edge_linear = edge_feat @ W_e2l + b_e2l
    e2npool_input = jax.ops.segment_sum(input_edge_linear, dst, num_segments=N)
    input_message = input_node_linear + e2npool_input
    cur_message_layer = jax.nn.relu(input_message)
    # mean-field message passing loop; n2n spmm = gather(src) + scatter-add(dst)
    for _ in range(MAX_LV):
        gathered = jnp.take(cur_message_layer, src, axis=0)
        n2npool = jax.ops.segment_sum(gathered, dst, num_segments=N)
        node_linear = n2npool @ W_conv + b_conv
        cur_message_layer = jax.nn.relu(node_linear + input_message)
    # output projection (output_dim > 0)
    out_linear = cur_message_layer @ W_out + b_out
    reluact_fp = jax.nn.relu(out_linear)
    # subg spmm: pool node embeddings per graph (pool_global=True)
    y_potential = jax.ops.segment_sum(reluact_fp, graph_ids, num_segments=N_GRAPHS)
    return (reluact_fp, jax.nn.relu(y_potential))

if __name__ == "__main__":
    import jax
    _d = setup_inputs()
    print(jax.jit(kernel)(*tuple(_d.values())))

</pallas_src>

<mosaic_0001>
#map = affine_map<(d0, d1) -> (0, 0)>
#map1 = affine_map<(d0, d1) -> (0, 0, 0)>
module attributes {stable_mosaic.version = 14 : i64} {
  func.func @sc_segsum_128(%arg0: i32, %arg1: i32, %arg2: memref<10000x128xf32, #tpu.memory_space<hbm>>, %arg3: memref<2560x128xi32, #tpu.memory_space<hbm>>, %arg4: memref<2560x128xi32, #tpu.memory_space<hbm>>, %arg5: memref<80x128xf32, #tpu.memory_space<hbm>>, %arg6: memref<2x10000x128xf32, #tpu.memory_space<hbm>>, %arg7: memref<40x128xi32, #tpu.memory_space<vmem>>, %arg8: memref<40x128xi32, #tpu.memory_space<vmem>>, %arg9: memref<128x128xf32, #tpu.memory_space<vmem>>, %arg10: memref<128x128xf32, #tpu.memory_space<vmem>>, %arg11: memref<10000x128xf32, #tpu.memory_space<vmem_shared>>, %arg12: memref<!tpu.dma_semaphore, #tpu.memory_space<semaphore_mem>>, %arg13: memref<!tpu.dma_semaphore, #tpu.memory_space<semaphore_mem>>) attributes {dimension_semantics = [#tpu.dimension_semantics<core_parallel>, #tpu.dimension_semantics<subcore_parallel>], iteration_bounds = array<i64: 2, 16>, scalar_prefetch = 0 : i64, scratch_operands = 7 : i64, tpu.core_type = #tpu.core_type<sc_vector_subcore>, window_params = [{transform_indices = #map}, {transform_indices = #map}, {transform_indices = #map}, {transform_indices = #map}, {transform_indices = #map1}]} {
    %mul3A = arith.constant 16 : i32
    %mul3A_0 = arith.muli %arg0, %mul3A : i32
    %add3A = arith.addi %mul3A_0, %arg1 : i32
    %mul3A_1 = arith.constant 80 : i32
    %mul3A_2 = arith.muli %add3A, %mul3A_1 : i32
    %multiple_of3A = tpu.assume_multiple %mul3A_2, 8 : i32
    %eq3A = arith.constant 31 : i32
    %eq3A_3 = arith.cmpi eq, %add3A, %eq3A : i32
    %jit3A = arith.constant 1 : i32
    %jit3A_4 = arith.constant 2 : i32
    %select_n3A = arith.select %eq3A_3, %jit3A, %jit3A_4 : i32
    %eq3A_5 = arith.constant 31 : i32
    %eq3A_6 = arith.cmpi eq, %add3A, %eq3A_5 : i32
    %jit3A_7 = arith.constant 10 : i32
    %jit3A_8 = arith.constant 20 : i32
    %select_n3A_9 = arith.select %eq3A_6, %jit3A_7, %jit3A_8 : i32
    %mul3A_10 = arith.constant 640 : i32
    %mul3A_11 = arith.muli %arg1, %mul3A_10 : i32
    %sub3A = arith.constant 10000 : i32
    %sub3A_12 = arith.subi %sub3A, %mul3A_11 : i32
    %min3A = arith.constant 640 : i32
    %min3A_13 = arith.minsi %sub3A_12, %min3A : i32
    %jit3A_14 = arith.constant 80 : i32
    %div3A = arith.divsi %min3A_13, %jit3A_14 : i32
    %sign3A = arith.constant 0 : i32
    %sign3A_15 = arith.cmpi sgt, %min3A_13, %sign3A : i32
    %sign3A_16 = arith.extui %sign3A_15 : i1 to i32
    %sign3A_17 = arith.constant 0 : i32
    %sign3A_18 = arith.cmpi slt, %min3A_13, %sign3A_17 : i32
    %sign3A_19 = arith.extui %sign3A_18 : i1 to i32
    %sign3A_20 = arith.subi %sign3A_16, %sign3A_19 : i32
    %sign3A_21 = arith.constant 0 : i32
    %sign3A_22 = arith.cmpi sgt, %jit3A_14, %sign3A_21 : i32
    %sign3A_23 = arith.extui %sign3A_22 : i1 to i32
    %sign3A_24 = arith.constant 0 : i32
    %sign3A_25 = arith.cmpi slt, %jit3A_14, %sign3A_24 : i32
    %sign3A_26 = arith.extui %sign3A_25 : i1 to i32
    %sign3A_27 = arith.subi %sign3A_23, %sign3A_26 : i32
    %ne3A = arith.cmpi ne, %sign3A_20, %sign3A_27 : i32
    %rem3A = arith.remsi %min3A_13, %jit3A_14 : i32
    %ne3A_28 = arith.constant 0 : i32
    %ne3A_29 = arith.cmpi ne, %rem3A, %ne3A_28 : i32
    %and3A = arith.andi %ne3A, %ne3A_29 : i1
    %sub3A_30 = arith.constant 1 : i32
    %sub3A_31 = arith.subi %div3A, %sub3A_30 : i32
    %select_n3A_32 = arith.select %and3A, %sub3A_31, %div3A : i32
    %while3A = arith.constant 0 : i32
    %while3A_33 = arith.constant 0 : i32
    %while3A_34 = arith.subi %select_n3A_32, %while3A : i32
    %while3A_35 = arith.addi %while3A, %while3A_34 : i32
    %while3A_36 = arith.constant 1 : i32
    %while3A_37 = arith.divsi %while3A_34, %while3A_36 : i32
    %while3A_38 = arith.muli %while3A_37, %while3A_36 : i32
    %while3A_39 = arith.addi %while3A, %while3A_38 : i32
    %while3A_40 = arith.constant 1 : i32
    %while3A_41 = scf.for %while3A_93 = %while3A to %while3A_39 step %while3A_40 iter_args(%while3A_94 = %while3A_33) -> (i32)  : i32 {
      %mul3A_95 = arith.constant 80 : i32
      %mul3A_96 = arith.muli %while3A_93, %mul3A_95 : i32
      %add3A_97 = arith.addi %mul3A_11, %mul3A_96 : i32
      %multiple_of3A_98 = tpu.assume_multiple %add3A_97, 8 : i32
      "tpu.region"() ({
        %run_scoped3A = tpu.sem_alloc : memref<!tpu.dma_semaphore, #tpu.memory_space<semaphore_mem>>
        %dma_start3A = arith.constant 0 : i32
        %dma_start3A_100 = tpu.memref_slice %arg11[%multiple_of3A_98, %dma_start3A] : memref<10000x128xf32, #tpu.memory_space<vmem_shared>> -> memref<80x128xf32, #tpu.memory_space<vmem_shared>>
        tpu.enqueue_dma source(%arg5 : memref<80x128xf32, #tpu.memory_space<hbm>>) target(%dma_start3A_100 : memref<80x128xf32, #tpu.memory_space<vmem_shared>>) target_semaphore(%run_scoped3A : memref<!tpu.dma_semaphore, #tpu.memory_space<semaphore_mem>>)
        %dma_wait3A = arith.constant 0 : i32
        %dma_wait3A_101 = tpu.memref_slice %arg11[%multiple_of3A_98, %dma_wait3A] : memref<10000x128xf32, #tpu.memory_space<vmem_shared>> -> memref<80x128xf32, #tpu.memory_space<vmem_shared>>
        tpu.wait_dma2 semaphore(%run_scoped3A : memref<!tpu.dma_semaphore, #tpu.memory_space<semaphore_mem>>) src(%arg5 : memref<80x128xf32, #tpu.memory_space<hbm>>) dst(%dma_wait3A_101 : memref<80x128xf32, #tpu.memory_space<vmem_shared>>)
        tpu.yield
      }) : () -> ()
      %while3A_99 = arith.constant 0 : i32
      scf.yield %while3A_99 : i32
    }
    %while3A_42 = arith.constant 1 : i32
    %while3A_43 = scf.for %while3A_93 = %while3A_39 to %while3A_35 step %while3A_42 iter_args(%while3A_94 = %while3A_41) -> (i32)  : i32 {
      %mul3A_95 = arith.constant 80 : i32
      %mul3A_96 = arith.muli %while3A_93, %mul3A_95 : i32
      %add3A_97 = arith.addi %mul3A_11, %mul3A_96 : i32
      %multiple_of3A_98 = tpu.assume_multiple %add3A_97, 8 : i32
      "tpu.region"() ({
        %run_scoped3A = tpu.sem_alloc : memref<!tpu.dma_semaphore, #tpu.memory_space<semaphore_mem>>
        %dma_start3A = arith.constant 0 : i32
        %dma_start3A_100 = tpu.memref_slice %arg11[%multiple_of3A_98, %dma_start3A] : memref<10000x128xf32, #tpu.memory_space<vmem_shared>> -> memref<80x128xf32, #tpu.memory_space<vmem_shared>>
        tpu.enqueue_dma source(%arg5 : memref<80x128xf32, #tpu.memory_space<hbm>>) target(%dma_start3A_100 : memref<80x128xf32, #tpu.memory_space<vmem_shared>>) target_semaphore(%run_scoped3A : memref<!tpu.dma_semaphore, #tpu.memory_space<semaphore_mem>>)
        %dma_wait3A = arith.constant 0 : i32
        %dma_wait3A_101 = tpu.memref_slice %arg11[%multiple_of3A_98, %dma_wait3A] : memref<10000x128xf32, #tpu.memory_space<vmem_shared>> -> memref<80x128xf32, #tpu.memory_space<vmem_shared>>
        tpu.wait_dma2 semaphore(%run_scoped3A : memref<!tpu.dma_semaphore, #tpu.memory_space<semaphore_mem>>) src(%arg5 : memref<80x128xf32, #tpu.memory_space<hbm>>) dst(%dma_wait3A_101 : memref<80x128xf32, #tpu.memory_space<vmem_shared>>)
        tpu.yield
      }) : () -> ()
      %while3A_99 = arith.constant 0 : i32
      scf.yield %while3A_99 : i32
    }
    %barrier3A = arith.constant 0 : index
    tpu.barrier barrier_id(%barrier3A)
    %while3A_44 = arith.constant 0 : i32
    %while3A_45 = arith.constant 0 : i32
    %while3A_46 = arith.subi %select_n3A, %while3A_44 : i32
    %while3A_47 = arith.addi %while3A_44, %while3A_46 : i32
    %while3A_48 = arith.constant 1 : i32
    %while3A_49 = arith.divsi %while3A_46, %while3A_48 : i32
    %while3A_50 = arith.muli %while3A_49, %while3A_48 : i32
    %while3A_51 = arith.addi %while3A_44, %while3A_50 : i32
    %while3A_52 = arith.constant 1 : i32
    %while3A_53 = scf.for %while3A_93 = %while3A_44 to %while3A_51 step %while3A_52 iter_args(%while3A_94 = %while3A_45) -> (i32)  : i32 {
      %mul3A_95 = arith.constant 40 : i32
      %mul3A_96 = arith.muli %while3A_93, %mul3A_95 : i32
      %add3A_97 = arith.addi %multiple_of3A, %mul3A_96 : i32
      %multiple_of3A_98 = tpu.assume_multiple %add3A_97, 8 : i32
      "tpu.region"() ({
        %run_scoped3A = tpu.sem_alloc : memref<!tpu.dma_semaphore, #tpu.memory_space<semaphore_mem>>
        %dma_start3A_118 = arith.constant 0 : i32
        %dma_start3A_119 = tpu.memref_slice %arg3[%multiple_of3A_98, %dma_start3A_118] : memref<2560x128xi32, #tpu.memory_space<hbm>> -> memref<40x128xi32, #tpu.memory_space<hbm>>
        %dma_start3A_120 = arith.constant 0 : i32
        %dma_start3A_121 = tpu.memref_slice %arg3[%multiple_of3A_98, %dma_start3A_120] : memref<2560x128xi32, #tpu.memory_space<hbm>> -> memref<40x128xi32, #tpu.memory_space<hbm>>
        tpu.enqueue_dma source(%dma_start3A_121 : memref<40x128xi32, #tpu.memory_space<hbm>>) target(%arg7 : memref<40x128xi32, #tpu.memory_space<vmem>>) target_semaphore(%run_scoped3A : memref<!tpu.dma_semaphore, #tpu.memory_space<semaphore_mem>>)
        %dma_wait3A = arith.constant 0 : i32
        %dma_wait3A_122 = tpu.memref_slice %arg3[%multiple_of3A_98, %dma_wait3A] : memref<2560x128xi32, #tpu.memory_space<hbm>> -> memref<40x128xi32, #tpu.memory_space<hbm>>
        %dma_wait3A_123 = arith.constant 0 : i32
        %dma_wait3A_124 = tpu.memref_slice %arg3[%multiple_of3A_98, %dma_wait3A_123] : memref<2560x128xi32, #tpu.memory_space<hbm>> -> memref<40x128xi32, #tpu.memory_space<hbm>>
        tpu.wait_dma2 semaphore(%run_scoped3A : memref<!tpu.dma_semaphore, #tpu.memory_space<semaphore_mem>>) src(%dma_wait3A_124 : memref<40x128xi32, #tpu.memory_space<hbm>>) dst(%arg7 : memref<40x128xi32, #tpu.memory_space<vmem>>)
        tpu.yield
      }) : () -> ()
      "tpu.region"() ({
        %run_scoped3A = tpu.sem_alloc : memref<!tpu.dma_semaphore, #tpu.memory_space<semaphore_mem>>
        %dma_start3A_118 = arith.constant 0 : i32
        %dma_start3A_119 = tpu.memref_slice %arg4[%multiple_of3A_98, %dma_start3A_118] : memref<2560x128xi32, #tpu.memory_space<hbm>> -> memref<40x128xi32, #tpu.memory_space<hbm>>
        %dma_start3A_120 = arith.constant 0 : i32
        %dma_start3A_121 = tpu.memref_slice %arg4[%multiple_of3A_98, %dma_start3A_120] : memref<2560x128xi32, #tpu.memory_space<hbm>> -> memref<40x128xi32, #tpu.memory_space<hbm>>
        tpu.enqueue_dma source(%dma_start3A_121 : memref<40x128xi32, #tpu.memory_space<hbm>>) target(%arg8 : memref<40x128xi32, #tpu.memory_space<vmem>>) target_semaphore(%run_scoped3A : memref<!tpu.dma_semaphore, #tpu.memory_space<semaphore_mem>>)
        %dma_wait3A = arith.constant 0 : i32
        %dma_wait3A_122 = tpu.memref_slice %arg4[%multiple_of3A_98, %dma_wait3A] : memref<2560x128xi32, #tpu.memory_space<hbm>> -> memref<40x128xi32, #tpu.memory_space<hbm>>
        %dma_wait3A_123 = arith.constant 0 : i32
        %dma_wait3A_124 = tpu.memref_slice %arg4[%multiple_of3A_98, %dma_wait3A_123] : memref<2560x128xi32, #tpu.memory_space<hbm>> -> memref<40x128xi32, #tpu.memory_space<hbm>>
        tpu.wait_dma2 semaphore(%run_scoped3A : memref<!tpu.dma_semaphore, #tpu.memory_space<semaphore_mem>>) src(%dma_wait3A_124 : memref<40x128xi32, #tpu.memory_space<hbm>>) dst(%arg8 : memref<40x128xi32, #tpu.memory_space<vmem>>)
        tpu.yield
      }) : () -> ()
      %dma_start3A = arith.constant 0 : i32
      %dma_start3A_99 = arith.constant 0 : i32
      %dma_start3A_100 = tpu.memref_slice %arg7[%dma_start3A, %dma_start3A_99] : memref<40x128xi32, #tpu.memory_space<vmem>> -> memref<1x128xi32, #tpu.memory_space<vmem>>
      %dma_start3A_101 = tpu.memref_squeeze %dma_start3A_100 : memref<1x128xi32, #tpu.memory_space<vmem>> -> memref<128xi32, #tpu.memory_space<vmem>>
      %dma_start3A_102 = arith.constant 0 : i32
      %dma_start3A_103 = arith.constant 0 : i32
      %dma_start3A_104 = tpu.memref_slice %arg2[%dma_start3A_102, %dma_start3A_103] : memref<10000x128xf32, #tpu.memory_space<hbm>> -> memref<10000x128xf32, #tpu.memory_space<hbm>>
      tpu.enqueue_indirect_dma source(%dma_start3A_104 : memref<10000x128xf32, #tpu.memory_space<hbm>>) target(%arg9 : memref<128x128xf32, #tpu.memory_space<vmem>>) offsets(%dma_start3A_101 : memref<128xi32, #tpu.memory_space<vmem>>) semaphore(%arg12 : memref<!tpu.dma_semaphore, #tpu.memory_space<semaphore_mem>>)
      %while3A_105 = arith.constant 0 : i32
      %while3A_106 = arith.constant 0 : i32
      %while3A_107 = arith.subi %select_n3A_9, %while3A_105 : i32
      %while3A_108 = arith.addi %while3A_105, %while3A_107 : i32
      %while3A_109 = arith.constant 1 : i32
      %while3A_110 = arith.divsi %while3A_107, %while3A_109 : i32
      %while3A_111 = arith.muli %while3A_110, %while3A_109 : i32
      %while3A_112 = arith.addi %while3A_105, %while3A_111 : i32
      %while3A_113 = arith.constant 1 : i32
      %while3A_114 = scf.for %while3A_118 = %while3A_105 to %while3A_112 step %while3A_113 iter_args(%while3A_119 = %while3A_106) -> (i32)  : i32 {
        %mul3A_120 = arith.constant 2 : i32
        %mul3A_121 = arith.muli %mul3A_120, %while3A_118 : i32
        %mul3A_122 = arith.constant 2 : i32
        %mul3A_123 = arith.muli %mul3A_122, %while3A_118 : i32
        %add3A_124 = arith.constant 1 : i32
        %add3A_125 = arith.addi %mul3A_123, %add3A_124 : i32
        %dma_start3A_126 = arith.constant 0 : i32
        %dma_start3A_127 = tpu.memref_slice %arg7[%add3A_125, %dma_start3A_126] : memref<40x128xi32, #tpu.memory_space<vmem>> -> memref<1x128xi32, #tpu.memory_space<vmem>>
        %dma_start3A_128 = tpu.memref_squeeze %dma_start3A_127 : memref<1x128xi32, #tpu.memory_space<vmem>> -> memref<128xi32, #tpu.memory_space<vmem>>
        %dma_start3A_129 = arith.constant 0 : i32
        %dma_start3A_130 = arith.constant 0 : i32
        %dma_start3A_131 = tpu.memref_slice %arg2[%dma_start3A_129, %dma_start3A_130] : memref<10000x128xf32, #tpu.memory_space<hbm>> -> memref<10000x128xf32, #tpu.memory_space<hbm>>
        tpu.enqueue_indirect_dma source(%dma_start3A_131 : memref<10000x128xf32, #tpu.memory_space<hbm>>) target(%arg10 : memref<128x128xf32, #tpu.memory_space<vmem>>) offsets(%dma_start3A_128 : memref<128xi32, #tpu.memory_space<vmem>>) semaphore(%arg13 : memref<!tpu.dma_semaphore, #tpu.memory_space<semaphore_mem>>)
        %dma_wait3A = arith.constant 0 : i32
        %dma_wait3A_132 = tpu.memref_slice %arg7[%mul3A_121, %dma_wait3A] : memref<40x128xi32, #tpu.memory_space<vmem>> -> memref<1x128xi32, #tpu.memory_space<vmem>>
        %dma_wait3A_133 = tpu.memref_squeeze %dma_wait3A_132 : memref<1x128xi32, #tpu.memory_space<vmem>> -> memref<128xi32, #tpu.memory_space<vmem>>
        %dma_wait3A_134 = arith.constant 0 : i32
        %dma_wait3A_135 = arith.constant 0 : i32
        %dma_wait3A_136 = tpu.memref_slice %arg2[%dma_wait3A_134, %dma_wait3A_135] : memref<10000x128xf32, #tpu.memory_space<hbm>> -> memref<10000x128xf32, #tpu.memory_space<hbm>>
        tpu.wait_indirect_dma semaphore(%arg12 : memref<!tpu.dma_semaphore, #tpu.memory_space<semaphore_mem>>) src(%dma_wait3A_136 : memref<10000x128xf32, #tpu.memory_space<hbm>>) dst(%arg9 : memref<128x128xf32, #tpu.memory_space<vmem>>)
        "tpu.region"() ({
          %run_scoped3A = tpu.sem_alloc : memref<!tpu.dma_semaphore, #tpu.memory_space<semaphore_mem>>
          %dma_start3A_147 = arith.constant 0 : i32
          %dma_start3A_148 = tpu.memref_slice %arg8[%mul3A_121, %dma_start3A_147] : memref<40x128xi32, #tpu.memory_space<vmem>> -> memref<1x128xi32, #tpu.memory_space<vmem>>
          %dma_start3A_149 = tpu.memref_squeeze %dma_start3A_148 : memref<1x128xi32, #tpu.memory_space<vmem>> -> memref<128xi32, #tpu.memory_space<vmem>>
          %dma_start3A_150 = arith.constant 0 : i32
          %dma_start3A_151 = arith.constant 0 : i32
          %dma_start3A_152 = tpu.memref_slice %arg11[%dma_start3A_150, %dma_start3A_151] : memref<10000x128xf32, #tpu.memory_space<vmem_shared>> -> memref<10000x128xf32, #tpu.memory_space<vmem_shared>>
          tpu.enqueue_indirect_dma source(%arg9 : memref<128x128xf32, #tpu.memory_space<vmem>>) target(%dma_start3A_152 : memref<10000x128xf32, #tpu.memory_space<vmem_shared>>) offsets(%dma_start3A_149 : memref<128xi32, #tpu.memory_space<vmem>>) semaphore(%run_scoped3A : memref<!tpu.dma_semaphore, #tpu.memory_space<semaphore_mem>>) {add = true}
          %dma_wait3A_153 = arith.constant 0 : i32
          %dma_wait3A_154 = tpu.memref_slice %arg8[%mul3A_121, %dma_wait3A_153] : memref<40x128xi32, #tpu.memory_space<vmem>> -> memref<1x128xi32, #tpu.memory_space<vmem>>
          %dma_wait3A_155 = tpu.memref_squeeze %dma_wait3A_154 : memref<1x128xi32, #tpu.memory_space<vmem>> -> memref<128xi32, #tpu.memory_space<vmem>>
          %dma_wait3A_156 = arith.constant 0 : i32
          %dma_wait3A_157 = arith.constant 0 : i32
          %dma_wait3A_158 = tpu.memref_slice %arg11[%dma_wait3A_156, %dma_wait3A_157] : memref<10000x128xf32, #tpu.memory_space<vmem_shared>> -> memref<10000x128xf32, #tpu.memory_space<vmem_shared>>
          tpu.wait_indirect_dma semaphore(%run_scoped3A : memref<!tpu.dma_semaphore, #tpu.memory_space<semaphore_mem>>) src(%arg9 : memref<128x128xf32, #tpu.memory_space<vmem>>) dst(%dma_wait3A_158 : memref<10000x128xf32, #tpu.memory_space<vmem_shared>>)
          tpu.yield
        }) : () -> ()
        %add3A_137 = arith.constant 1 : i32
        %add3A_138 = arith.addi %while3A_118, %add3A_137 : i32
        %lt3A = arith.cmpi slt, %add3A_138, %select_n3A_9 : i32
        %convert_element_type3A = arith.extui %lt3A : i1 to i32
        %cond3A = arith.constant 0 : i32
        %cond3A_139 = arith.cmpi ne, %convert_element_type3A, %cond3A : i32
        scf.if %cond3A_139 {
          %add3A_147 = arith.constant 2 : i32
          %add3A_148 = arith.addi %mul3A_121, %add3A_147 : i32
          %dma_start3A_149 = arith.constant 0 : i32
          %dma_start3A_150 = tpu.memref_slice %arg7[%add3A_148, %dma_start3A_149] : memref<40x128xi32, #tpu.memory_space<vmem>> -> memref<1x128xi32, #tpu.memory_space<vmem>>
          %dma_start3A_151 = tpu.memref_squeeze %dma_start3A_150 : memref<1x128xi32, #tpu.memory_space<vmem>> -> memref<128xi32, #tpu.memory_space<vmem>>
          %dma_start3A_152 = arith.constant 0 : i32
          %dma_start3A_153 = arith.constant 0 : i32
          %dma_start3A_154 = tpu.memref_slice %arg2[%dma_start3A_152, %dma_start3A_153] : memref<10000x128xf32, #tpu.memory_space<hbm>> -> memref<10000x128xf32, #tpu.memory_space<hbm>>
          tpu.enqueue_indirect_dma source(%dma_start3A_154 : memref<10000x128xf32, #tpu.memory_space<hbm>>) target(%arg9 : memref<128x128xf32, #tpu.memory_space<vmem>>) offsets(%dma_start3A_151 : memref<128xi32, #tpu.memory_space<vmem>>) semaphore(%arg12 : memref<!tpu.dma_semaphore, #tpu.memory_space<semaphore_mem>>)
        } else {
        }
        %dma_wait3A_140 = arith.constant 0 : i32
        %dma_wait3A_141 = tpu.memref_slice %arg7[%add3A_125, %dma_wait3A_140] : memref<40x128xi32, #tpu.memory_space<vmem>> -> memref<1x128xi32, #tpu.memory_space<vmem>>
        %dma_wait3A_142 = tpu.memref_squeeze %dma_wait3A_141 : memref<1x128xi32, #tpu.memory_space<vmem>> -> memref<128xi32, #tpu.memory_space<vmem>>
        %dma_wait3A_143 = arith.constant 0 : i32
        %dma_wait3A_144 = arith.constant 0 : i32
        %dma_wait3A_145 = tpu.memref_slice %arg2[%dma_wait3A_143, %dma_wait3A_144] : memref<10000x128xf32, #tpu.memory_space<hbm>> -> memref<10000x128xf32, #tpu.memory_space<hbm>>
        tpu.wait_indirect_dma semaphore(%arg13 : memref<!tpu.dma_semaphore, #tpu.memory_space<semaphore_mem>>) src(%dma_wait3A_145 : memref<10000x128xf32, #tpu.memory_space<hbm>>) dst(%arg10 : memref<128x128xf32, #tpu.memory_space<vmem>>)
        "tpu.region"() ({
          %run_scoped3A = tpu.sem_alloc : memref<!tpu.dma_semaphore, #tpu.memory_space<semaphore_mem>>
          %dma_start3A_147 = arith.constant 0 : i32
          %dma_start3A_148 = tpu.memref_slice %arg8[%add3A_125, %dma_start3A_147] : memref<40x128xi32, #tpu.memory_space<vmem>> -> memref<1x128xi32, #tpu.memory_space<vmem>>
          %dma_start3A_149 = tpu.memref_squeeze %dma_start3A_148 : memref<1x128xi32, #tpu.memory_space<vmem>> -> memref<128xi32, #tpu.memory_space<vmem>>
          %dma_start3A_150 = arith.constant 0 : i32
          %dma_start3A_151 = arith.constant 0 : i32
          %dma_start3A_152 = tpu.memref_slice %arg11[%dma_start3A_150, %dma_start3A_151] : memref<10000x128xf32, #tpu.memory_space<vmem_shared>> -> memref<10000x128xf32, #tpu.memory_space<vmem_shared>>
          tpu.enqueue_indirect_dma source(%arg10 : memref<128x128xf32, #tpu.memory_space<vmem>>) target(%dma_start3A_152 : memref<10000x128xf32, #tpu.memory_space<vmem_shared>>) offsets(%dma_start3A_149 : memref<128xi32, #tpu.memory_space<vmem>>) semaphore(%run_scoped3A : memref<!tpu.dma_semaphore, #tpu.memory_space<semaphore_mem>>) {add = true}
          %dma_wait3A_153 = arith.constant 0 : i32
          %dma_wait3A_154 = tpu.memref_slice %arg8[%add3A_125, %dma_wait3A_153] : memref<40x128xi32, #tpu.memory_space<vmem>> -> memref<1x128xi32, #tpu.memory_space<vmem>>
          %dma_wait3A_155 = tpu.memref_squeeze %dma_wait3A_154 : memref<1x128xi32, #tpu.memory_space<vmem>> -> memref<128xi32, #tpu.memory_space<vmem>>
          %dma_wait3A_156 = arith.constant 0 : i32
          %dma_wait3A_157 = arith.constant 0 : i32
          %dma_wait3A_158 = tpu.memref_slice %arg11[%dma_wait3A_156, %dma_wait3A_157] : memref<10000x128xf32, #tpu.memory_space<vmem_shared>> -> memref<10000x128xf32, #tpu.memory_space<vmem_shared>>
          tpu.wait_indirect_dma semaphore(%run_scoped3A : memref<!tpu.dma_semaphore, #tpu.memory_space<semaphore_mem>>) src(%arg10 : memref<128x128xf32, #tpu.memory_space<vmem>>) dst(%dma_wait3A_158 : memref<10000x128xf32, #tpu.memory_space<vmem_shared>>)
          tpu.yield
        }) : () -> ()
        %while3A_146 = arith.constant 0 : i32
        scf.yield %while3A_146 : i32
      }
      %while3A_115 = arith.constant 1 : i32
      %while3A_116 = scf.for %while3A_118 = %while3A_112 to %while3A_108 step %while3A_115 iter_args(%while3A_119 = %while3A_114) -> (i32)  : i32 {
        %mul3A_120 = arith.constant 2 : i32
        %mul3A_121 = arith.muli %mul3A_120, %while3A_118 : i32
        %mul3A_122 = arith.constant 2 : i32
        %mul3A_123 = arith.muli %mul3A_122, %while3A_118 : i32
        %add3A_124 = arith.constant 1 : i32
        %add3A_125 = arith.addi %mul3A_123, %add3A_124 : i32
        %dma_start3A_126 = arith.constant 0 : i32
        %dma_start3A_127 = tpu.memref_slice %arg7[%add3A_125, %dma_start3A_126] : memref<40x128xi32, #tpu.memory_space<vmem>> -> memref<1x128xi32, #tpu.memory_space<vmem>>
        %dma_start3A_128 = tpu.memref_squeeze %dma_start3A_127 : memref<1x128xi32, #tpu.memory_space<vmem>> -> memref<128xi32, #tpu.memory_space<vmem>>
        %dma_start3A_129 = arith.constant 0 : i32
        %dma_start3A_130 = arith.constant 0 : i32
        %dma_start3A_131 = tpu.memref_slice %arg2[%dma_start3A_129, %dma_start3A_130] : memref<10000x128xf32, #tpu.memory_space<hbm>> -> memref<10000x128xf32, #tpu.memory_space<hbm>>
        tpu.enqueue_indirect_dma source(%dma_start3A_131 : memref<10000x128xf32, #tpu.memory_space<hbm>>) target(%arg10 : memref<128x128xf32, #tpu.memory_space<vmem>>) offsets(%dma_start3A_128 : memref<128xi32, #tpu.memory_space<vmem>>) semaphore(%arg13 : memref<!tpu.dma_semaphore, #tpu.memory_space<semaphore_mem>>)
        %dma_wait3A = arith.constant 0 : i32
        %dma_wait3A_132 = tpu.memref_slice %arg7[%mul3A_121, %dma_wait3A] : memref<40x128xi32, #tpu.memory_space<vmem>> -> memref<1x128xi32, #tpu.memory_space<vmem>>
        %dma_wait3A_133 = tpu.memref_squeeze %dma_wait3A_132 : memref<1x128xi32, #tpu.memory_space<vmem>> -> memref<128xi32, #tpu.memory_space<vmem>>
        %dma_wait3A_134 = arith.constant 0 : i32
        %dma_wait3A_135 = arith.constant 0 : i32
        %dma_wait3A_136 = tpu.memref_slice %arg2[%dma_wait3A_134, %dma_wait3A_135] : memref<10000x128xf32, #tpu.memory_space<hbm>> -> memref<10000x128xf32, #tpu.memory_space<hbm>>
        tpu.wait_indirect_dma semaphore(%arg12 : memref<!tpu.dma_semaphore, #tpu.memory_space<semaphore_mem>>) src(%dma_wait3A_136 : memref<10000x128xf32, #tpu.memory_space<hbm>>) dst(%arg9 : memref<128x128xf32, #tpu.memory_space<vmem>>)
        "tpu.region"() ({
          %run_scoped3A = tpu.sem_alloc : memref<!tpu.dma_semaphore, #tpu.memory_space<semaphore_mem>>
          %dma_start3A_147 = arith.constant 0 : i32
          %dma_start3A_148 = tpu.memref_slice %arg8[%mul3A_121, %dma_start3A_147] : memref<40x128xi32, #tpu.memory_space<vmem>> -> memref<1x128xi32, #tpu.memory_space<vmem>>
          %dma_start3A_149 = tpu.memref_squeeze %dma_start3A_148 : memref<1x128xi32, #tpu.memory_space<vmem>> -> memref<128xi32, #tpu.memory_space<vmem>>
          %dma_start3A_150 = arith.constant 0 : i32
          %dma_start3A_151 = arith.constant 0 : i32
          %dma_start3A_152 = tpu.memref_slice %arg11[%dma_start3A_150, %dma_start3A_151] : memref<10000x128xf32, #tpu.memory_space<vmem_shared>> -> memref<10000x128xf32, #tpu.memory_space<vmem_shared>>
          tpu.enqueue_indirect_dma source(%arg9 : memref<128x128xf32, #tpu.memory_space<vmem>>) target(%dma_start3A_152 : memref<10000x128xf32, #tpu.memory_space<vmem_shared>>) offsets(%dma_start3A_149 : memref<128xi32, #tpu.memory_space<vmem>>) semaphore(%run_scoped3A : memref<!tpu.dma_semaphore, #tpu.memory_space<semaphore_mem>>) {add = true}
          %dma_wait3A_153 = arith.constant 0 : i32
          %dma_wait3A_154 = tpu.memref_slice %arg8[%mul3A_121, %dma_wait3A_153] : memref<40x128xi32, #tpu.memory_space<vmem>> -> memref<1x128xi32, #tpu.memory_space<vmem>>
          %dma_wait3A_155 = tpu.memref_squeeze %dma_wait3A_154 : memref<1x128xi32, #tpu.memory_space<vmem>> -> memref<128xi32, #tpu.memory_space<vmem>>
          %dma_wait3A_156 = arith.constant 0 : i32
          %dma_wait3A_157 = arith.constant 0 : i32
          %dma_wait3A_158 = tpu.memref_slice %arg11[%dma_wait3A_156, %dma_wait3A_157] : memref<10000x128xf32, #tpu.memory_space<vmem_shared>> -> memref<10000x128xf32, #tpu.memory_space<vmem_shared>>
          tpu.wait_indirect_dma semaphore(%run_scoped3A : memref<!tpu.dma_semaphore, #tpu.memory_space<semaphore_mem>>) src(%arg9 : memref<128x128xf32, #tpu.memory_space<vmem>>) dst(%dma_wait3A_158 : memref<10000x128xf32, #tpu.memory_space<vmem_shared>>)
          tpu.yield
        }) : () -> ()
        %add3A_137 = arith.constant 1 : i32
        %add3A_138 = arith.addi %while3A_118, %add3A_137 : i32
        %lt3A = arith.cmpi slt, %add3A_138, %select_n3A_9 : i32
        %convert_element_type3A = arith.extui %lt3A : i1 to i32
        %cond3A = arith.constant 0 : i32
        %cond3A_139 = arith.cmpi ne, %convert_element_type3A, %cond3A : i32
        scf.if %cond3A_139 {
          %add3A_147 = arith.constant 2 : i32
          %add3A_148 = arith.addi %mul3A_121, %add3A_147 : i32
          %dma_start3A_149 = arith.constant 0 : i32
          %dma_start3A_150 = tpu.memref_slice %arg7[%add3A_148, %dma_start3A_149] : memref<40x128xi32, #tpu.memory_space<vmem>> -> memref<1x128xi32, #tpu.memory_space<vmem>>
          %dma_start3A_151 = tpu.memref_squeeze %dma_start3A_150 : memref<1x128xi32, #tpu.memory_space<vmem>> -> memref<128xi32, #tpu.memory_space<vmem>>
          %dma_start3A_152 = arith.constant 0 : i32
          %dma_start3A_153 = arith.constant 0 : i32
          %dma_start3A_154 = tpu.memref_slice %arg2[%dma_start3A_152, %dma_start3A_153] : memref<10000x128xf32, #tpu.memory_space<hbm>> -> memref<10000x128xf32, #tpu.memory_space<hbm>>
          tpu.enqueue_indirect_dma source(%dma_start3A_154 : memref<10000x128xf32, #tpu.memory_space<hbm>>) target(%arg9 : memref<128x128xf32, #tpu.memory_space<vmem>>) offsets(%dma_start3A_151 : memref<128xi32, #tpu.memory_space<vmem>>) semaphore(%arg12 : memref<!tpu.dma_semaphore, #tpu.memory_space<semaphore_mem>>)
        } else {
        }
        %dma_wait3A_140 = arith.constant 0 : i32
        %dma_wait3A_141 = tpu.memref_slice %arg7[%add3A_125, %dma_wait3A_140] : memref<40x128xi32, #tpu.memory_space<vmem>> -> memref<1x128xi32, #tpu.memory_space<vmem>>
        %dma_wait3A_142 = tpu.memref_squeeze %dma_wait3A_141 : memref<1x128xi32, #tpu.memory_space<vmem>> -> memref<128xi32, #tpu.memory_space<vmem>>
        %dma_wait3A_143 = arith.constant 0 : i32
        %dma_wait3A_144 = arith.constant 0 : i32
        %dma_wait3A_145 = tpu.memref_slice %arg2[%dma_wait3A_143, %dma_wait3A_144] : memref<10000x128xf32, #tpu.memory_space<hbm>> -> memref<10000x128xf32, #tpu.memory_space<hbm>>
        tpu.wait_indirect_dma semaphore(%arg13 : memref<!tpu.dma_semaphore, #tpu.memory_space<semaphore_mem>>) src(%dma_wait3A_145 : memref<10000x128xf32, #tpu.memory_space<hbm>>) dst(%arg10 : memref<128x128xf32, #tpu.memory_space<vmem>>)
        "tpu.region"() ({
          %run_scoped3A = tpu.sem_alloc : memref<!tpu.dma_semaphore, #tpu.memory_space<semaphore_mem>>
          %dma_start3A_147 = arith.constant 0 : i32
          %dma_start3A_148 = tpu.memref_slice %arg8[%add3A_125, %dma_start3A_147] : memref<40x128xi32, #tpu.memory_space<vmem>> -> memref<1x128xi32, #tpu.memory_space<vmem>>
          %dma_start3A_149 = tpu.memref_squeeze %dma_start3A_148 : memref<1x128xi32, #tpu.memory_space<vmem>> -> memref<128xi32, #tpu.memory_space<vmem>>
          %dma_start3A_150 = arith.constant 0 : i32
          %dma_start3A_151 = arith.constant 0 : i32
          %dma_start3A_152 = tpu.memref_slice %arg11[%dma_start3A_150, %dma_start3A_151] : memref<10000x128xf32, #tpu.memory_space<vmem_shared>> -> memref<10000x128xf32, #tpu.memory_space<vmem_shared>>
          tpu.enqueue_indirect_dma source(%arg10 : memref<128x128xf32, #tpu.memory_space<vmem>>) target(%dma_start3A_152 : memref<10000x128xf32, #tpu.memory_space<vmem_shared>>) offsets(%dma_start3A_149 : memref<128xi32, #tpu.memory_space<vmem>>) semaphore(%run_scoped3A : memref<!tpu.dma_semaphore, #tpu.memory_space<semaphore_mem>>) {add = true}
          %dma_wait3A_153 = arith.constant 0 : i32
          %dma_wait3A_154 = tpu.memref_slice %arg8[%add3A_125, %dma_wait3A_153] : memref<40x128xi32, #tpu.memory_space<vmem>> -> memref<1x128xi32, #tpu.memory_space<vmem>>
          %dma_wait3A_155 = tpu.memref_squeeze %dma_wait3A_154 : memref<1x128xi32, #tpu.memory_space<vmem>> -> memref<128xi32, #tpu.memory_space<vmem>>
          %dma_wait3A_156 = arith.constant 0 : i32
          %dma_wait3A_157 = arith.constant 0 : i32
          %dma_wait3A_158 = tpu.memref_slice %arg11[%dma_wait3A_156, %dma_wait3A_157] : memref<10000x128xf32, #tpu.memory_space<vmem_shared>> -> memref<10000x128xf32, #tpu.memory_space<vmem_shared>>
          tpu.wait_indirect_dma semaphore(%run_scoped3A : memref<!tpu.dma_semaphore, #tpu.memory_space<semaphore_mem>>) src(%arg10 : memref<128x128xf32, #tpu.memory_space<vmem>>) dst(%dma_wait3A_158 : memref<10000x128xf32, #tpu.memory_space<vmem_shared>>)
          tpu.yield
        }) : () -> ()
        %while3A_146 = arith.constant 0 : i32
        scf.yield %while3A_146 : i32
      }
      %while3A_117 = arith.constant 0 : i32
      scf.yield %while3A_117 : i32
    }
    %while3A_54 = arith.constant 1 : i32
    %while3A_55 = scf.for %while3A_93 = %while3A_51 to %while3A_47 step %while3A_54 iter_args(%while3A_94 = %while3A_53) -> (i32)  : i32 {
      %mul3A_95 = arith.constant 40 : i32
      %mul3A_96 = arith.muli %while3A_93, %mul3A_95 : i32
      %add3A_97 = arith.addi %multiple_of3A, %mul3A_96 : i32
      %multiple_of3A_98 = tpu.assume_multiple %add3A_97, 8 : i32
      "tpu.region"() ({
        %run_scoped3A = tpu.sem_alloc : memref<!tpu.dma_semaphore, #tpu.memory_space<semaphore_mem>>
        %dma_start3A_118 = arith.constant 0 : i32
        %dma_start3A_119 = tpu.memref_slice %arg3[%multiple_of3A_98, %dma_start3A_118] : memref<2560x128xi32, #tpu.memory_space<hbm>> -> memref<40x128xi32, #tpu.memory_space<hbm>>
        %dma_start3A_120 = arith.constant 0 : i32
        %dma_start3A_121 = tpu.memref_slice %arg3[%multiple_of3A_98, %dma_start3A_120] : memref<2560x128xi32, #tpu.memory_space<hbm>> -> memref<40x128xi32, #tpu.memory_space<hbm>>
        tpu.enqueue_dma source(%dma_start3A_121 : memref<40x128xi32, #tpu.memory_space<hbm>>) target(%arg7 : memref<40x128xi32, #tpu.memory_space<vmem>>) target_semaphore(%run_scoped3A : memref<!tpu.dma_semaphore, #tpu.memory_space<semaphore_mem>>)
        %dma_wait3A = arith.constant 0 : i32
        %dma_wait3A_122 = tpu.memref_slice %arg3[%multiple_of3A_98, %dma_wait3A] : memref<2560x128xi32, #tpu.memory_space<hbm>> -> memref<40x128xi32, #tpu.memory_space<hbm>>
        %dma_wait3A_123 = arith.constant 0 : i32
        %dma_wait3A_124 = tpu.memref_slice %arg3[%multiple_of3A_98, %dma_wait3A_123] : memref<2560x128xi32, #tpu.memory_space<hbm>> -> memref<40x128xi32, #tpu.memory_space<hbm>>
        tpu.wait_dma2 semaphore(%run_scoped3A : memref<!tpu.dma_semaphore, #tpu.memory_space<semaphore_mem>>) src(%dma_wait3A_124 : memref<40x128xi32, #tpu.memory_space<hbm>>) dst(%arg7 : memref<40x128xi32, #tpu.memory_space<vmem>>)
        tpu.yield
      }) : () -> ()
      "tpu.region"() ({
        %run_scoped3A = tpu.sem_alloc : memref<!tpu.dma_semaphore, #tpu.memory_space<semaphore_mem>>
        %dma_start3A_118 = arith.constant 0 : i32
        %dma_start3A_119 = tpu.memref_slice %arg4[%multiple_of3A_98, %dma_start3A_118] : memref<2560x128xi32, #tpu.memory_space<hbm>> -> memref<40x128xi32, #tpu.memory_space<hbm>>
        %dma_start3A_120 = arith.constant 0 : i32
        %dma_start3A_121 = tpu.memref_slice %arg4[%multiple_of3A_98, %dma_start3A_120] : memref<2560x128xi32, #tpu.memory_space<hbm>> -> memref<40x128xi32, #tpu.memory_space<hbm>>
        tpu.enqueue_dma source(%dma_start3A_121 : memref<40x128xi32, #tpu.memory_space<hbm>>) target(%arg8 : memref<40x128xi32, #tpu.memory_space<vmem>>) target_semaphore(%run_scoped3A : memref<!tpu.dma_semaphore, #tpu.memory_space<semaphore_mem>>)
        %dma_wait3A = arith.constant 0 : i32
        %dma_wait3A_122 = tpu.memref_slice %arg4[%multiple_of3A_98, %dma_wait3A] : memref<2560x128xi32, #tpu.memory_space<hbm>> -> memref<40x128xi32, #tpu.memory_space<hbm>>
        %dma_wait3A_123 = arith.constant 0 : i32
        %dma_wait3A_124 = tpu.memref_slice %arg4[%multiple_of3A_98, %dma_wait3A_123] : memref<2560x128xi32, #tpu.memory_space<hbm>> -> memref<40x128xi32, #tpu.memory_space<hbm>>
        tpu.wait_dma2 semaphore(%run_scoped3A : memref<!tpu.dma_semaphore, #tpu.memory_space<semaphore_mem>>) src(%dma_wait3A_124 : memref<40x128xi32, #tpu.memory_space<hbm>>) dst(%arg8 : memref<40x128xi32, #tpu.memory_space<vmem>>)
        tpu.yield
      }) : () -> ()
      %dma_start3A = arith.constant 0 : i32
      %dma_start3A_99 = arith.constant 0 : i32
      %dma_start3A_100 = tpu.memref_slice %arg7[%dma_start3A, %dma_start3A_99] : memref<40x128xi32, #tpu.memory_space<vmem>> -> memref<1x128xi32, #tpu.memory_space<vmem>>
      %dma_start3A_101 = tpu.memref_squeeze %dma_start3A_100 : memref<1x128xi32, #tpu.memory_space<vmem>> -> memref<128xi32, #tpu.memory_space<vmem>>
      %dma_start3A_102 = arith.constant 0 : i32
      %dma_start3A_103 = arith.constant 0 : i32
      %dma_start3A_104 = tpu.memref_slice %arg2[%dma_start3A_102, %dma_start3A_103] : memref<10000x128xf32, #tpu.memory_space<hbm>> -> memref<10000x128xf32, #tpu.memory_space<hbm>>
      tpu.enqueue_indirect_dma source(%dma_start3A_104 : memref<10000x128xf32, #tpu.memory_space<hbm>>) target(%arg9 : memref<128x128xf32, #tpu.memory_space<vmem>>) offsets(%dma_start3A_101 : memref<128xi32, #tpu.memory_space<vmem>>) semaphore(%arg12 : memref<!tpu.dma_semaphore, #tpu.memory_space<semaphore_mem>>)
      %while3A_105 = arith.constant 0 : i32
      %while3A_106 = arith.constant 0 : i32
      %while3A_107 = arith.subi %select_n3A_9, %while3A_105 : i32
      %while3A_108 = arith.addi %while3A_105, %while3A_107 : i32
      %while3A_109 = arith.constant 1 : i32
      %while3A_110 = arith.divsi %while3A_107, %while3A_109 : i32
      %while3A_111 = arith.muli %while3A_110, %while3A_109 : i32
      %while3A_112 = arith.addi %while3A_105, %while3A_111 : i32
      %while3A_113 = arith.constant 1 : i32
      %while3A_114 = scf.for %while3A_118 = %while3A_105 to %while3A_112 step %while3A_113 iter_args(%while3A_119 = %while3A_106) -> (i32)  : i32 {
        %mul3A_120 = arith.constant 2 : i32
        %mul3A_121 = arith.muli %mul3A_120, %while3A_118 : i32
        %mul3A_122 = arith.constant 2 : i32
        %mul3A_123 = arith.muli %mul3A_122, %while3A_118 : i32
        %add3A_124 = arith.constant 1 : i32
        %add3A_125 = arith.addi %mul3A_123, %add3A_124 : i32
        %dma_start3A_126 = arith.constant 0 : i32
        %dma_start3A_127 = tpu.memref_slice %arg7[%add3A_125, %dma_start3A_126] : memref<40x128xi32, #tpu.memory_space<vmem>> -> memref<1x128xi32, #tpu.memory_space<vmem>>
        %dma_start3A_128 = tpu.memref_squeeze %dma_start3A_127 : memref<1x128xi32, #tpu.memory_space<vmem>> -> memref<128xi32, #tpu.memory_space<vmem>>
        %dma_start3A_129 = arith.constant 0 : i32
        %dma_start3A_130 = arith.constant 0 : i32
        %dma_start3A_131 = tpu.memref_slice %arg2[%dma_start3A_129, %dma_start3A_130] : memref<10000x128xf32, #tpu.memory_space<hbm>> -> memref<10000x128xf32, #tpu.memory_space<hbm>>
        tpu.enqueue_indirect_dma source(%dma_start3A_131 : memref<10000x128xf32, #tpu.memory_space<hbm>>) target(%arg10 : memref<128x128xf32, #tpu.memory_space<vmem>>) offsets(%dma_start3A_128 : memref<128xi32, #tpu.memory_space<vmem>>) semaphore(%arg13 : memref<!tpu.dma_semaphore, #tpu.memory_space<semaphore_mem>>)
        %dma_wait3A = arith.constant 0 : i32
        %dma_wait3A_132 = tpu.memref_slice %arg7[%mul3A_121, %dma_wait3A] : memref<40x128xi32, #tpu.memory_space<vmem>> -> memref<1x128xi32, #tpu.memory_space<vmem>>
        %dma_wait3A_133 = tpu.memref_squeeze %dma_wait3A_132 : memref<1x128xi32, #tpu.memory_space<vmem>> -> memref<128xi32, #tpu.memory_space<vmem>>
        %dma_wait3A_134 = arith.constant 0 : i32
        %dma_wait3A_135 = arith.constant 0 : i32
        %dma_wait3A_136 = tpu.memref_slice %arg2[%dma_wait3A_134, %dma_wait3A_135] : memref<10000x128xf32, #tpu.memory_space<hbm>> -> memref<10000x128xf32, #tpu.memory_space<hbm>>
        tpu.wait_indirect_dma semaphore(%arg12 : memref<!tpu.dma_semaphore, #tpu.memory_space<semaphore_mem>>) src(%dma_wait3A_136 : memref<10000x128xf32, #tpu.memory_space<hbm>>) dst(%arg9 : memref<128x128xf32, #tpu.memory_space<vmem>>)
        "tpu.region"() ({
          %run_scoped3A = tpu.sem_alloc : memref<!tpu.dma_semaphore, #tpu.memory_space<semaphore_mem>>
          %dma_start3A_147 = arith.constant 0 : i32
          %dma_start3A_148 = tpu.memref_slice %arg8[%mul3A_121, %dma_start3A_147] : memref<40x128xi32, #tpu.memory_space<vmem>> -> memref<1x128xi32, #tpu.memory_space<vmem>>
          %dma_start3A_149 = tpu.memref_squeeze %dma_start3A_148 : memref<1x128xi32, #tpu.memory_space<vmem>> -> memref<128xi32, #tpu.memory_space<vmem>>
          %dma_start3A_150 = arith.constant 0 : i32
          %dma_start3A_151 = arith.constant 0 : i32
          %dma_start3A_152 = tpu.memref_slice %arg11[%dma_start3A_150, %dma_start3A_151] : memref<10000x128xf32, #tpu.memory_space<vmem_shared>> -> memref<10000x128xf32, #tpu.memory_space<vmem_shared>>
          tpu.enqueue_indirect_dma source(%arg9 : memref<128x128xf32, #tpu.memory_space<vmem>>) target(%dma_start3A_152 : memref<10000x128xf32, #tpu.memory_space<vmem_shared>>) offsets(%dma_start3A_149 : memref<128xi32, #tpu.memory_space<vmem>>) semaphore(%run_scoped3A : memref<!tpu.dma_semaphore, #tpu.memory_space<semaphore_mem>>) {add = true}
          %dma_wait3A_153 = arith.constant 0 : i32
          %dma_wait3A_154 = tpu.memref_slice %arg8[%mul3A_121, %dma_wait3A_153] : memref<40x128xi32, #tpu.memory_space<vmem>> -> memref<1x128xi32, #tpu.memory_space<vmem>>
          %dma_wait3A_155 = tpu.memref_squeeze %dma_wait3A_154 : memref<1x128xi32, #tpu.memory_space<vmem>> -> memref<128xi32, #tpu.memory_space<vmem>>
          %dma_wait3A_156 = arith.constant 0 : i32
          %dma_wait3A_157 = arith.constant 0 : i32
          %dma_wait3A_158 = tpu.memref_slice %arg11[%dma_wait3A_156, %dma_wait3A_157] : memref<10000x128xf32, #tpu.memory_space<vmem_shared>> -> memref<10000x128xf32, #tpu.memory_space<vmem_shared>>
          tpu.wait_indirect_dma semaphore(%run_scoped3A : memref<!tpu.dma_semaphore, #tpu.memory_space<semaphore_mem>>) src(%arg9 : memref<128x128xf32, #tpu.memory_space<vmem>>) dst(%dma_wait3A_158 : memref<10000x128xf32, #tpu.memory_space<vmem_shared>>)
          tpu.yield
        }) : () -> ()
        %add3A_137 = arith.constant 1 : i32
        %add3A_138 = arith.addi %while3A_118, %add3A_137 : i32
        %lt3A = arith.cmpi slt, %add3A_138, %select_n3A_9 : i32
        %convert_element_type3A = arith.extui %lt3A : i1 to i32
        %cond3A = arith.constant 0 : i32
        %cond3A_139 = arith.cmpi ne, %convert_element_type3A, %cond3A : i32
        scf.if %cond3A_139 {
          %add3A_147 = arith.constant 2 : i32
          %add3A_148 = arith.addi %mul3A_121, %add3A_147 : i32
          %dma_start3A_149 = arith.constant 0 : i32
          %dma_start3A_150 = tpu.memref_slice %arg7[%add3A_148, %dma_start3A_149] : memref<40x128xi32, #tpu.memory_space<vmem>> -> memref<1x128xi32, #tpu.memory_space<vmem>>
          %dma_start3A_151 = tpu.memref_squeeze %dma_start3A_150 : memref<1x128xi32, #tpu.memory_space<vmem>> -> memref<128xi32, #tpu.memory_space<vmem>>
          %dma_start3A_152 = arith.constant 0 : i32
          %dma_start3A_153 = arith.constant 0 : i32
          %dma_start3A_154 = tpu.memref_slice %arg2[%dma_start3A_152, %dma_start3A_153] : memref<10000x128xf32, #tpu.memory_space<hbm>> -> memref<10000x128xf32, #tpu.memory_space<hbm>>
          tpu.enqueue_indirect_dma source(%dma_start3A_154 : memref<10000x128xf32, #tpu.memory_space<hbm>>) target(%arg9 : memref<128x128xf32, #tpu.memory_space<vmem>>) offsets(%dma_start3A_151 : memref<128xi32, #tpu.memory_space<vmem>>) semaphore(%arg12 : memref<!tpu.dma_semaphore, #tpu.memory_space<semaphore_mem>>)
        } else {
        }
        %dma_wait3A_140 = arith.constant 0 : i32
        %dma_wait3A_141 = tpu.memref_slice %arg7[%add3A_125, %dma_wait3A_140] : memref<40x128xi32, #tpu.memory_space<vmem>> -> memref<1x128xi32, #tpu.memory_space<vmem>>
        %dma_wait3A_142 = tpu.memref_squeeze %dma_wait3A_141 : memref<1x128xi32, #tpu.memory_space<vmem>> -> memref<128xi32, #tpu.memory_space<vmem>>
        %dma_wait3A_143 = arith.constant 0 : i32
        %dma_wait3A_144 = arith.constant 0 : i32
        %dma_wait3A_145 = tpu.memref_slice %arg2[%dma_wait3A_143, %dma_wait3A_144] : memref<10000x128xf32, #tpu.memory_space<hbm>> -> memref<10000x128xf32, #tpu.memory_space<hbm>>
        tpu.wait_indirect_dma semaphore(%arg13 : memref<!tpu.dma_semaphore, #tpu.memory_space<semaphore_mem>>) src(%dma_wait3A_145 : memref<10000x128xf32, #tpu.memory_space<hbm>>) dst(%arg10 : memref<128x128xf32, #tpu.memory_space<vmem>>)
        "tpu.region"() ({
          %run_scoped3A = tpu.sem_alloc : memref<!tpu.dma_semaphore, #tpu.memory_space<semaphore_mem>>
          %dma_start3A_147 = arith.constant 0 : i32
          %dma_start3A_148 = tpu.memref_slice %arg8[%add3A_125, %dma_start3A_147] : memref<40x128xi32, #tpu.memory_space<vmem>> -> memref<1x128xi32, #tpu.memory_space<vmem>>
          %dma_start3A_149 = tpu.memref_squeeze %dma_start3A_148 : memref<1x128xi32, #tpu.memory_space<vmem>> -> memref<128xi32, #tpu.memory_space<vmem>>
          %dma_start3A_150 = arith.constant 0 : i32
          %dma_start3A_151 = arith.constant 0 : i32
          %dma_start3A_152 = tpu.memref_slice %arg11[%dma_start3A_150, %dma_start3A_151] : memref<10000x128xf32, #tpu.memory_space<vmem_shared>> -> memref<10000x128xf32, #tpu.memory_space<vmem_shared>>
          tpu.enqueue_indirect_dma source(%arg10 : memref<128x128xf32, #tpu.memory_space<vmem>>) target(%dma_start3A_152 : memref<10000x128xf32, #tpu.memory_space<vmem_shared>>) offsets(%dma_start3A_149 : memref<128xi32, #tpu.memory_space<vmem>>) semaphore(%run_scoped3A : memref<!tpu.dma_semaphore, #tpu.memory_space<semaphore_mem>>) {add = true}
          %dma_wait3A_153 = arith.constant 0 : i32
          %dma_wait3A_154 = tpu.memref_slice %arg8[%add3A_125, %dma_wait3A_153] : memref<40x128xi32, #tpu.memory_space<vmem>> -> memref<1x128xi32, #tpu.memory_space<vmem>>
          %dma_wait3A_155 = tpu.memref_squeeze %dma_wait3A_154 : memref<1x128xi32, #tpu.memory_space<vmem>> -> memref<128xi32, #tpu.memory_space<vmem>>
          %dma_wait3A_156 = arith.constant 0 : i32
          %dma_wait3A_157 = arith.constant 0 : i32
          %dma_wait3A_158 = tpu.memref_slice %arg11[%dma_wait3A_156, %dma_wait3A_157] : memref<10000x128xf32, #tpu.memory_space<vmem_shared>> -> memref<10000x128xf32, #tpu.memory_space<vmem_shared>>
          tpu.wait_indirect_dma semaphore(%run_scoped3A : memref<!tpu.dma_semaphore, #tpu.memory_space<semaphore_mem>>) src(%arg10 : memref<128x128xf32, #tpu.memory_space<vmem>>) dst(%dma_wait3A_158 : memref<10000x128xf32, #tpu.memory_space<vmem_shared>>)
          tpu.yield
        }) : () -> ()
        %while3A_146 = arith.constant 0 : i32
        scf.yield %while3A_146 : i32
      }
      %while3A_115 = arith.constant 1 : i32
      %while3A_116 = scf.for %while3A_118 = %while3A_112 to %while3A_108 step %while3A_115 iter_args(%while3A_119 = %while3A_114) -> (i32)  : i32 {
        %mul3A_120 = arith.constant 2 : i32
        %mul3A_121 = arith.muli %mul3A_120, %while3A_118 : i32
        %mul3A_122 = arith.constant 2 : i32
        %mul3A_123 = arith.muli %mul3A_122, %while3A_118 : i32
        %add3A_124 = arith.constant 1 : i32
        %add3A_125 = arith.addi %mul3A_123, %add3A_124 : i32
        %dma_start3A_126 = arith.constant 0 : i32
        %dma_start3A_127 = tpu.memref_slice %arg7[%add3A_125, %dma_start3A_126] : memref<40x128xi32, #tpu.memory_space<vmem>> -> memref<1x128xi32, #tpu.memory_space<vmem>>
        %dma_start3A_128 = tpu.memref_squeeze %dma_start3A_127 : memref<1x128xi32, #tpu.memory_space<vmem>> -> memref<128xi32, #tpu.memory_space<vmem>>
        %dma_start3A_129 = arith.constant 0 : i32
        %dma_start3A_130 = arith.constant 0 : i32
        %dma_start3A_131 = tpu.memref_slice %arg2[%dma_start3A_129, %dma_start3A_130] : memref<10000x128xf32, #tpu.memory_space<hbm>> -> memref<10000x128xf32, #tpu.memory_space<hbm>>
        tpu.enqueue_indirect_dma source(%dma_start3A_131 : memref<10000x128xf32, #tpu.memory_space<hbm>>) target(%arg10 : memref<128x128xf32, #tpu.memory_space<vmem>>) offsets(%dma_start3A_128 : memref<128xi32, #tpu.memory_space<vmem>>) semaphore(%arg13 : memref<!tpu.dma_semaphore, #tpu.memory_space<semaphore_mem>>)
        %dma_wait3A = arith.constant 0 : i32
        %dma_wait3A_132 = tpu.memref_slice %arg7[%mul3A_121, %dma_wait3A] : memref<40x128xi32, #tpu.memory_space<vmem>> -> memref<1x128xi32, #tpu.memory_space<vmem>>
        %dma_wait3A_133 = tpu.memref_squeeze %dma_wait3A_132 : memref<1x128xi32, #tpu.memory_space<vmem>> -> memref<128xi32, #tpu.memory_space<vmem>>
        %dma_wait3A_134 = arith.constant 0 : i32
        %dma_wait3A_135 = arith.constant 0 : i32
        %dma_wait3A_136 = tpu.memref_slice %arg2[%dma_wait3A_134, %dma_wait3A_135] : memref<10000x128xf32, #tpu.memory_space<hbm>> -> memref<10000x128xf32, #tpu.memory_space<hbm>>
        tpu.wait_indirect_dma semaphore(%arg12 : memref<!tpu.dma_semaphore, #tpu.memory_space<semaphore_mem>>) src(%dma_wait3A_136 : memref<10000x128xf32, #tpu.memory_space<hbm>>) dst(%arg9 : memref<128x128xf32, #tpu.memory_space<vmem>>)
        "tpu.region"() ({
          %run_scoped3A = tpu.sem_alloc : memref<!tpu.dma_semaphore, #tpu.memory_space<semaphore_mem>>
          %dma_start3A_147 = arith.constant 0 : i32
          %dma_start3A_148 = tpu.memref_slice %arg8[%mul3A_121, %dma_start3A_147] : memref<40x128xi32, #tpu.memory_space<vmem>> -> memref<1x128xi32, #tpu.memory_space<vmem>>
          %dma_start3A_149 = tpu.memref_squeeze %dma_start3A_148 : memref<1x128xi32, #tpu.memory_space<vmem>> -> memref<128xi32, #tpu.memory_space<vmem>>
          %dma_start3A_150 = arith.constant 0 : i32
          %dma_start3A_151 = arith.constant 0 : i32
          %dma_start3A_152 = tpu.memref_slice %arg11[%dma_start3A_150, %dma_start3A_151] : memref<10000x128xf32, #tpu.memory_space<vmem_shared>> -> memref<10000x128xf32, #tpu.memory_space<vmem_shared>>
          tpu.enqueue_indirect_dma source(%arg9 : memref<128x128xf32, #tpu.memory_space<vmem>>) target(%dma_start3A_152 : memref<10000x128xf32, #tpu.memory_space<vmem_shared>>) offsets(%dma_start3A_149 : memref<128xi32, #tpu.memory_space<vmem>>) semaphore(%run_scoped3A : memref<!tpu.dma_semaphore, #tpu.memory_space<semaphore_mem>>) {add = true}
          %dma_wait3A_153 = arith.constant 0 : i32
          %dma_wait3A_154 = tpu.memref_slice %arg8[%mul3A_121, %dma_wait3A_153] : memref<40x128xi32, #tpu.memory_space<vmem>> -> memref<1x128xi32, #tpu.memory_space<vmem>>
          %dma_wait3A_155 = tpu.memref_squeeze %dma_wait3A_154 : memref<1x128xi32, #tpu.memory_space<vmem>> -> memref<128xi32, #tpu.memory_space<vmem>>
          %dma_wait3A_156 = arith.constant 0 : i32
          %dma_wait3A_157 = arith.constant 0 : i32
          %dma_wait3A_158 = tpu.memref_slice %arg11[%dma_wait3A_156, %dma_wait3A_157] : memref<10000x128xf32, #tpu.memory_space<vmem_shared>> -> memref<10000x128xf32, #tpu.memory_space<vmem_shared>>
          tpu.wait_indirect_dma semaphore(%run_scoped3A : memref<!tpu.dma_semaphore, #tpu.memory_space<semaphore_mem>>) src(%arg9 : memref<128x128xf32, #tpu.memory_space<vmem>>) dst(%dma_wait3A_158 : memref<10000x128xf32, #tpu.memory_space<vmem_shared>>)
          tpu.yield
        }) : () -> ()
        %add3A_137 = arith.constant 1 : i32
        %add3A_138 = arith.addi %while3A_118, %add3A_137 : i32
        %lt3A = arith.cmpi slt, %add3A_138, %select_n3A_9 : i32
        %convert_element_type3A = arith.extui %lt3A : i1 to i32
        %cond3A = arith.constant 0 : i32
        %cond3A_139 = arith.cmpi ne, %convert_element_type3A, %cond3A : i32
        scf.if %cond3A_139 {
          %add3A_147 = arith.constant 2 : i32
          %add3A_148 = arith.addi %mul3A_121, %add3A_147 : i32
          %dma_start3A_149 = arith.constant 0 : i32
          %dma_start3A_150 = tpu.memref_slice %arg7[%add3A_148, %dma_start3A_149] : memref<40x128xi32, #tpu.memory_space<vmem>> -> memref<1x128xi32, #tpu.memory_space<vmem>>
          %dma_start3A_151 = tpu.memref_squeeze %dma_start3A_150 : memref<1x128xi32, #tpu.memory_space<vmem>> -> memref<128xi32, #tpu.memory_space<vmem>>
          %dma_start3A_152 = arith.constant 0 : i32
          %dma_start3A_153 = arith.constant 0 : i32
          %dma_start3A_154 = tpu.memref_slice %arg2[%dma_start3A_152, %dma_start3A_153] : memref<10000x128xf32, #tpu.memory_space<hbm>> -> memref<10000x128xf32, #tpu.memory_space<hbm>>
          tpu.enqueue_indirect_dma source(%dma_start3A_154 : memref<10000x128xf32, #tpu.memory_space<hbm>>) target(%arg9 : memref<128x128xf32, #tpu.memory_space<vmem>>) offsets(%dma_start3A_151 : memref<128xi32, #tpu.memory_space<vmem>>) semaphore(%arg12 : memref<!tpu.dma_semaphore, #tpu.memory_space<semaphore_mem>>)
        } else {
        }
        %dma_wait3A_140 = arith.constant 0 : i32
        %dma_wait3A_141 = tpu.memref_slice %arg7[%add3A_125, %dma_wait3A_140] : memref<40x128xi32, #tpu.memory_space<vmem>> -> memref<1x128xi32, #tpu.memory_space<vmem>>
        %dma_wait3A_142 = tpu.memref_squeeze %dma_wait3A_141 : memref<1x128xi32, #tpu.memory_space<vmem>> -> memref<128xi32, #tpu.memory_space<vmem>>
        %dma_wait3A_143 = arith.constant 0 : i32
        %dma_wait3A_144 = arith.constant 0 : i32
        %dma_wait3A_145 = tpu.memref_slice %arg2[%dma_wait3A_143, %dma_wait3A_144] : memref<10000x128xf32, #tpu.memory_space<hbm>> -> memref<10000x128xf32, #tpu.memory_space<hbm>>
        tpu.wait_indirect_dma semaphore(%arg13 : memref<!tpu.dma_semaphore, #tpu.memory_space<semaphore_mem>>) src(%dma_wait3A_145 : memref<10000x128xf32, #tpu.memory_space<hbm>>) dst(%arg10 : memref<128x128xf32, #tpu.memory_space<vmem>>)
        "tpu.region"() ({
          %run_scoped3A = tpu.sem_alloc : memref<!tpu.dma_semaphore, #tpu.memory_space<semaphore_mem>>
          %dma_start3A_147 = arith.constant 0 : i32
          %dma_start3A_148 = tpu.memref_slice %arg8[%add3A_125, %dma_start3A_147] : memref<40x128xi32, #tpu.memory_space<vmem>> -> memref<1x128xi32, #tpu.memory_space<vmem>>
          %dma_start3A_149 = tpu.memref_squeeze %dma_start3A_148 : memref<1x128xi32, #tpu.memory_space<vmem>> -> memref<128xi32, #tpu.memory_space<vmem>>
          %dma_start3A_150 = arith.constant 0 : i32
          %dma_start3A_151 = arith.constant 0 : i32
          %dma_start3A_152 = tpu.memref_slice %arg11[%dma_start3A_150, %dma_start3A_151] : memref<10000x128xf32, #tpu.memory_space<vmem_shared>> -> memref<10000x128xf32, #tpu.memory_space<vmem_shared>>
          tpu.enqueue_indirect_dma source(%arg10 : memref<128x128xf32, #tpu.memory_space<vmem>>) target(%dma_start3A_152 : memref<10000x128xf32, #tpu.memory_space<vmem_shared>>) offsets(%dma_start3A_149 : memref<128xi32, #tpu.memory_space<vmem>>) semaphore(%run_scoped3A : memref<!tpu.dma_semaphore, #tpu.memory_space<semaphore_mem>>) {add = true}
          %dma_wait3A_153 = arith.constant 0 : i32
          %dma_wait3A_154 = tpu.memref_slice %arg8[%add3A_125, %dma_wait3A_153] : memref<40x128xi32, #tpu.memory_space<vmem>> -> memref<1x128xi32, #tpu.memory_space<vmem>>
          %dma_wait3A_155 = tpu.memref_squeeze %dma_wait3A_154 : memref<1x128xi32, #tpu.memory_space<vmem>> -> memref<128xi32, #tpu.memory_space<vmem>>
          %dma_wait3A_156 = arith.constant 0 : i32
          %dma_wait3A_157 = arith.constant 0 : i32
          %dma_wait3A_158 = tpu.memref_slice %arg11[%dma_wait3A_156, %dma_wait3A_157] : memref<10000x128xf32, #tpu.memory_space<vmem_shared>> -> memref<10000x128xf32, #tpu.memory_space<vmem_shared>>
          tpu.wait_indirect_dma semaphore(%run_scoped3A : memref<!tpu.dma_semaphore, #tpu.memory_space<semaphore_mem>>) src(%arg10 : memref<128x128xf32, #tpu.memory_space<vmem>>) dst(%dma_wait3A_158 : memref<10000x128xf32, #tpu.memory_space<vmem_shared>>)
          tpu.yield
        }) : () -> ()
        %while3A_146 = arith.constant 0 : i32
        scf.yield %while3A_146 : i32
      }
      %while3A_117 = arith.constant 0 : i32
      scf.yield %while3A_117 : i32
    }
    %barrier3A_56 = arith.constant 0 : index
    tpu.barrier barrier_id(%barrier3A_56)
    %jit3A_57 = arith.constant 80 : i32
    %div3A_58 = arith.divsi %min3A_13, %jit3A_57 : i32
    %sign3A_59 = arith.constant 0 : i32
    %sign3A_60 = arith.cmpi sgt, %min3A_13, %sign3A_59 : i32
    %sign3A_61 = arith.extui %sign3A_60 : i1 to i32
    %sign3A_62 = arith.constant 0 : i32
    %sign3A_63 = arith.cmpi slt, %min3A_13, %sign3A_62 : i32
    %sign3A_64 = arith.extui %sign3A_63 : i1 to i32
    %sign3A_65 = arith.subi %sign3A_61, %sign3A_64 : i32
    %sign3A_66 = arith.constant 0 : i32
    %sign3A_67 = arith.cmpi sgt, %jit3A_57, %sign3A_66 : i32
    %sign3A_68 = arith.extui %sign3A_67 : i1 to i32
    %sign3A_69 = arith.constant 0 : i32
    %sign3A_70 = arith.cmpi slt, %jit3A_57, %sign3A_69 : i32
    %sign3A_71 = arith.extui %sign3A_70 : i1 to i32
    %sign3A_72 = arith.subi %sign3A_68, %sign3A_71 : i32
    %ne3A_73 = arith.cmpi ne, %sign3A_65, %sign3A_72 : i32
    %rem3A_74 = arith.remsi %min3A_13, %jit3A_57 : i32
    %ne3A_75 = arith.constant 0 : i32
    %ne3A_76 = arith.cmpi ne, %rem3A_74, %ne3A_75 : i32
    %and3A_77 = arith.andi %ne3A_73, %ne3A_76 : i1
    %sub3A_78 = arith.constant 1 : i32
    %sub3A_79 = arith.subi %div3A_58, %sub3A_78 : i32
    %select_n3A_80 = arith.select %and3A_77, %sub3A_79, %div3A_58 : i32
    %while3A_81 = arith.constant 0 : i32
    %while3A_82 = arith.constant 0 : i32
    %while3A_83 = arith.subi %select_n3A_80, %while3A_81 : i32
    %while3A_84 = arith.addi %while3A_81, %while3A_83 : i32
    %while3A_85 = arith.constant 1 : i32
    %while3A_86 = arith.divsi %while3A_83, %while3A_85 : i32
    %while3A_87 = arith.muli %while3A_86, %while3A_85 : i32
    %while3A_88 = arith.addi %while3A_81, %while3A_87 : i32
    %while3A_89 = arith.constant 1 : i32
    %while3A_90 = scf.for %while3A_93 = %while3A_81 to %while3A_88 step %while3A_89 iter_args(%while3A_94 = %while3A_82) -> (i32)  : i32 {
      %mul3A_95 = arith.constant 80 : i32
      %mul3A_96 = arith.muli %while3A_93, %mul3A_95 : i32
      %add3A_97 = arith.addi %mul3A_11, %mul3A_96 : i32
      %multiple_of3A_98 = tpu.assume_multiple %add3A_97, 8 : i32
      "tpu.region"() ({
        %run_scoped3A = tpu.sem_alloc : memref<!tpu.dma_semaphore, #tpu.memory_space<semaphore_mem>>
        %dma_start3A = arith.constant 0 : i32
        %dma_start3A_100 = tpu.memref_slice %arg6[%arg0, %multiple_of3A_98, %dma_start3A] : memref<2x10000x128xf32, #tpu.memory_space<hbm>> -> memref<1x80x128xf32, #tpu.memory_space<hbm>>
        %dma_start3A_101 = tpu.memref_squeeze %dma_start3A_100 : memref<1x80x128xf32, #tpu.memory_space<hbm>> -> memref<80x128xf32, #tpu.memory_space<hbm>>
        %dma_start3A_102 = arith.constant 0 : i32
        %dma_start3A_103 = tpu.memref_slice %arg11[%multiple_of3A_98, %dma_start3A_102] : memref<10000x128xf32, #tpu.memory_space<vmem_shared>> -> memref<80x128xf32, #tpu.memory_space<vmem_shared>>
        tpu.enqueue_dma source(%dma_start3A_103 : memref<80x128xf32, #tpu.memory_space<vmem_shared>>) target(%dma_start3A_101 : memref<80x128xf32, #tpu.memory_space<hbm>>) target_semaphore(%run_scoped3A : memref<!tpu.dma_semaphore, #tpu.memory_space<semaphore_mem>>)
        %dma_wait3A = arith.constant 0 : i32
        %dma_wait3A_104 = tpu.memref_slice %arg6[%arg0, %multiple_of3A_98, %dma_wait3A] : memref<2x10000x128xf32, #tpu.memory_space<hbm>> -> memref<1x80x128xf32, #tpu.memory_space<hbm>>
        %dma_wait3A_105 = tpu.memref_squeeze %dma_wait3A_104 : memref<1x80x128xf32, #tpu.memory_space<hbm>> -> memref<80x128xf32, #tpu.memory_space<hbm>>
        %dma_wait3A_106 = arith.constant 0 : i32
        %dma_wait3A_107 = tpu.memref_slice %arg11[%multiple_of3A_98, %dma_wait3A_106] : memref<10000x128xf32, #tpu.memory_space<vmem_shared>> -> memref<80x128xf32, #tpu.memory_space<vmem_shared>>
        tpu.wait_dma2 semaphore(%run_scoped3A : memref<!tpu.dma_semaphore, #tpu.memory_space<semaphore_mem>>) src(%dma_wait3A_107 : memref<80x128xf32, #tpu.memory_space<vmem_shared>>) dst(%dma_wait3A_105 : memref<80x128xf32, #tpu.memory_space<hbm>>)
        tpu.yield
      }) : () -> ()
      %while3A_99 = arith.constant 0 : i32
      scf.yield %while3A_99 : i32
    }
    %while3A_91 = arith.constant 1 : i32
    %while3A_92 = scf.for %while3A_93 = %while3A_88 to %while3A_84 step %while3A_91 iter_args(%while3A_94 = %while3A_90) -> (i32)  : i32 {
      %mul3A_95 = arith.constant 80 : i32
      %mul3A_96 = arith.muli %while3A_93, %mul3A_95 : i32
      %add3A_97 = arith.addi %mul3A_11, %mul3A_96 : i32
      %multiple_of3A_98 = tpu.assume_multiple %add3A_97, 8 : i32
      "tpu.region"() ({
        %run_scoped3A = tpu.sem_alloc : memref<!tpu.dma_semaphore, #tpu.memory_space<semaphore_mem>>
        %dma_start3A = arith.constant 0 : i32
        %dma_start3A_100 = tpu.memref_slice %arg6[%arg0, %multiple_of3A_98, %dma_start3A] : memref<2x10000x128xf32, #tpu.memory_space<hbm>> -> memref<1x80x128xf32, #tpu.memory_space<hbm>>
        %dma_start3A_101 = tpu.memref_squeeze %dma_start3A_100 : memref<1x80x128xf32, #tpu.memory_space<hbm>> -> memref<80x128xf32, #tpu.memory_space<hbm>>
        %dma_start3A_102 = arith.constant 0 : i32
        %dma_start3A_103 = tpu.memref_slice %arg11[%multiple_of3A_98, %dma_start3A_102] : memref<10000x128xf32, #tpu.memory_space<vmem_shared>> -> memref<80x128xf32, #tpu.memory_space<vmem_shared>>
        tpu.enqueue_dma source(%dma_start3A_103 : memref<80x128xf32, #tpu.memory_space<vmem_shared>>) target(%dma_start3A_101 : memref<80x128xf32, #tpu.memory_space<hbm>>) target_semaphore(%run_scoped3A : memref<!tpu.dma_semaphore, #tpu.memory_space<semaphore_mem>>)
        %dma_wait3A = arith.constant 0 : i32
        %dma_wait3A_104 = tpu.memref_slice %arg6[%arg0, %multiple_of3A_98, %dma_wait3A] : memref<2x10000x128xf32, #tpu.memory_space<hbm>> -> memref<1x80x128xf32, #tpu.memory_space<hbm>>
        %dma_wait3A_105 = tpu.memref_squeeze %dma_wait3A_104 : memref<1x80x128xf32, #tpu.memory_space<hbm>> -> memref<80x128xf32, #tpu.memory_space<hbm>>
        %dma_wait3A_106 = arith.constant 0 : i32
        %dma_wait3A_107 = tpu.memref_slice %arg11[%multiple_of3A_98, %dma_wait3A_106] : memref<10000x128xf32, #tpu.memory_space<vmem_shared>> -> memref<80x128xf32, #tpu.memory_space<vmem_shared>>
        tpu.wait_dma2 semaphore(%run_scoped3A : memref<!tpu.dma_semaphore, #tpu.memory_space<semaphore_mem>>) src(%dma_wait3A_107 : memref<80x128xf32, #tpu.memory_space<vmem_shared>>) dst(%dma_wait3A_105 : memref<80x128xf32, #tpu.memory_space<hbm>>)
        tpu.yield
      }) : () -> ()
      %while3A_99 = arith.constant 0 : i32
      scf.yield %while3A_99 : i32
    }
    return
  }
}

#map = affine_map<(d0, d1) -> (0, 0)>
#map1 = affine_map<(d0, d1) -> (0, 0, 0)>
module attributes {stable_mosaic.version = 14 : i64} {
  func.func @sc_segsum_128(%arg0: i32, %arg1: i32, %arg2: memref<10000x128xf32, #tpu.memory_space<hbm>>, %arg3: memref<2560x128xi32, #tpu.memory_space<hbm>>, %arg4: memref<2560x128xi32, #tpu.memory_space<hbm>>, %arg5: memref<80x128xf32, #tpu.memory_space<hbm>>, %arg6: memref<2x10000x128xf32, #tpu.memory_space<hbm>>, %arg7: memref<40x128xi32, #tpu.memory_space<vmem>>, %arg8: memref<40x128xi32, #tpu.memory_space<vmem>>, %arg9: memref<128x128xf32, #tpu.memory_space<vmem>>, %arg10: memref<128x128xf32, #tpu.memory_space<vmem>>, %arg11: memref<10000x128xf32, #tpu.memory_space<vmem_shared>>, %arg12: memref<!tpu.dma_semaphore, #tpu.memory_space<semaphore_mem>>, %arg13: memref<!tpu.dma_semaphore, #tpu.memory_space<semaphore_mem>>) attributes {dimension_semantics = [#tpu.dimension_semantics<core_parallel>, #tpu.dimension_semantics<subcore_parallel>], iteration_bounds = array<i64: 2, 16>, scalar_prefetch = 0 : i64, scratch_operands = 7 : i64, tpu.core_type = #tpu.core_type<sc_vector_subcore>, window_params = [{transform_indices = #map}, {transform_indices = #map}, {transform_indices = #map}, {transform_indices = #map}, {transform_indices = #map1}]} {
    %mul3A = arith.constant 16 : i32
    %mul3A_0 = arith.muli %arg0, %mul3A : i32
    %add3A = arith.addi %mul3A_0, %arg1 : i32
    %mul3A_1 = arith.constant 80 : i32
    %mul3A_2 = arith.muli %add3A, %mul3A_1 : i32
    %multiple_of3A = tpu.assume_multiple %mul3A_2, 8 : i32
    %eq3A = arith.constant 31 : i32
    %eq3A_3 = arith.cmpi eq, %add3A, %eq3A : i32
    %jit3A = arith.constant 1 : i32
    %jit3A_4 = arith.constant 2 : i32
    %select_n3A = arith.select %eq3A_3, %jit3A, %jit3A_4 : i32
    %eq3A_5 = arith.constant 31 : i32
    %eq3A_6 = arith.cmpi eq, %add3A, %eq3A_5 : i32
    %jit3A_7 = arith.constant 10 : i32
    %jit3A_8 = arith.constant 20 : i32
    %select_n3A_9 = arith.select %eq3A_6, %jit3A_7, %jit3A_8 : i32
    %mul3A_10 = arith.constant 640 : i32
    %mul3A_11 = arith.muli %arg1, %mul3A_10 : i32
    %sub3A = arith.constant 10000 : i32
    %sub3A_12 = arith.subi %sub3A, %mul3A_11 : i32
    %min3A = arith.constant 640 : i32
    %min3A_13 = arith.minsi %sub3A_12, %min3A : i32
    %jit3A_14 = arith.constant 80 : i32
    %div3A = arith.divsi %min3A_13, %jit3A_14 : i32
    %sign3A = arith.constant 0 : i32
    %sign3A_15 = arith.cmpi sgt, %min3A_13, %sign3A : i32
    %sign3A_16 = arith.extui %sign3A_15 : i1 to i32
    %sign3A_17 = arith.constant 0 : i32
    %sign3A_18 = arith.cmpi slt, %min3A_13, %sign3A_17 : i32
    %sign3A_19 = arith.extui %sign3A_18 : i1 to i32
    %sign3A_20 = arith.subi %sign3A_16, %sign3A_19 : i32
    %sign3A_21 = arith.constant 0 : i32
    %sign3A_22 = arith.cmpi sgt, %jit3A_14, %sign3A_21 : i32
    %sign3A_23 = arith.extui %sign3A_22 : i1 to i32
    %sign3A_24 = arith.constant 0 : i32
    %sign3A_25 = arith.cmpi slt, %jit3A_14, %sign3A_24 : i32
    %sign3A_26 = arith.extui %sign3A_25 : i1 to i32
    %sign3A_27 = arith.subi %sign3A_23, %sign3A_26 : i32
    %ne3A = arith.cmpi ne, %sign3A_20, %sign3A_27 : i32
    %rem3A = arith.remsi %min3A_13, %jit3A_14 : i32
    %ne3A_28 = arith.constant 0 : i32
    %ne3A_29 = arith.cmpi ne, %rem3A, %ne3A_28 : i32
    %and3A = arith.andi %ne3A, %ne3A_29 : i1
    %sub3A_30 = arith.constant 1 : i32
    %sub3A_31 = arith.subi %div3A, %sub3A_30 : i32
    %select_n3A_32 = arith.select %and3A, %sub3A_31, %div3A : i32
    %while3A = arith.constant 0 : i32
    %while3A_33 = arith.constant 0 : i32
    %while3A_34 = arith.subi %select_n3A_32, %while3A : i32
    %while3A_35 = arith.addi %while3A, %while3A_34 : i32
    %while3A_36 = arith.constant 1 : i32
    %while3A_37 = arith.divsi %while3A_34, %while3A_36 : i32
    %while3A_38 = arith.muli %while3A_37, %while3A_36 : i32
    %while3A_39 = arith.addi %while3A, %while3A_38 : i32
    %while3A_40 = arith.constant 1 : i32
    %while3A_41 = scf.for %while3A_93 = %while3A to %while3A_39 step %while3A_40 iter_args(%while3A_94 = %while3A_33) -> (i32)  : i32 {
      %mul3A_95 = arith.constant 80 : i32
      %mul3A_96 = arith.muli %while3A_93, %mul3A_95 : i32
      %add3A_97 = arith.addi %mul3A_11, %mul3A_96 : i32
      %multiple_of3A_98 = tpu.assume_multiple %add3A_97, 8 : i32
      "tpu.region"() ({
        %run_scoped3A = tpu.sem_alloc : memref<!tpu.dma_semaphore, #tpu.memory_space<semaphore_mem>>
        %dma_start3A = arith.constant 0 : i32
        %dma_start3A_100 = tpu.memref_slice %arg11[%multiple_of3A_98, %dma_start3A] : memref<10000x128xf32, #tpu.memory_space<vmem_shared>> -> memref<80x128xf32, #tpu.memory_space<vmem_shared>>
        tpu.enqueue_dma source(%arg5 : memref<80x128xf32, #tpu.memory_space<hbm>>) target(%dma_start3A_100 : memref<80x128xf32, #tpu.memory_space<vmem_shared>>) target_semaphore(%run_scoped3A : memref<!tpu.dma_semaphore, #tpu.memory_space<semaphore_mem>>)
        %dma_wait3A = arith.constant 0 : i32
        %dma_wait3A_101 = tpu.memref_slice %arg11[%multiple_of3A_98, %dma_wait3A] : memref<10000x128xf32, #tpu.memory_space<vmem_shared>> -> memref<80x128xf32, #tpu.memory_space<vmem_shared>>
        tpu.wait_dma2 semaphore(%run_scoped3A : memref<!tpu.dma_semaphore, #tpu.memory_space<semaphore_mem>>) src(%arg5 : memref<80x128xf32, #tpu.memory_space<hbm>>) dst(%dma_wait3A_101 : memref<80x128xf32, #tpu.memory_space<vmem_shared>>)
        tpu.yield
      }) : () -> ()
      %while3A_99 = arith.constant 0 : i32
      scf.yield %while3A_99 : i32
    }
    %while3A_42 = arith.constant 1 : i32
    %while3A_43 = scf.for %while3A_93 = %while3A_39 to %while3A_35 step %while3A_42 iter_args(%while3A_94 = %while3A_41) -> (i32)  : i32 {
      %mul3A_95 = arith.constant 80 : i32
      %mul3A_96 = arith.muli %while3A_93, %mul3A_95 : i32
      %add3A_97 = arith.addi %mul3A_11, %mul3A_96 : i32
      %multiple_of3A_98 = tpu.assume_multiple %add3A_97, 8 : i32
      "tpu.region"() ({
        %run_scoped3A = tpu.sem_alloc : memref<!tpu.dma_semaphore, #tpu.memory_space<semaphore_mem>>
        %dma_start3A = arith.constant 0 : i32
        %dma_start3A_100 = tpu.memref_slice %arg11[%multiple_of3A_98, %dma_start3A] : memref<10000x128xf32, #tpu.memory_space<vmem_shared>> -> memref<80x128xf32, #tpu.memory_space<vmem_shared>>
        tpu.enqueue_dma source(%arg5 : memref<80x128xf32, #tpu.memory_space<hbm>>) target(%dma_start3A_100 : memref<80x128xf32, #tpu.memory_space<vmem_shared>>) target_semaphore(%run_scoped3A : memref<!tpu.dma_semaphore, #tpu.memory_space<semaphore_mem>>)
        %dma_wait3A = arith.constant 0 : i32
        %dma_wait3A_101 = tpu.memref_slice %arg11[%multiple_of3A_98, %dma_wait3A] : memref<10000x128xf32, #tpu.memory_space<vmem_shared>> -> memref<80x128xf32, #tpu.memory_space<vmem_shared>>
        tpu.wait_dma2 semaphore(%run_scoped3A : memref<!tpu.dma_semaphore, #tpu.memory_space<semaphore_mem>>) src(%arg5 : memref<80x128xf32, #tpu.memory_space<hbm>>) dst(%dma_wait3A_101 : memref<80x128xf32, #tpu.memory_space<vmem_shared>>)
        tpu.yield
      }) : () -> ()
      %while3A_99 = arith.constant 0 : i32
      scf.yield %while3A_99 : i32
    }
    %barrier3A = arith.constant 0 : index
    tpu.barrier barrier_id(%barrier3A)
    %while3A_44 = arith.constant 0 : i32
    %while3A_45 = arith.constant 0 : i32
    %while3A_46 = arith.subi %select_n3A, %while3A_44 : i32
    %while3A_47 = arith.addi %while3A_44, %while3A_46 : i32
    %while3A_48 = arith.constant 1 : i32
    %while3A_49 = arith.divsi %while3A_46, %while3A_48 : i32
    %while3A_50 = arith.muli %while3A_49, %while3A_48 : i32
    %while3A_51 = arith.addi %while3A_44, %while3A_50 : i32
    %while3A_52 = arith.constant 1 : i32
    %while3A_53 = scf.for %while3A_93 = %while3A_44 to %while3A_51 step %while3A_52 iter_args(%while3A_94 = %while3A_45) -> (i32)  : i32 {
      %mul3A_95 = arith.constant 40 : i32
      %mul3A_96 = arith.muli %while3A_93, %mul3A_95 : i32
      %add3A_97 = arith.addi %multiple_of3A, %mul3A_96 : i32
      %multiple_of3A_98 = tpu.assume_multiple %add3A_97, 8 : i32
      "tpu.region"() ({
        %run_scoped3A = tpu.sem_alloc : memref<!tpu.dma_semaphore, #tpu.memory_space<semaphore_mem>>
        %dma_start3A_118 = arith.constant 0 : i32
        %dma_start3A_119 = tpu.memref_slice %arg3[%multiple_of3A_98, %dma_start3A_118] : memref<2560x128xi32, #tpu.memory_space<hbm>> -> memref<40x128xi32, #tpu.memory_space<hbm>>
        %dma_start3A_120 = arith.constant 0 : i32
        %dma_start3A_121 = tpu.memref_slice %arg3[%multiple_of3A_98, %dma_start3A_120] : memref<2560x128xi32, #tpu.memory_space<hbm>> -> memref<40x128xi32, #tpu.memory_space<hbm>>
        tpu.enqueue_dma source(%dma_start3A_121 : memref<40x128xi32, #tpu.memory_space<hbm>>) target(%arg7 : memref<40x128xi32, #tpu.memory_space<vmem>>) target_semaphore(%run_scoped3A : memref<!tpu.dma_semaphore, #tpu.memory_space<semaphore_mem>>)
        %dma_wait3A = arith.constant 0 : i32
        %dma_wait3A_122 = tpu.memref_slice %arg3[%multiple_of3A_98, %dma_wait3A] : memref<2560x128xi32, #tpu.memory_space<hbm>> -> memref<40x128xi32, #tpu.memory_space<hbm>>
        %dma_wait3A_123 = arith.constant 0 : i32
        %dma_wait3A_124 = tpu.memref_slice %arg3[%multiple_of3A_98, %dma_wait3A_123] : memref<2560x128xi32, #tpu.memory_space<hbm>> -> memref<40x128xi32, #tpu.memory_space<hbm>>
        tpu.wait_dma2 semaphore(%run_scoped3A : memref<!tpu.dma_semaphore, #tpu.memory_space<semaphore_mem>>) src(%dma_wait3A_124 : memref<40x128xi32, #tpu.memory_space<hbm>>) dst(%arg7 : memref<40x128xi32, #tpu.memory_space<vmem>>)
        tpu.yield
      }) : () -> ()
      "tpu.region"() ({
        %run_scoped3A = tpu.sem_alloc : memref<!tpu.dma_semaphore, #tpu.memory_space<semaphore_mem>>
        %dma_start3A_118 = arith.constant 0 : i32
        %dma_start3A_119 = tpu.memref_slice %arg4[%multiple_of3A_98, %dma_start3A_118] : memref<2560x128xi32, #tpu.memory_space<hbm>> -> memref<40x128xi32, #tpu.memory_space<hbm>>
        %dma_start3A_120 = arith.constant 0 : i32
        %dma_start3A_121 = tpu.memref_slice %arg4[%multiple_of3A_98, %dma_start3A_120] : memref<2560x128xi32, #tpu.memory_space<hbm>> -> memref<40x128xi32, #tpu.memory_space<hbm>>
        tpu.enqueue_dma source(%dma_start3A_121 : memref<40x128xi32, #tpu.memory_space<hbm>>) target(%arg8 : memref<40x128xi32, #tpu.memory_space<vmem>>) target_semaphore(%run_scoped3A : memref<!tpu.dma_semaphore, #tpu.memory_space<semaphore_mem>>)
        %dma_wait3A = arith.constant 0 : i32
        %dma_wait3A_122 = tpu.memref_slice %arg4[%multiple_of3A_98, %dma_wait3A] : memref<2560x128xi32, #tpu.memory_space<hbm>> -> memref<40x128xi32, #tpu.memory_space<hbm>>
        %dma_wait3A_123 = arith.constant 0 : i32
        %dma_wait3A_124 = tpu.memref_slice %arg4[%multiple_of3A_98, %dma_wait3A_123] : memref<2560x128xi32, #tpu.memory_space<hbm>> -> memref<40x128xi32, #tpu.memory_space<hbm>>
        tpu.wait_dma2 semaphore(%run_scoped3A : memref<!tpu.dma_semaphore, #tpu.memory_space<semaphore_mem>>) src(%dma_wait3A_124 : memref<40x128xi32, #tpu.memory_space<hbm>>) dst(%arg8 : memref<40x128xi32, #tpu.memory_space<vmem>>)
        tpu.yield
      }) : () -> ()
      %dma_start3A = arith.constant 0 : i32
      %dma_start3A_99 = arith.constant 0 : i32
      %dma_start3A_100 = tpu.memref_slice %arg7[%dma_start3A, %dma_start3A_99] : memref<40x128xi32, #tpu.memory_space<vmem>> -> memref<1x128xi32, #tpu.memory_space<vmem>>
      %dma_start3A_101 = tpu.memref_squeeze %dma_start3A_100 : memref<1x128xi32, #tpu.memory_space<vmem>> -> memref<128xi32, #tpu.memory_space<vmem>>
      %dma_start3A_102 = arith.constant 0 : i32
      %dma_start3A_103 = arith.constant 0 : i32
      %dma_start3A_104 = tpu.memref_slice %arg2[%dma_start3A_102, %dma_start3A_103] : memref<10000x128xf32, #tpu.memory_space<hbm>> -> memref<10000x128xf32, #tpu.memory_space<hbm>>
      tpu.enqueue_indirect_dma source(%dma_start3A_104 : memref<10000x128xf32, #tpu.memory_space<hbm>>) target(%arg9 : memref<128x128xf32, #tpu.memory_space<vmem>>) offsets(%dma_start3A_101 : memref<128xi32, #tpu.memory_space<vmem>>) semaphore(%arg12 : memref<!tpu.dma_semaphore, #tpu.memory_space<semaphore_mem>>)
      %while3A_105 = arith.constant 0 : i32
      %while3A_106 = arith.constant 0 : i32
      %while3A_107 = arith.subi %select_n3A_9, %while3A_105 : i32
      %while3A_108 = arith.addi %while3A_105, %while3A_107 : i32
      %while3A_109 = arith.constant 1 : i32
      %while3A_110 = arith.divsi %while3A_107, %while3A_109 : i32
      %while3A_111 = arith.muli %while3A_110, %while3A_109 : i32
      %while3A_112 = arith.addi %while3A_105, %while3A_111 : i32
      %while3A_113 = arith.constant 1 : i32
      %while3A_114 = scf.for %while3A_118 = %while3A_105 to %while3A_112 step %while3A_113 iter_args(%while3A_119 = %while3A_106) -> (i32)  : i32 {
        %mul3A_120 = arith.constant 2 : i32
        %mul3A_121 = arith.muli %mul3A_120, %while3A_118 : i32
        %mul3A_122 = arith.constant 2 : i32
        %mul3A_123 = arith.muli %mul3A_122, %while3A_118 : i32
        %add3A_124 = arith.constant 1 : i32
        %add3A_125 = arith.addi %mul3A_123, %add3A_124 : i32
        %dma_start3A_126 = arith.constant 0 : i32
        %dma_start3A_127 = tpu.memref_slice %arg7[%add3A_125, %dma_start3A_126] : memref<40x128xi32, #tpu.memory_space<vmem>> -> memref<1x128xi32, #tpu.memory_space<vmem>>
        %dma_start3A_128 = tpu.memref_squeeze %dma_start3A_127 : memref<1x128xi32, #tpu.memory_space<vmem>> -> memref<128xi32, #tpu.memory_space<vmem>>
        %dma_start3A_129 = arith.constant 0 : i32
        %dma_start3A_130 = arith.constant 0 : i32
        %dma_start3A_131 = tpu.memref_slice %arg2[%dma_start3A_129, %dma_start3A_130] : memref<10000x128xf32, #tpu.memory_space<hbm>> -> memref<10000x128xf32, #tpu.memory_space<hbm>>
        tpu.enqueue_indirect_dma source(%dma_start3A_131 : memref<10000x128xf32, #tpu.memory_space<hbm>>) target(%arg10 : memref<128x128xf32, #tpu.memory_space<vmem>>) offsets(%dma_start3A_128 : memref<128xi32, #tpu.memory_space<vmem>>) semaphore(%arg13 : memref<!tpu.dma_semaphore, #tpu.memory_space<semaphore_mem>>)
        %dma_wait3A = arith.constant 0 : i32
        %dma_wait3A_132 = tpu.memref_slice %arg7[%mul3A_121, %dma_wait3A] : memref<40x128xi32, #tpu.memory_space<vmem>> -> memref<1x128xi32, #tpu.memory_space<vmem>>
        %dma_wait3A_133 = tpu.memref_squeeze %dma_wait3A_132 : memref<1x128xi32, #tpu.memory_space<vmem>> -> memref<128xi32, #tpu.memory_space<vmem>>
        %dma_wait3A_134 = arith.constant 0 : i32
        %dma_wait3A_135 = arith.constant 0 : i32
        %dma_wait3A_136 = tpu.memref_slice %arg2[%dma_wait3A_134, %dma_wait3A_135] : memref<10000x128xf32, #tpu.memory_space<hbm>> -> memref<10000x128xf32, #tpu.memory_space<hbm>>
        tpu.wait_indirect_dma semaphore(%arg12 : memref<!tpu.dma_semaphore, #tpu.memory_space<semaphore_mem>>) src(%dma_wait3A_136 : memref<10000x128xf32, #tpu.memory_space<hbm>>) dst(%arg9 : memref<128x128xf32, #tpu.memory_space<vmem>>)
        "tpu.region"() ({
          %run_scoped3A = tpu.sem_alloc : memref<!tpu.dma_semaphore, #tpu.memory_space<semaphore_mem>>
          %dma_start3A_147 = arith.constant 0 : i32
          %dma_start3A_148 = tpu.memref_slice %arg8[%mul3A_121, %dma_start3A_147] : memref<40x128xi32, #tpu.memory_space<vmem>> -> memref<1x128xi32, #tpu.memory_space<vmem>>
          %dma_start3A_149 = tpu.memref_squeeze %dma_start3A_148 : memref<1x128xi32, #tpu.memory_space<vmem>> -> memref<128xi32, #tpu.memory_space<vmem>>
          %dma_start3A_150 = arith.constant 0 : i32
          %dma_start3A_151 = arith.constant 0 : i32
          %dma_start3A_152 = tpu.memref_slice %arg11[%dma_start3A_150, %dma_start3A_151] : memref<10000x128xf32, #tpu.memory_space<vmem_shared>> -> memref<10000x128xf32, #tpu.memory_space<vmem_shared>>
          tpu.enqueue_indirect_dma source(%arg9 : memref<128x128xf32, #tpu.memory_space<vmem>>) target(%dma_start3A_152 : memref<10000x128xf32, #tpu.memory_space<vmem_shared>>) offsets(%dma_start3A_149 : memref<128xi32, #tpu.memory_space<vmem>>) semaphore(%run_scoped3A : memref<!tpu.dma_semaphore, #tpu.memory_space<semaphore_mem>>) {add = true}
          %dma_wait3A_153 = arith.constant 0 : i32
          %dma_wait3A_154 = tpu.memref_slice %arg8[%mul3A_121, %dma_wait3A_153] : memref<40x128xi32, #tpu.memory_space<vmem>> -> memref<1x128xi32, #tpu.memory_space<vmem>>
          %dma_wait3A_155 = tpu.memref_squeeze %dma_wait3A_154 : memref<1x128xi32, #tpu.memory_space<vmem>> -> memref<128xi32, #tpu.memory_space<vmem>>
          %dma_wait3A_156 = arith.constant 0 : i32
          %dma_wait3A_157 = arith.constant 0 : i32
          %dma_wait3A_158 = tpu.memref_slice %arg11[%dma_wait3A_156, %dma_wait3A_157] : memref<10000x128xf32, #tpu.memory_space<vmem_shared>> -> memref<10000x128xf32, #tpu.memory_space<vmem_shared>>
          tpu.wait_indirect_dma semaphore(%run_scoped3A : memref<!tpu.dma_semaphore, #tpu.memory_space<semaphore_mem>>) src(%arg9 : memref<128x128xf32, #tpu.memory_space<vmem>>) dst(%dma_wait3A_158 : memref<10000x128xf32, #tpu.memory_space<vmem_shared>>)
          tpu.yield
        }) : () -> ()
        %add3A_137 = arith.constant 1 : i32
        %add3A_138 = arith.addi %while3A_118, %add3A_137 : i32
        %lt3A = arith.cmpi slt, %add3A_138, %select_n3A_9 : i32
        %convert_element_type3A = arith.extui %lt3A : i1 to i32
        %cond3A = arith.constant 0 : i32
        %cond3A_139 = arith.cmpi ne, %convert_element_type3A, %cond3A : i32
        scf.if %cond3A_139 {
          %add3A_147 = arith.constant 2 : i32
          %add3A_148 = arith.addi %mul3A_121, %add3A_147 : i32
          %dma_start3A_149 = arith.constant 0 : i32
          %dma_start3A_150 = tpu.memref_slice %arg7[%add3A_148, %dma_start3A_149] : memref<40x128xi32, #tpu.memory_space<vmem>> -> memref<1x128xi32, #tpu.memory_space<vmem>>
          %dma_start3A_151 = tpu.memref_squeeze %dma_start3A_150 : memref<1x128xi32, #tpu.memory_space<vmem>> -> memref<128xi32, #tpu.memory_space<vmem>>
          %dma_start3A_152 = arith.constant 0 : i32
          %dma_start3A_153 = arith.constant 0 : i32
          %dma_start3A_154 = tpu.memref_slice %arg2[%dma_start3A_152, %dma_start3A_153] : memref<10000x128xf32, #tpu.memory_space<hbm>> -> memref<10000x128xf32, #tpu.memory_space<hbm>>
          tpu.enqueue_indirect_dma source(%dma_start3A_154 : memref<10000x128xf32, #tpu.memory_space<hbm>>) target(%arg9 : memref<128x128xf32, #tpu.memory_space<vmem>>) offsets(%dma_start3A_151 : memref<128xi32, #tpu.memory_space<vmem>>) semaphore(%arg12 : memref<!tpu.dma_semaphore, #tpu.memory_space<semaphore_mem>>)
        } else {
        }
        %dma_wait3A_140 = arith.constant 0 : i32
        %dma_wait3A_141 = tpu.memref_slice %arg7[%add3A_125, %dma_wait3A_140] : memref<40x128xi32, #tpu.memory_space<vmem>> -> memref<1x128xi32, #tpu.memory_space<vmem>>
        %dma_wait3A_142 = tpu.memref_squeeze %dma_wait3A_141 : memref<1x128xi32, #tpu.memory_space<vmem>> -> memref<128xi32, #tpu.memory_space<vmem>>
        %dma_wait3A_143 = arith.constant 0 : i32
        %dma_wait3A_144 = arith.constant 0 : i32
        %dma_wait3A_145 = tpu.memref_slice %arg2[%dma_wait3A_143, %dma_wait3A_144] : memref<10000x128xf32, #tpu.memory_space<hbm>> -> memref<10000x128xf32, #tpu.memory_space<hbm>>
        tpu.wait_indirect_dma semaphore(%arg13 : memref<!tpu.dma_semaphore, #tpu.memory_space<semaphore_mem>>) src(%dma_wait3A_145 : memref<10000x128xf32, #tpu.memory_space<hbm>>) dst(%arg10 : memref<128x128xf32, #tpu.memory_space<vmem>>)
        "tpu.region"() ({
          %run_scoped3A = tpu.sem_alloc : memref<!tpu.dma_semaphore, #tpu.memory_space<semaphore_mem>>
          %dma_start3A_147 = arith.constant 0 : i32
          %dma_start3A_148 = tpu.memref_slice %arg8[%add3A_125, %dma_start3A_147] : memref<40x128xi32, #tpu.memory_space<vmem>> -> memref<1x128xi32, #tpu.memory_space<vmem>>
          %dma_start3A_149 = tpu.memref_squeeze %dma_start3A_148 : memref<1x128xi32, #tpu.memory_space<vmem>> -> memref<128xi32, #tpu.memory_space<vmem>>
          %dma_start3A_150 = arith.constant 0 : i32
          %dma_start3A_151 = arith.constant 0 : i32
          %dma_start3A_152 = tpu.memref_slice %arg11[%dma_start3A_150, %dma_start3A_151] : memref<10000x128xf32, #tpu.memory_space<vmem_shared>> -> memref<10000x128xf32, #tpu.memory_space<vmem_shared>>
          tpu.enqueue_indirect_dma source(%arg10 : memref<128x128xf32, #tpu.memory_space<vmem>>) target(%dma_start3A_152 : memref<10000x128xf32, #tpu.memory_space<vmem_shared>>) offsets(%dma_start3A_149 : memref<128xi32, #tpu.memory_space<vmem>>) semaphore(%run_scoped3A : memref<!tpu.dma_semaphore, #tpu.memory_space<semaphore_mem>>) {add = true}
          %dma_wait3A_153 = arith.constant 0 : i32
          %dma_wait3A_154 = tpu.memref_slice %arg8[%add3A_125, %dma_wait3A_153] : memref<40x128xi32, #tpu.memory_space<vmem>> -> memref<1x128xi32, #tpu.memory_space<vmem>>
          %dma_wait3A_155 = tpu.memref_squeeze %dma_wait3A_154 : memref<1x128xi32, #tpu.memory_space<vmem>> -> memref<128xi32, #tpu.memory_space<vmem>>
          %dma_wait3A_156 = arith.constant 0 : i32
          %dma_wait3A_157 = arith.constant 0 : i32
          %dma_wait3A_158 = tpu.memref_slice %arg11[%dma_wait3A_156, %dma_wait3A_157] : memref<10000x128xf32, #tpu.memory_space<vmem_shared>> -> memref<10000x128xf32, #tpu.memory_space<vmem_shared>>
          tpu.wait_indirect_dma semaphore(%run_scoped3A : memref<!tpu.dma_semaphore, #tpu.memory_space<semaphore_mem>>) src(%arg10 : memref<128x128xf32, #tpu.memory_space<vmem>>) dst(%dma_wait3A_158 : memref<10000x128xf32, #tpu.memory_space<vmem_shared>>)
          tpu.yield
        }) : () -> ()
        %while3A_146 = arith.constant 0 : i32
        scf.yield %while3A_146 : i32
      }
      %while3A_115 = arith.constant 1 : i32
      %while3A_116 = scf.for %while3A_118 = %while3A_112 to %while3A_108 step %while3A_115 iter_args(%while3A_119 = %while3A_114) -> (i32)  : i32 {
        %mul3A_120 = arith.constant 2 : i32
        %mul3A_121 = arith.muli %mul3A_120, %while3A_118 : i32
        %mul3A_122 = arith.constant 2 : i32
        %mul3A_123 = arith.muli %mul3A_122, %while3A_118 : i32
        %add3A_124 = arith.constant 1 : i32
        %add3A_125 = arith.addi %mul3A_123, %add3A_124 : i32
        %dma_start3A_126 = arith.constant 0 : i32
        %dma_start3A_127 = tpu.memref_slice %arg7[%add3A_125, %dma_start3A_126] : memref<40x128xi32, #tpu.memory_space<vmem>> -> memref<1x128xi32, #tpu.memory_space<vmem>>
        %dma_start3A_128 = tpu.memref_squeeze %dma_start3A_127 : memref<1x128xi32, #tpu.memory_space<vmem>> -> memref<128xi32, #tpu.memory_space<vmem>>
        %dma_start3A_129 = arith.constant 0 : i32
        %dma_start3A_130 = arith.constant 0 : i32
        %dma_start3A_131 = tpu.memref_slice %arg2[%dma_start3A_129, %dma_start3A_130] : memref<10000x128xf32, #tpu.memory_space<hbm>> -> memref<10000x128xf32, #tpu.memory_space<hbm>>
        tpu.enqueue_indirect_dma source(%dma_start3A_131 : memref<10000x128xf32, #tpu.memory_space<hbm>>) target(%arg10 : memref<128x128xf32, #tpu.memory_space<vmem>>) offsets(%dma_start3A_128 : memref<128xi32, #tpu.memory_space<vmem>>) semaphore(%arg13 : memref<!tpu.dma_semaphore, #tpu.memory_space<semaphore_mem>>)
        %dma_wait3A = arith.constant 0 : i32
        %dma_wait3A_132 = tpu.memref_slice %arg7[%mul3A_121, %dma_wait3A] : memref<40x128xi32, #tpu.memory_space<vmem>> -> memref<1x128xi32, #tpu.memory_space<vmem>>
        %dma_wait3A_133 = tpu.memref_squeeze %dma_wait3A_132 : memref<1x128xi32, #tpu.memory_space<vmem>> -> memref<128xi32, #tpu.memory_space<vmem>>
        %dma_wait3A_134 = arith.constant 0 : i32
        %dma_wait3A_135 = arith.constant 0 : i32
        %dma_wait3A_136 = tpu.memref_slice %arg2[%dma_wait3A_134, %dma_wait3A_135] : memref<10000x128xf32, #tpu.memory_space<hbm>> -> memref<10000x128xf32, #tpu.memory_space<hbm>>
        tpu.wait_indirect_dma semaphore(%arg12 : memref<!tpu.dma_semaphore, #tpu.memory_space<semaphore_mem>>) src(%dma_wait3A_136 : memref<10000x128xf32, #tpu.memory_space<hbm>>) dst(%arg9 : memref<128x128xf32, #tpu.memory_space<vmem>>)
        "tpu.region"() ({
          %run_scoped3A = tpu.sem_alloc : memref<!tpu.dma_semaphore, #tpu.memory_space<semaphore_mem>>
          %dma_start3A_147 = arith.constant 0 : i32
          %dma_start3A_148 = tpu.memref_slice %arg8[%mul3A_121, %dma_start3A_147] : memref<40x128xi32, #tpu.memory_space<vmem>> -> memref<1x128xi32, #tpu.memory_space<vmem>>
          %dma_start3A_149 = tpu.memref_squeeze %dma_start3A_148 : memref<1x128xi32, #tpu.memory_space<vmem>> -> memref<128xi32, #tpu.memory_space<vmem>>
          %dma_start3A_150 = arith.constant 0 : i32
          %dma_start3A_151 = arith.constant 0 : i32
          %dma_start3A_152 = tpu.memref_slice %arg11[%dma_start3A_150, %dma_start3A_151] : memref<10000x128xf32, #tpu.memory_space<vmem_shared>> -> memref<10000x128xf32, #tpu.memory_space<vmem_shared>>
          tpu.enqueue_indirect_dma source(%arg9 : memref<128x128xf32, #tpu.memory_space<vmem>>) target(%dma_start3A_152 : memref<10000x128xf32, #tpu.memory_space<vmem_shared>>) offsets(%dma_start3A_149 : memref<128xi32, #tpu.memory_space<vmem>>) semaphore(%run_scoped3A : memref<!tpu.dma_semaphore, #tpu.memory_space<semaphore_mem>>) {add = true}
          %dma_wait3A_153 = arith.constant 0 : i32
          %dma_wait3A_154 = tpu.memref_slice %arg8[%mul3A_121, %dma_wait3A_153] : memref<40x128xi32, #tpu.memory_space<vmem>> -> memref<1x128xi32, #tpu.memory_space<vmem>>
          %dma_wait3A_155 = tpu.memref_squeeze %dma_wait3A_154 : memref<1x128xi32, #tpu.memory_space<vmem>> -> memref<128xi32, #tpu.memory_space<vmem>>
          %dma_wait3A_156 = arith.constant 0 : i32
          %dma_wait3A_157 = arith.constant 0 : i32
          %dma_wait3A_158 = tpu.memref_slice %arg11[%dma_wait3A_156, %dma_wait3A_157] : memref<10000x128xf32, #tpu.memory_space<vmem_shared>> -> memref<10000x128xf32, #tpu.memory_space<vmem_shared>>
          tpu.wait_indirect_dma semaphore(%run_scoped3A : memref<!tpu.dma_semaphore, #tpu.memory_space<semaphore_mem>>) src(%arg9 : memref<128x128xf32, #tpu.memory_space<vmem>>) dst(%dma_wait3A_158 : memref<10000x128xf32, #tpu.memory_space<vmem_shared>>)
          tpu.yield
        }) : () -> ()
        %add3A_137 = arith.constant 1 : i32
        %add3A_138 = arith.addi %while3A_118, %add3A_137 : i32
        %lt3A = arith.cmpi slt, %add3A_138, %select_n3A_9 : i32
        %convert_element_type3A = arith.extui %lt3A : i1 to i32
        %cond3A = arith.constant 0 : i32
        %cond3A_139 = arith.cmpi ne, %convert_element_type3A, %cond3A : i32
        scf.if %cond3A_139 {
          %add3A_147 = arith.constant 2 : i32
          %add3A_148 = arith.addi %mul3A_121, %add3A_147 : i32
          %dma_start3A_149 = arith.constant 0 : i32
          %dma_start3A_150 = tpu.memref_slice %arg7[%add3A_148, %dma_start3A_149] : memref<40x128xi32, #tpu.memory_space<vmem>> -> memref<1x128xi32, #tpu.memory_space<vmem>>
          %dma_start3A_151 = tpu.memref_squeeze %dma_start3A_150 : memref<1x128xi32, #tpu.memory_space<vmem>> -> memref<128xi32, #tpu.memory_space<vmem>>
          %dma_start3A_152 = arith.constant 0 : i32
          %dma_start3A_153 = arith.constant 0 : i32
          %dma_start3A_154 = tpu.memref_slice %arg2[%dma_start3A_152, %dma_start3A_153] : memref<10000x128xf32, #tpu.memory_space<hbm>> -> memref<10000x128xf32, #tpu.memory_space<hbm>>
          tpu.enqueue_indirect_dma source(%dma_start3A_154 : memref<10000x128xf32, #tpu.memory_space<hbm>>) target(%arg9 : memref<128x128xf32, #tpu.memory_space<vmem>>) offsets(%dma_start3A_151 : memref<128xi32, #tpu.memory_space<vmem>>) semaphore(%arg12 : memref<!tpu.dma_semaphore, #tpu.memory_space<semaphore_mem>>)
        } else {
        }
        %dma_wait3A_140 = arith.constant 0 : i32
        %dma_wait3A_141 = tpu.memref_slice %arg7[%add3A_125, %dma_wait3A_140] : memref<40x128xi32, #tpu.memory_space<vmem>> -> memref<1x128xi32, #tpu.memory_space<vmem>>
        %dma_wait3A_142 = tpu.memref_squeeze %dma_wait3A_141 : memref<1x128xi32, #tpu.memory_space<vmem>> -> memref<128xi32, #tpu.memory_space<vmem>>
        %dma_wait3A_143 = arith.constant 0 : i32
        %dma_wait3A_144 = arith.constant 0 : i32
        %dma_wait3A_145 = tpu.memref_slice %arg2[%dma_wait3A_143, %dma_wait3A_144] : memref<10000x128xf32, #tpu.memory_space<hbm>> -> memref<10000x128xf32, #tpu.memory_space<hbm>>
        tpu.wait_indirect_dma semaphore(%arg13 : memref<!tpu.dma_semaphore, #tpu.memory_space<semaphore_mem>>) src(%dma_wait3A_145 : memref<10000x128xf32, #tpu.memory_space<hbm>>) dst(%arg10 : memref<128x128xf32, #tpu.memory_space<vmem>>)
        "tpu.region"() ({
          %run_scoped3A = tpu.sem_alloc : memref<!tpu.dma_semaphore, #tpu.memory_space<semaphore_mem>>
          %dma_start3A_147 = arith.constant 0 : i32
          %dma_start3A_148 = tpu.memref_slice %arg8[%add3A_125, %dma_start3A_147] : memref<40x128xi32, #tpu.memory_space<vmem>> -> memref<1x128xi32, #tpu.memory_space<vmem>>
          %dma_start3A_149 = tpu.memref_squeeze %dma_start3A_148 : memref<1x128xi32, #tpu.memory_space<vmem>> -> memref<128xi32, #tpu.memory_space<vmem>>
          %dma_start3A_150 = arith.constant 0 : i32
          %dma_start3A_151 = arith.constant 0 : i32
          %dma_start3A_152 = tpu.memref_slice %arg11[%dma_start3A_150, %dma_start3A_151] : memref<10000x128xf32, #tpu.memory_space<vmem_shared>> -> memref<10000x128xf32, #tpu.memory_space<vmem_shared>>
          tpu.enqueue_indirect_dma source(%arg10 : memref<128x128xf32, #tpu.memory_space<vmem>>) target(%dma_start3A_152 : memref<10000x128xf32, #tpu.memory_space<vmem_shared>>) offsets(%dma_start3A_149 : memref<128xi32, #tpu.memory_space<vmem>>) semaphore(%run_scoped3A : memref<!tpu.dma_semaphore, #tpu.memory_space<semaphore_mem>>) {add = true}
          %dma_wait3A_153 = arith.constant 0 : i32
          %dma_wait3A_154 = tpu.memref_slice %arg8[%add3A_125, %dma_wait3A_153] : memref<40x128xi32, #tpu.memory_space<vmem>> -> memref<1x128xi32, #tpu.memory_space<vmem>>
          %dma_wait3A_155 = tpu.memref_squeeze %dma_wait3A_154 : memref<1x128xi32, #tpu.memory_space<vmem>> -> memref<128xi32, #tpu.memory_space<vmem>>
          %dma_wait3A_156 = arith.constant 0 : i32
          %dma_wait3A_157 = arith.constant 0 : i32
          %dma_wait3A_158 = tpu.memref_slice %arg11[%dma_wait3A_156, %dma_wait3A_157] : memref<10000x128xf32, #tpu.memory_space<vmem_shared>> -> memref<10000x128xf32, #tpu.memory_space<vmem_shared>>
          tpu.wait_indirect_dma semaphore(%run_scoped3A : memref<!tpu.dma_semaphore, #tpu.memory_space<semaphore_mem>>) src(%arg10 : memref<128x128xf32, #tpu.memory_space<vmem>>) dst(%dma_wait3A_158 : memref<10000x128xf32, #tpu.memory_space<vmem_shared>>)
          tpu.yield
        }) : () -> ()
        %while3A_146 = arith.constant 0 : i32
        scf.yield %while3A_146 : i32
      }
      %while3A_117 = arith.constant 0 : i32
      scf.yield %while3A_117 : i32
    }
    %while3A_54 = arith.constant 1 : i32
    %while3A_55 = scf.for %while3A_93 = %while3A_51 to %while3A_47 step %while3A_54 iter_args(%while3A_94 = %while3A_53) -> (i32)  : i32 {
      %mul3A_95 = arith.constant 40 : i32
      %mul3A_96 = arith.muli %while3A_93, %mul3A_95 : i32
      %add3A_97 = arith.addi %multiple_of3A, %mul3A_96 : i32
      %multiple_of3A_98 = tpu.assume_multiple %add3A_97, 8 : i32
      "tpu.region"() ({
        %run_scoped3A = tpu.sem_alloc : memref<!tpu.dma_semaphore, #tpu.memory_space<semaphore_mem>>
        %dma_start3A_118 = arith.constant 0 : i32
        %dma_start3A_119 = tpu.memref_slice %arg3[%multiple_of3A_98, %dma_start3A_118] : memref<2560x128xi32, #tpu.memory_space<hbm>> -> memref<40x128xi32, #tpu.memory_space<hbm>>
        %dma_start3A_120 = arith.constant 0 : i32
        %dma_start3A_121 = tpu.memref_slice %arg3[%multiple_of3A_98, %dma_start3A_120] : memref<2560x128xi32, #tpu.memory_space<hbm>> -> memref<40x128xi32, #tpu.memory_space<hbm>>
        tpu.enqueue_dma source(%dma_start3A_121 : memref<40x128xi32, #tpu.memory_space<hbm>>) target(%arg7 : memref<40x128xi32, #tpu.memory_space<vmem>>) target_semaphore(%run_scoped3A : memref<!tpu.dma_semaphore, #tpu.memory_space<semaphore_mem>>)
        %dma_wait3A = arith.constant 0 : i32
        %dma_wait3A_122 = tpu.memref_slice %arg3[%multiple_of3A_98, %dma_wait3A] : memref<2560x128xi32, #tpu.memory_space<hbm>> -> memref<40x128xi32, #tpu.memory_space<hbm>>
        %dma_wait3A_123 = arith.constant 0 : i32
        %dma_wait3A_124 = tpu.memref_slice %arg3[%multiple_of3A_98, %dma_wait3A_123] : memref<2560x128xi32, #tpu.memory_space<hbm>> -> memref<40x128xi32, #tpu.memory_space<hbm>>
        tpu.wait_dma2 semaphore(%run_scoped3A : memref<!tpu.dma_semaphore, #tpu.memory_space<semaphore_mem>>) src(%dma_wait3A_124 : memref<40x128xi32, #tpu.memory_space<hbm>>) dst(%arg7 : memref<40x128xi32, #tpu.memory_space<vmem>>)
        tpu.yield
      }) : () -> ()
      "tpu.region"() ({
        %run_scoped3A = tpu.sem_alloc : memref<!tpu.dma_semaphore, #tpu.memory_space<semaphore_mem>>
        %dma_start3A_118 = arith.constant 0 : i32
        %dma_start3A_119 = tpu.memref_slice %arg4[%multiple_of3A_98, %dma_start3A_118] : memref<2560x128xi32, #tpu.memory_space<hbm>> -> memref<40x128xi32, #tpu.memory_space<hbm>>
        %dma_start3A_120 = arith.constant 0 : i32
        %dma_start3A_121 = tpu.memref_slice %arg4[%multiple_of3A_98, %dma_start3A_120] : memref<2560x128xi32, #tpu.memory_space<hbm>> -> memref<40x128xi32, #tpu.memory_space<hbm>>
        tpu.enqueue_dma source(%dma_start3A_121 : memref<40x128xi32, #tpu.memory_space<hbm>>) target(%arg8 : memref<40x128xi32, #tpu.memory_space<vmem>>) target_semaphore(%run_scoped3A : memref<!tpu.dma_semaphore, #tpu.memory_space<semaphore_mem>>)
        %dma_wait3A = arith.constant 0 : i32
        %dma_wait3A_122 = tpu.memref_slice %arg4[%multiple_of3A_98, %dma_wait3A] : memref<2560x128xi32, #tpu.memory_space<hbm>> -> memref<40x128xi32, #tpu.memory_space<hbm>>
        %dma_wait3A_123 = arith.constant 0 : i32
        %dma_wait3A_124 = tpu.memref_slice %arg4[%multiple_of3A_98, %dma_wait3A_123] : memref<2560x128xi32, #tpu.memory_space<hbm>> -> memref<40x128xi32, #tpu.memory_space<hbm>>
        tpu.wait_dma2 semaphore(%run_scoped3A : memref<!tpu.dma_semaphore, #tpu.memory_space<semaphore_mem>>) src(%dma_wait3A_124 : memref<40x128xi32, #tpu.memory_space<hbm>>) dst(%arg8 : memref<40x128xi32, #tpu.memory_space<vmem>>)
        tpu.yield
      }) : () -> ()
      %dma_start3A = arith.constant 0 : i32
      %dma_start3A_99 = arith.constant 0 : i32
      %dma_start3A_100 = tpu.memref_slice %arg7[%dma_start3A, %dma_start3A_99] : memref<40x128xi32, #tpu.memory_space<vmem>> -> memref<1x128xi32, #tpu.memory_space<vmem>>
      %dma_start3A_101 = tpu.memref_squeeze %dma_start3A_100 : memref<1x128xi32, #tpu.memory_space<vmem>> -> memref<128xi32, #tpu.memory_space<vmem>>
      %dma_start3A_102 = arith.constant 0 : i32
      %dma_start3A_103 = arith.constant 0 : i32
      %dma_start3A_104 = tpu.memref_slice %arg2[%dma_start3A_102, %dma_start3A_103] : memref<10000x128xf32, #tpu.memory_space<hbm>> -> memref<10000x128xf32, #tpu.memory_space<hbm>>
      tpu.enqueue_indirect_dma source(%dma_start3A_104 : memref<10000x128xf32, #tpu.memory_space<hbm>>) target(%arg9 : memref<128x128xf32, #tpu.memory_space<vmem>>) offsets(%dma_start3A_101 : memref<128xi32, #tpu.memory_space<vmem>>) semaphore(%arg12 : memref<!tpu.dma_semaphore, #tpu.memory_space<semaphore_mem>>)
      %while3A_105 = arith.constant 0 : i32
      %while3A_106 = arith.constant 0 : i32
      %while3A_107 = arith.subi %select_n3A_9, %while3A_105 : i32
      %while3A_108 = arith.addi %while3A_105, %while3A_107 : i32
      %while3A_109 = arith.constant 1 : i32
      %while3A_110 = arith.divsi %while3A_107, %while3A_109 : i32
      %while3A_111 = arith.muli %while3A_110, %while3A_109 : i32
      %while3A_112 = arith.addi %while3A_105, %while3A_111 : i32
      %while3A_113 = arith.constant 1 : i32
      %while3A_114 = scf.for %while3A_118 = %while3A_105 to %while3A_112 step %while3A_113 iter_args(%while3A_119 = %while3A_106) -> (i32)  : i32 {
        %mul3A_120 = arith.constant 2 : i32
        %mul3A_121 = arith.muli %mul3A_120, %while3A_118 : i32
        %mul3A_122 = arith.constant 2 : i32
        %mul3A_123 = arith.muli %mul3A_122, %while3A_118 : i32
        %add3A_124 = arith.constant 1 : i32
        %add3A_125 = arith.addi %mul3A_123, %add3A_124 : i32
        %dma_start3A_126 = arith.constant 0 : i32
        %dma_start3A_127 = tpu.memref_slice %arg7[%add3A_125, %dma_start3A_126] : memref<40x128xi32, #tpu.memory_space<vmem>> -> memref<1x128xi32, #tpu.memory_space<vmem>>
        %dma_start3A_128 = tpu.memref_squeeze %dma_start3A_127 : memref<1x128xi32, #tpu.memory_space<vmem>> -> memref<128xi32, #tpu.memory_space<vmem>>
        %dma_start3A_129 = arith.constant 0 : i32
        %dma_start3A_130 = arith.constant 0 : i32
        %dma_start3A_131 = tpu.memref_slice %arg2[%dma_start3A_129, %dma_start3A_130] : memref<10000x128xf32, #tpu.memory_space<hbm>> -> memref<10000x128xf32, #tpu.memory_space<hbm>>
        tpu.enqueue_indirect_dma source(%dma_start3A_131 : memref<10000x128xf32, #tpu.memory_space<hbm>>) target(%arg10 : memref<128x128xf32, #tpu.memory_space<vmem>>) offsets(%dma_start3A_128 : memref<128xi32, #tpu.memory_space<vmem>>) semaphore(%arg13 : memref<!tpu.dma_semaphore, #tpu.memory_space<semaphore_mem>>)
        %dma_wait3A = arith.constant 0 : i32
        %dma_wait3A_132 = tpu.memref_slice %arg7[%mul3A_121, %dma_wait3A] : memref<40x128xi32, #tpu.memory_space<vmem>> -> memref<1x128xi32, #tpu.memory_space<vmem>>
        %dma_wait3A_133 = tpu.memref_squeeze %dma_wait3A_132 : memref<1x128xi32, #tpu.memory_space<vmem>> -> memref<128xi32, #tpu.memory_space<vmem>>
        %dma_wait3A_134 = arith.constant 0 : i32
        %dma_wait3A_135 = arith.constant 0 : i32
        %dma_wait3A_136 = tpu.memref_slice %arg2[%dma_wait3A_134, %dma_wait3A_135] : memref<10000x128xf32, #tpu.memory_space<hbm>> -> memref<10000x128xf32, #tpu.memory_space<hbm>>
        tpu.wait_indirect_dma semaphore(%arg12 : memref<!tpu.dma_semaphore, #tpu.memory_space<semaphore_mem>>) src(%dma_wait3A_136 : memref<10000x128xf32, #tpu.memory_space<hbm>>) dst(%arg9 : memref<128x128xf32, #tpu.memory_space<vmem>>)
        "tpu.region"() ({
          %run_scoped3A = tpu.sem_alloc : memref<!tpu.dma_semaphore, #tpu.memory_space<semaphore_mem>>
          %dma_start3A_147 = arith.constant 0 : i32
          %dma_start3A_148 = tpu.memref_slice %arg8[%mul3A_121, %dma_start3A_147] : memref<40x128xi32, #tpu.memory_space<vmem>> -> memref<1x128xi32, #tpu.memory_space<vmem>>
          %dma_start3A_149 = tpu.memref_squeeze %dma_start3A_148 : memref<1x128xi32, #tpu.memory_space<vmem>> -> memref<128xi32, #tpu.memory_space<vmem>>
          %dma_start3A_150 = arith.constant 0 : i32
          %dma_start3A_151 = arith.constant 0 : i32
          %dma_start3A_152 = tpu.memref_slice %arg11[%dma_start3A_150, %dma_start3A_151] : memref<10000x128xf32, #tpu.memory_space<vmem_shared>> -> memref<10000x128xf32, #tpu.memory_space<vmem_shared>>
          tpu.enqueue_indirect_dma source(%arg9 : memref<128x128xf32, #tpu.memory_space<vmem>>) target(%dma_start3A_152 : memref<10000x128xf32, #tpu.memory_space<vmem_shared>>) offsets(%dma_start3A_149 : memref<128xi32, #tpu.memory_space<vmem>>) semaphore(%run_scoped3A : memref<!tpu.dma_semaphore, #tpu.memory_space<semaphore_mem>>) {add = true}
          %dma_wait3A_153 = arith.constant 0 : i32
          %dma_wait3A_154 = tpu.memref_slice %arg8[%mul3A_121, %dma_wait3A_153] : memref<40x128xi32, #tpu.memory_space<vmem>> -> memref<1x128xi32, #tpu.memory_space<vmem>>
          %dma_wait3A_155 = tpu.memref_squeeze %dma_wait3A_154 : memref<1x128xi32, #tpu.memory_space<vmem>> -> memref<128xi32, #tpu.memory_space<vmem>>
          %dma_wait3A_156 = arith.constant 0 : i32
          %dma_wait3A_157 = arith.constant 0 : i32
          %dma_wait3A_158 = tpu.memref_slice %arg11[%dma_wait3A_156, %dma_wait3A_157] : memref<10000x128xf32, #tpu.memory_space<vmem_shared>> -> memref<10000x128xf32, #tpu.memory_space<vmem_shared>>
          tpu.wait_indirect_dma semaphore(%run_scoped3A : memref<!tpu.dma_semaphore, #tpu.memory_space<semaphore_mem>>) src(%arg9 : memref<128x128xf32, #tpu.memory_space<vmem>>) dst(%dma_wait3A_158 : memref<10000x128xf32, #tpu.memory_space<vmem_shared>>)
          tpu.yield
        }) : () -> ()
        %add3A_137 = arith.constant 1 : i32
        %add3A_138 = arith.addi %while3A_118, %add3A_137 : i32
        %lt3A = arith.cmpi slt, %add3A_138, %select_n3A_9 : i32
        %convert_element_type3A = arith.extui %lt3A : i1 to i32
        %cond3A = arith.constant 0 : i32
        %cond3A_139 = arith.cmpi ne, %convert_element_type3A, %cond3A : i32
        scf.if %cond3A_139 {
          %add3A_147 = arith.constant 2 : i32
          %add3A_148 = arith.addi %mul3A_121, %add3A_147 : i32
          %dma_start3A_149 = arith.constant 0 : i32
          %dma_start3A_150 = tpu.memref_slice %arg7[%add3A_148, %dma_start3A_149] : memref<40x128xi32, #tpu.memory_space<vmem>> -> memref<1x128xi32, #tpu.memory_space<vmem>>
          %dma_start3A_151 = tpu.memref_squeeze %dma_start3A_150 : memref<1x128xi32, #tpu.memory_space<vmem>> -> memref<128xi32, #tpu.memory_space<vmem>>
          %dma_start3A_152 = arith.constant 0 : i32
          %dma_start3A_153 = arith.constant 0 : i32
          %dma_start3A_154 = tpu.memref_slice %arg2[%dma_start3A_152, %dma_start3A_153] : memref<10000x128xf32, #tpu.memory_space<hbm>> -> memref<10000x128xf32, #tpu.memory_space<hbm>>
          tpu.enqueue_indirect_dma source(%dma_start3A_154 : memref<10000x128xf32, #tpu.memory_space<hbm>>) target(%arg9 : memref<128x128xf32, #tpu.memory_space<vmem>>) offsets(%dma_start3A_151 : memref<128xi32, #tpu.memory_space<vmem>>) semaphore(%arg12 : memref<!tpu.dma_semaphore, #tpu.memory_space<semaphore_mem>>)
        } else {
        }
        %dma_wait3A_140 = arith.constant 0 : i32
        %dma_wait3A_141 = tpu.memref_slice %arg7[%add3A_125, %dma_wait3A_140] : memref<40x128xi32, #tpu.memory_space<vmem>> -> memref<1x128xi32, #tpu.memory_space<vmem>>
        %dma_wait3A_142 = tpu.memref_squeeze %dma_wait3A_141 : memref<1x128xi32, #tpu.memory_space<vmem>> -> memref<128xi32, #tpu.memory_space<vmem>>
        %dma_wait3A_143 = arith.constant 0 : i32
        %dma_wait3A_144 = arith.constant 0 : i32
        %dma_wait3A_145 = tpu.memref_slice %arg2[%dma_wait3A_143, %dma_wait3A_144] : memref<10000x128xf32, #tpu.memory_space<hbm>> -> memref<10000x128xf32, #tpu.memory_space<hbm>>
        tpu.wait_indirect_dma semaphore(%arg13 : memref<!tpu.dma_semaphore, #tpu.memory_space<semaphore_mem>>) src(%dma_wait3A_145 : memref<10000x128xf32, #tpu.memory_space<hbm>>) dst(%arg10 : memref<128x128xf32, #tpu.memory_space<vmem>>)
        "tpu.region"() ({
          %run_scoped3A = tpu.sem_alloc : memref<!tpu.dma_semaphore, #tpu.memory_space<semaphore_mem>>
          %dma_start3A_147 = arith.constant 0 : i32
          %dma_start3A_148 = tpu.memref_slice %arg8[%add3A_125, %dma_start3A_147] : memref<40x128xi32, #tpu.memory_space<vmem>> -> memref<1x128xi32, #tpu.memory_space<vmem>>
          %dma_start3A_149 = tpu.memref_squeeze %dma_start3A_148 : memref<1x128xi32, #tpu.memory_space<vmem>> -> memref<128xi32, #tpu.memory_space<vmem>>
          %dma_start3A_150 = arith.constant 0 : i32
          %dma_start3A_151 = arith.constant 0 : i32
          %dma_start3A_152 = tpu.memref_slice %arg11[%dma_start3A_150, %dma_start3A_151] : memref<10000x128xf32, #tpu.memory_space<vmem_shared>> -> memref<10000x128xf32, #tpu.memory_space<vmem_shared>>
          tpu.enqueue_indirect_dma source(%arg10 : memref<128x128xf32, #tpu.memory_space<vmem>>) target(%dma_start3A_152 : memref<10000x128xf32, #tpu.memory_space<vmem_shared>>) offsets(%dma_start3A_149 : memref<128xi32, #tpu.memory_space<vmem>>) semaphore(%run_scoped3A : memref<!tpu.dma_semaphore, #tpu.memory_space<semaphore_mem>>) {add = true}
          %dma_wait3A_153 = arith.constant 0 : i32
          %dma_wait3A_154 = tpu.memref_slice %arg8[%add3A_125, %dma_wait3A_153] : memref<40x128xi32, #tpu.memory_space<vmem>> -> memref<1x128xi32, #tpu.memory_space<vmem>>
          %dma_wait3A_155 = tpu.memref_squeeze %dma_wait3A_154 : memref<1x128xi32, #tpu.memory_space<vmem>> -> memref<128xi32, #tpu.memory_space<vmem>>
          %dma_wait3A_156 = arith.constant 0 : i32
          %dma_wait3A_157 = arith.constant 0 : i32
          %dma_wait3A_158 = tpu.memref_slice %arg11[%dma_wait3A_156, %dma_wait3A_157] : memref<10000x128xf32, #tpu.memory_space<vmem_shared>> -> memref<10000x128xf32, #tpu.memory_space<vmem_shared>>
          tpu.wait_indirect_dma semaphore(%run_scoped3A : memref<!tpu.dma_semaphore, #tpu.memory_space<semaphore_mem>>) src(%arg10 : memref<128x128xf32, #tpu.memory_space<vmem>>) dst(%dma_wait3A_158 : memref<10000x128xf32, #tpu.memory_space<vmem_shared>>)
          tpu.yield
        }) : () -> ()
        %while3A_146 = arith.constant 0 : i32
        scf.yield %while3A_146 : i32
      }
      %while3A_115 = arith.constant 1 : i32
      %while3A_116 = scf.for %while3A_118 = %while3A_112 to %while3A_108 step %while3A_115 iter_args(%while3A_119 = %while3A_114) -> (i32)  : i32 {
        %mul3A_120 = arith.constant 2 : i32
        %mul3A_121 = arith.muli %mul3A_120, %while3A_118 : i32
        %mul3A_122 = arith.constant 2 : i32
        %mul3A_123 = arith.muli %mul3A_122, %while3A_118 : i32
        %add3A_124 = arith.constant 1 : i32
        %add3A_125 = arith.addi %mul3A_123, %add3A_124 : i32
        %dma_start3A_126 = arith.constant 0 : i32
        %dma_start3A_127 = tpu.memref_slice %arg7[%add3A_125, %dma_start3A_126] : memref<40x128xi32, #tpu.memory_space<vmem>> -> memref<1x128xi32, #tpu.memory_space<vmem>>
        %dma_start3A_128 = tpu.memref_squeeze %dma_start3A_127 : memref<1x128xi32, #tpu.memory_space<vmem>> -> memref<128xi32, #tpu.memory_space<vmem>>
        %dma_start3A_129 = arith.constant 0 : i32
        %dma_start3A_130 = arith.constant 0 : i32
        %dma_start3A_131 = tpu.memref_slice %arg2[%dma_start3A_129, %dma_start3A_130] : memref<10000x128xf32, #tpu.memory_space<hbm>> -> memref<10000x128xf32, #tpu.memory_space<hbm>>
        tpu.enqueue_indirect_dma source(%dma_start3A_131 : memref<10000x128xf32, #tpu.memory_space<hbm>>) target(%arg10 : memref<128x128xf32, #tpu.memory_space<vmem>>) offsets(%dma_start3A_128 : memref<128xi32, #tpu.memory_space<vmem>>) semaphore(%arg13 : memref<!tpu.dma_semaphore, #tpu.memory_space<semaphore_mem>>)
        %dma_wait3A = arith.constant 0 : i32
        %dma_wait3A_132 = tpu.memref_slice %arg7[%mul3A_121, %dma_wait3A] : memref<40x128xi32, #tpu.memory_space<vmem>> -> memref<1x128xi32, #tpu.memory_space<vmem>>
        %dma_wait3A_133 = tpu.memref_squeeze %dma_wait3A_132 : memref<1x128xi32, #tpu.memory_space<vmem>> -> memref<128xi32, #tpu.memory_space<vmem>>
        %dma_wait3A_134 = arith.constant 0 : i32
        %dma_wait3A_135 = arith.constant 0 : i32
        %dma_wait3A_136 = tpu.memref_slice %arg2[%dma_wait3A_134, %dma_wait3A_135] : memref<10000x128xf32, #tpu.memory_space<hbm>> -> memref<10000x128xf32, #tpu.memory_space<hbm>>
        tpu.wait_indirect_dma semaphore(%arg12 : memref<!tpu.dma_semaphore, #tpu.memory_space<semaphore_mem>>) src(%dma_wait3A_136 : memref<10000x128xf32, #tpu.memory_space<hbm>>) dst(%arg9 : memref<128x128xf32, #tpu.memory_space<vmem>>)
        "tpu.region"() ({
          %run_scoped3A = tpu.sem_alloc : memref<!tpu.dma_semaphore, #tpu.memory_space<semaphore_mem>>
          %dma_start3A_147 = arith.constant 0 : i32
          %dma_start3A_148 = tpu.memref_slice %arg8[%mul3A_121, %dma_start3A_147] : memref<40x128xi32, #tpu.memory_space<vmem>> -> memref<1x128xi32, #tpu.memory_space<vmem>>
          %dma_start3A_149 = tpu.memref_squeeze %dma_start3A_148 : memref<1x128xi32, #tpu.memory_space<vmem>> -> memref<128xi32, #tpu.memory_space<vmem>>
          %dma_start3A_150 = arith.constant 0 : i32
          %dma_start3A_151 = arith.constant 0 : i32
          %dma_start3A_152 = tpu.memref_slice %arg11[%dma_start3A_150, %dma_start3A_151] : memref<10000x128xf32, #tpu.memory_space<vmem_shared>> -> memref<10000x128xf32, #tpu.memory_space<vmem_shared>>
          tpu.enqueue_indirect_dma source(%arg9 : memref<128x128xf32, #tpu.memory_space<vmem>>) target(%dma_start3A_152 : memref<10000x128xf32, #tpu.memory_space<vmem_shared>>) offsets(%dma_start3A_149 : memref<128xi32, #tpu.memory_space<vmem>>) semaphore(%run_scoped3A : memref<!tpu.dma_semaphore, #tpu.memory_space<semaphore_mem>>) {add = true}
          %dma_wait3A_153 = arith.constant 0 : i32
          %dma_wait3A_154 = tpu.memref_slice %arg8[%mul3A_121, %dma_wait3A_153] : memref<40x128xi32, #tpu.memory_space<vmem>> -> memref<1x128xi32, #tpu.memory_space<vmem>>
          %dma_wait3A_155 = tpu.memref_squeeze %dma_wait3A_154 : memref<1x128xi32, #tpu.memory_space<vmem>> -> memref<128xi32, #tpu.memory_space<vmem>>
          %dma_wait3A_156 = arith.constant 0 : i32
          %dma_wait3A_157 = arith.constant 0 : i32
          %dma_wait3A_158 = tpu.memref_slice %arg11[%dma_wait3A_156, %dma_wait3A_157] : memref<10000x128xf32, #tpu.memory_space<vmem_shared>> -> memref<10000x128xf32, #tpu.memory_space<vmem_shared>>
          tpu.wait_indirect_dma semaphore(%run_scoped3A : memref<!tpu.dma_semaphore, #tpu.memory_space<semaphore_mem>>) src(%arg9 : memref<128x128xf32, #tpu.memory_space<vmem>>) dst(%dma_wait3A_158 : memref<10000x128xf32, #tpu.memory_space<vmem_shared>>)
          tpu.yield
        }) : () -> ()
        %add3A_137 = arith.constant 1 : i32
        %add3A_138 = arith.addi %while3A_118, %add3A_137 : i32
        %lt3A = arith.cmpi slt, %add3A_138, %select_n3A_9 : i32
        %convert_element_type3A = arith.extui %lt3A : i1 to i32
        %cond3A = arith.constant 0 : i32
        %cond3A_139 = arith.cmpi ne, %convert_element_type3A, %cond3A : i32
        scf.if %cond3A_139 {
          %add3A_147 = arith.constant 2 : i32
          %add3A_148 = arith.addi %mul3A_121, %add3A_147 : i32
          %dma_start3A_149 = arith.constant 0 : i32
          %dma_start3A_150 = tpu.memref_slice %arg7[%add3A_148, %dma_start3A_149] : memref<40x128xi32, #tpu.memory_space<vmem>> -> memref<1x128xi32, #tpu.memory_space<vmem>>
          %dma_start3A_151 = tpu.memref_squeeze %dma_start3A_150 : memref<1x128xi32, #tpu.memory_space<vmem>> -> memref<128xi32, #tpu.memory_space<vmem>>
          %dma_start3A_152 = arith.constant 0 : i32
          %dma_start3A_153 = arith.constant 0 : i32
          %dma_start3A_154 = tpu.memref_slice %arg2[%dma_start3A_152, %dma_start3A_153] : memref<10000x128xf32, #tpu.memory_space<hbm>> -> memref<10000x128xf32, #tpu.memory_space<hbm>>
          tpu.enqueue_indirect_dma source(%dma_start3A_154 : memref<10000x128xf32, #tpu.memory_space<hbm>>) target(%arg9 : memref<128x128xf32, #tpu.memory_space<vmem>>) offsets(%dma_start3A_151 : memref<128xi32, #tpu.memory_space<vmem>>) semaphore(%arg12 : memref<!tpu.dma_semaphore, #tpu.memory_space<semaphore_mem>>)
        } else {
        }
        %dma_wait3A_140 = arith.constant 0 : i32
        %dma_wait3A_141 = tpu.memref_slice %arg7[%add3A_125, %dma_wait3A_140] : memref<40x128xi32, #tpu.memory_space<vmem>> -> memref<1x128xi32, #tpu.memory_space<vmem>>
        %dma_wait3A_142 = tpu.memref_squeeze %dma_wait3A_141 : memref<1x128xi32, #tpu.memory_space<vmem>> -> memref<128xi32, #tpu.memory_space<vmem>>
        %dma_wait3A_143 = arith.constant 0 : i32
        %dma_wait3A_144 = arith.constant 0 : i32
        %dma_wait3A_145 = tpu.memref_slice %arg2[%dma_wait3A_143, %dma_wait3A_144] : memref<10000x128xf32, #tpu.memory_space<hbm>> -> memref<10000x128xf32, #tpu.memory_space<hbm>>
        tpu.wait_indirect_dma semaphore(%arg13 : memref<!tpu.dma_semaphore, #tpu.memory_space<semaphore_mem>>) src(%dma_wait3A_145 : memref<10000x128xf32, #tpu.memory_space<hbm>>) dst(%arg10 : memref<128x128xf32, #tpu.memory_space<vmem>>)
        "tpu.region"() ({
          %run_scoped3A = tpu.sem_alloc : memref<!tpu.dma_semaphore, #tpu.memory_space<semaphore_mem>>
          %dma_start3A_147 = arith.constant 0 : i32
          %dma_start3A_148 = tpu.memref_slice %arg8[%add3A_125, %dma_start3A_147] : memref<40x128xi32, #tpu.memory_space<vmem>> -> memref<1x128xi32, #tpu.memory_space<vmem>>
          %dma_start3A_149 = tpu.memref_squeeze %dma_start3A_148 : memref<1x128xi32, #tpu.memory_space<vmem>> -> memref<128xi32, #tpu.memory_space<vmem>>
          %dma_start3A_150 = arith.constant 0 : i32
          %dma_start3A_151 = arith.constant 0 : i32
          %dma_start3A_152 = tpu.memref_slice %arg11[%dma_start3A_150, %dma_start3A_151] : memref<10000x128xf32, #tpu.memory_space<vmem_shared>> -> memref<10000x128xf32, #tpu.memory_space<vmem_shared>>
          tpu.enqueue_indirect_dma source(%arg10 : memref<128x128xf32, #tpu.memory_space<vmem>>) target(%dma_start3A_152 : memref<10000x128xf32, #tpu.memory_space<vmem_shared>>) offsets(%dma_start3A_149 : memref<128xi32, #tpu.memory_space<vmem>>) semaphore(%run_scoped3A : memref<!tpu.dma_semaphore, #tpu.memory_space<semaphore_mem>>) {add = true}
          %dma_wait3A_153 = arith.constant 0 : i32
          %dma_wait3A_154 = tpu.memref_slice %arg8[%add3A_125, %dma_wait3A_153] : memref<40x128xi32, #tpu.memory_space<vmem>> -> memref<1x128xi32, #tpu.memory_space<vmem>>
          %dma_wait3A_155 = tpu.memref_squeeze %dma_wait3A_154 : memref<1x128xi32, #tpu.memory_space<vmem>> -> memref<128xi32, #tpu.memory_space<vmem>>
          %dma_wait3A_156 = arith.constant 0 : i32
          %dma_wait3A_157 = arith.constant 0 : i32
          %dma_wait3A_158 = tpu.memref_slice %arg11[%dma_wait3A_156, %dma_wait3A_157] : memref<10000x128xf32, #tpu.memory_space<vmem_shared>> -> memref<10000x128xf32, #tpu.memory_space<vmem_shared>>
          tpu.wait_indirect_dma semaphore(%run_scoped3A : memref<!tpu.dma_semaphore, #tpu.memory_space<semaphore_mem>>) src(%arg10 : memref<128x128xf32, #tpu.memory_space<vmem>>) dst(%dma_wait3A_158 : memref<10000x128xf32, #tpu.memory_space<vmem_shared>>)
          tpu.yield
        }) : () -> ()
        %while3A_146 = arith.constant 0 : i32
        scf.yield %while3A_146 : i32
      }
      %while3A_117 = arith.constant 0 : i32
      scf.yield %while3A_117 : i32
    }
    %barrier3A_56 = arith.constant 0 : index
    tpu.barrier barrier_id(%barrier3A_56)
    %jit3A_57 = arith.constant 80 : i32
    %div3A_58 = arith.divsi %min3A_13, %jit3A_57 : i32
    %sign3A_59 = arith.constant 0 : i32
    %sign3A_60 = arith.cmpi sgt, %min3A_13, %sign3A_59 : i32
    %sign3A_61 = arith.extui %sign3A_60 : i1 to i32
    %sign3A_62 = arith.constant 0 : i32
    %sign3A_63 = arith.cmpi slt, %min3A_13, %sign3A_62 : i32
    %sign3A_64 = arith.extui %sign3A_63 : i1 to i32
    %sign3A_65 = arith.subi %sign3A_61, %sign3A_64 : i32
    %sign3A_66 = arith.constant 0 : i32
    %sign3A_67 = arith.cmpi sgt, %jit3A_57, %sign3A_66 : i32
    %sign3A_68 = arith.extui %sign3A_67 : i1 to i32
    %sign3A_69 = arith.constant 0 : i32
    %sign3A_70 = arith.cmpi slt, %jit3A_57, %sign3A_69 : i32
    %sign3A_71 = arith.extui %sign3A_70 : i1 to i32
    %sign3A_72 = arith.subi %sign3A_68, %sign3A_71 : i32
    %ne3A_73 = arith.cmpi ne, %sign3A_65, %sign3A_72 : i32
    %rem3A_74 = arith.remsi %min3A_13, %jit3A_57 : i32
    %ne3A_75 = arith.constant 0 : i32
    %ne3A_76 = arith.cmpi ne, %rem3A_74, %ne3A_75 : i32
    %and3A_77 = arith.andi %ne3A_73, %ne3A_76 : i1
    %sub3A_78 = arith.constant 1 : i32
    %sub3A_79 = arith.subi %div3A_58, %sub3A_78 : i32
    %select_n3A_80 = arith.select %and3A_77, %sub3A_79, %div3A_58 : i32
    %while3A_81 = arith.constant 0 : i32
    %while3A_82 = arith.constant 0 : i32
    %while3A_83 = arith.subi %select_n3A_80, %while3A_81 : i32
    %while3A_84 = arith.addi %while3A_81, %while3A_83 : i32
    %while3A_85 = arith.constant 1 : i32
    %while3A_86 = arith.divsi %while3A_83, %while3A_85 : i32
    %while3A_87 = arith.muli %while3A_86, %while3A_85 : i32
    %while3A_88 = arith.addi %while3A_81, %while3A_87 : i32
    %while3A_89 = arith.constant 1 : i32
    %while3A_90 = scf.for %while3A_93 = %while3A_81 to %while3A_88 step %while3A_89 iter_args(%while3A_94 = %while3A_82) -> (i32)  : i32 {
      %mul3A_95 = arith.constant 80 : i32
      %mul3A_96 = arith.muli %while3A_93, %mul3A_95 : i32
      %add3A_97 = arith.addi %mul3A_11, %mul3A_96 : i32
      %multiple_of3A_98 = tpu.assume_multiple %add3A_97, 8 : i32
      "tpu.region"() ({
        %run_scoped3A = tpu.sem_alloc : memref<!tpu.dma_semaphore, #tpu.memory_space<semaphore_mem>>
        %dma_start3A = arith.constant 0 : i32
        %dma_start3A_100 = tpu.memref_slice %arg6[%arg0, %multiple_of3A_98, %dma_start3A] : memref<2x10000x128xf32, #tpu.memory_space<hbm>> -> memref<1x80x128xf32, #tpu.memory_space<hbm>>
        %dma_start3A_101 = tpu.memref_squeeze %dma_start3A_100 : memref<1x80x128xf32, #tpu.memory_space<hbm>> -> memref<80x128xf32, #tpu.memory_space<hbm>>
        %dma_start3A_102 = arith.constant 0 : i32
        %dma_start3A_103 = tpu.memref_slice %arg11[%multiple_of3A_98, %dma_start3A_102] : memref<10000x128xf32, #tpu.memory_space<vmem_shared>> -> memref<80x128xf32, #tpu.memory_space<vmem_shared>>
        tpu.enqueue_dma source(%dma_start3A_103 : memref<80x128xf32, #tpu.memory_space<vmem_shared>>) target(%dma_start3A_101 : memref<80x128xf32, #tpu.memory_space<hbm>>) target_semaphore(%run_scoped3A : memref<!tpu.dma_semaphore, #tpu.memory_space<semaphore_mem>>)
        %dma_wait3A = arith.constant 0 : i32
        %dma_wait3A_104 = tpu.memref_slice %arg6[%arg0, %multiple_of3A_98, %dma_wait3A] : memref<2x10000x128xf32, #tpu.memory_space<hbm>> -> memref<1x80x128xf32, #tpu.memory_space<hbm>>
        %dma_wait3A_105 = tpu.memref_squeeze %dma_wait3A_104 : memref<1x80x128xf32, #tpu.memory_space<hbm>> -> memref<80x128xf32, #tpu.memory_space<hbm>>
        %dma_wait3A_106 = arith.constant 0 : i32
        %dma_wait3A_107 = tpu.memref_slice %arg11[%multiple_of3A_98, %dma_wait3A_106] : memref<10000x128xf32, #tpu.memory_space<vmem_shared>> -> memref<80x128xf32, #tpu.memory_space<vmem_shared>>
        tpu.wait_dma2 semaphore(%run_scoped3A : memref<!tpu.dma_semaphore, #tpu.memory_space<semaphore_mem>>) src(%dma_wait3A_107 : memref<80x128xf32, #tpu.memory_space<vmem_shared>>) dst(%dma_wait3A_105 : memref<80x128xf32, #tpu.memory_space<hbm>>)
        tpu.yield
      }) : () -> ()
      %while3A_99 = arith.constant 0 : i32
      scf.yield %while3A_99 : i32
    }
    %while3A_91 = arith.constant 1 : i32
    %while3A_92 = scf.for %while3A_93 = %while3A_88 to %while3A_84 step %while3A_91 iter_args(%while3A_94 = %while3A_90) -> (i32)  : i32 {
      %mul3A_95 = arith.constant 80 : i32
      %mul3A_96 = arith.muli %while3A_93, %mul3A_95 : i32
      %add3A_97 = arith.addi %mul3A_11, %mul3A_96 : i32
      %multiple_of3A_98 = tpu.assume_multiple %add3A_97, 8 : i32
      "tpu.region"() ({
        %run_scoped3A = tpu.sem_alloc : memref<!tpu.dma_semaphore, #tpu.memory_space<semaphore_mem>>
        %dma_start3A = arith.constant 0 : i32
        %dma_start3A_100 = tpu.memref_slice %arg6[%arg0, %multiple_of3A_98, %dma_start3A] : memref<2x10000x128xf32, #tpu.memory_space<hbm>> -> memref<1x80x128xf32, #tpu.memory_space<hbm>>
        %dma_start3A_101 = tpu.memref_squeeze %dma_start3A_100 : memref<1x80x128xf32, #tpu.memory_space<hbm>> -> memref<80x128xf32, #tpu.memory_space<hbm>>
        %dma_start3A_102 = arith.constant 0 : i32
        %dma_start3A_103 = tpu.memref_slice %arg11[%multiple_of3A_98, %dma_start3A_102] : memref<10000x128xf32, #tpu.memory_space<vmem_shared>> -> memref<80x128xf32, #tpu.memory_space<vmem_shared>>
        tpu.enqueue_dma source(%dma_start3A_103 : memref<80x128xf32, #tpu.memory_space<vmem_shared>>) target(%dma_start3A_101 : memref<80x128xf32, #tpu.memory_space<hbm>>) target_semaphore(%run_scoped3A : memref<!tpu.dma_semaphore, #tpu.memory_space<semaphore_mem>>)
        %dma_wait3A = arith.constant 0 : i32
        %dma_wait3A_104 = tpu.memref_slice %arg6[%arg0, %multiple_of3A_98, %dma_wait3A] : memref<2x10000x128xf32, #tpu.memory_space<hbm>> -> memref<1x80x128xf32, #tpu.memory_space<hbm>>
        %dma_wait3A_105 = tpu.memref_squeeze %dma_wait3A_104 : memref<1x80x128xf32, #tpu.memory_space<hbm>> -> memref<80x128xf32, #tpu.memory_space<hbm>>
        %dma_wait3A_106 = arith.constant 0 : i32
        %dma_wait3A_107 = tpu.memref_slice %arg11[%multiple_of3A_98, %dma_wait3A_106] : memref<10000x128xf32, #tpu.memory_space<vmem_shared>> -> memref<80x128xf32, #tpu.memory_space<vmem_shared>>
        tpu.wait_dma2 semaphore(%run_scoped3A : memref<!tpu.dma_semaphore, #tpu.memory_space<semaphore_mem>>) src(%dma_wait3A_107 : memref<80x128xf32, #tpu.memory_space<vmem_shared>>) dst(%dma_wait3A_105 : memref<80x128xf32, #tpu.memory_space<hbm>>)
        tpu.yield
      }) : () -> ()
      %while3A_99 = arith.constant 0 : i32
      scf.yield %while3A_99 : i32
    }
    return
  }
}

#map = affine_map<(d0, d1) -> (0, 0)>
#map1 = affine_map<(d0, d1) -> (0, 0, 0)>
module attributes {stable_mosaic.version = 14 : i64} {
  func.func @sc_segsum_128(%arg0: i32, %arg1: i32, %arg2: memref<320000x128xf32, #tpu.memory_space<hbm>>, %arg3: memref<2560x128xi32, #tpu.memory_space<hbm>>, %arg4: memref<2560x128xi32, #tpu.memory_space<hbm>>, %arg5: memref<80x128xf32, #tpu.memory_space<hbm>>, %arg6: memref<2x10000x128xf32, #tpu.memory_space<hbm>>, %arg7: memref<40x128xi32, #tpu.memory_space<vmem>>, %arg8: memref<40x128xi32, #tpu.memory_space<vmem>>, %arg9: memref<128x128xf32, #tpu.memory_space<vmem>>, %arg10: memref<128x128xf32, #tpu.memory_space<vmem>>, %arg11: memref<10000x128xf32, #tpu.memory_space<vmem_shared>>, %arg12: memref<!tpu.dma_semaphore, #tpu.memory_space<semaphore_mem>>, %arg13: memref<!tpu.dma_semaphore, #tpu.memory_space<semaphore_mem>>) attributes {dimension_semantics = [#tpu.dimension_semantics<core_parallel>, #tpu.dimension_semantics<subcore_parallel>], iteration_bounds = array<i64: 2, 16>, scalar_prefetch = 0 : i64, scratch_operands = 7 : i64, tpu.core_type = #tpu.core_type<sc_vector_subcore>, window_params = [{transform_indices = #map}, {transform_indices = #map}, {transform_indices = #map}, {transform_indices = #map}, {transform_indices = #map1}]} {
    %mul3A = arith.constant 16 : i32
    %mul3A_0 = arith.muli %arg0, %mul3A : i32
    %add3A = arith.addi %mul3A_0, %arg1 : i32
    %mul3A_1 = arith.constant 80 : i32
    %mul3A_2 = arith.muli %add3A, %mul3A_1 : i32
    %multiple_of3A = tpu.assume_multiple %mul3A_2, 8 : i32
    %eq3A = arith.constant 31 : i32
    %eq3A_3 = arith.cmpi eq, %add3A, %eq3A : i32
    %jit3A = arith.constant 1 : i32
    %jit3A_4 = arith.constant 2 : i32
    %select_n3A = arith.select %eq3A_3, %jit3A, %jit3A_4 : i32
    %eq3A_5 = arith.constant 31 : i32
    %eq3A_6 = arith.cmpi eq, %add3A, %eq3A_5 : i32
    %jit3A_7 = arith.constant 10 : i32
    %jit3A_8 = arith.constant 20 : i32
    %select_n3A_9 = arith.select %eq3A_6, %jit3A_7, %jit3A_8 : i32
    %mul3A_10 = arith.constant 640 : i32
    %mul3A_11 = arith.muli %arg1, %mul3A_10 : i32
    %sub3A = arith.constant 10000 : i32
    %sub3A_12 = arith.subi %sub3A, %mul3A_11 : i32
    %min3A = arith.constant 640 : i32
    %min3A_13 = arith.minsi %sub3A_12, %min3A : i32
    %jit3A_14 = arith.constant 80 : i32
    %div3A = arith.divsi %min3A_13, %jit3A_14 : i32
    %sign3A = arith.constant 0 : i32
    %sign3A_15 = arith.cmpi sgt, %min3A_13, %sign3A : i32
    %sign3A_16 = arith.extui %sign3A_15 : i1 to i32
    %sign3A_17 = arith.constant 0 : i32
    %sign3A_18 = arith.cmpi slt, %min3A_13, %sign3A_17 : i32
    %sign3A_19 = arith.extui %sign3A_18 : i1 to i32
    %sign3A_20 = arith.subi %sign3A_16, %sign3A_19 : i32
    %sign3A_21 = arith.constant 0 : i32
    %sign3A_22 = arith.cmpi sgt, %jit3A_14, %sign3A_21 : i32
    %sign3A_23 = arith.extui %sign3A_22 : i1 to i32
    %sign3A_24 = arith.constant 0 : i32
    %sign3A_25 = arith.cmpi slt, %jit3A_14, %sign3A_24 : i32
    %sign3A_26 = arith.extui %sign3A_25 : i1 to i32
    %sign3A_27 = arith.subi %sign3A_23, %sign3A_26 : i32
    %ne3A = arith.cmpi ne, %sign3A_20, %sign3A_27 : i32
    %rem3A = arith.remsi %min3A_13, %jit3A_14 : i32
    %ne3A_28 = arith.constant 0 : i32
    %ne3A_29 = arith.cmpi ne, %rem3A, %ne3A_28 : i32
    %and3A = arith.andi %ne3A, %ne3A_29 : i1
    %sub3A_30 = arith.constant 1 : i32
    %sub3A_31 = arith.subi %div3A, %sub3A_30 : i32
    %select_n3A_32 = arith.select %and3A, %sub3A_31, %div3A : i32
    %while3A = arith.constant 0 : i32
    %while3A_33 = arith.constant 0 : i32
    %while3A_34 = arith.subi %select_n3A_32, %while3A : i32
    %while3A_35 = arith.addi %while3A, %while3A_34 : i32
    %while3A_36 = arith.constant 1 : i32
    %while3A_37 = arith.divsi %while3A_34, %while3A_36 : i32
    %while3A_38 = arith.muli %while3A_37, %while3A_36 : i32
    %while3A_39 = arith.addi %while3A, %while3A_38 : i32
    %while3A_40 = arith.constant 1 : i32
    %while3A_41 = scf.for %while3A_93 = %while3A to %while3A_39 step %while3A_40 iter_args(%while3A_94 = %while3A_33) -> (i32)  : i32 {
      %mul3A_95 = arith.constant 80 : i32
      %mul3A_96 = arith.muli %while3A_93, %mul3A_95 : i32
      %add3A_97 = arith.addi %mul3A_11, %mul3A_96 : i32
      %multiple_of3A_98 = tpu.assume_multiple %add3A_97, 8 : i32
      "tpu.region"() ({
        %run_scoped3A = tpu.sem_alloc : memref<!tpu.dma_semaphore, #tpu.memory_space<semaphore_mem>>
        %dma_start3A = arith.constant 0 : i32
        %dma_start3A_100 = tpu.memref_slice %arg11[%multiple_of3A_98, %dma_start3A] : memref<10000x128xf32, #tpu.memory_space<vmem_shared>> -> memref<80x128xf32, #tpu.memory_space<vmem_shared>>
        tpu.enqueue_dma source(%arg5 : memref<80x128xf32, #tpu.memory_space<hbm>>) target(%dma_start3A_100 : memref<80x128xf32, #tpu.memory_space<vmem_shared>>) target_semaphore(%run_scoped3A : memref<!tpu.dma_semaphore, #tpu.memory_space<semaphore_mem>>)
        %dma_wait3A = arith.constant 0 : i32
        %dma_wait3A_101 = tpu.memref_slice %arg11[%multiple_of3A_98, %dma_wait3A] : memref<10000x128xf32, #tpu.memory_space<vmem_shared>> -> memref<80x128xf32, #tpu.memory_space<vmem_shared>>
        tpu.wait_dma2 semaphore(%run_scoped3A : memref<!tpu.dma_semaphore, #tpu.memory_space<semaphore_mem>>) src(%arg5 : memref<80x128xf32, #tpu.memory_space<hbm>>) dst(%dma_wait3A_101 : memref<80x128xf32, #tpu.memory_space<vmem_shared>>)
        tpu.yield
      }) : () -> ()
      %while3A_99 = arith.constant 0 : i32
      scf.yield %while3A_99 : i32
    }
    %while3A_42 = arith.constant 1 : i32
    %while3A_43 = scf.for %while3A_93 = %while3A_39 to %while3A_35 step %while3A_42 iter_args(%while3A_94 = %while3A_41) -> (i32)  : i32 {
      %mul3A_95 = arith.constant 80 : i32
      %mul3A_96 = arith.muli %while3A_93, %mul3A_95 : i32
      %add3A_97 = arith.addi %mul3A_11, %mul3A_96 : i32
      %multiple_of3A_98 = tpu.assume_multiple %add3A_97, 8 : i32
      "tpu.region"() ({
        %run_scoped3A = tpu.sem_alloc : memref<!tpu.dma_semaphore, #tpu.memory_space<semaphore_mem>>
        %dma_start3A = arith.constant 0 : i32
        %dma_start3A_100 = tpu.memref_slice %arg11[%multiple_of3A_98, %dma_start3A] : memref<10000x128xf32, #tpu.memory_space<vmem_shared>> -> memref<80x128xf32, #tpu.memory_space<vmem_shared>>
        tpu.enqueue_dma source(%arg5 : memref<80x128xf32, #tpu.memory_space<hbm>>) target(%dma_start3A_100 : memref<80x128xf32, #tpu.memory_space<vmem_shared>>) target_semaphore(%run_scoped3A : memref<!tpu.dma_semaphore, #tpu.memory_space<semaphore_mem>>)
        %dma_wait3A = arith.constant 0 : i32
        %dma_wait3A_101 = tpu.memref_slice %arg11[%multiple_of3A_98, %dma_wait3A] : memref<10000x128xf32, #tpu.memory_space<vmem_shared>> -> memref<80x128xf32, #tpu.memory_space<vmem_shared>>
        tpu.wait_dma2 semaphore(%run_scoped3A : memref<!tpu.dma_semaphore, #tpu.memory_space<semaphore_mem>>) src(%arg5 : memref<80x128xf32, #tpu.memory_space<hbm>>) dst(%dma_wait3A_101 : memref<80x128xf32, #tpu.memory_space<vmem_shared>>)
        tpu.yield
      }) : () -> ()
      %while3A_99 = arith.constant 0 : i32
      scf.yield %while3A_99 : i32
    }
    %barrier3A = arith.constant 0 : index
    tpu.barrier barrier_id(%barrier3A)
    %while3A_44 = arith.constant 0 : i32
    %while3A_45 = arith.constant 0 : i32
    %while3A_46 = arith.subi %select_n3A, %while3A_44 : i32
    %while3A_47 = arith.addi %while3A_44, %while3A_46 : i32
    %while3A_48 = arith.constant 1 : i32
    %while3A_49 = arith.divsi %while3A_46, %while3A_48 : i32
    %while3A_50 = arith.muli %while3A_49, %while3A_48 : i32
    %while3A_51 = arith.addi %while3A_44, %while3A_50 : i32
    %while3A_52 = arith.constant 1 : i32
    %while3A_53 = scf.for %while3A_93 = %while3A_44 to %while3A_51 step %while3A_52 iter_args(%while3A_94 = %while3A_45) -> (i32)  : i32 {
      %mul3A_95 = arith.constant 40 : i32
      %mul3A_96 = arith.muli %while3A_93, %mul3A_95 : i32
      %add3A_97 = arith.addi %multiple_of3A, %mul3A_96 : i32
      %multiple_of3A_98 = tpu.assume_multiple %add3A_97, 8 : i32
      "tpu.region"() ({
        %run_scoped3A = tpu.sem_alloc : memref<!tpu.dma_semaphore, #tpu.memory_space<semaphore_mem>>
        %dma_start3A_118 = arith.constant 0 : i32
        %dma_start3A_119 = tpu.memref_slice %arg3[%multiple_of3A_98, %dma_start3A_118] : memref<2560x128xi32, #tpu.memory_space<hbm>> -> memref<40x128xi32, #tpu.memory_space<hbm>>
        %dma_start3A_120 = arith.constant 0 : i32
        %dma_start3A_121 = tpu.memref_slice %arg3[%multiple_of3A_98, %dma_start3A_120] : memref<2560x128xi32, #tpu.memory_space<hbm>> -> memref<40x128xi32, #tpu.memory_space<hbm>>
        tpu.enqueue_dma source(%dma_start3A_121 : memref<40x128xi32, #tpu.memory_space<hbm>>) target(%arg7 : memref<40x128xi32, #tpu.memory_space<vmem>>) target_semaphore(%run_scoped3A : memref<!tpu.dma_semaphore, #tpu.memory_space<semaphore_mem>>)
        %dma_wait3A = arith.constant 0 : i32
        %dma_wait3A_122 = tpu.memref_slice %arg3[%multiple_of3A_98, %dma_wait3A] : memref<2560x128xi32, #tpu.memory_space<hbm>> -> memref<40x128xi32, #tpu.memory_space<hbm>>
        %dma_wait3A_123 = arith.constant 0 : i32
        %dma_wait3A_124 = tpu.memref_slice %arg3[%multiple_of3A_98, %dma_wait3A_123] : memref<2560x128xi32, #tpu.memory_space<hbm>> -> memref<40x128xi32, #tpu.memory_space<hbm>>
        tpu.wait_dma2 semaphore(%run_scoped3A : memref<!tpu.dma_semaphore, #tpu.memory_space<semaphore_mem>>) src(%dma_wait3A_124 : memref<40x128xi32, #tpu.memory_space<hbm>>) dst(%arg7 : memref<40x128xi32, #tpu.memory_space<vmem>>)
        tpu.yield
      }) : () -> ()
      "tpu.region"() ({
        %run_scoped3A = tpu.sem_alloc : memref<!tpu.dma_semaphore, #tpu.memory_space<semaphore_mem>>
        %dma_start3A_118 = arith.constant 0 : i32
        %dma_start3A_119 = tpu.memref_slice %arg4[%multiple_of3A_98, %dma_start3A_118] : memref<2560x128xi32, #tpu.memory_space<hbm>> -> memref<40x128xi32, #tpu.memory_space<hbm>>
        %dma_start3A_120 = arith.constant 0 : i32
        %dma_start3A_121 = tpu.memref_slice %arg4[%multiple_of3A_98, %dma_start3A_120] : memref<2560x128xi32, #tpu.memory_space<hbm>> -> memref<40x128xi32, #tpu.memory_space<hbm>>
        tpu.enqueue_dma source(%dma_start3A_121 : memref<40x128xi32, #tpu.memory_space<hbm>>) target(%arg8 : memref<40x128xi32, #tpu.memory_space<vmem>>) target_semaphore(%run_scoped3A : memref<!tpu.dma_semaphore, #tpu.memory_space<semaphore_mem>>)
        %dma_wait3A = arith.constant 0 : i32
        %dma_wait3A_122 = tpu.memref_slice %arg4[%multiple_of3A_98, %dma_wait3A] : memref<2560x128xi32, #tpu.memory_space<hbm>> -> memref<40x128xi32, #tpu.memory_space<hbm>>
        %dma_wait3A_123 = arith.constant 0 : i32
        %dma_wait3A_124 = tpu.memref_slice %arg4[%multiple_of3A_98, %dma_wait3A_123] : memref<2560x128xi32, #tpu.memory_space<hbm>> -> memref<40x128xi32, #tpu.memory_space<hbm>>
        tpu.wait_dma2 semaphore(%run_scoped3A : memref<!tpu.dma_semaphore, #tpu.memory_space<semaphore_mem>>) src(%dma_wait3A_124 : memref<40x128xi32, #tpu.memory_space<hbm>>) dst(%arg8 : memref<40x128xi32, #tpu.memory_space<vmem>>)
        tpu.yield
      }) : () -> ()
      %dma_start3A = arith.constant 0 : i32
      %dma_start3A_99 = arith.constant 0 : i32
      %dma_start3A_100 = tpu.memref_slice %arg7[%dma_start3A, %dma_start3A_99] : memref<40x128xi32, #tpu.memory_space<vmem>> -> memref<1x128xi32, #tpu.memory_space<vmem>>
      %dma_start3A_101 = tpu.memref_squeeze %dma_start3A_100 : memref<1x128xi32, #tpu.memory_space<vmem>> -> memref<128xi32, #tpu.memory_space<vmem>>
      %dma_start3A_102 = arith.constant 0 : i32
      %dma_start3A_103 = arith.constant 0 : i32
      %dma_start3A_104 = tpu.memref_slice %arg2[%dma_start3A_102, %dma_start3A_103] : memref<320000x128xf32, #tpu.memory_space<hbm>> -> memref<320000x128xf32, #tpu.memory_space<hbm>>
      tpu.enqueue_indirect_dma source(%dma_start3A_104 : memref<320000x128xf32, #tpu.memory_space<hbm>>) target(%arg9 : memref<128x128xf32, #tpu.memory_space<vmem>>) offsets(%dma_start3A_101 : memref<128xi32, #tpu.memory_space<vmem>>) semaphore(%arg12 : memref<!tpu.dma_semaphore, #tpu.memory_space<semaphore_mem>>)
      %while3A_105 = arith.constant 0 : i32
      %while3A_106 = arith.constant 0 : i32
      %while3A_107 = arith.subi %select_n3A_9, %while3A_105 : i32
      %while3A_108 = arith.addi %while3A_105, %while3A_107 : i32
      %while3A_109 = arith.constant 1 : i32
      %while3A_110 = arith.divsi %while3A_107, %while3A_109 : i32
      %while3A_111 = arith.muli %while3A_110, %while3A_109 : i32
      %while3A_112 = arith.addi %while3A_105, %while3A_111 : i32
      %while3A_113 = arith.constant 1 : i32
      %while3A_114 = scf.for %while3A_118 = %while3A_105 to %while3A_112 step %while3A_113 iter_args(%while3A_119 = %while3A_106) -> (i32)  : i32 {
        %mul3A_120 = arith.constant 2 : i32
        %mul3A_121 = arith.muli %mul3A_120, %while3A_118 : i32
        %mul3A_122 = arith.constant 2 : i32
        %mul3A_123 = arith.muli %mul3A_122, %while3A_118 : i32
        %add3A_124 = arith.constant 1 : i32
        %add3A_125 = arith.addi %mul3A_123, %add3A_124 : i32
        %dma_start3A_126 = arith.constant 0 : i32
        %dma_start3A_127 = tpu.memref_slice %arg7[%add3A_125, %dma_start3A_126] : memref<40x128xi32, #tpu.memory_space<vmem>> -> memref<1x128xi32, #tpu.memory_space<vmem>>
        %dma_start3A_128 = tpu.memref_squeeze %dma_start3A_127 : memref<1x128xi32, #tpu.memory_space<vmem>> -> memref<128xi32, #tpu.memory_space<vmem>>
        %dma_start3A_129 = arith.constant 0 : i32
        %dma_start3A_130 = arith.constant 0 : i32
        %dma_start3A_131 = tpu.memref_slice %arg2[%dma_start3A_129, %dma_start3A_130] : memref<320000x128xf32, #tpu.memory_space<hbm>> -> memref<320000x128xf32, #tpu.memory_space<hbm>>
        tpu.enqueue_indirect_dma source(%dma_start3A_131 : memref<320000x128xf32, #tpu.memory_space<hbm>>) target(%arg10 : memref<128x128xf32, #tpu.memory_space<vmem>>) offsets(%dma_start3A_128 : memref<128xi32, #tpu.memory_space<vmem>>) semaphore(%arg13 : memref<!tpu.dma_semaphore, #tpu.memory_space<semaphore_mem>>)
        %dma_wait3A = arith.constant 0 : i32
        %dma_wait3A_132 = tpu.memref_slice %arg7[%mul3A_121, %dma_wait3A] : memref<40x128xi32, #tpu.memory_space<vmem>> -> memref<1x128xi32, #tpu.memory_space<vmem>>
        %dma_wait3A_133 = tpu.memref_squeeze %dma_wait3A_132 : memref<1x128xi32, #tpu.memory_space<vmem>> -> memref<128xi32, #tpu.memory_space<vmem>>
        %dma_wait3A_134 = arith.constant 0 : i32
        %dma_wait3A_135 = arith.constant 0 : i32
        %dma_wait3A_136 = tpu.memref_slice %arg2[%dma_wait3A_134, %dma_wait3A_135] : memref<320000x128xf32, #tpu.memory_space<hbm>> -> memref<320000x128xf32, #tpu.memory_space<hbm>>
        tpu.wait_indirect_dma semaphore(%arg12 : memref<!tpu.dma_semaphore, #tpu.memory_space<semaphore_mem>>) src(%dma_wait3A_136 : memref<320000x128xf32, #tpu.memory_space<hbm>>) dst(%arg9 : memref<128x128xf32, #tpu.memory_space<vmem>>)
        "tpu.region"() ({
          %run_scoped3A = tpu.sem_alloc : memref<!tpu.dma_semaphore, #tpu.memory_space<semaphore_mem>>
          %dma_start3A_147 = arith.constant 0 : i32
          %dma_start3A_148 = tpu.memref_slice %arg8[%mul3A_121, %dma_start3A_147] : memref<40x128xi32, #tpu.memory_space<vmem>> -> memref<1x128xi32, #tpu.memory_space<vmem>>
          %dma_start3A_149 = tpu.memref_squeeze %dma_start3A_148 : memref<1x128xi32, #tpu.memory_space<vmem>> -> memref<128xi32, #tpu.memory_space<vmem>>
          %dma_start3A_150 = arith.constant 0 : i32
          %dma_start3A_151 = arith.constant 0 : i32
          %dma_start3A_152 = tpu.memref_slice %arg11[%dma_start3A_150, %dma_start3A_151] : memref<10000x128xf32, #tpu.memory_space<vmem_shared>> -> memref<10000x128xf32, #tpu.memory_space<vmem_shared>>
          tpu.enqueue_indirect_dma source(%arg9 : memref<128x128xf32, #tpu.memory_space<vmem>>) target(%dma_start3A_152 : memref<10000x128xf32, #tpu.memory_space<vmem_shared>>) offsets(%dma_start3A_149 : memref<128xi32, #tpu.memory_space<vmem>>) semaphore(%run_scoped3A : memref<!tpu.dma_semaphore, #tpu.memory_space<semaphore_mem>>) {add = true}
          %dma_wait3A_153 = arith.constant 0 : i32
          %dma_wait3A_154 = tpu.memref_slice %arg8[%mul3A_121, %dma_wait3A_153] : memref<40x128xi32, #tpu.memory_space<vmem>> -> memref<1x128xi32, #tpu.memory_space<vmem>>
          %dma_wait3A_155 = tpu.memref_squeeze %dma_wait3A_154 : memref<1x128xi32, #tpu.memory_space<vmem>> -> memref<128xi32, #tpu.memory_space<vmem>>
          %dma_wait3A_156 = arith.constant 0 : i32
          %dma_wait3A_157 = arith.constant 0 : i32
          %dma_wait3A_158 = tpu.memref_slice %arg11[%dma_wait3A_156, %dma_wait3A_157] : memref<10000x128xf32, #tpu.memory_space<vmem_shared>> -> memref<10000x128xf32, #tpu.memory_space<vmem_shared>>
          tpu.wait_indirect_dma semaphore(%run_scoped3A : memref<!tpu.dma_semaphore, #tpu.memory_space<semaphore_mem>>) src(%arg9 : memref<128x128xf32, #tpu.memory_space<vmem>>) dst(%dma_wait3A_158 : memref<10000x128xf32, #tpu.memory_space<vmem_shared>>)
          tpu.yield
        }) : () -> ()
        %add3A_137 = arith.constant 1 : i32
        %add3A_138 = arith.addi %while3A_118, %add3A_137 : i32
        %lt3A = arith.cmpi slt, %add3A_138, %select_n3A_9 : i32
        %convert_element_type3A = arith.extui %lt3A : i1 to i32
        %cond3A = arith.constant 0 : i32
        %cond3A_139 = arith.cmpi ne, %convert_element_type3A, %cond3A : i32
        scf.if %cond3A_139 {
          %add3A_147 = arith.constant 2 : i32
          %add3A_148 = arith.addi %mul3A_121, %add3A_147 : i32
          %dma_start3A_149 = arith.constant 0 : i32
          %dma_start3A_150 = tpu.memref_slice %arg7[%add3A_148, %dma_start3A_149] : memref<40x128xi32, #tpu.memory_space<vmem>> -> memref<1x128xi32, #tpu.memory_space<vmem>>
          %dma_start3A_151 = tpu.memref_squeeze %dma_start3A_150 : memref<1x128xi32, #tpu.memory_space<vmem>> -> memref<128xi32, #tpu.memory_space<vmem>>
          %dma_start3A_152 = arith.constant 0 : i32
          %dma_start3A_153 = arith.constant 0 : i32
          %dma_start3A_154 = tpu.memref_slice %arg2[%dma_start3A_152, %dma_start3A_153] : memref<320000x128xf32, #tpu.memory_space<hbm>> -> memref<320000x128xf32, #tpu.memory_space<hbm>>
          tpu.enqueue_indirect_dma source(%dma_start3A_154 : memref<320000x128xf32, #tpu.memory_space<hbm>>) target(%arg9 : memref<128x128xf32, #tpu.memory_space<vmem>>) offsets(%dma_start3A_151 : memref<128xi32, #tpu.memory_space<vmem>>) semaphore(%arg12 : memref<!tpu.dma_semaphore, #tpu.memory_space<semaphore_mem>>)
        } else {
        }
        %dma_wait3A_140 = arith.constant 0 : i32
        %dma_wait3A_141 = tpu.memref_slice %arg7[%add3A_125, %dma_wait3A_140] : memref<40x128xi32, #tpu.memory_space<vmem>> -> memref<1x128xi32, #tpu.memory_space<vmem>>
        %dma_wait3A_142 = tpu.memref_squeeze %dma_wait3A_141 : memref<1x128xi32, #tpu.memory_space<vmem>> -> memref<128xi32, #tpu.memory_space<vmem>>
        %dma_wait3A_143 = arith.constant 0 : i32
        %dma_wait3A_144 = arith.constant 0 : i32
        %dma_wait3A_145 = tpu.memref_slice %arg2[%dma_wait3A_143, %dma_wait3A_144] : memref<320000x128xf32, #tpu.memory_space<hbm>> -> memref<320000x128xf32, #tpu.memory_space<hbm>>
        tpu.wait_indirect_dma semaphore(%arg13 : memref<!tpu.dma_semaphore, #tpu.memory_space<semaphore_mem>>) src(%dma_wait3A_145 : memref<320000x128xf32, #tpu.memory_space<hbm>>) dst(%arg10 : memref<128x128xf32, #tpu.memory_space<vmem>>)
        "tpu.region"() ({
          %run_scoped3A = tpu.sem_alloc : memref<!tpu.dma_semaphore, #tpu.memory_space<semaphore_mem>>
          %dma_start3A_147 = arith.constant 0 : i32
          %dma_start3A_148 = tpu.memref_slice %arg8[%add3A_125, %dma_start3A_147] : memref<40x128xi32, #tpu.memory_space<vmem>> -> memref<1x128xi32, #tpu.memory_space<vmem>>
          %dma_start3A_149 = tpu.memref_squeeze %dma_start3A_148 : memref<1x128xi32, #tpu.memory_space<vmem>> -> memref<128xi32, #tpu.memory_space<vmem>>
          %dma_start3A_150 = arith.constant 0 : i32
          %dma_start3A_151 = arith.constant 0 : i32
          %dma_start3A_152 = tpu.memref_slice %arg11[%dma_start3A_150, %dma_start3A_151] : memref<10000x128xf32, #tpu.memory_space<vmem_shared>> -> memref<10000x128xf32, #tpu.memory_space<vmem_shared>>
          tpu.enqueue_indirect_dma source(%arg10 : memref<128x128xf32, #tpu.memory_space<vmem>>) target(%dma_start3A_152 : memref<10000x128xf32, #tpu.memory_space<vmem_shared>>) offsets(%dma_start3A_149 : memref<128xi32, #tpu.memory_space<vmem>>) semaphore(%run_scoped3A : memref<!tpu.dma_semaphore, #tpu.memory_space<semaphore_mem>>) {add = true}
          %dma_wait3A_153 = arith.constant 0 : i32
          %dma_wait3A_154 = tpu.memref_slice %arg8[%add3A_125, %dma_wait3A_153] : memref<40x128xi32, #tpu.memory_space<vmem>> -> memref<1x128xi32, #tpu.memory_space<vmem>>
          %dma_wait3A_155 = tpu.memref_squeeze %dma_wait3A_154 : memref<1x128xi32, #tpu.memory_space<vmem>> -> memref<128xi32, #tpu.memory_space<vmem>>
          %dma_wait3A_156 = arith.constant 0 : i32
          %dma_wait3A_157 = arith.constant 0 : i32
          %dma_wait3A_158 = tpu.memref_slice %arg11[%dma_wait3A_156, %dma_wait3A_157] : memref<10000x128xf32, #tpu.memory_space<vmem_shared>> -> memref<10000x128xf32, #tpu.memory_space<vmem_shared>>
          tpu.wait_indirect_dma semaphore(%run_scoped3A : memref<!tpu.dma_semaphore, #tpu.memory_space<semaphore_mem>>) src(%arg10 : memref<128x128xf32, #tpu.memory_space<vmem>>) dst(%dma_wait3A_158 : memref<10000x128xf32, #tpu.memory_space<vmem_shared>>)
          tpu.yield
        }) : () -> ()
        %while3A_146 = arith.constant 0 : i32
        scf.yield %while3A_146 : i32
      }
      %while3A_115 = arith.constant 1 : i32
      %while3A_116 = scf.for %while3A_118 = %while3A_112 to %while3A_108 step %while3A_115 iter_args(%while3A_119 = %while3A_114) -> (i32)  : i32 {
        %mul3A_120 = arith.constant 2 : i32
        %mul3A_121 = arith.muli %mul3A_120, %while3A_118 : i32
        %mul3A_122 = arith.constant 2 : i32
        %mul3A_123 = arith.muli %mul3A_122, %while3A_118 : i32
        %add3A_124 = arith.constant 1 : i32
        %add3A_125 = arith.addi %mul3A_123, %add3A_124 : i32
        %dma_start3A_126 = arith.constant 0 : i32
        %dma_start3A_127 = tpu.memref_slice %arg7[%add3A_125, %dma_start3A_126] : memref<40x128xi32, #tpu.memory_space<vmem>> -> memref<1x128xi32, #tpu.memory_space<vmem>>
        %dma_start3A_128 = tpu.memref_squeeze %dma_start3A_127 : memref<1x128xi32, #tpu.memory_space<vmem>> -> memref<128xi32, #tpu.memory_space<vmem>>
        %dma_start3A_129 = arith.constant 0 : i32
        %dma_start3A_130 = arith.constant 0 : i32
        %dma_start3A_131 = tpu.memref_slice %arg2[%dma_start3A_129, %dma_start3A_130] : memref<320000x128xf32, #tpu.memory_space<hbm>> -> memref<320000x128xf32, #tpu.memory_space<hbm>>
        tpu.enqueue_indirect_dma source(%dma_start3A_131 : memref<320000x128xf32, #tpu.memory_space<hbm>>) target(%arg10 : memref<128x128xf32, #tpu.memory_space<vmem>>) offsets(%dma_start3A_128 : memref<128xi32, #tpu.memory_space<vmem>>) semaphore(%arg13 : memref<!tpu.dma_semaphore, #tpu.memory_space<semaphore_mem>>)
        %dma_wait3A = arith.constant 0 : i32
        %dma_wait3A_132 = tpu.memref_slice %arg7[%mul3A_121, %dma_wait3A] : memref<40x128xi32, #tpu.memory_space<vmem>> -> memref<1x128xi32, #tpu.memory_space<vmem>>
        %dma_wait3A_133 = tpu.memref_squeeze %dma_wait3A_132 : memref<1x128xi32, #tpu.memory_space<vmem>> -> memref<128xi32, #tpu.memory_space<vmem>>
        %dma_wait3A_134 = arith.constant 0 : i32
        %dma_wait3A_135 = arith.constant 0 : i32
        %dma_wait3A_136 = tpu.memref_slice %arg2[%dma_wait3A_134, %dma_wait3A_135] : memref<320000x128xf32, #tpu.memory_space<hbm>> -> memref<320000x128xf32, #tpu.memory_space<hbm>>
        tpu.wait_indirect_dma semaphore(%arg12 : memref<!tpu.dma_semaphore, #tpu.memory_space<semaphore_mem>>) src(%dma_wait3A_136 : memref<320000x128xf32, #tpu.memory_space<hbm>>) dst(%arg9 : memref<128x128xf32, #tpu.memory_space<vmem>>)
        "tpu.region"() ({
          %run_scoped3A = tpu.sem_alloc : memref<!tpu.dma_semaphore, #tpu.memory_space<semaphore_mem>>
          %dma_start3A_147 = arith.constant 0 : i32
          %dma_start3A_148 = tpu.memref_slice %arg8[%mul3A_121, %dma_start3A_147] : memref<40x128xi32, #tpu.memory_space<vmem>> -> memref<1x128xi32, #tpu.memory_space<vmem>>
          %dma_start3A_149 = tpu.memref_squeeze %dma_start3A_148 : memref<1x128xi32, #tpu.memory_space<vmem>> -> memref<128xi32, #tpu.memory_space<vmem>>
          %dma_start3A_150 = arith.constant 0 : i32
          %dma_start3A_151 = arith.constant 0 : i32
          %dma_start3A_152 = tpu.memref_slice %arg11[%dma_start3A_150, %dma_start3A_151] : memref<10000x128xf32, #tpu.memory_space<vmem_shared>> -> memref<10000x128xf32, #tpu.memory_space<vmem_shared>>
          tpu.enqueue_indirect_dma source(%arg9 : memref<128x128xf32, #tpu.memory_space<vmem>>) target(%dma_start3A_152 : memref<10000x128xf32, #tpu.memory_space<vmem_shared>>) offsets(%dma_start3A_149 : memref<128xi32, #tpu.memory_space<vmem>>) semaphore(%run_scoped3A : memref<!tpu.dma_semaphore, #tpu.memory_space<semaphore_mem>>) {add = true}
          %dma_wait3A_153 = arith.constant 0 : i32
          %dma_wait3A_154 = tpu.memref_slice %arg8[%mul3A_121, %dma_wait3A_153] : memref<40x128xi32, #tpu.memory_space<vmem>> -> memref<1x128xi32, #tpu.memory_space<vmem>>
          %dma_wait3A_155 = tpu.memref_squeeze %dma_wait3A_154 : memref<1x128xi32, #tpu.memory_space<vmem>> -> memref<128xi32, #tpu.memory_space<vmem>>
          %dma_wait3A_156 = arith.constant 0 : i32
          %dma_wait3A_157 = arith.constant 0 : i32
          %dma_wait3A_158 = tpu.memref_slice %arg11[%dma_wait3A_156, %dma_wait3A_157] : memref<10000x128xf32, #tpu.memory_space<vmem_shared>> -> memref<10000x128xf32, #tpu.memory_space<vmem_shared>>
          tpu.wait_indirect_dma semaphore(%run_scoped3A : memref<!tpu.dma_semaphore, #tpu.memory_space<semaphore_mem>>) src(%arg9 : memref<128x128xf32, #tpu.memory_space<vmem>>) dst(%dma_wait3A_158 : memref<10000x128xf32, #tpu.memory_space<vmem_shared>>)
          tpu.yield
        }) : () -> ()
        %add3A_137 = arith.constant 1 : i32
        %add3A_138 = arith.addi %while3A_118, %add3A_137 : i32
        %lt3A = arith.cmpi slt, %add3A_138, %select_n3A_9 : i32
        %convert_element_type3A = arith.extui %lt3A : i1 to i32
        %cond3A = arith.constant 0 : i32
        %cond3A_139 = arith.cmpi ne, %convert_element_type3A, %cond3A : i32
        scf.if %cond3A_139 {
          %add3A_147 = arith.constant 2 : i32
          %add3A_148 = arith.addi %mul3A_121, %add3A_147 : i32
          %dma_start3A_149 = arith.constant 0 : i32
          %dma_start3A_150 = tpu.memref_slice %arg7[%add3A_148, %dma_start3A_149] : memref<40x128xi32, #tpu.memory_space<vmem>> -> memref<1x128xi32, #tpu.memory_space<vmem>>
          %dma_start3A_151 = tpu.memref_squeeze %dma_start3A_150 : memref<1x128xi32, #tpu.memory_space<vmem>> -> memref<128xi32, #tpu.memory_space<vmem>>
          %dma_start3A_152 = arith.constant 0 : i32
          %dma_start3A_153 = arith.constant 0 : i32
          %dma_start3A_154 = tpu.memref_slice %arg2[%dma_start3A_152, %dma_start3A_153] : memref<320000x128xf32, #tpu.memory_space<hbm>> -> memref<320000x128xf32, #tpu.memory_space<hbm>>
          tpu.enqueue_indirect_dma source(%dma_start3A_154 : memref<320000x128xf32, #tpu.memory_space<hbm>>) target(%arg9 : memref<128x128xf32, #tpu.memory_space<vmem>>) offsets(%dma_start3A_151 : memref<128xi32, #tpu.memory_space<vmem>>) semaphore(%arg12 : memref<!tpu.dma_semaphore, #tpu.memory_space<semaphore_mem>>)
        } else {
        }
        %dma_wait3A_140 = arith.constant 0 : i32
        %dma_wait3A_141 = tpu.memref_slice %arg7[%add3A_125, %dma_wait3A_140] : memref<40x128xi32, #tpu.memory_space<vmem>> -> memref<1x128xi32, #tpu.memory_space<vmem>>
        %dma_wait3A_142 = tpu.memref_squeeze %dma_wait3A_141 : memref<1x128xi32, #tpu.memory_space<vmem>> -> memref<128xi32, #tpu.memory_space<vmem>>
        %dma_wait3A_143 = arith.constant 0 : i32
        %dma_wait3A_144 = arith.constant 0 : i32
        %dma_wait3A_145 = tpu.memref_slice %arg2[%dma_wait3A_143, %dma_wait3A_144] : memref<320000x128xf32, #tpu.memory_space<hbm>> -> memref<320000x128xf32, #tpu.memory_space<hbm>>
        tpu.wait_indirect_dma semaphore(%arg13 : memref<!tpu.dma_semaphore, #tpu.memory_space<semaphore_mem>>) src(%dma_wait3A_145 : memref<320000x128xf32, #tpu.memory_space<hbm>>) dst(%arg10 : memref<128x128xf32, #tpu.memory_space<vmem>>)
        "tpu.region"() ({
          %run_scoped3A = tpu.sem_alloc : memref<!tpu.dma_semaphore, #tpu.memory_space<semaphore_mem>>
          %dma_start3A_147 = arith.constant 0 : i32
          %dma_start3A_148 = tpu.memref_slice %arg8[%add3A_125, %dma_start3A_147] : memref<40x128xi32, #tpu.memory_space<vmem>> -> memref<1x128xi32, #tpu.memory_space<vmem>>
          %dma_start3A_149 = tpu.memref_squeeze %dma_start3A_148 : memref<1x128xi32, #tpu.memory_space<vmem>> -> memref<128xi32, #tpu.memory_space<vmem>>
          %dma_start3A_150 = arith.constant 0 : i32
          %dma_start3A_151 = arith.constant 0 : i32
          %dma_start3A_152 = tpu.memref_slice %arg11[%dma_start3A_150, %dma_start3A_151] : memref<10000x128xf32, #tpu.memory_space<vmem_shared>> -> memref<10000x128xf32, #tpu.memory_space<vmem_shared>>
          tpu.enqueue_indirect_dma source(%arg10 : memref<128x128xf32, #tpu.memory_space<vmem>>) target(%dma_start3A_152 : memref<10000x128xf32, #tpu.memory_space<vmem_shared>>) offsets(%dma_start3A_149 : memref<128xi32, #tpu.memory_space<vmem>>) semaphore(%run_scoped3A : memref<!tpu.dma_semaphore, #tpu.memory_space<semaphore_mem>>) {add = true}
          %dma_wait3A_153 = arith.constant 0 : i32
          %dma_wait3A_154 = tpu.memref_slice %arg8[%add3A_125, %dma_wait3A_153] : memref<40x128xi32, #tpu.memory_space<vmem>> -> memref<1x128xi32, #tpu.memory_space<vmem>>
          %dma_wait3A_155 = tpu.memref_squeeze %dma_wait3A_154 : memref<1x128xi32, #tpu.memory_space<vmem>> -> memref<128xi32, #tpu.memory_space<vmem>>
          %dma_wait3A_156 = arith.constant 0 : i32
          %dma_wait3A_157 = arith.constant 0 : i32
          %dma_wait3A_158 = tpu.memref_slice %arg11[%dma_wait3A_156, %dma_wait3A_157] : memref<10000x128xf32, #tpu.memory_space<vmem_shared>> -> memref<10000x128xf32, #tpu.memory_space<vmem_shared>>
          tpu.wait_indirect_dma semaphore(%run_scoped3A : memref<!tpu.dma_semaphore, #tpu.memory_space<semaphore_mem>>) src(%arg10 : memref<128x128xf32, #tpu.memory_space<vmem>>) dst(%dma_wait3A_158 : memref<10000x128xf32, #tpu.memory_space<vmem_shared>>)
          tpu.yield
        }) : () -> ()
        %while3A_146 = arith.constant 0 : i32
        scf.yield %while3A_146 : i32
      }
      %while3A_117 = arith.constant 0 : i32
      scf.yield %while3A_117 : i32
    }
    %while3A_54 = arith.constant 1 : i32
    %while3A_55 = scf.for %while3A_93 = %while3A_51 to %while3A_47 step %while3A_54 iter_args(%while3A_94 = %while3A_53) -> (i32)  : i32 {
      %mul3A_95 = arith.constant 40 : i32
      %mul3A_96 = arith.muli %while3A_93, %mul3A_95 : i32
      %add3A_97 = arith.addi %multiple_of3A, %mul3A_96 : i32
      %multiple_of3A_98 = tpu.assume_multiple %add3A_97, 8 : i32
      "tpu.region"() ({
        %run_scoped3A = tpu.sem_alloc : memref<!tpu.dma_semaphore, #tpu.memory_space<semaphore_mem>>
        %dma_start3A_118 = arith.constant 0 : i32
        %dma_start3A_119 = tpu.memref_slice %arg3[%multiple_of3A_98, %dma_start3A_118] : memref<2560x128xi32, #tpu.memory_space<hbm>> -> memref<40x128xi32, #tpu.memory_space<hbm>>
        %dma_start3A_120 = arith.constant 0 : i32
        %dma_start3A_121 = tpu.memref_slice %arg3[%multiple_of3A_98, %dma_start3A_120] : memref<2560x128xi32, #tpu.memory_space<hbm>> -> memref<40x128xi32, #tpu.memory_space<hbm>>
        tpu.enqueue_dma source(%dma_start3A_121 : memref<40x128xi32, #tpu.memory_space<hbm>>) target(%arg7 : memref<40x128xi32, #tpu.memory_space<vmem>>) target_semaphore(%run_scoped3A : memref<!tpu.dma_semaphore, #tpu.memory_space<semaphore_mem>>)
        %dma_wait3A = arith.constant 0 : i32
        %dma_wait3A_122 = tpu.memref_slice %arg3[%multiple_of3A_98, %dma_wait3A] : memref<2560x128xi32, #tpu.memory_space<hbm>> -> memref<40x128xi32, #tpu.memory_space<hbm>>
        %dma_wait3A_123 = arith.constant 0 : i32
        %dma_wait3A_124 = tpu.memref_slice %arg3[%multiple_of3A_98, %dma_wait3A_123] : memref<2560x128xi32, #tpu.memory_space<hbm>> -> memref<40x128xi32, #tpu.memory_space<hbm>>
        tpu.wait_dma2 semaphore(%run_scoped3A : memref<!tpu.dma_semaphore, #tpu.memory_space<semaphore_mem>>) src(%dma_wait3A_124 : memref<40x128xi32, #tpu.memory_space<hbm>>) dst(%arg7 : memref<40x128xi32, #tpu.memory_space<vmem>>)
        tpu.yield
      }) : () -> ()
      "tpu.region"() ({
        %run_scoped3A = tpu.sem_alloc : memref<!tpu.dma_semaphore, #tpu.memory_space<semaphore_mem>>
        %dma_start3A_118 = arith.constant 0 : i32
        %dma_start3A_119 = tpu.memref_slice %arg4[%multiple_of3A_98, %dma_start3A_118] : memref<2560x128xi32, #tpu.memory_space<hbm>> -> memref<40x128xi32, #tpu.memory_space<hbm>>
        %dma_start3A_120 = arith.constant 0 : i32
        %dma_start3A_121 = tpu.memref_slice %arg4[%multiple_of3A_98, %dma_start3A_120] : memref<2560x128xi32, #tpu.memory_space<hbm>> -> memref<40x128xi32, #tpu.memory_space<hbm>>
        tpu.enqueue_dma source(%dma_start3A_121 : memref<40x128xi32, #tpu.memory_space<hbm>>) target(%arg8 : memref<40x128xi32, #tpu.memory_space<vmem>>) target_semaphore(%run_scoped3A : memref<!tpu.dma_semaphore, #tpu.memory_space<semaphore_mem>>)
        %dma_wait3A = arith.constant 0 : i32
        %dma_wait3A_122 = tpu.memref_slice %arg4[%multiple_of3A_98, %dma_wait3A] : memref<2560x128xi32, #tpu.memory_space<hbm>> -> memref<40x128xi32, #tpu.memory_space<hbm>>
        %dma_wait3A_123 = arith.constant 0 : i32
        %dma_wait3A_124 = tpu.memref_slice %arg4[%multiple_of3A_98, %dma_wait3A_123] : memref<2560x128xi32, #tpu.memory_space<hbm>> -> memref<40x128xi32, #tpu.memory_space<hbm>>
        tpu.wait_dma2 semaphore(%run_scoped3A : memref<!tpu.dma_semaphore, #tpu.memory_space<semaphore_mem>>) src(%dma_wait3A_124 : memref<40x128xi32, #tpu.memory_space<hbm>>) dst(%arg8 : memref<40x128xi32, #tpu.memory_space<vmem>>)
        tpu.yield
      }) : () -> ()
      %dma_start3A = arith.constant 0 : i32
      %dma_start3A_99 = arith.constant 0 : i32
      %dma_start3A_100 = tpu.memref_slice %arg7[%dma_start3A, %dma_start3A_99] : memref<40x128xi32, #tpu.memory_space<vmem>> -> memref<1x128xi32, #tpu.memory_space<vmem>>
      %dma_start3A_101 = tpu.memref_squeeze %dma_start3A_100 : memref<1x128xi32, #tpu.memory_space<vmem>> -> memref<128xi32, #tpu.memory_space<vmem>>
      %dma_start3A_102 = arith.constant 0 : i32
      %dma_start3A_103 = arith.constant 0 : i32
      %dma_start3A_104 = tpu.memref_slice %arg2[%dma_start3A_102, %dma_start3A_103] : memref<320000x128xf32, #tpu.memory_space<hbm>> -> memref<320000x128xf32, #tpu.memory_space<hbm>>
      tpu.enqueue_indirect_dma source(%dma_start3A_104 : memref<320000x128xf32, #tpu.memory_space<hbm>>) target(%arg9 : memref<128x128xf32, #tpu.memory_space<vmem>>) offsets(%dma_start3A_101 : memref<128xi32, #tpu.memory_space<vmem>>) semaphore(%arg12 : memref<!tpu.dma_semaphore, #tpu.memory_space<semaphore_mem>>)
      %while3A_105 = arith.constant 0 : i32
      %while3A_106 = arith.constant 0 : i32
      %while3A_107 = arith.subi %select_n3A_9, %while3A_105 : i32
      %while3A_108 = arith.addi %while3A_105, %while3A_107 : i32
      %while3A_109 = arith.constant 1 : i32
      %while3A_110 = arith.divsi %while3A_107, %while3A_109 : i32
      %while3A_111 = arith.muli %while3A_110, %while3A_109 : i32
      %while3A_112 = arith.addi %while3A_105, %while3A_111 : i32
      %while3A_113 = arith.constant 1 : i32
      %while3A_114 = scf.for %while3A_118 = %while3A_105 to %while3A_112 step %while3A_113 iter_args(%while3A_119 = %while3A_106) -> (i32)  : i32 {
        %mul3A_120 = arith.constant 2 : i32
        %mul3A_121 = arith.muli %mul3A_120, %while3A_118 : i32
        %mul3A_122 = arith.constant 2 : i32
        %mul3A_123 = arith.muli %mul3A_122, %while3A_118 : i32
        %add3A_124 = arith.constant 1 : i32
        %add3A_125 = arith.addi %mul3A_123, %add3A_124 : i32
        %dma_start3A_126 = arith.constant 0 : i32
        %dma_start3A_127 = tpu.memref_slice %arg7[%add3A_125, %dma_start3A_126] : memref<40x128xi32, #tpu.memory_space<vmem>> -> memref<1x128xi32, #tpu.memory_space<vmem>>
        %dma_start3A_128 = tpu.memref_squeeze %dma_start3A_127 : memref<1x128xi32, #tpu.memory_space<vmem>> -> memref<128xi32, #tpu.memory_space<vmem>>
        %dma_start3A_129 = arith.constant 0 : i32
        %dma_start3A_130 = arith.constant 0 : i32
        %dma_start3A_131 = tpu.memref_slice %arg2[%dma_start3A_129, %dma_start3A_130] : memref<320000x128xf32, #tpu.memory_space<hbm>> -> memref<320000x128xf32, #tpu.memory_space<hbm>>
        tpu.enqueue_indirect_dma source(%dma_start3A_131 : memref<320000x128xf32, #tpu.memory_space<hbm>>) target(%arg10 : memref<128x128xf32, #tpu.memory_space<vmem>>) offsets(%dma_start3A_128 : memref<128xi32, #tpu.memory_space<vmem>>) semaphore(%arg13 : memref<!tpu.dma_semaphore, #tpu.memory_space<semaphore_mem>>)
        %dma_wait3A = arith.constant 0 : i32
        %dma_wait3A_132 = tpu.memref_slice %arg7[%mul3A_121, %dma_wait3A] : memref<40x128xi32, #tpu.memory_space<vmem>> -> memref<1x128xi32, #tpu.memory_space<vmem>>
        %dma_wait3A_133 = tpu.memref_squeeze %dma_wait3A_132 : memref<1x128xi32, #tpu.memory_space<vmem>> -> memref<128xi32, #tpu.memory_space<vmem>>
        %dma_wait3A_134 = arith.constant 0 : i32
        %dma_wait3A_135 = arith.constant 0 : i32
        %dma_wait3A_136 = tpu.memref_slice %arg2[%dma_wait3A_134, %dma_wait3A_135] : memref<320000x128xf32, #tpu.memory_space<hbm>> -> memref<320000x128xf32, #tpu.memory_space<hbm>>
        tpu.wait_indirect_dma semaphore(%arg12 : memref<!tpu.dma_semaphore, #tpu.memory_space<semaphore_mem>>) src(%dma_wait3A_136 : memref<320000x128xf32, #tpu.memory_space<hbm>>) dst(%arg9 : memref<128x128xf32, #tpu.memory_space<vmem>>)
        "tpu.region"() ({
          %run_scoped3A = tpu.sem_alloc : memref<!tpu.dma_semaphore, #tpu.memory_space<semaphore_mem>>
          %dma_start3A_147 = arith.constant 0 : i32
          %dma_start3A_148 = tpu.memref_slice %arg8[%mul3A_121, %dma_start3A_147] : memref<40x128xi32, #tpu.memory_space<vmem>> -> memref<1x128xi32, #tpu.memory_space<vmem>>
          %dma_start3A_149 = tpu.memref_squeeze %dma_start3A_148 : memref<1x128xi32, #tpu.memory_space<vmem>> -> memref<128xi32, #tpu.memory_space<vmem>>
          %dma_start3A_150 = arith.constant 0 : i32
          %dma_start3A_151 = arith.constant 0 : i32
          %dma_start3A_152 = tpu.memref_slice %arg11[%dma_start3A_150, %dma_start3A_151] : memref<10000x128xf32, #tpu.memory_space<vmem_shared>> -> memref<10000x128xf32, #tpu.memory_space<vmem_shared>>
          tpu.enqueue_indirect_dma source(%arg9 : memref<128x128xf32, #tpu.memory_space<vmem>>) target(%dma_start3A_152 : memref<10000x128xf32, #tpu.memory_space<vmem_shared>>) offsets(%dma_start3A_149 : memref<128xi32, #tpu.memory_space<vmem>>) semaphore(%run_scoped3A : memref<!tpu.dma_semaphore, #tpu.memory_space<semaphore_mem>>) {add = true}
          %dma_wait3A_153 = arith.constant 0 : i32
          %dma_wait3A_154 = tpu.memref_slice %arg8[%mul3A_121, %dma_wait3A_153] : memref<40x128xi32, #tpu.memory_space<vmem>> -> memref<1x128xi32, #tpu.memory_space<vmem>>
          %dma_wait3A_155 = tpu.memref_squeeze %dma_wait3A_154 : memref<1x128xi32, #tpu.memory_space<vmem>> -> memref<128xi32, #tpu.memory_space<vmem>>
          %dma_wait3A_156 = arith.constant 0 : i32
          %dma_wait3A_157 = arith.constant 0 : i32
          %dma_wait3A_158 = tpu.memref_slice %arg11[%dma_wait3A_156, %dma_wait3A_157] : memref<10000x128xf32, #tpu.memory_space<vmem_shared>> -> memref<10000x128xf32, #tpu.memory_space<vmem_shared>>
          tpu.wait_indirect_dma semaphore(%run_scoped3A : memref<!tpu.dma_semaphore, #tpu.memory_space<semaphore_mem>>) src(%arg9 : memref<128x128xf32, #tpu.memory_space<vmem>>) dst(%dma_wait3A_158 : memref<10000x128xf32, #tpu.memory_space<vmem_shared>>)
          tpu.yield
        }) : () -> ()
        %add3A_137 = arith.constant 1 : i32
        %add3A_138 = arith.addi %while3A_118, %add3A_137 : i32
        %lt3A = arith.cmpi slt, %add3A_138, %select_n3A_9 : i32
        %convert_element_type3A = arith.extui %lt3A : i1 to i32
        %cond3A = arith.constant 0 : i32
        %cond3A_139 = arith.cmpi ne, %convert_element_type3A, %cond3A : i32
        scf.if %cond3A_139 {
          %add3A_147 = arith.constant 2 : i32
          %add3A_148 = arith.addi %mul3A_121, %add3A_147 : i32
          %dma_start3A_149 = arith.constant 0 : i32
          %dma_start3A_150 = tpu.memref_slice %arg7[%add3A_148, %dma_start3A_149] : memref<40x128xi32, #tpu.memory_space<vmem>> -> memref<1x128xi32, #tpu.memory_space<vmem>>
          %dma_start3A_151 = tpu.memref_squeeze %dma_start3A_150 : memref<1x128xi32, #tpu.memory_space<vmem>> -> memref<128xi32, #tpu.memory_space<vmem>>
          %dma_start3A_152 = arith.constant 0 : i32
          %dma_start3A_153 = arith.constant 0 : i32
          %dma_start3A_154 = tpu.memref_slice %arg2[%dma_start3A_152, %dma_start3A_153] : memref<320000x128xf32, #tpu.memory_space<hbm>> -> memref<320000x128xf32, #tpu.memory_space<hbm>>
          tpu.enqueue_indirect_dma source(%dma_start3A_154 : memref<320000x128xf32, #tpu.memory_space<hbm>>) target(%arg9 : memref<128x128xf32, #tpu.memory_space<vmem>>) offsets(%dma_start3A_151 : memref<128xi32, #tpu.memory_space<vmem>>) semaphore(%arg12 : memref<!tpu.dma_semaphore, #tpu.memory_space<semaphore_mem>>)
        } else {
        }
        %dma_wait3A_140 = arith.constant 0 : i32
        %dma_wait3A_141 = tpu.memref_slice %arg7[%add3A_125, %dma_wait3A_140] : memref<40x128xi32, #tpu.memory_space<vmem>> -> memref<1x128xi32, #tpu.memory_space<vmem>>
        %dma_wait3A_142 = tpu.memref_squeeze %dma_wait3A_141 : memref<1x128xi32, #tpu.memory_space<vmem>> -> memref<128xi32, #tpu.memory_space<vmem>>
        %dma_wait3A_143 = arith.constant 0 : i32
        %dma_wait3A_144 = arith.constant 0 : i32
        %dma_wait3A_145 = tpu.memref_slice %arg2[%dma_wait3A_143, %dma_wait3A_144] : memref<320000x128xf32, #tpu.memory_space<hbm>> -> memref<320000x128xf32, #tpu.memory_space<hbm>>
        tpu.wait_indirect_dma semaphore(%arg13 : memref<!tpu.dma_semaphore, #tpu.memory_space<semaphore_mem>>) src(%dma_wait3A_145 : memref<320000x128xf32, #tpu.memory_space<hbm>>) dst(%arg10 : memref<128x128xf32, #tpu.memory_space<vmem>>)
        "tpu.region"() ({
          %run_scoped3A = tpu.sem_alloc : memref<!tpu.dma_semaphore, #tpu.memory_space<semaphore_mem>>
          %dma_start3A_147 = arith.constant 0 : i32
          %dma_start3A_148 = tpu.memref_slice %arg8[%add3A_125, %dma_start3A_147] : memref<40x128xi32, #tpu.memory_space<vmem>> -> memref<1x128xi32, #tpu.memory_space<vmem>>
          %dma_start3A_149 = tpu.memref_squeeze %dma_start3A_148 : memref<1x128xi32, #tpu.memory_space<vmem>> -> memref<128xi32, #tpu.memory_space<vmem>>
          %dma_start3A_150 = arith.constant 0 : i32
          %dma_start3A_151 = arith.constant 0 : i32
          %dma_start3A_152 = tpu.memref_slice %arg11[%dma_start3A_150, %dma_start3A_151] : memref<10000x128xf32, #tpu.memory_space<vmem_shared>> -> memref<10000x128xf32, #tpu.memory_space<vmem_shared>>
          tpu.enqueue_indirect_dma source(%arg10 : memref<128x128xf32, #tpu.memory_space<vmem>>) target(%dma_start3A_152 : memref<10000x128xf32, #tpu.memory_space<vmem_shared>>) offsets(%dma_start3A_149 : memref<128xi32, #tpu.memory_space<vmem>>) semaphore(%run_scoped3A : memref<!tpu.dma_semaphore, #tpu.memory_space<semaphore_mem>>) {add = true}
          %dma_wait3A_153 = arith.constant 0 : i32
          %dma_wait3A_154 = tpu.memref_slice %arg8[%add3A_125, %dma_wait3A_153] : memref<40x128xi32, #tpu.memory_space<vmem>> -> memref<1x128xi32, #tpu.memory_space<vmem>>
          %dma_wait3A_155 = tpu.memref_squeeze %dma_wait3A_154 : memref<1x128xi32, #tpu.memory_space<vmem>> -> memref<128xi32, #tpu.memory_space<vmem>>
          %dma_wait3A_156 = arith.constant 0 : i32
          %dma_wait3A_157 = arith.constant 0 : i32
          %dma_wait3A_158 = tpu.memref_slice %arg11[%dma_wait3A_156, %dma_wait3A_157] : memref<10000x128xf32, #tpu.memory_space<vmem_shared>> -> memref<10000x128xf32, #tpu.memory_space<vmem_shared>>
          tpu.wait_indirect_dma semaphore(%run_scoped3A : memref<!tpu.dma_semaphore, #tpu.memory_space<semaphore_mem>>) src(%arg10 : memref<128x128xf32, #tpu.memory_space<vmem>>) dst(%dma_wait3A_158 : memref<10000x128xf32, #tpu.memory_space<vmem_shared>>)
          tpu.yield
        }) : () -> ()
        %while3A_146 = arith.constant 0 : i32
        scf.yield %while3A_146 : i32
      }
      %while3A_115 = arith.constant 1 : i32
      %while3A_116 = scf.for %while3A_118 = %while3A_112 to %while3A_108 step %while3A_115 iter_args(%while3A_119 = %while3A_114) -> (i32)  : i32 {
        %mul3A_120 = arith.constant 2 : i32
        %mul3A_121 = arith.muli %mul3A_120, %while3A_118 : i32
        %mul3A_122 = arith.constant 2 : i32
        %mul3A_123 = arith.muli %mul3A_122, %while3A_118 : i32
        %add3A_124 = arith.constant 1 : i32
        %add3A_125 = arith.addi %mul3A_123, %add3A_124 : i32
        %dma_start3A_126 = arith.constant 0 : i32
        %dma_start3A_127 = tpu.memref_slice %arg7[%add3A_125, %dma_start3A_126] : memref<40x128xi32, #tpu.memory_space<vmem>> -> memref<1x128xi32, #tpu.memory_space<vmem>>
        %dma_start3A_128 = tpu.memref_squeeze %dma_start3A_127 : memref<1x128xi32, #tpu.memory_space<vmem>> -> memref<128xi32, #tpu.memory_space<vmem>>
        %dma_start3A_129 = arith.constant 0 : i32
        %dma_start3A_130 = arith.constant 0 : i32
        %dma_start3A_131 = tpu.memref_slice %arg2[%dma_start3A_129, %dma_start3A_130] : memref<320000x128xf32, #tpu.memory_space<hbm>> -> memref<320000x128xf32, #tpu.memory_space<hbm>>
        tpu.enqueue_indirect_dma source(%dma_start3A_131 : memref<320000x128xf32, #tpu.memory_space<hbm>>) target(%arg10 : memref<128x128xf32, #tpu.memory_space<vmem>>) offsets(%dma_start3A_128 : memref<128xi32, #tpu.memory_space<vmem>>) semaphore(%arg13 : memref<!tpu.dma_semaphore, #tpu.memory_space<semaphore_mem>>)
        %dma_wait3A = arith.constant 0 : i32
        %dma_wait3A_132 = tpu.memref_slice %arg7[%mul3A_121, %dma_wait3A] : memref<40x128xi32, #tpu.memory_space<vmem>> -> memref<1x128xi32, #tpu.memory_space<vmem>>
        %dma_wait3A_133 = tpu.memref_squeeze %dma_wait3A_132 : memref<1x128xi32, #tpu.memory_space<vmem>> -> memref<128xi32, #tpu.memory_space<vmem>>
        %dma_wait3A_134 = arith.constant 0 : i32
        %dma_wait3A_135 = arith.constant 0 : i32
        %dma_wait3A_136 = tpu.memref_slice %arg2[%dma_wait3A_134, %dma_wait3A_135] : memref<320000x128xf32, #tpu.memory_space<hbm>> -> memref<320000x128xf32, #tpu.memory_space<hbm>>
        tpu.wait_indirect_dma semaphore(%arg12 : memref<!tpu.dma_semaphore, #tpu.memory_space<semaphore_mem>>) src(%dma_wait3A_136 : memref<320000x128xf32, #tpu.memory_space<hbm>>) dst(%arg9 : memref<128x128xf32, #tpu.memory_space<vmem>>)
        "tpu.region"() ({
          %run_scoped3A = tpu.sem_alloc : memref<!tpu.dma_semaphore, #tpu.memory_space<semaphore_mem>>
          %dma_start3A_147 = arith.constant 0 : i32
          %dma_start3A_148 = tpu.memref_slice %arg8[%mul3A_121, %dma_start3A_147] : memref<40x128xi32, #tpu.memory_space<vmem>> -> memref<1x128xi32, #tpu.memory_space<vmem>>
          %dma_start3A_149 = tpu.memref_squeeze %dma_start3A_148 : memref<1x128xi32, #tpu.memory_space<vmem>> -> memref<128xi32, #tpu.memory_space<vmem>>
          %dma_start3A_150 = arith.constant 0 : i32
          %dma_start3A_151 = arith.constant 0 : i32
          %dma_start3A_152 = tpu.memref_slice %arg11[%dma_start3A_150, %dma_start3A_151] : memref<10000x128xf32, #tpu.memory_space<vmem_shared>> -> memref<10000x128xf32, #tpu.memory_space<vmem_shared>>
          tpu.enqueue_indirect_dma source(%arg9 : memref<128x128xf32, #tpu.memory_space<vmem>>) target(%dma_start3A_152 : memref<10000x128xf32, #tpu.memory_space<vmem_shared>>) offsets(%dma_start3A_149 : memref<128xi32, #tpu.memory_space<vmem>>) semaphore(%run_scoped3A : memref<!tpu.dma_semaphore, #tpu.memory_space<semaphore_mem>>) {add = true}
          %dma_wait3A_153 = arith.constant 0 : i32
          %dma_wait3A_154 = tpu.memref_slice %arg8[%mul3A_121, %dma_wait3A_153] : memref<40x128xi32, #tpu.memory_space<vmem>> -> memref<1x128xi32, #tpu.memory_space<vmem>>
          %dma_wait3A_155 = tpu.memref_squeeze %dma_wait3A_154 : memref<1x128xi32, #tpu.memory_space<vmem>> -> memref<128xi32, #tpu.memory_space<vmem>>
          %dma_wait3A_156 = arith.constant 0 : i32
          %dma_wait3A_157 = arith.constant 0 : i32
          %dma_wait3A_158 = tpu.memref_slice %arg11[%dma_wait3A_156, %dma_wait3A_157] : memref<10000x128xf32, #tpu.memory_space<vmem_shared>> -> memref<10000x128xf32, #tpu.memory_space<vmem_shared>>
          tpu.wait_indirect_dma semaphore(%run_scoped3A : memref<!tpu.dma_semaphore, #tpu.memory_space<semaphore_mem>>) src(%arg9 : memref<128x128xf32, #tpu.memory_space<vmem>>) dst(%dma_wait3A_158 : memref<10000x128xf32, #tpu.memory_space<vmem_shared>>)
          tpu.yield
        }) : () -> ()
        %add3A_137 = arith.constant 1 : i32
        %add3A_138 = arith.addi %while3A_118, %add3A_137 : i32
        %lt3A = arith.cmpi slt, %add3A_138, %select_n3A_9 : i32
        %convert_element_type3A = arith.extui %lt3A : i1 to i32
        %cond3A = arith.constant 0 : i32
        %cond3A_139 = arith.cmpi ne, %convert_element_type3A, %cond3A : i32
        scf.if %cond3A_139 {
          %add3A_147 = arith.constant 2 : i32
          %add3A_148 = arith.addi %mul3A_121, %add3A_147 : i32
          %dma_start3A_149 = arith.constant 0 : i32
          %dma_start3A_150 = tpu.memref_slice %arg7[%add3A_148, %dma_start3A_149] : memref<40x128xi32, #tpu.memory_space<vmem>> -> memref<1x128xi32, #tpu.memory_space<vmem>>
          %dma_start3A_151 = tpu.memref_squeeze %dma_start3A_150 : memref<1x128xi32, #tpu.memory_space<vmem>> -> memref<128xi32, #tpu.memory_space<vmem>>
          %dma_start3A_152 = arith.constant 0 : i32
          %dma_start3A_153 = arith.constant 0 : i32
          %dma_start3A_154 = tpu.memref_slice %arg2[%dma_start3A_152, %dma_start3A_153] : memref<320000x128xf32, #tpu.memory_space<hbm>> -> memref<320000x128xf32, #tpu.memory_space<hbm>>
          tpu.enqueue_indirect_dma source(%dma_start3A_154 : memref<320000x128xf32, #tpu.memory_space<hbm>>) target(%arg9 : memref<128x128xf32, #tpu.memory_space<vmem>>) offsets(%dma_start3A_151 : memref<128xi32, #tpu.memory_space<vmem>>) semaphore(%arg12 : memref<!tpu.dma_semaphore, #tpu.memory_space<semaphore_mem>>)
        } else {
        }
        %dma_wait3A_140 = arith.constant 0 : i32
        %dma_wait3A_141 = tpu.memref_slice %arg7[%add3A_125, %dma_wait3A_140] : memref<40x128xi32, #tpu.memory_space<vmem>> -> memref<1x128xi32, #tpu.memory_space<vmem>>
        %dma_wait3A_142 = tpu.memref_squeeze %dma_wait3A_141 : memref<1x128xi32, #tpu.memory_space<vmem>> -> memref<128xi32, #tpu.memory_space<vmem>>
        %dma_wait3A_143 = arith.constant 0 : i32
        %dma_wait3A_144 = arith.constant 0 : i32
        %dma_wait3A_145 = tpu.memref_slice %arg2[%dma_wait3A_143, %dma_wait3A_144] : memref<320000x128xf32, #tpu.memory_space<hbm>> -> memref<320000x128xf32, #tpu.memory_space<hbm>>
        tpu.wait_indirect_dma semaphore(%arg13 : memref<!tpu.dma_semaphore, #tpu.memory_space<semaphore_mem>>) src(%dma_wait3A_145 : memref<320000x128xf32, #tpu.memory_space<hbm>>) dst(%arg10 : memref<128x128xf32, #tpu.memory_space<vmem>>)
        "tpu.region"() ({
          %run_scoped3A = tpu.sem_alloc : memref<!tpu.dma_semaphore, #tpu.memory_space<semaphore_mem>>
          %dma_start3A_147 = arith.constant 0 : i32
          %dma_start3A_148 = tpu.memref_slice %arg8[%add3A_125, %dma_start3A_147] : memref<40x128xi32, #tpu.memory_space<vmem>> -> memref<1x128xi32, #tpu.memory_space<vmem>>
          %dma_start3A_149 = tpu.memref_squeeze %dma_start3A_148 : memref<1x128xi32, #tpu.memory_space<vmem>> -> memref<128xi32, #tpu.memory_space<vmem>>
          %dma_start3A_150 = arith.constant 0 : i32
          %dma_start3A_151 = arith.constant 0 : i32
          %dma_start3A_152 = tpu.memref_slice %arg11[%dma_start3A_150, %dma_start3A_151] : memref<10000x128xf32, #tpu.memory_space<vmem_shared>> -> memref<10000x128xf32, #tpu.memory_space<vmem_shared>>
          tpu.enqueue_indirect_dma source(%arg10 : memref<128x128xf32, #tpu.memory_space<vmem>>) target(%dma_start3A_152 : memref<10000x128xf32, #tpu.memory_space<vmem_shared>>) offsets(%dma_start3A_149 : memref<128xi32, #tpu.memory_space<vmem>>) semaphore(%run_scoped3A : memref<!tpu.dma_semaphore, #tpu.memory_space<semaphore_mem>>) {add = true}
          %dma_wait3A_153 = arith.constant 0 : i32
          %dma_wait3A_154 = tpu.memref_slice %arg8[%add3A_125, %dma_wait3A_153] : memref<40x128xi32, #tpu.memory_space<vmem>> -> memref<1x128xi32, #tpu.memory_space<vmem>>
          %dma_wait3A_155 = tpu.memref_squeeze %dma_wait3A_154 : memref<1x128xi32, #tpu.memory_space<vmem>> -> memref<128xi32, #tpu.memory_space<vmem>>
          %dma_wait3A_156 = arith.constant 0 : i32
          %dma_wait3A_157 = arith.constant 0 : i32
          %dma_wait3A_158 = tpu.memref_slice %arg11[%dma_wait3A_156, %dma_wait3A_157] : memref<10000x128xf32, #tpu.memory_space<vmem_shared>> -> memref<10000x128xf32, #tpu.memory_space<vmem_shared>>
          tpu.wait_indirect_dma semaphore(%run_scoped3A : memref<!tpu.dma_semaphore, #tpu.memory_space<semaphore_mem>>) src(%arg10 : memref<128x128xf32, #tpu.memory_space<vmem>>) dst(%dma_wait3A_158 : memref<10000x128xf32, #tpu.memory_space<vmem_shared>>)
          tpu.yield
        }) : () -> ()
        %while3A_146 = arith.constant 0 : i32
        scf.yield %while3A_146 : i32
      }
      %while3A_117 = arith.constant 0 : i32
      scf.yield %while3A_117 : i32
    }
    %barrier3A_56 = arith.constant 0 : index
    tpu.barrier barrier_id(%barrier3A_56)
    %jit3A_57 = arith.constant 80 : i32
    %div3A_58 = arith.divsi %min3A_13, %jit3A_57 : i32
    %sign3A_59 = arith.constant 0 : i32
    %sign3A_60 = arith.cmpi sgt, %min3A_13, %sign3A_59 : i32
    %sign3A_61 = arith.extui %sign3A_60 : i1 to i32
    %sign3A_62 = arith.constant 0 : i32
    %sign3A_63 = arith.cmpi slt, %min3A_13, %sign3A_62 : i32
    %sign3A_64 = arith.extui %sign3A_63 : i1 to i32
    %sign3A_65 = arith.subi %sign3A_61, %sign3A_64 : i32
    %sign3A_66 = arith.constant 0 : i32
    %sign3A_67 = arith.cmpi sgt, %jit3A_57, %sign3A_66 : i32
    %sign3A_68 = arith.extui %sign3A_67 : i1 to i32
    %sign3A_69 = arith.constant 0 : i32
    %sign3A_70 = arith.cmpi slt, %jit3A_57, %sign3A_69 : i32
    %sign3A_71 = arith.extui %sign3A_70 : i1 to i32
    %sign3A_72 = arith.subi %sign3A_68, %sign3A_71 : i32
    %ne3A_73 = arith.cmpi ne, %sign3A_65, %sign3A_72 : i32
    %rem3A_74 = arith.remsi %min3A_13, %jit3A_57 : i32
    %ne3A_75 = arith.constant 0 : i32
    %ne3A_76 = arith.cmpi ne, %rem3A_74, %ne3A_75 : i32
    %and3A_77 = arith.andi %ne3A_73, %ne3A_76 : i1
    %sub3A_78 = arith.constant 1 : i32
    %sub3A_79 = arith.subi %div3A_58, %sub3A_78 : i32
    %select_n3A_80 = arith.select %and3A_77, %sub3A_79, %div3A_58 : i32
    %while3A_81 = arith.constant 0 : i32
    %while3A_82 = arith.constant 0 : i32
    %while3A_83 = arith.subi %select_n3A_80, %while3A_81 : i32
    %while3A_84 = arith.addi %while3A_81, %while3A_83 : i32
    %while3A_85 = arith.constant 1 : i32
    %while3A_86 = arith.divsi %while3A_83, %while3A_85 : i32
    %while3A_87 = arith.muli %while3A_86, %while3A_85 : i32
    %while3A_88 = arith.addi %while3A_81, %while3A_87 : i32
    %while3A_89 = arith.constant 1 : i32
    %while3A_90 = scf.for %while3A_93 = %while3A_81 to %while3A_88 step %while3A_89 iter_args(%while3A_94 = %while3A_82) -> (i32)  : i32 {
      %mul3A_95 = arith.constant 80 : i32
      %mul3A_96 = arith.muli %while3A_93, %mul3A_95 : i32
      %add3A_97 = arith.addi %mul3A_11, %mul3A_96 : i32
      %multiple_of3A_98 = tpu.assume_multiple %add3A_97, 8 : i32
      "tpu.region"() ({
        %run_scoped3A = tpu.sem_alloc : memref<!tpu.dma_semaphore, #tpu.memory_space<semaphore_mem>>
        %dma_start3A = arith.constant 0 : i32
        %dma_start3A_100 = tpu.memref_slice %arg6[%arg0, %multiple_of3A_98, %dma_start3A] : memref<2x10000x128xf32, #tpu.memory_space<hbm>> -> memref<1x80x128xf32, #tpu.memory_space<hbm>>
        %dma_start3A_101 = tpu.memref_squeeze %dma_start3A_100 : memref<1x80x128xf32, #tpu.memory_space<hbm>> -> memref<80x128xf32, #tpu.memory_space<hbm>>
        %dma_start3A_102 = arith.constant 0 : i32
        %dma_start3A_103 = tpu.memref_slice %arg11[%multiple_of3A_98, %dma_start3A_102] : memref<10000x128xf32, #tpu.memory_space<vmem_shared>> -> memref<80x128xf32, #tpu.memory_space<vmem_shared>>
        tpu.enqueue_dma source(%dma_start3A_103 : memref<80x128xf32, #tpu.memory_space<vmem_shared>>) target(%dma_start3A_101 : memref<80x128xf32, #tpu.memory_space<hbm>>) target_semaphore(%run_scoped3A : memref<!tpu.dma_semaphore, #tpu.memory_space<semaphore_mem>>)
        %dma_wait3A = arith.constant 0 : i32
        %dma_wait3A_104 = tpu.memref_slice %arg6[%arg0, %multiple_of3A_98, %dma_wait3A] : memref<2x10000x128xf32, #tpu.memory_space<hbm>> -> memref<1x80x128xf32, #tpu.memory_space<hbm>>
        %dma_wait3A_105 = tpu.memref_squeeze %dma_wait3A_104 : memref<1x80x128xf32, #tpu.memory_space<hbm>> -> memref<80x128xf32, #tpu.memory_space<hbm>>
        %dma_wait3A_106 = arith.constant 0 : i32
        %dma_wait3A_107 = tpu.memref_slice %arg11[%multiple_of3A_98, %dma_wait3A_106] : memref<10000x128xf32, #tpu.memory_space<vmem_shared>> -> memref<80x128xf32, #tpu.memory_space<vmem_shared>>
        tpu.wait_dma2 semaphore(%run_scoped3A : memref<!tpu.dma_semaphore, #tpu.memory_space<semaphore_mem>>) src(%dma_wait3A_107 : memref<80x128xf32, #tpu.memory_space<vmem_shared>>) dst(%dma_wait3A_105 : memref<80x128xf32, #tpu.memory_space<hbm>>)
        tpu.yield
      }) : () -> ()
      %while3A_99 = arith.constant 0 : i32
      scf.yield %while3A_99 : i32
    }
    %while3A_91 = arith.constant 1 : i32
    %while3A_92 = scf.for %while3A_93 = %while3A_88 to %while3A_84 step %while3A_91 iter_args(%while3A_94 = %while3A_90) -> (i32)  : i32 {
      %mul3A_95 = arith.constant 80 : i32
      %mul3A_96 = arith.muli %while3A_93, %mul3A_95 : i32
      %add3A_97 = arith.addi %mul3A_11, %mul3A_96 : i32
      %multiple_of3A_98 = tpu.assume_multiple %add3A_97, 8 : i32
      "tpu.region"() ({
        %run_scoped3A = tpu.sem_alloc : memref<!tpu.dma_semaphore, #tpu.memory_space<semaphore_mem>>
        %dma_start3A = arith.constant 0 : i32
        %dma_start3A_100 = tpu.memref_slice %arg6[%arg0, %multiple_of3A_98, %dma_start3A] : memref<2x10000x128xf32, #tpu.memory_space<hbm>> -> memref<1x80x128xf32, #tpu.memory_space<hbm>>
        %dma_start3A_101 = tpu.memref_squeeze %dma_start3A_100 : memref<1x80x128xf32, #tpu.memory_space<hbm>> -> memref<80x128xf32, #tpu.memory_space<hbm>>
        %dma_start3A_102 = arith.constant 0 : i32
        %dma_start3A_103 = tpu.memref_slice %arg11[%multiple_of3A_98, %dma_start3A_102] : memref<10000x128xf32, #tpu.memory_space<vmem_shared>> -> memref<80x128xf32, #tpu.memory_space<vmem_shared>>
        tpu.enqueue_dma source(%dma_start3A_103 : memref<80x128xf32, #tpu.memory_space<vmem_shared>>) target(%dma_start3A_101 : memref<80x128xf32, #tpu.memory_space<hbm>>) target_semaphore(%run_scoped3A : memref<!tpu.dma_semaphore, #tpu.memory_space<semaphore_mem>>)
        %dma_wait3A = arith.constant 0 : i32
        %dma_wait3A_104 = tpu.memref_slice %arg6[%arg0, %multiple_of3A_98, %dma_wait3A] : memref<2x10000x128xf32, #tpu.memory_space<hbm>> -> memref<1x80x128xf32, #tpu.memory_space<hbm>>
        %dma_wait3A_105 = tpu.memref_squeeze %dma_wait3A_104 : memref<1x80x128xf32, #tpu.memory_space<hbm>> -> memref<80x128xf32, #tpu.memory_space<hbm>>
        %dma_wait3A_106 = arith.constant 0 : i32
        %dma_wait3A_107 = tpu.memref_slice %arg11[%multiple_of3A_98, %dma_wait3A_106] : memref<10000x128xf32, #tpu.memory_space<vmem_shared>> -> memref<80x128xf32, #tpu.memory_space<vmem_shared>>
        tpu.wait_dma2 semaphore(%run_scoped3A : memref<!tpu.dma_semaphore, #tpu.memory_space<semaphore_mem>>) src(%dma_wait3A_107 : memref<80x128xf32, #tpu.memory_space<vmem_shared>>) dst(%dma_wait3A_105 : memref<80x128xf32, #tpu.memory_space<hbm>>)
        tpu.yield
      }) : () -> ()
      %while3A_99 = arith.constant 0 : i32
      scf.yield %while3A_99 : i32
    }
    return
  }
}

#map = affine_map<(d0, d1) -> (0, 0)>
#map1 = affine_map<(d0, d1) -> (0, 0, 0)>
module attributes {stable_mosaic.version = 14 : i64} {
  func.func @sc_segsum_128(%arg0: i32, %arg1: i32, %arg2: memref<10000x128xf32, #tpu.memory_space<hbm>>, %arg3: memref<2560x128xi32, #tpu.memory_space<hbm>>, %arg4: memref<2560x128xi32, #tpu.memory_space<hbm>>, %arg5: memref<80x128xf32, #tpu.memory_space<hbm>>, %arg6: memref<2x10000x128xf32, #tpu.memory_space<hbm>>, %arg7: memref<40x128xi32, #tpu.memory_space<vmem>>, %arg8: memref<40x128xi32, #tpu.memory_space<vmem>>, %arg9: memref<128x128xf32, #tpu.memory_space<vmem>>, %arg10: memref<128x128xf32, #tpu.memory_space<vmem>>, %arg11: memref<10000x128xf32, #tpu.memory_space<vmem_shared>>, %arg12: memref<!tpu.dma_semaphore, #tpu.memory_space<semaphore_mem>>, %arg13: memref<!tpu.dma_semaphore, #tpu.memory_space<semaphore_mem>>) attributes {dimension_semantics = [#tpu.dimension_semantics<core_parallel>, #tpu.dimension_semantics<subcore_parallel>], iteration_bounds = array<i64: 2, 16>, scalar_prefetch = 0 : i64, scratch_operands = 7 : i64, tpu.core_type = #tpu.core_type<sc_vector_subcore>, window_params = [{transform_indices = #map}, {transform_indices = #map}, {transform_indices = #map}, {transform_indices = #map}, {transform_indices = #map1}]} {
    %mul3A = arith.constant 16 : i32
    %mul3A_0 = arith.muli %arg0, %mul3A : i32
    %add3A = arith.addi %mul3A_0, %arg1 : i32
    %mul3A_1 = arith.constant 80 : i32
    %mul3A_2 = arith.muli %add3A, %mul3A_1 : i32
    %multiple_of3A = tpu.assume_multiple %mul3A_2, 8 : i32
    %eq3A = arith.constant 31 : i32
    %eq3A_3 = arith.cmpi eq, %add3A, %eq3A : i32
    %jit3A = arith.constant 1 : i32
    %jit3A_4 = arith.constant 2 : i32
    %select_n3A = arith.select %eq3A_3, %jit3A, %jit3A_4 : i32
    %eq3A_5 = arith.constant 31 : i32
    %eq3A_6 = arith.cmpi eq, %add3A, %eq3A_5 : i32
    %jit3A_7 = arith.constant 10 : i32
    %jit3A_8 = arith.constant 20 : i32
    %select_n3A_9 = arith.select %eq3A_6, %jit3A_7, %jit3A_8 : i32
    %mul3A_10 = arith.constant 640 : i32
    %mul3A_11 = arith.muli %arg1, %mul3A_10 : i32
    %sub3A = arith.constant 10000 : i32
    %sub3A_12 = arith.subi %sub3A, %mul3A_11 : i32
    %min3A = arith.constant 640 : i32
    %min3A_13 = arith.minsi %sub3A_12, %min3A : i32
    %jit3A_14 = arith.constant 80 : i32
    %div3A = arith.divsi %min3A_13, %jit3A_14 : i32
    %sign3A = arith.constant 0 : i32
    %sign3A_15 = arith.cmpi sgt, %min3A_13, %sign3A : i32
    %sign3A_16 = arith.extui %sign3A_15 : i1 to i32
    %sign3A_17 = arith.constant 0 : i32
    %sign3A_18 = arith.cmpi slt, %min3A_13, %sign3A_17 : i32
    %sign3A_19 = arith.extui %sign3A_18 : i1 to i32
    %sign3A_20 = arith.subi %sign3A_16, %sign3A_19 : i32
    %sign3A_21 = arith.constant 0 : i32
    %sign3A_22 = arith.cmpi sgt, %jit3A_14, %sign3A_21 : i32
    %sign3A_23 = arith.extui %sign3A_22 : i1 to i32
    %sign3A_24 = arith.constant 0 : i32
    %sign3A_25 = arith.cmpi slt, %jit3A_14, %sign3A_24 : i32
    %sign3A_26 = arith.extui %sign3A_25 : i1 to i32
    %sign3A_27 = arith.subi %sign3A_23, %sign3A_26 : i32
    %ne3A = arith.cmpi ne, %sign3A_20, %sign3A_27 : i32
    %rem3A = arith.remsi %min3A_13, %jit3A_14 : i32
    %ne3A_28 = arith.constant 0 : i32
    %ne3A_29 = arith.cmpi ne, %rem3A, %ne3A_28 : i32
    %and3A = arith.andi %ne3A, %ne3A_29 : i1
    %sub3A_30 = arith.constant 1 : i32
    %sub3A_31 = arith.subi %div3A, %sub3A_30 : i32
    %select_n3A_32 = arith.select %and3A, %sub3A_31, %div3A : i32
    %while3A = arith.constant 0 : i32
    %while3A_33 = arith.constant 0 : i32
    %while3A_34 = arith.subi %select_n3A_32, %while3A : i32
    %while3A_35 = arith.addi %while3A, %while3A_34 : i32
    %while3A_36 = arith.constant 1 : i32
    %while3A_37 = arith.divsi %while3A_34, %while3A_36 : i32
    %while3A_38 = arith.muli %while3A_37, %while3A_36 : i32
    %while3A_39 = arith.addi %while3A, %while3A_38 : i32
    %while3A_40 = arith.constant 1 : i32
    %while3A_41 = scf.for %while3A_93 = %while3A to %while3A_39 step %while3A_40 iter_args(%while3A_94 = %while3A_33) -> (i32)  : i32 {
      %mul3A_95 = arith.constant 80 : i32
      %mul3A_96 = arith.muli %while3A_93, %mul3A_95 : i32
      %add3A_97 = arith.addi %mul3A_11, %mul3A_96 : i32
      %multiple_of3A_98 = tpu.assume_multiple %add3A_97, 8 : i32
      "tpu.region"() ({
        %run_scoped3A = tpu.sem_alloc : memref<!tpu.dma_semaphore, #tpu.memory_space<semaphore_mem>>
        %dma_start3A = arith.constant 0 : i32
        %dma_start3A_100 = tpu.memref_slice %arg11[%multiple_of3A_98, %dma_start3A] : memref<10000x128xf32, #tpu.memory_space<vmem_shared>> -> memref<80x128xf32, #tpu.memory_space<vmem_shared>>
        tpu.enqueue_dma source(%arg5 : memref<80x128xf32, #tpu.memory_space<hbm>>) target(%dma_start3A_100 : memref<80x128xf32, #tpu.memory_space<vmem_shared>>) target_semaphore(%run_scoped3A : memref<!tpu.dma_semaphore, #tpu.memory_space<semaphore_mem>>)
        %dma_wait3A = arith.constant 0 : i32
        %dma_wait3A_101 = tpu.memref_slice %arg11[%multiple_of3A_98, %dma_wait3A] : memref<10000x128xf32, #tpu.memory_space<vmem_shared>> -> memref<80x128xf32, #tpu.memory_space<vmem_shared>>
        tpu.wait_dma2 semaphore(%run_scoped3A : memref<!tpu.dma_semaphore, #tpu.memory_space<semaphore_mem>>) src(%arg5 : memref<80x128xf32, #tpu.memory_space<hbm>>) dst(%dma_wait3A_101 : memref<80x128xf32, #tpu.memory_space<vmem_shared>>)
        tpu.yield
      }) : () -> ()
      %while3A_99 = arith.constant 0 : i32
      scf.yield %while3A_99 : i32
    }
    %while3A_42 = arith.constant 1 : i32
    %while3A_43 = scf.for %while3A_93 = %while3A_39 to %while3A_35 step %while3A_42 iter_args(%while3A_94 = %while3A_41) -> (i32)  : i32 {
      %mul3A_95 = arith.constant 80 : i32
      %mul3A_96 = arith.muli %while3A_93, %mul3A_95 : i32
      %add3A_97 = arith.addi %mul3A_11, %mul3A_96 : i32
      %multiple_of3A_98 = tpu.assume_multiple %add3A_97, 8 : i32
      "tpu.region"() ({
        %run_scoped3A = tpu.sem_alloc : memref<!tpu.dma_semaphore, #tpu.memory_space<semaphore_mem>>
        %dma_start3A = arith.constant 0 : i32
        %dma_start3A_100 = tpu.memref_slice %arg11[%multiple_of3A_98, %dma_start3A] : memref<10000x128xf32, #tpu.memory_space<vmem_shared>> -> memref<80x128xf32, #tpu.memory_space<vmem_shared>>
        tpu.enqueue_dma source(%arg5 : memref<80x128xf32, #tpu.memory_space<hbm>>) target(%dma_start3A_100 : memref<80x128xf32, #tpu.memory_space<vmem_shared>>) target_semaphore(%run_scoped3A : memref<!tpu.dma_semaphore, #tpu.memory_space<semaphore_mem>>)
        %dma_wait3A = arith.constant 0 : i32
        %dma_wait3A_101 = tpu.memref_slice %arg11[%multiple_of3A_98, %dma_wait3A] : memref<10000x128xf32, #tpu.memory_space<vmem_shared>> -> memref<80x128xf32, #tpu.memory_space<vmem_shared>>
        tpu.wait_dma2 semaphore(%run_scoped3A : memref<!tpu.dma_semaphore, #tpu.memory_space<semaphore_mem>>) src(%arg5 : memref<80x128xf32, #tpu.memory_space<hbm>>) dst(%dma_wait3A_101 : memref<80x128xf32, #tpu.memory_space<vmem_shared>>)
        tpu.yield
      }) : () -> ()
      %while3A_99 = arith.constant 0 : i32
      scf.yield %while3A_99 : i32
    }
    %barrier3A = arith.constant 0 : index
    tpu.barrier barrier_id(%barrier3A)
    %while3A_44 = arith.constant 0 : i32
    %while3A_45 = arith.constant 0 : i32
    %while3A_46 = arith.subi %select_n3A, %while3A_44 : i32
    %while3A_47 = arith.addi %while3A_44, %while3A_46 : i32
    %while3A_48 = arith.constant 1 : i32
    %while3A_49 = arith.divsi %while3A_46, %while3A_48 : i32
    %while3A_50 = arith.muli %while3A_49, %while3A_48 : i32
    %while3A_51 = arith.addi %while3A_44, %while3A_50 : i32
    %while3A_52 = arith.constant 1 : i32
    %while3A_53 = scf.for %while3A_93 = %while3A_44 to %while3A_51 step %while3A_52 iter_args(%while3A_94 = %while3A_45) -> (i32)  : i32 {
      %mul3A_95 = arith.constant 40 : i32
      %mul3A_96 = arith.muli %while3A_93, %mul3A_95 : i32
      %add3A_97 = arith.addi %multiple_of3A, %mul3A_96 : i32
      %multiple_of3A_98 = tpu.assume_multiple %add3A_97, 8 : i32
      "tpu.region"() ({
        %run_scoped3A = tpu.sem_alloc : memref<!tpu.dma_semaphore, #tpu.memory_space<semaphore_mem>>
        %dma_start3A_118 = arith.constant 0 : i32
        %dma_start3A_119 = tpu.memref_slice %arg3[%multiple_of3A_98, %dma_start3A_118] : memref<2560x128xi32, #tpu.memory_space<hbm>> -> memref<40x128xi32, #tpu.memory_space<hbm>>
        %dma_start3A_120 = arith.constant 0 : i32
        %dma_start3A_121 = tpu.memref_slice %arg3[%multiple_of3A_98, %dma_start3A_120] : memref<2560x128xi32, #tpu.memory_space<hbm>> -> memref<40x128xi32, #tpu.memory_space<hbm>>
        tpu.enqueue_dma source(%dma_start3A_121 : memref<40x128xi32, #tpu.memory_space<hbm>>) target(%arg7 : memref<40x128xi32, #tpu.memory_space<vmem>>) target_semaphore(%run_scoped3A : memref<!tpu.dma_semaphore, #tpu.memory_space<semaphore_mem>>)
        %dma_wait3A = arith.constant 0 : i32
        %dma_wait3A_122 = tpu.memref_slice %arg3[%multiple_of3A_98, %dma_wait3A] : memref<2560x128xi32, #tpu.memory_space<hbm>> -> memref<40x128xi32, #tpu.memory_space<hbm>>
        %dma_wait3A_123 = arith.constant 0 : i32
        %dma_wait3A_124 = tpu.memref_slice %arg3[%multiple_of3A_98, %dma_wait3A_123] : memref<2560x128xi32, #tpu.memory_space<hbm>> -> memref<40x128xi32, #tpu.memory_space<hbm>>
        tpu.wait_dma2 semaphore(%run_scoped3A : memref<!tpu.dma_semaphore, #tpu.memory_space<semaphore_mem>>) src(%dma_wait3A_124 : memref<40x128xi32, #tpu.memory_space<hbm>>) dst(%arg7 : memref<40x128xi32, #tpu.memory_space<vmem>>)
        tpu.yield
      }) : () -> ()
      "tpu.region"() ({
        %run_scoped3A = tpu.sem_alloc : memref<!tpu.dma_semaphore, #tpu.memory_space<semaphore_mem>>
        %dma_start3A_118 = arith.constant 0 : i32
        %dma_start3A_119 = tpu.memref_slice %arg4[%multiple_of3A_98, %dma_start3A_118] : memref<2560x128xi32, #tpu.memory_space<hbm>> -> memref<40x128xi32, #tpu.memory_space<hbm>>
        %dma_start3A_120 = arith.constant 0 : i32
        %dma_start3A_121 = tpu.memref_slice %arg4[%multiple_of3A_98, %dma_start3A_120] : memref<2560x128xi32, #tpu.memory_space<hbm>> -> memref<40x128xi32, #tpu.memory_space<hbm>>
        tpu.enqueue_dma source(%dma_start3A_121 : memref<40x128xi32, #tpu.memory_space<hbm>>) target(%arg8 : memref<40x128xi32, #tpu.memory_space<vmem>>) target_semaphore(%run_scoped3A : memref<!tpu.dma_semaphore, #tpu.memory_space<semaphore_mem>>)
        %dma_wait3A = arith.constant 0 : i32
        %dma_wait3A_122 = tpu.memref_slice %arg4[%multiple_of3A_98, %dma_wait3A] : memref<2560x128xi32, #tpu.memory_space<hbm>> -> memref<40x128xi32, #tpu.memory_space<hbm>>
        %dma_wait3A_123 = arith.constant 0 : i32
        %dma_wait3A_124 = tpu.memref_slice %arg4[%multiple_of3A_98, %dma_wait3A_123] : memref<2560x128xi32, #tpu.memory_space<hbm>> -> memref<40x128xi32, #tpu.memory_space<hbm>>
        tpu.wait_dma2 semaphore(%run_scoped3A : memref<!tpu.dma_semaphore, #tpu.memory_space<semaphore_mem>>) src(%dma_wait3A_124 : memref<40x128xi32, #tpu.memory_space<hbm>>) dst(%arg8 : memref<40x128xi32, #tpu.memory_space<vmem>>)
        tpu.yield
      }) : () -> ()
      %dma_start3A = arith.constant 0 : i32
      %dma_start3A_99 = arith.constant 0 : i32
      %dma_start3A_100 = tpu.memref_slice %arg7[%dma_start3A, %dma_start3A_99] : memref<40x128xi32, #tpu.memory_space<vmem>> -> memref<1x128xi32, #tpu.memory_space<vmem>>
      %dma_start3A_101 = tpu.memref_squeeze %dma_start3A_100 : memref<1x128xi32, #tpu.memory_space<vmem>> -> memref<128xi32, #tpu.memory_space<vmem>>
      %dma_start3A_102 = arith.constant 0 : i32
      %dma_start3A_103 = arith.constant 0 : i32
      %dma_start3A_104 = tpu.memref_slice %arg2[%dma_start3A_102, %dma_start3A_103] : memref<10000x128xf32, #tpu.memory_space<hbm>> -> memref<10000x128xf32, #tpu.memory_space<hbm>>
      tpu.enqueue_indirect_dma source(%dma_start3A_104 : memref<10000x128xf32, #tpu.memory_space<hbm>>) target(%arg9 : memref<128x128xf32, #tpu.memory_space<vmem>>) offsets(%dma_start3A_101 : memref<128xi32, #tpu.memory_space<vmem>>) semaphore(%arg12 : memref<!tpu.dma_semaphore, #tpu.memory_space<semaphore_mem>>)
      %while3A_105 = arith.constant 0 : i32
      %while3A_106 = arith.constant 0 : i32
      %while3A_107 = arith.subi %select_n3A_9, %while3A_105 : i32
      %while3A_108 = arith.addi %while3A_105, %while3A_107 : i32
      %while3A_109 = arith.constant 1 : i32
      %while3A_110 = arith.divsi %while3A_107, %while3A_109 : i32
      %while3A_111 = arith.muli %while3A_110, %while3A_109 : i32
      %while3A_112 = arith.addi %while3A_105, %while3A_111 : i32
      %while3A_113 = arith.constant 1 : i32
      %while3A_114 = scf.for %while3A_118 = %while3A_105 to %while3A_112 step %while3A_113 iter_args(%while3A_119 = %while3A_106) -> (i32)  : i32 {
        %mul3A_120 = arith.constant 2 : i32
        %mul3A_121 = arith.muli %mul3A_120, %while3A_118 : i32
        %mul3A_122 = arith.constant 2 : i32
        %mul3A_123 = arith.muli %mul3A_122, %while3A_118 : i32
        %add3A_124 = arith.constant 1 : i32
        %add3A_125 = arith.addi %mul3A_123, %add3A_124 : i32
        %dma_start3A_126 = arith.constant 0 : i32
        %dma_start3A_127 = tpu.memref_slice %arg7[%add3A_125, %dma_start3A_126] : memref<40x128xi32, #tpu.memory_space<vmem>> -> memref<1x128xi32, #tpu.memory_space<vmem>>
        %dma_start3A_128 = tpu.memref_squeeze %dma_start3A_127 : memref<1x128xi32, #tpu.memory_space<vmem>> -> memref<128xi32, #tpu.memory_space<vmem>>
        %dma_start3A_129 = arith.constant 0 : i32
        %dma_start3A_130 = arith.constant 0 : i32
        %dma_start3A_131 = tpu.memref_slice %arg2[%dma_start3A_129, %dma_start3A_130] : memref<10000x128xf32, #tpu.memory_space<hbm>> -> memref<10000x128xf32, #tpu.memory_space<hbm>>
        tpu.enqueue_indirect_dma source(%dma_start3A_131 : memref<10000x128xf32, #tpu.memory_space<hbm>>) target(%arg10 : memref<128x128xf32, #tpu.memory_space<vmem>>) offsets(%dma_start3A_128 : memref<128xi32, #tpu.memory_space<vmem>>) semaphore(%arg13 : memref<!tpu.dma_semaphore, #tpu.memory_space<semaphore_mem>>)
        %dma_wait3A = arith.constant 0 : i32
        %dma_wait3A_132 = tpu.memref_slice %arg7[%mul3A_121, %dma_wait3A] : memref<40x128xi32, #tpu.memory_space<vmem>> -> memref<1x128xi32, #tpu.memory_space<vmem>>
        %dma_wait3A_133 = tpu.memref_squeeze %dma_wait3A_132 : memref<1x128xi32, #tpu.memory_space<vmem>> -> memref<128xi32, #tpu.memory_space<vmem>>
        %dma_wait3A_134 = arith.constant 0 : i32
        %dma_wait3A_135 = arith.constant 0 : i32
        %dma_wait3A_136 = tpu.memref_slice %arg2[%dma_wait3A_134, %dma_wait3A_135] : memref<10000x128xf32, #tpu.memory_space<hbm>> -> memref<10000x128xf32, #tpu.memory_space<hbm>>
        tpu.wait_indirect_dma semaphore(%arg12 : memref<!tpu.dma_semaphore, #tpu.memory_space<semaphore_mem>>) src(%dma_wait3A_136 : memref<10000x128xf32, #tpu.memory_space<hbm>>) dst(%arg9 : memref<128x128xf32, #tpu.memory_space<vmem>>)
        "tpu.region"() ({
          %run_scoped3A = tpu.sem_alloc : memref<!tpu.dma_semaphore, #tpu.memory_space<semaphore_mem>>
          %dma_start3A_147 = arith.constant 0 : i32
          %dma_start3A_148 = tpu.memref_slice %arg8[%mul3A_121, %dma_start3A_147] : memref<40x128xi32, #tpu.memory_space<vmem>> -> memref<1x128xi32, #tpu.memory_space<vmem>>
          %dma_start3A_149 = tpu.memref_squeeze %dma_start3A_148 : memref<1x128xi32, #tpu.memory_space<vmem>> -> memref<128xi32, #tpu.memory_space<vmem>>
          %dma_start3A_150 = arith.constant 0 : i32
          %dma_start3A_151 = arith.constant 0 : i32
          %dma_start3A_152 = tpu.memref_slice %arg11[%dma_start3A_150, %dma_start3A_151] : memref<10000x128xf32, #tpu.memory_space<vmem_shared>> -> memref<10000x128xf32, #tpu.memory_space<vmem_shared>>
          tpu.enqueue_indirect_dma source(%arg9 : memref<128x128xf32, #tpu.memory_space<vmem>>) target(%dma_start3A_152 : memref<10000x128xf32, #tpu.memory_space<vmem_shared>>) offsets(%dma_start3A_149 : memref<128xi32, #tpu.memory_space<vmem>>) semaphore(%run_scoped3A : memref<!tpu.dma_semaphore, #tpu.memory_space<semaphore_mem>>) {add = true}
          %dma_wait3A_153 = arith.constant 0 : i32
          %dma_wait3A_154 = tpu.memref_slice %arg8[%mul3A_121, %dma_wait3A_153] : memref<40x128xi32, #tpu.memory_space<vmem>> -> memref<1x128xi32, #tpu.memory_space<vmem>>
          %dma_wait3A_155 = tpu.memref_squeeze %dma_wait3A_154 : memref<1x128xi32, #tpu.memory_space<vmem>> -> memref<128xi32, #tpu.memory_space<vmem>>
          %dma_wait3A_156 = arith.constant 0 : i32
          %dma_wait3A_157 = arith.constant 0 : i32
          %dma_wait3A_158 = tpu.memref_slice %arg11[%dma_wait3A_156, %dma_wait3A_157] : memref<10000x128xf32, #tpu.memory_space<vmem_shared>> -> memref<10000x128xf32, #tpu.memory_space<vmem_shared>>
          tpu.wait_indirect_dma semaphore(%run_scoped3A : memref<!tpu.dma_semaphore, #tpu.memory_space<semaphore_mem>>) src(%arg9 : memref<128x128xf32, #tpu.memory_space<vmem>>) dst(%dma_wait3A_158 : memref<10000x128xf32, #tpu.memory_space<vmem_shared>>)
          tpu.yield
        }) : () -> ()
        %add3A_137 = arith.constant 1 : i32
        %add3A_138 = arith.addi %while3A_118, %add3A_137 : i32
        %lt3A = arith.cmpi slt, %add3A_138, %select_n3A_9 : i32
        %convert_element_type3A = arith.extui %lt3A : i1 to i32
        %cond3A = arith.constant 0 : i32
        %cond3A_139 = arith.cmpi ne, %convert_element_type3A, %cond3A : i32
        scf.if %cond3A_139 {
          %add3A_147 = arith.constant 2 : i32
          %add3A_148 = arith.addi %mul3A_121, %add3A_147 : i32
          %dma_start3A_149 = arith.constant 0 : i32
          %dma_start3A_150 = tpu.memref_slice %arg7[%add3A_148, %dma_start3A_149] : memref<40x128xi32, #tpu.memory_space<vmem>> -> memref<1x128xi32, #tpu.memory_space<vmem>>
          %dma_start3A_151 = tpu.memref_squeeze %dma_start3A_150 : memref<1x128xi32, #tpu.memory_space<vmem>> -> memref<128xi32, #tpu.memory_space<vmem>>
          %dma_start3A_152 = arith.constant 0 : i32
          %dma_start3A_153 = arith.constant 0 : i32
          %dma_start3A_154 = tpu.memref_slice %arg2[%dma_start3A_152, %dma_start3A_153] : memref<10000x128xf32, #tpu.memory_space<hbm>> -> memref<10000x128xf32, #tpu.memory_space<hbm>>
          tpu.enqueue_indirect_dma source(%dma_start3A_154 : memref<10000x128xf32, #tpu.memory_space<hbm>>) target(%arg9 : memref<128x128xf32, #tpu.memory_space<vmem>>) offsets(%dma_start3A_151 : memref<128xi32, #tpu.memory_space<vmem>>) semaphore(%arg12 : memref<!tpu.dma_semaphore, #tpu.memory_space<semaphore_mem>>)
        } else {
        }
        %dma_wait3A_140 = arith.constant 0 : i32
        %dma_wait3A_141 = tpu.memref_slice %arg7[%add3A_125, %dma_wait3A_140] : memref<40x128xi32, #tpu.memory_space<vmem>> -> memref<1x128xi32, #tpu.memory_space<vmem>>
        %dma_wait3A_142 = tpu.memref_squeeze %dma_wait3A_141 : memref<1x128xi32, #tpu.memory_space<vmem>> -> memref<128xi32, #tpu.memory_space<vmem>>
        %dma_wait3A_143 = arith.constant 0 : i32
        %dma_wait3A_144 = arith.constant 0 : i32
        %dma_wait3A_145 = tpu.memref_slice %arg2[%dma_wait3A_143, %dma_wait3A_144] : memref<10000x128xf32, #tpu.memory_space<hbm>> -> memref<10000x128xf32, #tpu.memory_space<hbm>>
        tpu.wait_indirect_dma semaphore(%arg13 : memref<!tpu.dma_semaphore, #tpu.memory_space<semaphore_mem>>) src(%dma_wait3A_145 : memref<10000x128xf32, #tpu.memory_space<hbm>>) dst(%arg10 : memref<128x128xf32, #tpu.memory_space<vmem>>)
        "tpu.region"() ({
          %run_scoped3A = tpu.sem_alloc : memref<!tpu.dma_semaphore, #tpu.memory_space<semaphore_mem>>
          %dma_start3A_147 = arith.constant 0 : i32
          %dma_start3A_148 = tpu.memref_slice %arg8[%add3A_125, %dma_start3A_147] : memref<40x128xi32, #tpu.memory_space<vmem>> -> memref<1x128xi32, #tpu.memory_space<vmem>>
          %dma_start3A_149 = tpu.memref_squeeze %dma_start3A_148 : memref<1x128xi32, #tpu.memory_space<vmem>> -> memref<128xi32, #tpu.memory_space<vmem>>
          %dma_start3A_150 = arith.constant 0 : i32
          %dma_start3A_151 = arith.constant 0 : i32
          %dma_start3A_152 = tpu.memref_slice %arg11[%dma_start3A_150, %dma_start3A_151] : memref<10000x128xf32, #tpu.memory_space<vmem_shared>> -> memref<10000x128xf32, #tpu.memory_space<vmem_shared>>
          tpu.enqueue_indirect_dma source(%arg10 : memref<128x128xf32, #tpu.memory_space<vmem>>) target(%dma_start3A_152 : memref<10000x128xf32, #tpu.memory_space<vmem_shared>>) offsets(%dma_start3A_149 : memref<128xi32, #tpu.memory_space<vmem>>) semaphore(%run_scoped3A : memref<!tpu.dma_semaphore, #tpu.memory_space<semaphore_mem>>) {add = true}
          %dma_wait3A_153 = arith.constant 0 : i32
          %dma_wait3A_154 = tpu.memref_slice %arg8[%add3A_125, %dma_wait3A_153] : memref<40x128xi32, #tpu.memory_space<vmem>> -> memref<1x128xi32, #tpu.memory_space<vmem>>
          %dma_wait3A_155 = tpu.memref_squeeze %dma_wait3A_154 : memref<1x128xi32, #tpu.memory_space<vmem>> -> memref<128xi32, #tpu.memory_space<vmem>>
          %dma_wait3A_156 = arith.constant 0 : i32
          %dma_wait3A_157 = arith.constant 0 : i32
          %dma_wait3A_158 = tpu.memref_slice %arg11[%dma_wait3A_156, %dma_wait3A_157] : memref<10000x128xf32, #tpu.memory_space<vmem_shared>> -> memref<10000x128xf32, #tpu.memory_space<vmem_shared>>
          tpu.wait_indirect_dma semaphore(%run_scoped3A : memref<!tpu.dma_semaphore, #tpu.memory_space<semaphore_mem>>) src(%arg10 : memref<128x128xf32, #tpu.memory_space<vmem>>) dst(%dma_wait3A_158 : memref<10000x128xf32, #tpu.memory_space<vmem_shared>>)
          tpu.yield
        }) : () -> ()
        %while3A_146 = arith.constant 0 : i32
        scf.yield %while3A_146 : i32
      }
      %while3A_115 = arith.constant 1 : i32
      %while3A_116 = scf.for %while3A_118 = %while3A_112 to %while3A_108 step %while3A_115 iter_args(%while3A_119 = %while3A_114) -> (i32)  : i32 {
        %mul3A_120 = arith.constant 2 : i32
        %mul3A_121 = arith.muli %mul3A_120, %while3A_118 : i32
        %mul3A_122 = arith.constant 2 : i32
        %mul3A_123 = arith.muli %mul3A_122, %while3A_118 : i32
        %add3A_124 = arith.constant 1 : i32
        %add3A_125 = arith.addi %mul3A_123, %add3A_124 : i32
        %dma_start3A_126 = arith.constant 0 : i32
        %dma_start3A_127 = tpu.memref_slice %arg7[%add3A_125, %dma_start3A_126] : memref<40x128xi32, #tpu.memory_space<vmem>> -> memref<1x128xi32, #tpu.memory_space<vmem>>
        %dma_start3A_128 = tpu.memref_squeeze %dma_start3A_127 : memref<1x128xi32, #tpu.memory_space<vmem>> -> memref<128xi32, #tpu.memory_space<vmem>>
        %dma_start3A_129 = arith.constant 0 : i32
        %dma_start3A_130 = arith.constant 0 : i32
        %dma_start3A_131 = tpu.memref_slice %arg2[%dma_start3A_129, %dma_start3A_130] : memref<10000x128xf32, #tpu.memory_space<hbm>> -> memref<10000x128xf32, #tpu.memory_space<hbm>>
        tpu.enqueue_indirect_dma source(%dma_start3A_131 : memref<10000x128xf32, #tpu.memory_space<hbm>>) target(%arg10 : memref<128x128xf32, #tpu.memory_space<vmem>>) offsets(%dma_start3A_128 : memref<128xi32, #tpu.memory_space<vmem>>) semaphore(%arg13 : memref<!tpu.dma_semaphore, #tpu.memory_space<semaphore_mem>>)
        %dma_wait3A = arith.constant 0 : i32
        %dma_wait3A_132 = tpu.memref_slice %arg7[%mul3A_121, %dma_wait3A] : memref<40x128xi32, #tpu.memory_space<vmem>> -> memref<1x128xi32, #tpu.memory_space<vmem>>
        %dma_wait3A_133 = tpu.memref_squeeze %dma_wait3A_132 : memref<1x128xi32, #tpu.memory_space<vmem>> -> memref<128xi32, #tpu.memory_space<vmem>>
        %dma_wait3A_134 = arith.constant 0 : i32
        %dma_wait3A_135 = arith.constant 0 : i32
        %dma_wait3A_136 = tpu.memref_slice %arg2[%dma_wait3A_134, %dma_wait3A_135] : memref<10000x128xf32, #tpu.memory_space<hbm>> -> memref<10000x128xf32, #tpu.memory_space<hbm>>
        tpu.wait_indirect_dma semaphore(%arg12 : memref<!tpu.dma_semaphore, #tpu.memory_space<semaphore_mem>>) src(%dma_wait3A_136 : memref<10000x128xf32, #tpu.memory_space<hbm>>) dst(%arg9 : memref<128x128xf32, #tpu.memory_space<vmem>>)
        "tpu.region"() ({
          %run_scoped3A = tpu.sem_alloc : memref<!tpu.dma_semaphore, #tpu.memory_space<semaphore_mem>>
          %dma_start3A_147 = arith.constant 0 : i32
          %dma_start3A_148 = tpu.memref_slice %arg8[%mul3A_121, %dma_start3A_147] : memref<40x128xi32, #tpu.memory_space<vmem>> -> memref<1x128xi32, #tpu.memory_space<vmem>>
          %dma_start3A_149 = tpu.memref_squeeze %dma_start3A_148 : memref<1x128xi32, #tpu.memory_space<vmem>> -> memref<128xi32, #tpu.memory_space<vmem>>
          %dma_start3A_150 = arith.constant 0 : i32
          %dma_start3A_151 = arith.constant 0 : i32
          %dma_start3A_152 = tpu.memref_slice %arg11[%dma_start3A_150, %dma_start3A_151] : memref<10000x128xf32, #tpu.memory_space<vmem_shared>> -> memref<10000x128xf32, #tpu.memory_space<vmem_shared>>
          tpu.enqueue_indirect_dma source(%arg9 : memref<128x128xf32, #tpu.memory_space<vmem>>) target(%dma_start3A_152 : memref<10000x128xf32, #tpu.memory_space<vmem_shared>>) offsets(%dma_start3A_149 : memref<128xi32, #tpu.memory_space<vmem>>) semaphore(%run_scoped3A : memref<!tpu.dma_semaphore, #tpu.memory_space<semaphore_mem>>) {add = true}
          %dma_wait3A_153 = arith.constant 0 : i32
          %dma_wait3A_154 = tpu.memref_slice %arg8[%mul3A_121, %dma_wait3A_153] : memref<40x128xi32, #tpu.memory_space<vmem>> -> memref<1x128xi32, #tpu.memory_space<vmem>>
          %dma_wait3A_155 = tpu.memref_squeeze %dma_wait3A_154 : memref<1x128xi32, #tpu.memory_space<vmem>> -> memref<128xi32, #tpu.memory_space<vmem>>
          %dma_wait3A_156 = arith.constant 0 : i32
          %dma_wait3A_157 = arith.constant 0 : i32
          %dma_wait3A_158 = tpu.memref_slice %arg11[%dma_wait3A_156, %dma_wait3A_157] : memref<10000x128xf32, #tpu.memory_space<vmem_shared>> -> memref<10000x128xf32, #tpu.memory_space<vmem_shared>>
          tpu.wait_indirect_dma semaphore(%run_scoped3A : memref<!tpu.dma_semaphore, #tpu.memory_space<semaphore_mem>>) src(%arg9 : memref<128x128xf32, #tpu.memory_space<vmem>>) dst(%dma_wait3A_158 : memref<10000x128xf32, #tpu.memory_space<vmem_shared>>)
          tpu.yield
        }) : () -> ()
        %add3A_137 = arith.constant 1 : i32
        %add3A_138 = arith.addi %while3A_118, %add3A_137 : i32
        %lt3A = arith.cmpi slt, %add3A_138, %select_n3A_9 : i32
        %convert_element_type3A = arith.extui %lt3A : i1 to i32
        %cond3A = arith.constant 0 : i32
        %cond3A_139 = arith.cmpi ne, %convert_element_type3A, %cond3A : i32
        scf.if %cond3A_139 {
          %add3A_147 = arith.constant 2 : i32
          %add3A_148 = arith.addi %mul3A_121, %add3A_147 : i32
          %dma_start3A_149 = arith.constant 0 : i32
          %dma_start3A_150 = tpu.memref_slice %arg7[%add3A_148, %dma_start3A_149] : memref<40x128xi32, #tpu.memory_space<vmem>> -> memref<1x128xi32, #tpu.memory_space<vmem>>
          %dma_start3A_151 = tpu.memref_squeeze %dma_start3A_150 : memref<1x128xi32, #tpu.memory_space<vmem>> -> memref<128xi32, #tpu.memory_space<vmem>>
          %dma_start3A_152 = arith.constant 0 : i32
          %dma_start3A_153 = arith.constant 0 : i32
          %dma_start3A_154 = tpu.memref_slice %arg2[%dma_start3A_152, %dma_start3A_153] : memref<10000x128xf32, #tpu.memory_space<hbm>> -> memref<10000x128xf32, #tpu.memory_space<hbm>>
          tpu.enqueue_indirect_dma source(%dma_start3A_154 : memref<10000x128xf32, #tpu.memory_space<hbm>>) target(%arg9 : memref<128x128xf32, #tpu.memory_space<vmem>>) offsets(%dma_start3A_151 : memref<128xi32, #tpu.memory_space<vmem>>) semaphore(%arg12 : memref<!tpu.dma_semaphore, #tpu.memory_space<semaphore_mem>>)
        } else {
        }
        %dma_wait3A_140 = arith.constant 0 : i32
        %dma_wait3A_141 = tpu.memref_slice %arg7[%add3A_125, %dma_wait3A_140] : memref<40x128xi32, #tpu.memory_space<vmem>> -> memref<1x128xi32, #tpu.memory_space<vmem>>
        %dma_wait3A_142 = tpu.memref_squeeze %dma_wait3A_141 : memref<1x128xi32, #tpu.memory_space<vmem>> -> memref<128xi32, #tpu.memory_space<vmem>>
        %dma_wait3A_143 = arith.constant 0 : i32
        %dma_wait3A_144 = arith.constant 0 : i32
        %dma_wait3A_145 = tpu.memref_slice %arg2[%dma_wait3A_143, %dma_wait3A_144] : memref<10000x128xf32, #tpu.memory_space<hbm>> -> memref<10000x128xf32, #tpu.memory_space<hbm>>
        tpu.wait_indirect_dma semaphore(%arg13 : memref<!tpu.dma_semaphore, #tpu.memory_space<semaphore_mem>>) src(%dma_wait3A_145 : memref<10000x128xf32, #tpu.memory_space<hbm>>) dst(%arg10 : memref<128x128xf32, #tpu.memory_space<vmem>>)
        "tpu.region"() ({
          %run_scoped3A = tpu.sem_alloc : memref<!tpu.dma_semaphore, #tpu.memory_space<semaphore_mem>>
          %dma_start3A_147 = arith.constant 0 : i32
          %dma_start3A_148 = tpu.memref_slice %arg8[%add3A_125, %dma_start3A_147] : memref<40x128xi32, #tpu.memory_space<vmem>> -> memref<1x128xi32, #tpu.memory_space<vmem>>
          %dma_start3A_149 = tpu.memref_squeeze %dma_start3A_148 : memref<1x128xi32, #tpu.memory_space<vmem>> -> memref<128xi32, #tpu.memory_space<vmem>>
          %dma_start3A_150 = arith.constant 0 : i32
          %dma_start3A_151 = arith.constant 0 : i32
          %dma_start3A_152 = tpu.memref_slice %arg11[%dma_start3A_150, %dma_start3A_151] : memref<10000x128xf32, #tpu.memory_space<vmem_shared>> -> memref<10000x128xf32, #tpu.memory_space<vmem_shared>>
          tpu.enqueue_indirect_dma source(%arg10 : memref<128x128xf32, #tpu.memory_space<vmem>>) target(%dma_start3A_152 : memref<10000x128xf32, #tpu.memory_space<vmem_shared>>) offsets(%dma_start3A_149 : memref<128xi32, #tpu.memory_space<vmem>>) semaphore(%run_scoped3A : memref<!tpu.dma_semaphore, #tpu.memory_space<semaphore_mem>>) {add = true}
          %dma_wait3A_153 = arith.constant 0 : i32
          %dma_wait3A_154 = tpu.memref_slice %arg8[%add3A_125, %dma_wait3A_153] : memref<40x128xi32, #tpu.memory_space<vmem>> -> memref<1x128xi32, #tpu.memory_space<vmem>>
          %dma_wait3A_155 = tpu.memref_squeeze %dma_wait3A_154 : memref<1x128xi32, #tpu.memory_space<vmem>> -> memref<128xi32, #tpu.memory_space<vmem>>
          %dma_wait3A_156 = arith.constant 0 : i32
          %dma_wait3A_157 = arith.constant 0 : i32
          %dma_wait3A_158 = tpu.memref_slice %arg11[%dma_wait3A_156, %dma_wait3A_157] : memref<10000x128xf32, #tpu.memory_space<vmem_shared>> -> memref<10000x128xf32, #tpu.memory_space<vmem_shared>>
          tpu.wait_indirect_dma semaphore(%run_scoped3A : memref<!tpu.dma_semaphore, #tpu.memory_space<semaphore_mem>>) src(%arg10 : memref<128x128xf32, #tpu.memory_space<vmem>>) dst(%dma_wait3A_158 : memref<10000x128xf32, #tpu.memory_space<vmem_shared>>)
          tpu.yield
        }) : () -> ()
        %while3A_146 = arith.constant 0 : i32
        scf.yield %while3A_146 : i32
      }
      %while3A_117 = arith.constant 0 : i32
      scf.yield %while3A_117 : i32
    }
    %while3A_54 = arith.constant 1 : i32
    %while3A_55 = scf.for %while3A_93 = %while3A_51 to %while3A_47 step %while3A_54 iter_args(%while3A_94 = %while3A_53) -> (i32)  : i32 {
      %mul3A_95 = arith.constant 40 : i32
      %mul3A_96 = arith.muli %while3A_93, %mul3A_95 : i32
      %add3A_97 = arith.addi %multiple_of3A, %mul3A_96 : i32
      %multiple_of3A_98 = tpu.assume_multiple %add3A_97, 8 : i32
      "tpu.region"() ({
        %run_scoped3A = tpu.sem_alloc : memref<!tpu.dma_semaphore, #tpu.memory_space<semaphore_mem>>
        %dma_start3A_118 = arith.constant 0 : i32
        %dma_start3A_119 = tpu.memref_slice %arg3[%multiple_of3A_98, %dma_start3A_118] : memref<2560x128xi32, #tpu.memory_space<hbm>> -> memref<40x128xi32, #tpu.memory_space<hbm>>
        %dma_start3A_120 = arith.constant 0 : i32
        %dma_start3A_121 = tpu.memref_slice %arg3[%multiple_of3A_98, %dma_start3A_120] : memref<2560x128xi32, #tpu.memory_space<hbm>> -> memref<40x128xi32, #tpu.memory_space<hbm>>
        tpu.enqueue_dma source(%dma_start3A_121 : memref<40x128xi32, #tpu.memory_space<hbm>>) target(%arg7 : memref<40x128xi32, #tpu.memory_space<vmem>>) target_semaphore(%run_scoped3A : memref<!tpu.dma_semaphore, #tpu.memory_space<semaphore_mem>>)
        %dma_wait3A = arith.constant 0 : i32
        %dma_wait3A_122 = tpu.memref_slice %arg3[%multiple_of3A_98, %dma_wait3A] : memref<2560x128xi32, #tpu.memory_space<hbm>> -> memref<40x128xi32, #tpu.memory_space<hbm>>
        %dma_wait3A_123 = arith.constant 0 : i32
        %dma_wait3A_124 = tpu.memref_slice %arg3[%multiple_of3A_98, %dma_wait3A_123] : memref<2560x128xi32, #tpu.memory_space<hbm>> -> memref<40x128xi32, #tpu.memory_space<hbm>>
        tpu.wait_dma2 semaphore(%run_scoped3A : memref<!tpu.dma_semaphore, #tpu.memory_space<semaphore_mem>>) src(%dma_wait3A_124 : memref<40x128xi32, #tpu.memory_space<hbm>>) dst(%arg7 : memref<40x128xi32, #tpu.memory_space<vmem>>)
        tpu.yield
      }) : () -> ()
      "tpu.region"() ({
        %run_scoped3A = tpu.sem_alloc : memref<!tpu.dma_semaphore, #tpu.memory_space<semaphore_mem>>
        %dma_start3A_118 = arith.constant 0 : i32
        %dma_start3A_119 = tpu.memref_slice %arg4[%multiple_of3A_98, %dma_start3A_118] : memref<2560x128xi32, #tpu.memory_space<hbm>> -> memref<40x128xi32, #tpu.memory_space<hbm>>
        %dma_start3A_120 = arith.constant 0 : i32
        %dma_start3A_121 = tpu.memref_slice %arg4[%multiple_of3A_98, %dma_start3A_120] : memref<2560x128xi32, #tpu.memory_space<hbm>> -> memref<40x128xi32, #tpu.memory_space<hbm>>
        tpu.enqueue_dma source(%dma_start3A_121 : memref<40x128xi32, #tpu.memory_space<hbm>>) target(%arg8 : memref<40x128xi32, #tpu.memory_space<vmem>>) target_semaphore(%run_scoped3A : memref<!tpu.dma_semaphore, #tpu.memory_space<semaphore_mem>>)
        %dma_wait3A = arith.constant 0 : i32
        %dma_wait3A_122 = tpu.memref_slice %arg4[%multiple_of3A_98, %dma_wait3A] : memref<2560x128xi32, #tpu.memory_space<hbm>> -> memref<40x128xi32, #tpu.memory_space<hbm>>
        %dma_wait3A_123 = arith.constant 0 : i32
        %dma_wait3A_124 = tpu.memref_slice %arg4[%multiple_of3A_98, %dma_wait3A_123] : memref<2560x128xi32, #tpu.memory_space<hbm>> -> memref<40x128xi32, #tpu.memory_space<hbm>>
        tpu.wait_dma2 semaphore(%run_scoped3A : memref<!tpu.dma_semaphore, #tpu.memory_space<semaphore_mem>>) src(%dma_wait3A_124 : memref<40x128xi32, #tpu.memory_space<hbm>>) dst(%arg8 : memref<40x128xi32, #tpu.memory_space<vmem>>)
        tpu.yield
      }) : () -> ()
      %dma_start3A = arith.constant 0 : i32
      %dma_start3A_99 = arith.constant 0 : i32
      %dma_start3A_100 = tpu.memref_slice %arg7[%dma_start3A, %dma_start3A_99] : memref<40x128xi32, #tpu.memory_space<vmem>> -> memref<1x128xi32, #tpu.memory_space<vmem>>
      %dma_start3A_101 = tpu.memref_squeeze %dma_start3A_100 : memref<1x128xi32, #tpu.memory_space<vmem>> -> memref<128xi32, #tpu.memory_space<vmem>>
      %dma_start3A_102 = arith.constant 0 : i32
      %dma_start3A_103 = arith.constant 0 : i32
      %dma_start3A_104 = tpu.memref_slice %arg2[%dma_start3A_102, %dma_start3A_103] : memref<10000x128xf32, #tpu.memory_space<hbm>> -> memref<10000x128xf32, #tpu.memory_space<hbm>>
      tpu.enqueue_indirect_dma source(%dma_start3A_104 : memref<10000x128xf32, #tpu.memory_space<hbm>>) target(%arg9 : memref<128x128xf32, #tpu.memory_space<vmem>>) offsets(%dma_start3A_101 : memref<128xi32, #tpu.memory_space<vmem>>) semaphore(%arg12 : memref<!tpu.dma_semaphore, #tpu.memory_space<semaphore_mem>>)
      %while3A_105 = arith.constant 0 : i32
      %while3A_106 = arith.constant 0 : i32
      %while3A_107 = arith.subi %select_n3A_9, %while3A_105 : i32
      %while3A_108 = arith.addi %while3A_105, %while3A_107 : i32
      %while3A_109 = arith.constant 1 : i32
      %while3A_110 = arith.divsi %while3A_107, %while3A_109 : i32
      %while3A_111 = arith.muli %while3A_110, %while3A_109 : i32
      %while3A_112 = arith.addi %while3A_105, %while3A_111 : i32
      %while3A_113 = arith.constant 1 : i32
      %while3A_114 = scf.for %while3A_118 = %while3A_105 to %while3A_112 step %while3A_113 iter_args(%while3A_119 = %while3A_106) -> (i32)  : i32 {
        %mul3A_120 = arith.constant 2 : i32
        %mul3A_121 = arith.muli %mul3A_120, %while3A_118 : i32
        %mul3A_122 = arith.constant 2 : i32
        %mul3A_123 = arith.muli %mul3A_122, %while3A_118 : i32
        %add3A_124 = arith.constant 1 : i32
        %add3A_125 = arith.addi %mul3A_123, %add3A_124 : i32
        %dma_start3A_126 = arith.constant 0 : i32
        %dma_start3A_127 = tpu.memref_slice %arg7[%add3A_125, %dma_start3A_126] : memref<40x128xi32, #tpu.memory_space<vmem>> -> memref<1x128xi32, #tpu.memory_space<vmem>>
        %dma_start3A_128 = tpu.memref_squeeze %dma_start3A_127 : memref<1x128xi32, #tpu.memory_space<vmem>> -> memref<128xi32, #tpu.memory_space<vmem>>
        %dma_start3A_129 = arith.constant 0 : i32
        %dma_start3A_130 = arith.constant 0 : i32
        %dma_start3A_131 = tpu.memref_slice %arg2[%dma_start3A_129, %dma_start3A_130] : memref<10000x128xf32, #tpu.memory_space<hbm>> -> memref<10000x128xf32, #tpu.memory_space<hbm>>
        tpu.enqueue_indirect_dma source(%dma_start3A_131 : memref<10000x128xf32, #tpu.memory_space<hbm>>) target(%arg10 : memref<128x128xf32, #tpu.memory_space<vmem>>) offsets(%dma_start3A_128 : memref<128xi32, #tpu.memory_space<vmem>>) semaphore(%arg13 : memref<!tpu.dma_semaphore, #tpu.memory_space<semaphore_mem>>)
        %dma_wait3A = arith.constant 0 : i32
        %dma_wait3A_132 = tpu.memref_slice %arg7[%mul3A_121, %dma_wait3A] : memref<40x128xi32, #tpu.memory_space<vmem>> -> memref<1x128xi32, #tpu.memory_space<vmem>>
        %dma_wait3A_133 = tpu.memref_squeeze %dma_wait3A_132 : memref<1x128xi32, #tpu.memory_space<vmem>> -> memref<128xi32, #tpu.memory_space<vmem>>
        %dma_wait3A_134 = arith.constant 0 : i32
        %dma_wait3A_135 = arith.constant 0 : i32
        %dma_wait3A_136 = tpu.memref_slice %arg2[%dma_wait3A_134, %dma_wait3A_135] : memref<10000x128xf32, #tpu.memory_space<hbm>> -> memref<10000x128xf32, #tpu.memory_space<hbm>>
        tpu.wait_indirect_dma semaphore(%arg12 : memref<!tpu.dma_semaphore, #tpu.memory_space<semaphore_mem>>) src(%dma_wait3A_136 : memref<10000x128xf32, #tpu.memory_space<hbm>>) dst(%arg9 : memref<128x128xf32, #tpu.memory_space<vmem>>)
        "tpu.region"() ({
          %run_scoped3A = tpu.sem_alloc : memref<!tpu.dma_semaphore, #tpu.memory_space<semaphore_mem>>
          %dma_start3A_147 = arith.constant 0 : i32
          %dma_start3A_148 = tpu.memref_slice %arg8[%mul3A_121, %dma_start3A_147] : memref<40x128xi32, #tpu.memory_space<vmem>> -> memref<1x128xi32, #tpu.memory_space<vmem>>
          %dma_start3A_149 = tpu.memref_squeeze %dma_start3A_148 : memref<1x128xi32, #tpu.memory_space<vmem>> -> memref<128xi32, #tpu.memory_space<vmem>>
          %dma_start3A_150 = arith.constant 0 : i32
          %dma_start3A_151 = arith.constant 0 : i32
          %dma_start3A_152 = tpu.memref_slice %arg11[%dma_start3A_150, %dma_start3A_151] : memref<10000x128xf32, #tpu.memory_space<vmem_shared>> -> memref<10000x128xf32, #tpu.memory_space<vmem_shared>>
          tpu.enqueue_indirect_dma source(%arg9 : memref<128x128xf32, #tpu.memory_space<vmem>>) target(%dma_start3A_152 : memref<10000x128xf32, #tpu.memory_space<vmem_shared>>) offsets(%dma_start3A_149 : memref<128xi32, #tpu.memory_space<vmem>>) semaphore(%run_scoped3A : memref<!tpu.dma_semaphore, #tpu.memory_space<semaphore_mem>>) {add = true}
          %dma_wait3A_153 = arith.constant 0 : i32
          %dma_wait3A_154 = tpu.memref_slice %arg8[%mul3A_121, %dma_wait3A_153] : memref<40x128xi32, #tpu.memory_space<vmem>> -> memref<1x128xi32, #tpu.memory_space<vmem>>
          %dma_wait3A_155 = tpu.memref_squeeze %dma_wait3A_154 : memref<1x128xi32, #tpu.memory_space<vmem>> -> memref<128xi32, #tpu.memory_space<vmem>>
          %dma_wait3A_156 = arith.constant 0 : i32
          %dma_wait3A_157 = arith.constant 0 : i32
          %dma_wait3A_158 = tpu.memref_slice %arg11[%dma_wait3A_156, %dma_wait3A_157] : memref<10000x128xf32, #tpu.memory_space<vmem_shared>> -> memref<10000x128xf32, #tpu.memory_space<vmem_shared>>
          tpu.wait_indirect_dma semaphore(%run_scoped3A : memref<!tpu.dma_semaphore, #tpu.memory_space<semaphore_mem>>) src(%arg9 : memref<128x128xf32, #tpu.memory_space<vmem>>) dst(%dma_wait3A_158 : memref<10000x128xf32, #tpu.memory_space<vmem_shared>>)
          tpu.yield
        }) : () -> ()
        %add3A_137 = arith.constant 1 : i32
        %add3A_138 = arith.addi %while3A_118, %add3A_137 : i32
        %lt3A = arith.cmpi slt, %add3A_138, %select_n3A_9 : i32
        %convert_element_type3A = arith.extui %lt3A : i1 to i32
        %cond3A = arith.constant 0 : i32
        %cond3A_139 = arith.cmpi ne, %convert_element_type3A, %cond3A : i32
        scf.if %cond3A_139 {
          %add3A_147 = arith.constant 2 : i32
          %add3A_148 = arith.addi %mul3A_121, %add3A_147 : i32
          %dma_start3A_149 = arith.constant 0 : i32
          %dma_start3A_150 = tpu.memref_slice %arg7[%add3A_148, %dma_start3A_149] : memref<40x128xi32, #tpu.memory_space<vmem>> -> memref<1x128xi32, #tpu.memory_space<vmem>>
          %dma_start3A_151 = tpu.memref_squeeze %dma_start3A_150 : memref<1x128xi32, #tpu.memory_space<vmem>> -> memref<128xi32, #tpu.memory_space<vmem>>
          %dma_start3A_152 = arith.constant 0 : i32
          %dma_start3A_153 = arith.constant 0 : i32
          %dma_start3A_154 = tpu.memref_slice %arg2[%dma_start3A_152, %dma_start3A_153] : memref<10000x128xf32, #tpu.memory_space<hbm>> -> memref<10000x128xf32, #tpu.memory_space<hbm>>
          tpu.enqueue_indirect_dma source(%dma_start3A_154 : memref<10000x128xf32, #tpu.memory_space<hbm>>) target(%arg9 : memref<128x128xf32, #tpu.memory_space<vmem>>) offsets(%dma_start3A_151 : memref<128xi32, #tpu.memory_space<vmem>>) semaphore(%arg12 : memref<!tpu.dma_semaphore, #tpu.memory_space<semaphore_mem>>)
        } else {
        }
        %dma_wait3A_140 = arith.constant 0 : i32
        %dma_wait3A_141 = tpu.memref_slice %arg7[%add3A_125, %dma_wait3A_140] : memref<40x128xi32, #tpu.memory_space<vmem>> -> memref<1x128xi32, #tpu.memory_space<vmem>>
        %dma_wait3A_142 = tpu.memref_squeeze %dma_wait3A_141 : memref<1x128xi32, #tpu.memory_space<vmem>> -> memref<128xi32, #tpu.memory_space<vmem>>
        %dma_wait3A_143 = arith.constant 0 : i32
        %dma_wait3A_144 = arith.constant 0 : i32
        %dma_wait3A_145 = tpu.memref_slice %arg2[%dma_wait3A_143, %dma_wait3A_144] : memref<10000x128xf32, #tpu.memory_space<hbm>> -> memref<10000x128xf32, #tpu.memory_space<hbm>>
        tpu.wait_indirect_dma semaphore(%arg13 : memref<!tpu.dma_semaphore, #tpu.memory_space<semaphore_mem>>) src(%dma_wait3A_145 : memref<10000x128xf32, #tpu.memory_space<hbm>>) dst(%arg10 : memref<128x128xf32, #tpu.memory_space<vmem>>)
        "tpu.region"() ({
          %run_scoped3A = tpu.sem_alloc : memref<!tpu.dma_semaphore, #tpu.memory_space<semaphore_mem>>
          %dma_start3A_147 = arith.constant 0 : i32
          %dma_start3A_148 = tpu.memref_slice %arg8[%add3A_125, %dma_start3A_147] : memref<40x128xi32, #tpu.memory_space<vmem>> -> memref<1x128xi32, #tpu.memory_space<vmem>>
          %dma_start3A_149 = tpu.memref_squeeze %dma_start3A_148 : memref<1x128xi32, #tpu.memory_space<vmem>> -> memref<128xi32, #tpu.memory_space<vmem>>
          %dma_start3A_150 = arith.constant 0 : i32
          %dma_start3A_151 = arith.constant 0 : i32
          %dma_start3A_152 = tpu.memref_slice %arg11[%dma_start3A_150, %dma_start3A_151] : memref<10000x128xf32, #tpu.memory_space<vmem_shared>> -> memref<10000x128xf32, #tpu.memory_space<vmem_shared>>
          tpu.enqueue_indirect_dma source(%arg10 : memref<128x128xf32, #tpu.memory_space<vmem>>) target(%dma_start3A_152 : memref<10000x128xf32, #tpu.memory_space<vmem_shared>>) offsets(%dma_start3A_149 : memref<128xi32, #tpu.memory_space<vmem>>) semaphore(%run_scoped3A : memref<!tpu.dma_semaphore, #tpu.memory_space<semaphore_mem>>) {add = true}
          %dma_wait3A_153 = arith.constant 0 : i32
          %dma_wait3A_154 = tpu.memref_slice %arg8[%add3A_125, %dma_wait3A_153] : memref<40x128xi32, #tpu.memory_space<vmem>> -> memref<1x128xi32, #tpu.memory_space<vmem>>
          %dma_wait3A_155 = tpu.memref_squeeze %dma_wait3A_154 : memref<1x128xi32, #tpu.memory_space<vmem>> -> memref<128xi32, #tpu.memory_space<vmem>>
          %dma_wait3A_156 = arith.constant 0 : i32
          %dma_wait3A_157 = arith.constant 0 : i32
          %dma_wait3A_158 = tpu.memref_slice %arg11[%dma_wait3A_156, %dma_wait3A_157] : memref<10000x128xf32, #tpu.memory_space<vmem_shared>> -> memref<10000x128xf32, #tpu.memory_space<vmem_shared>>
          tpu.wait_indirect_dma semaphore(%run_scoped3A : memref<!tpu.dma_semaphore, #tpu.memory_space<semaphore_mem>>) src(%arg10 : memref<128x128xf32, #tpu.memory_space<vmem>>) dst(%dma_wait3A_158 : memref<10000x128xf32, #tpu.memory_space<vmem_shared>>)
          tpu.yield
        }) : () -> ()
        %while3A_146 = arith.constant 0 : i32
        scf.yield %while3A_146 : i32
      }
      %while3A_115 = arith.constant 1 : i32
      %while3A_116 = scf.for %while3A_118 = %while3A_112 to %while3A_108 step %while3A_115 iter_args(%while3A_119 = %while3A_114) -> (i32)  : i32 {
        %mul3A_120 = arith.constant 2 : i32
        %mul3A_121 = arith.muli %mul3A_120, %while3A_118 : i32
        %mul3A_122 = arith.constant 2 : i32
        %mul3A_123 = arith.muli %mul3A_122, %while3A_118 : i32
        %add3A_124 = arith.constant 1 : i32
        %add3A_125 = arith.addi %mul3A_123, %add3A_124 : i32
        %dma_start3A_126 = arith.constant 0 : i32
        %dma_start3A_127 = tpu.memref_slice %arg7[%add3A_125, %dma_start3A_126] : memref<40x128xi32, #tpu.memory_space<vmem>> -> memref<1x128xi32, #tpu.memory_space<vmem>>
        %dma_start3A_128 = tpu.memref_squeeze %dma_start3A_127 : memref<1x128xi32, #tpu.memory_space<vmem>> -> memref<128xi32, #tpu.memory_space<vmem>>
        %dma_start3A_129 = arith.constant 0 : i32
        %dma_start3A_130 = arith.constant 0 : i32
        %dma_start3A_131 = tpu.memref_slice %arg2[%dma_start3A_129, %dma_start3A_130] : memref<10000x128xf32, #tpu.memory_space<hbm>> -> memref<10000x128xf32, #tpu.memory_space<hbm>>
        tpu.enqueue_indirect_dma source(%dma_start3A_131 : memref<10000x128xf32, #tpu.memory_space<hbm>>) target(%arg10 : memref<128x128xf32, #tpu.memory_space<vmem>>) offsets(%dma_start3A_128 : memref<128xi32, #tpu.memory_space<vmem>>) semaphore(%arg13 : memref<!tpu.dma_semaphore, #tpu.memory_space<semaphore_mem>>)
        %dma_wait3A = arith.constant 0 : i32
        %dma_wait3A_132 = tpu.memref_slice %arg7[%mul3A_121, %dma_wait3A] : memref<40x128xi32, #tpu.memory_space<vmem>> -> memref<1x128xi32, #tpu.memory_space<vmem>>
        %dma_wait3A_133 = tpu.memref_squeeze %dma_wait3A_132 : memref<1x128xi32, #tpu.memory_space<vmem>> -> memref<128xi32, #tpu.memory_space<vmem>>
        %dma_wait3A_134 = arith.constant 0 : i32
        %dma_wait3A_135 = arith.constant 0 : i32
        %dma_wait3A_136 = tpu.memref_slice %arg2[%dma_wait3A_134, %dma_wait3A_135] : memref<10000x128xf32, #tpu.memory_space<hbm>> -> memref<10000x128xf32, #tpu.memory_space<hbm>>
        tpu.wait_indirect_dma semaphore(%arg12 : memref<!tpu.dma_semaphore, #tpu.memory_space<semaphore_mem>>) src(%dma_wait3A_136 : memref<10000x128xf32, #tpu.memory_space<hbm>>) dst(%arg9 : memref<128x128xf32, #tpu.memory_space<vmem>>)
        "tpu.region"() ({
          %run_scoped3A = tpu.sem_alloc : memref<!tpu.dma_semaphore, #tpu.memory_space<semaphore_mem>>
          %dma_start3A_147 = arith.constant 0 : i32
          %dma_start3A_148 = tpu.memref_slice %arg8[%mul3A_121, %dma_start3A_147] : memref<40x128xi32, #tpu.memory_space<vmem>> -> memref<1x128xi32, #tpu.memory_space<vmem>>
          %dma_start3A_149 = tpu.memref_squeeze %dma_start3A_148 : memref<1x128xi32, #tpu.memory_space<vmem>> -> memref<128xi32, #tpu.memory_space<vmem>>
          %dma_start3A_150 = arith.constant 0 : i32
          %dma_start3A_151 = arith.constant 0 : i32
          %dma_start3A_152 = tpu.memref_slice %arg11[%dma_start3A_150, %dma_start3A_151] : memref<10000x128xf32, #tpu.memory_space<vmem_shared>> -> memref<10000x128xf32, #tpu.memory_space<vmem_shared>>
          tpu.enqueue_indirect_dma source(%arg9 : memref<128x128xf32, #tpu.memory_space<vmem>>) target(%dma_start3A_152 : memref<10000x128xf32, #tpu.memory_space<vmem_shared>>) offsets(%dma_start3A_149 : memref<128xi32, #tpu.memory_space<vmem>>) semaphore(%run_scoped3A : memref<!tpu.dma_semaphore, #tpu.memory_space<semaphore_mem>>) {add = true}
          %dma_wait3A_153 = arith.constant 0 : i32
          %dma_wait3A_154 = tpu.memref_slice %arg8[%mul3A_121, %dma_wait3A_153] : memref<40x128xi32, #tpu.memory_space<vmem>> -> memref<1x128xi32, #tpu.memory_space<vmem>>
          %dma_wait3A_155 = tpu.memref_squeeze %dma_wait3A_154 : memref<1x128xi32, #tpu.memory_space<vmem>> -> memref<128xi32, #tpu.memory_space<vmem>>
          %dma_wait3A_156 = arith.constant 0 : i32
          %dma_wait3A_157 = arith.constant 0 : i32
          %dma_wait3A_158 = tpu.memref_slice %arg11[%dma_wait3A_156, %dma_wait3A_157] : memref<10000x128xf32, #tpu.memory_space<vmem_shared>> -> memref<10000x128xf32, #tpu.memory_space<vmem_shared>>
          tpu.wait_indirect_dma semaphore(%run_scoped3A : memref<!tpu.dma_semaphore, #tpu.memory_space<semaphore_mem>>) src(%arg9 : memref<128x128xf32, #tpu.memory_space<vmem>>) dst(%dma_wait3A_158 : memref<10000x128xf32, #tpu.memory_space<vmem_shared>>)
          tpu.yield
        }) : () -> ()
        %add3A_137 = arith.constant 1 : i32
        %add3A_138 = arith.addi %while3A_118, %add3A_137 : i32
        %lt3A = arith.cmpi slt, %add3A_138, %select_n3A_9 : i32
        %convert_element_type3A = arith.extui %lt3A : i1 to i32
        %cond3A = arith.constant 0 : i32
        %cond3A_139 = arith.cmpi ne, %convert_element_type3A, %cond3A : i32
        scf.if %cond3A_139 {
          %add3A_147 = arith.constant 2 : i32
          %add3A_148 = arith.addi %mul3A_121, %add3A_147 : i32
          %dma_start3A_149 = arith.constant 0 : i32
          %dma_start3A_150 = tpu.memref_slice %arg7[%add3A_148, %dma_start3A_149] : memref<40x128xi32, #tpu.memory_space<vmem>> -> memref<1x128xi32, #tpu.memory_space<vmem>>
          %dma_start3A_151 = tpu.memref_squeeze %dma_start3A_150 : memref<1x128xi32, #tpu.memory_space<vmem>> -> memref<128xi32, #tpu.memory_space<vmem>>
          %dma_start3A_152 = arith.constant 0 : i32
          %dma_start3A_153 = arith.constant 0 : i32
          %dma_start3A_154 = tpu.memref_slice %arg2[%dma_start3A_152, %dma_start3A_153] : memref<10000x128xf32, #tpu.memory_space<hbm>> -> memref<10000x128xf32, #tpu.memory_space<hbm>>
          tpu.enqueue_indirect_dma source(%dma_start3A_154 : memref<10000x128xf32, #tpu.memory_space<hbm>>) target(%arg9 : memref<128x128xf32, #tpu.memory_space<vmem>>) offsets(%dma_start3A_151 : memref<128xi32, #tpu.memory_space<vmem>>) semaphore(%arg12 : memref<!tpu.dma_semaphore, #tpu.memory_space<semaphore_mem>>)
        } else {
        }
        %dma_wait3A_140 = arith.constant 0 : i32
        %dma_wait3A_141 = tpu.memref_slice %arg7[%add3A_125, %dma_wait3A_140] : memref<40x128xi32, #tpu.memory_space<vmem>> -> memref<1x128xi32, #tpu.memory_space<vmem>>
        %dma_wait3A_142 = tpu.memref_squeeze %dma_wait3A_141 : memref<1x128xi32, #tpu.memory_space<vmem>> -> memref<128xi32, #tpu.memory_space<vmem>>
        %dma_wait3A_143 = arith.constant 0 : i32
        %dma_wait3A_144 = arith.constant 0 : i32
        %dma_wait3A_145 = tpu.memref_slice %arg2[%dma_wait3A_143, %dma_wait3A_144] : memref<10000x128xf32, #tpu.memory_space<hbm>> -> memref<10000x128xf32, #tpu.memory_space<hbm>>
        tpu.wait_indirect_dma semaphore(%arg13 : memref<!tpu.dma_semaphore, #tpu.memory_space<semaphore_mem>>) src(%dma_wait3A_145 : memref<10000x128xf32, #tpu.memory_space<hbm>>) dst(%arg10 : memref<128x128xf32, #tpu.memory_space<vmem>>)
        "tpu.region"() ({
          %run_scoped3A = tpu.sem_alloc : memref<!tpu.dma_semaphore, #tpu.memory_space<semaphore_mem>>
          %dma_start3A_147 = arith.constant 0 : i32
          %dma_start3A_148 = tpu.memref_slice %arg8[%add3A_125, %dma_start3A_147] : memref<40x128xi32, #tpu.memory_space<vmem>> -> memref<1x128xi32, #tpu.memory_space<vmem>>
          %dma_start3A_149 = tpu.memref_squeeze %dma_start3A_148 : memref<1x128xi32, #tpu.memory_space<vmem>> -> memref<128xi32, #tpu.memory_space<vmem>>
          %dma_start3A_150 = arith.constant 0 : i32
          %dma_start3A_151 = arith.constant 0 : i32
          %dma_start3A_152 = tpu.memref_slice %arg11[%dma_start3A_150, %dma_start3A_151] : memref<10000x128xf32, #tpu.memory_space<vmem_shared>> -> memref<10000x128xf32, #tpu.memory_space<vmem_shared>>
          tpu.enqueue_indirect_dma source(%arg10 : memref<128x128xf32, #tpu.memory_space<vmem>>) target(%dma_start3A_152 : memref<10000x128xf32, #tpu.memory_space<vmem_shared>>) offsets(%dma_start3A_149 : memref<128xi32, #tpu.memory_space<vmem>>) semaphore(%run_scoped3A : memref<!tpu.dma_semaphore, #tpu.memory_space<semaphore_mem>>) {add = true}
          %dma_wait3A_153 = arith.constant 0 : i32
          %dma_wait3A_154 = tpu.memref_slice %arg8[%add3A_125, %dma_wait3A_153] : memref<40x128xi32, #tpu.memory_space<vmem>> -> memref<1x128xi32, #tpu.memory_space<vmem>>
          %dma_wait3A_155 = tpu.memref_squeeze %dma_wait3A_154 : memref<1x128xi32, #tpu.memory_space<vmem>> -> memref<128xi32, #tpu.memory_space<vmem>>
          %dma_wait3A_156 = arith.constant 0 : i32
          %dma_wait3A_157 = arith.constant 0 : i32
          %dma_wait3A_158 = tpu.memref_slice %arg11[%dma_wait3A_156, %dma_wait3A_157] : memref<10000x128xf32, #tpu.memory_space<vmem_shared>> -> memref<10000x128xf32, #tpu.memory_space<vmem_shared>>
          tpu.wait_indirect_dma semaphore(%run_scoped3A : memref<!tpu.dma_semaphore, #tpu.memory_space<semaphore_mem>>) src(%arg10 : memref<128x128xf32, #tpu.memory_space<vmem>>) dst(%dma_wait3A_158 : memref<10000x128xf32, #tpu.memory_space<vmem_shared>>)
          tpu.yield
        }) : () -> ()
        %while3A_146 = arith.constant 0 : i32
        scf.yield %while3A_146 : i32
      }
      %while3A_117 = arith.constant 0 : i32
      scf.yield %while3A_117 : i32
    }
    %barrier3A_56 = arith.constant 0 : index
    tpu.barrier barrier_id(%barrier3A_56)
    %jit3A_57 = arith.constant 80 : i32
    %div3A_58 = arith.divsi %min3A_13, %jit3A_57 : i32
    %sign3A_59 = arith.constant 0 : i32
    %sign3A_60 = arith.cmpi sgt, %min3A_13, %sign3A_59 : i32
    %sign3A_61 = arith.extui %sign3A_60 : i1 to i32
    %sign3A_62 = arith.constant 0 : i32
    %sign3A_63 = arith.cmpi slt, %min3A_13, %sign3A_62 : i32
    %sign3A_64 = arith.extui %sign3A_63 : i1 to i32
    %sign3A_65 = arith.subi %sign3A_61, %sign3A_64 : i32
    %sign3A_66 = arith.constant 0 : i32
    %sign3A_67 = arith.cmpi sgt, %jit3A_57, %sign3A_66 : i32
    %sign3A_68 = arith.extui %sign3A_67 : i1 to i32
    %sign3A_69 = arith.constant 0 : i32
    %sign3A_70 = arith.cmpi slt, %jit3A_57, %sign3A_69 : i32
    %sign3A_71 = arith.extui %sign3A_70 : i1 to i32
    %sign3A_72 = arith.subi %sign3A_68, %sign3A_71 : i32
    %ne3A_73 = arith.cmpi ne, %sign3A_65, %sign3A_72 : i32
    %rem3A_74 = arith.remsi %min3A_13, %jit3A_57 : i32
    %ne3A_75 = arith.constant 0 : i32
    %ne3A_76 = arith.cmpi ne, %rem3A_74, %ne3A_75 : i32
    %and3A_77 = arith.andi %ne3A_73, %ne3A_76 : i1
    %sub3A_78 = arith.constant 1 : i32
    %sub3A_79 = arith.subi %div3A_58, %sub3A_78 : i32
    %select_n3A_80 = arith.select %and3A_77, %sub3A_79, %div3A_58 : i32
    %while3A_81 = arith.constant 0 : i32
    %while3A_82 = arith.constant 0 : i32
    %while3A_83 = arith.subi %select_n3A_80, %while3A_81 : i32
    %while3A_84 = arith.addi %while3A_81, %while3A_83 : i32
    %while3A_85 = arith.constant 1 : i32
    %while3A_86 = arith.divsi %while3A_83, %while3A_85 : i32
    %while3A_87 = arith.muli %while3A_86, %while3A_85 : i32
    %while3A_88 = arith.addi %while3A_81, %while3A_87 : i32
    %while3A_89 = arith.constant 1 : i32
    %while3A_90 = scf.for %while3A_93 = %while3A_81 to %while3A_88 step %while3A_89 iter_args(%while3A_94 = %while3A_82) -> (i32)  : i32 {
      %mul3A_95 = arith.constant 80 : i32
      %mul3A_96 = arith.muli %while3A_93, %mul3A_95 : i32
      %add3A_97 = arith.addi %mul3A_11, %mul3A_96 : i32
      %multiple_of3A_98 = tpu.assume_multiple %add3A_97, 8 : i32
      "tpu.region"() ({
        %run_scoped3A = tpu.sem_alloc : memref<!tpu.dma_semaphore, #tpu.memory_space<semaphore_mem>>
        %dma_start3A = arith.constant 0 : i32
        %dma_start3A_100 = tpu.memref_slice %arg6[%arg0, %multiple_of3A_98, %dma_start3A] : memref<2x10000x128xf32, #tpu.memory_space<hbm>> -> memref<1x80x128xf32, #tpu.memory_space<hbm>>
        %dma_start3A_101 = tpu.memref_squeeze %dma_start3A_100 : memref<1x80x128xf32, #tpu.memory_space<hbm>> -> memref<80x128xf32, #tpu.memory_space<hbm>>
        %dma_start3A_102 = arith.constant 0 : i32
        %dma_start3A_103 = tpu.memref_slice %arg11[%multiple_of3A_98, %dma_start3A_102] : memref<10000x128xf32, #tpu.memory_space<vmem_shared>> -> memref<80x128xf32, #tpu.memory_space<vmem_shared>>
        tpu.enqueue_dma source(%dma_start3A_103 : memref<80x128xf32, #tpu.memory_space<vmem_shared>>) target(%dma_start3A_101 : memref<80x128xf32, #tpu.memory_space<hbm>>) target_semaphore(%run_scoped3A : memref<!tpu.dma_semaphore, #tpu.memory_space<semaphore_mem>>)
        %dma_wait3A = arith.constant 0 : i32
        %dma_wait3A_104 = tpu.memref_slice %arg6[%arg0, %multiple_of3A_98, %dma_wait3A] : memref<2x10000x128xf32, #tpu.memory_space<hbm>> -> memref<1x80x128xf32, #tpu.memory_space<hbm>>
        %dma_wait3A_105 = tpu.memref_squeeze %dma_wait3A_104 : memref<1x80x128xf32, #tpu.memory_space<hbm>> -> memref<80x128xf32, #tpu.memory_space<hbm>>
        %dma_wait3A_106 = arith.constant 0 : i32
        %dma_wait3A_107 = tpu.memref_slice %arg11[%multiple_of3A_98, %dma_wait3A_106] : memref<10000x128xf32, #tpu.memory_space<vmem_shared>> -> memref<80x128xf32, #tpu.memory_space<vmem_shared>>
        tpu.wait_dma2 semaphore(%run_scoped3A : memref<!tpu.dma_semaphore, #tpu.memory_space<semaphore_mem>>) src(%dma_wait3A_107 : memref<80x128xf32, #tpu.memory_space<vmem_shared>>) dst(%dma_wait3A_105 : memref<80x128xf32, #tpu.memory_space<hbm>>)
        tpu.yield
      }) : () -> ()
      %while3A_99 = arith.constant 0 : i32
      scf.yield %while3A_99 : i32
    }
    %while3A_91 = arith.constant 1 : i32
    %while3A_92 = scf.for %while3A_93 = %while3A_88 to %while3A_84 step %while3A_91 iter_args(%while3A_94 = %while3A_90) -> (i32)  : i32 {
      %mul3A_95 = arith.constant 80 : i32
      %mul3A_96 = arith.muli %while3A_93, %mul3A_95 : i32
      %add3A_97 = arith.addi %mul3A_11, %mul3A_96 : i32
      %multiple_of3A_98 = tpu.assume_multiple %add3A_97, 8 : i32
      "tpu.region"() ({
        %run_scoped3A = tpu.sem_alloc : memref<!tpu.dma_semaphore, #tpu.memory_space<semaphore_mem>>
        %dma_start3A = arith.constant 0 : i32
        %dma_start3A_100 = tpu.memref_slice %arg6[%arg0, %multiple_of3A_98, %dma_start3A] : memref<2x10000x128xf32, #tpu.memory_space<hbm>> -> memref<1x80x128xf32, #tpu.memory_space<hbm>>
        %dma_start3A_101 = tpu.memref_squeeze %dma_start3A_100 : memref<1x80x128xf32, #tpu.memory_space<hbm>> -> memref<80x128xf32, #tpu.memory_space<hbm>>
        %dma_start3A_102 = arith.constant 0 : i32
        %dma_start3A_103 = tpu.memref_slice %arg11[%multiple_of3A_98, %dma_start3A_102] : memref<10000x128xf32, #tpu.memory_space<vmem_shared>> -> memref<80x128xf32, #tpu.memory_space<vmem_shared>>
        tpu.enqueue_dma source(%dma_start3A_103 : memref<80x128xf32, #tpu.memory_space<vmem_shared>>) target(%dma_start3A_101 : memref<80x128xf32, #tpu.memory_space<hbm>>) target_semaphore(%run_scoped3A : memref<!tpu.dma_semaphore, #tpu.memory_space<semaphore_mem>>)
        %dma_wait3A = arith.constant 0 : i32
        %dma_wait3A_104 = tpu.memref_slice %arg6[%arg0, %multiple_of3A_98, %dma_wait3A] : memref<2x10000x128xf32, #tpu.memory_space<hbm>> -> memref<1x80x128xf32, #tpu.memory_space<hbm>>
        %dma_wait3A_105 = tpu.memref_squeeze %dma_wait3A_104 : memref<1x80x128xf32, #tpu.memory_space<hbm>> -> memref<80x128xf32, #tpu.memory_space<hbm>>
        %dma_wait3A_106 = arith.constant 0 : i32
        %dma_wait3A_107 = tpu.memref_slice %arg11[%multiple_of3A_98, %dma_wait3A_106] : memref<10000x128xf32, #tpu.memory_space<vmem_shared>> -> memref<80x128xf32, #tpu.memory_space<vmem_shared>>
        tpu.wait_dma2 semaphore(%run_scoped3A : memref<!tpu.dma_semaphore, #tpu.memory_space<semaphore_mem>>) src(%dma_wait3A_107 : memref<80x128xf32, #tpu.memory_space<vmem_shared>>) dst(%dma_wait3A_105 : memref<80x128xf32, #tpu.memory_space<hbm>>)
        tpu.yield
      }) : () -> ()
      %while3A_99 = arith.constant 0 : i32
      scf.yield %while3A_99 : i32
    }
    return
  }
}

module attributes {stable_mosaic.version = 14 : i64} {
  func.func @_tc0_body(%arg0: i32, %arg1: memref<8000x16xf32, #tpu.memory_space<vmem>>, %arg2: memref<16x128xf32, #tpu.memory_space<vmem>>, %arg3: memref<1x128xf32, #tpu.memory_space<vmem>>, %arg4: memref<8000x128xf32, #tpu.memory_space<vmem>>) attributes {dimension_semantics = [#tpu.dimension_semantics<parallel>], iteration_bounds = array<i64: 40>, scalar_prefetch = 0 : i64, scratch_operands = 0 : i64, tpu.core_type = #tpu.core_type<tc>, window_params = [{transform_indices = @transform_0, window_bounds = array<i64: 8000, 16>}, {pipeline_mode = #tpu.pipeline_mode<synchronous>, transform_indices = @transform_1, window_bounds = array<i64: 16, 128>}, {pipeline_mode = #tpu.pipeline_mode<synchronous>, transform_indices = @transform_2, window_bounds = array<i64: 1, 128>}, {transform_indices = @transform_3, window_bounds = array<i64: 8000, 128>}]} {
    %get3A = arith.constant 0 : index
    %get3A_0 = arith.constant 0 : index
    %get3A_1 = vector.load %arg1[%get3A, %get3A_0] : memref<8000x16xf32, #tpu.memory_space<vmem>>, vector<8000x16xf32>
    %get3A_2 = arith.constant 0 : index
    %get3A_3 = arith.constant 0 : index
    %get3A_4 = vector.load %arg2[%get3A_2, %get3A_3] : memref<16x128xf32, #tpu.memory_space<vmem>>, vector<16x128xf32>
    %dot_general3A = arith.constant dense<0.000000e+00> : vector<8000x128xf32>
    %dot_general3A_5 = tpu.matmul %get3A_1, %get3A_4, %dot_general3A {dimension_numbers = #tpu.dot_dimension_numbers<[1], [0], [0], [1], [0, 0, 1, 1], [], []>, transpose_lhs_hint = false} : vector<8000x16xf32>, vector<16x128xf32>, vector<8000x128xf32> -> vector<8000x128xf32>
    %get3A_6 = arith.constant 0 : index
    %get3A_7 = arith.constant 0 : index
    %get3A_8 = vector.load %arg3[%get3A_6, %get3A_7] : memref<1x128xf32, #tpu.memory_space<vmem>>, vector<1x128xf32>
    %add3A = vector.broadcast %get3A_8 : vector<1x128xf32> to vector<8000x128xf32>
    %add3A_9 = arith.addf %dot_general3A_5, %add3A : vector<8000x128xf32>
    %swap3A = arith.constant 0 : index
    %swap3A_10 = arith.constant 0 : index
    %swap3A_11 = vector.load %arg4[%swap3A, %swap3A_10] : memref<8000x128xf32, #tpu.memory_space<vmem>>, vector<8000x128xf32>
    tpu.vector_store %arg4[%swap3A, %swap3A_10], %add3A_9 {strides = array<i32>} : memref<8000x128xf32, #tpu.memory_space<vmem>>, vector<8000x128xf32>,
    return
  }
  func.func @transform_0(%arg0: i32) -> (i32, i32) {
    %c0_i32 = arith.constant 0 : i32
    %c0_i32_0 = arith.constant 0 : i32
    return %arg0, %c0_i32 : i32, i32
  }
  func.func @transform_1(%arg0: i32) -> (i32, i32) {
    %c0_i32 = arith.constant 0 : i32
    %c0_i32_0 = arith.constant 0 : i32
    %c0_i32_1 = arith.constant 0 : i32
    return %c0_i32, %c0_i32_0 : i32, i32
  }
  func.func @transform_2(%arg0: i32) -> (i32, i32) {
    %c0_i32 = arith.constant 0 : i32
    %c0_i32_0 = arith.constant 0 : i32
    %c0_i32_1 = arith.constant 0 : i32
    return %c0_i32, %c0_i32_0 : i32, i32
  }
  func.func @transform_3(%arg0: i32) -> (i32, i32) {
    %c0_i32 = arith.constant 0 : i32
    %c0_i32_0 = arith.constant 0 : i32
    return %arg0, %c0_i32 : i32, i32
  }
}

module attributes {stable_mosaic.version = 14 : i64} {
  func.func @_tc1_body(%arg0: i32, %arg1: memref<1000x128xf32, #tpu.memory_space<vmem>>, %arg2: memref<2x1000x128xf32, #tpu.memory_space<vmem>>, %arg3: memref<128x128xf32, #tpu.memory_space<vmem>>, %arg4: memref<1x128xf32, #tpu.memory_space<vmem>>, %arg5: memref<1000x128xf32, #tpu.memory_space<vmem>>, %arg6: memref<1000x128xf32, #tpu.memory_space<vmem>>) attributes {dimension_semantics = [#tpu.dimension_semantics<parallel>], iteration_bounds = array<i64: 10>, scalar_prefetch = 0 : i64, scratch_operands = 0 : i64, tpu.core_type = #tpu.core_type<tc>, window_params = [{transform_indices = @transform_0, window_bounds = array<i64: 1000, 128>}, {transform_indices = @transform_1, window_bounds = array<i64: 2, 1000, 128>}, {pipeline_mode = #tpu.pipeline_mode<synchronous>, transform_indices = @transform_2, window_bounds = array<i64: 128, 128>}, {pipeline_mode = #tpu.pipeline_mode<synchronous>, transform_indices = @transform_3, window_bounds = array<i64: 1, 128>}, {transform_indices = @transform_4, window_bounds = array<i64: 1000, 128>}, {transform_indices = @transform_5, window_bounds = array<i64: 1000, 128>}]} {
    %get3A = arith.constant 0 : index
    %get3A_0 = arith.constant 0 : index
    %get3A_1 = arith.constant 0 : index
    %get3A_2 = vector.load %arg2[%get3A, %get3A_0, %get3A_1] : memref<2x1000x128xf32, #tpu.memory_space<vmem>>, vector<1x1000x128xf32>
    %get3A_3 = vector.shape_cast %get3A_2 : vector<1x1000x128xf32> to vector<1000x128xf32>
    %get3A_4 = arith.constant 1 : index
    %get3A_5 = arith.constant 0 : index
    %get3A_6 = arith.constant 0 : index
    %get3A_7 = vector.load %arg2[%get3A_4, %get3A_5, %get3A_6] : memref<2x1000x128xf32, #tpu.memory_space<vmem>>, vector<1x1000x128xf32>
    %get3A_8 = vector.shape_cast %get3A_7 : vector<1x1000x128xf32> to vector<1000x128xf32>
    %add3A = arith.addf %get3A_3, %get3A_8 : vector<1000x128xf32>
    %get3A_9 = arith.constant 0 : index
    %get3A_10 = arith.constant 0 : index
    %get3A_11 = vector.load %arg1[%get3A_9, %get3A_10] : memref<1000x128xf32, #tpu.memory_space<vmem>>, vector<1000x128xf32>
    %get3A_12 = arith.constant 0 : index
    %get3A_13 = arith.constant 0 : index
    %get3A_14 = vector.load %arg3[%get3A_12, %get3A_13] : memref<128x128xf32, #tpu.memory_space<vmem>>, vector<128x128xf32>
    %dot_general3A = arith.constant dense<0.000000e+00> : vector<1000x128xf32>
    %dot_general3A_15 = tpu.matmul %get3A_11, %get3A_14, %dot_general3A {dimension_numbers = #tpu.dot_dimension_numbers<[1], [0], [0], [1], [0, 0, 1, 1], [], []>, transpose_lhs_hint = false} : vector<1000x128xf32>, vector<128x128xf32>, vector<1000x128xf32> -> vector<1000x128xf32>
    %add3A_16 = arith.addf %dot_general3A_15, %add3A : vector<1000x128xf32>
    %get3A_17 = arith.constant 0 : index
    %get3A_18 = arith.constant 0 : index
    %get3A_19 = vector.load %arg4[%get3A_17, %get3A_18] : memref<1x128xf32, #tpu.memory_space<vmem>>, vector<1x128xf32>
    %add3A_20 = vector.broadcast %get3A_19 : vector<1x128xf32> to vector<1000x128xf32>
    %add3A_21 = arith.addf %add3A_16, %add3A_20 : vector<1000x128xf32>
    %swap3A = arith.constant 0 : index
    %swap3A_22 = arith.constant 0 : index
    %swap3A_23 = vector.load %arg5[%swap3A, %swap3A_22] : memref<1000x128xf32, #tpu.memory_space<vmem>>, vector<1000x128xf32>
    tpu.vector_store %arg5[%swap3A, %swap3A_22], %add3A_21 {strides = array<i32>} : memref<1000x128xf32, #tpu.memory_space<vmem>>, vector<1000x128xf32>,
    %max3A = arith.constant 0.000000e+00 : f32
    %max3A_24 = vector.broadcast %max3A : f32 to vector<1000x128xf32>
    %max3A_25 = arith.maximumf %add3A_21, %max3A_24 : vector<1000x128xf32>
    %swap3A_26 = arith.constant 0 : index
    %swap3A_27 = arith.constant 0 : index
    %swap3A_28 = vector.load %arg6[%swap3A_26, %swap3A_27] : memref<1000x128xf32, #tpu.memory_space<vmem>>, vector<1000x128xf32>
    tpu.vector_store %arg6[%swap3A_26, %swap3A_27], %max3A_25 {strides = array<i32>} : memref<1000x128xf32, #tpu.memory_space<vmem>>, vector<1000x128xf32>,
    return
  }
  func.func @transform_0(%arg0: i32) -> (i32, i32) {
    %c0_i32 = arith.constant 0 : i32
    %c0_i32_0 = arith.constant 0 : i32
    return %arg0, %c0_i32 : i32, i32
  }
  func.func @transform_1(%arg0: i32) -> (i32, i32, i32) {
    %c0_i32 = arith.constant 0 : i32
    %c0_i32_0 = arith.constant 0 : i32
    %c0_i32_1 = arith.constant 0 : i32
    return %c0_i32, %arg0, %c0_i32_0 : i32, i32, i32
  }
  func.func @transform_2(%arg0: i32) -> (i32, i32) {
    %c0_i32 = arith.constant 0 : i32
    %c0_i32_0 = arith.constant 0 : i32
    %c0_i32_1 = arith.constant 0 : i32
    return %c0_i32, %c0_i32_0 : i32, i32
  }
  func.func @transform_3(%arg0: i32) -> (i32, i32) {
    %c0_i32 = arith.constant 0 : i32
    %c0_i32_0 = arith.constant 0 : i32
    %c0_i32_1 = arith.constant 0 : i32
    return %c0_i32, %c0_i32_0 : i32, i32
  }
  func.func @transform_4(%arg0: i32) -> (i32, i32) {
    %c0_i32 = arith.constant 0 : i32
    %c0_i32_0 = arith.constant 0 : i32
    return %arg0, %c0_i32 : i32, i32
  }
  func.func @transform_5(%arg0: i32) -> (i32, i32) {
    %c0_i32 = arith.constant 0 : i32
    %c0_i32_0 = arith.constant 0 : i32
    return %arg0, %c0_i32 : i32, i32
  }
}

module attributes {stable_mosaic.version = 14 : i64} {
  func.func @_tc2_body(%arg0: i32, %arg1: memref<2x1000x128xf32, #tpu.memory_space<vmem>>, %arg2: memref<1000x128xf32, #tpu.memory_space<vmem>>, %arg3: memref<128x128xf32, #tpu.memory_space<vmem>>, %arg4: memref<1x128xf32, #tpu.memory_space<vmem>>, %arg5: memref<1000x128xf32, #tpu.memory_space<vmem>>) attributes {dimension_semantics = [#tpu.dimension_semantics<parallel>], iteration_bounds = array<i64: 10>, scalar_prefetch = 0 : i64, scratch_operands = 0 : i64, tpu.core_type = #tpu.core_type<tc>, window_params = [{transform_indices = @transform_0, window_bounds = array<i64: 2, 1000, 128>}, {transform_indices = @transform_1, window_bounds = array<i64: 1000, 128>}, {pipeline_mode = #tpu.pipeline_mode<synchronous>, transform_indices = @transform_2, window_bounds = array<i64: 128, 128>}, {pipeline_mode = #tpu.pipeline_mode<synchronous>, transform_indices = @transform_3, window_bounds = array<i64: 1, 128>}, {transform_indices = @transform_4, window_bounds = array<i64: 1000, 128>}]} {
    %get3A = arith.constant 0 : index
    %get3A_0 = arith.constant 0 : index
    %get3A_1 = arith.constant 0 : index
    %get3A_2 = vector.load %arg1[%get3A, %get3A_0, %get3A_1] : memref<2x1000x128xf32, #tpu.memory_space<vmem>>, vector<1x1000x128xf32>
    %get3A_3 = vector.shape_cast %get3A_2 : vector<1x1000x128xf32> to vector<1000x128xf32>
    %get3A_4 = arith.constant 1 : index
    %get3A_5 = arith.constant 0 : index
    %get3A_6 = arith.constant 0 : index
    %get3A_7 = vector.load %arg1[%get3A_4, %get3A_5, %get3A_6] : memref<2x1000x128xf32, #tpu.memory_space<vmem>>, vector<1x1000x128xf32>
    %get3A_8 = vector.shape_cast %get3A_7 : vector<1x1000x128xf32> to vector<1000x128xf32>
    %add3A = arith.addf %get3A_3, %get3A_8 : vector<1000x128xf32>
    %get3A_9 = arith.constant 0 : index
    %get3A_10 = arith.constant 0 : index
    %get3A_11 = vector.load %arg3[%get3A_9, %get3A_10] : memref<128x128xf32, #tpu.memory_space<vmem>>, vector<128x128xf32>
    %dot_general3A = arith.constant dense<0.000000e+00> : vector<1000x128xf32>
    %dot_general3A_12 = tpu.matmul %add3A, %get3A_11, %dot_general3A {dimension_numbers = #tpu.dot_dimension_numbers<[1], [0], [0], [1], [0, 0, 1, 1], [], []>, transpose_lhs_hint = false} : vector<1000x128xf32>, vector<128x128xf32>, vector<1000x128xf32> -> vector<1000x128xf32>
    %get3A_13 = arith.constant 0 : index
    %get3A_14 = arith.constant 0 : index
    %get3A_15 = vector.load %arg4[%get3A_13, %get3A_14] : memref<1x128xf32, #tpu.memory_space<vmem>>, vector<1x128xf32>
    %add3A_16 = vector.broadcast %get3A_15 : vector<1x128xf32> to vector<1000x128xf32>
    %add3A_17 = arith.addf %dot_general3A_12, %add3A_16 : vector<1000x128xf32>
    %get3A_18 = arith.constant 0 : index
    %get3A_19 = arith.constant 0 : index
    %get3A_20 = vector.load %arg2[%get3A_18, %get3A_19] : memref<1000x128xf32, #tpu.memory_space<vmem>>, vector<1000x128xf32>
    %add3A_21 = arith.addf %add3A_17, %get3A_20 : vector<1000x128xf32>
    %max3A = arith.constant 0.000000e+00 : f32
    %max3A_22 = vector.broadcast %max3A : f32 to vector<1000x128xf32>
    %max3A_23 = arith.maximumf %add3A_21, %max3A_22 : vector<1000x128xf32>
    %swap3A = arith.constant 0 : index
    %swap3A_24 = arith.constant 0 : index
    %swap3A_25 = vector.load %arg5[%swap3A, %swap3A_24] : memref<1000x128xf32, #tpu.memory_space<vmem>>, vector<1000x128xf32>
    tpu.vector_store %arg5[%swap3A, %swap3A_24], %max3A_23 {strides = array<i32>} : memref<1000x128xf32, #tpu.memory_space<vmem>>, vector<1000x128xf32>,
    return
  }
  func.func @transform_0(%arg0: i32) -> (i32, i32, i32) {
    %c0_i32 = arith.constant 0 : i32
    %c0_i32_0 = arith.constant 0 : i32
    %c0_i32_1 = arith.constant 0 : i32
    return %c0_i32, %arg0, %c0_i32_0 : i32, i32, i32
  }
  func.func @transform_1(%arg0: i32) -> (i32, i32) {
    %c0_i32 = arith.constant 0 : i32
    %c0_i32_0 = arith.constant 0 : i32
    return %arg0, %c0_i32 : i32, i32
  }
  func.func @transform_2(%arg0: i32) -> (i32, i32) {
    %c0_i32 = arith.constant 0 : i32
    %c0_i32_0 = arith.constant 0 : i32
    %c0_i32_1 = arith.constant 0 : i32
    return %c0_i32, %c0_i32_0 : i32, i32
  }
  func.func @transform_3(%arg0: i32) -> (i32, i32) {
    %c0_i32 = arith.constant 0 : i32
    %c0_i32_0 = arith.constant 0 : i32
    %c0_i32_1 = arith.constant 0 : i32
    return %c0_i32, %c0_i32_0 : i32, i32
  }
  func.func @transform_4(%arg0: i32) -> (i32, i32) {
    %c0_i32 = arith.constant 0 : i32
    %c0_i32_0 = arith.constant 0 : i32
    return %arg0, %c0_i32 : i32, i32
  }
}

module attributes {stable_mosaic.version = 14 : i64} {
  func.func @_tc3_body(%arg0: i32, %arg1: memref<1000x128xf32, #tpu.memory_space<vmem>>, %arg2: memref<1x1x1000xi32, #tpu.memory_space<vmem>>, %arg3: memref<128x128xf32, #tpu.memory_space<vmem>>, %arg4: memref<1x128xf32, #tpu.memory_space<vmem>>, %arg5: memref<1000x128xf32, #tpu.memory_space<vmem>>, %arg6: memref<100x128xf32, #tpu.memory_space<vmem>>) attributes {dimension_semantics = [#tpu.dimension_semantics<arbitrary>], iteration_bounds = array<i64: 10>, scalar_prefetch = 0 : i64, scratch_operands = 0 : i64, tpu.core_type = #tpu.core_type<tc>, window_params = [{transform_indices = @transform_0, window_bounds = array<i64: 1000, 128>}, {transform_indices = @transform_1, window_bounds = array<i64: 1, 1, 1000>}, {pipeline_mode = #tpu.pipeline_mode<synchronous>, transform_indices = @transform_2, window_bounds = array<i64: 128, 128>}, {pipeline_mode = #tpu.pipeline_mode<synchronous>, transform_indices = @transform_3, window_bounds = array<i64: 1, 128>}, {transform_indices = @transform_4, window_bounds = array<i64: 1000, 128>}, {pipeline_mode = #tpu.pipeline_mode<synchronous>, transform_indices = @transform_5, window_bounds = array<i64: 100, 128>}]} {
    %get3A = arith.constant 0 : index
    %get3A_0 = arith.constant 0 : index
    %get3A_1 = vector.load %arg1[%get3A, %get3A_0] : memref<1000x128xf32, #tpu.memory_space<vmem>>, vector<1000x128xf32>
    %get3A_2 = arith.constant 0 : index
    %get3A_3 = arith.constant 0 : index
    %get3A_4 = vector.load %arg3[%get3A_2, %get3A_3] : memref<128x128xf32, #tpu.memory_space<vmem>>, vector<128x128xf32>
    %dot_general3A = arith.constant dense<0.000000e+00> : vector<1000x128xf32>
    %dot_general3A_5 = tpu.matmul %get3A_1, %get3A_4, %dot_general3A {dimension_numbers = #tpu.dot_dimension_numbers<[1], [0], [0], [1], [0, 0, 1, 1], [], []>, transpose_lhs_hint = false} : vector<1000x128xf32>, vector<128x128xf32>, vector<1000x128xf32> -> vector<1000x128xf32>
    %get3A_6 = arith.constant 0 : index
    %get3A_7 = arith.constant 0 : index
    %get3A_8 = vector.load %arg4[%get3A_6, %get3A_7] : memref<1x128xf32, #tpu.memory_space<vmem>>, vector<1x128xf32>
    %add3A = vector.broadcast %get3A_8 : vector<1x128xf32> to vector<1000x128xf32>
    %add3A_9 = arith.addf %dot_general3A_5, %add3A : vector<1000x128xf32>
    %max3A = arith.constant 0.000000e+00 : f32
    %max3A_10 = vector.broadcast %max3A : f32 to vector<1000x128xf32>
    %max3A_11 = arith.maximumf %add3A_9, %max3A_10 : vector<1000x128xf32>
    %swap3A = arith.constant 0 : index
    %swap3A_12 = arith.constant 0 : index
    %swap3A_13 = vector.load %arg5[%swap3A, %swap3A_12] : memref<1000x128xf32, #tpu.memory_space<vmem>>, vector<1000x128xf32>
    tpu.vector_store %arg5[%swap3A, %swap3A_12], %max3A_11 {strides = array<i32>} : memref<1000x128xf32, #tpu.memory_space<vmem>>, vector<1000x128xf32>,
    %get3A_14 = arith.constant 0 : index
    %get3A_15 = arith.constant 0 : index
    %get3A_16 = arith.constant 0 : index
    %get3A_17 = vector.load %arg2[%get3A_14, %get3A_15, %get3A_16] : memref<1x1x1000xi32, #tpu.memory_space<vmem>>, vector<1x1x1000xi32>
    %get3A_18 = vector.shape_cast %get3A_17 : vector<1x1x1000xi32> to vector<1x1000xi32>
    %iota3A = tpu.iota {dimensions = array<i32: 0>} : vector<100x1000xi32>
    %eq3A = vector.broadcast %get3A_18 : vector<1x1000xi32> to vector<100x1000xi32>
    %eq3A_19 = arith.cmpi eq, %iota3A, %eq3A : vector<100x1000xi32>
    %convert_element_type3A = arith.extui %eq3A_19 : vector<100x1000xi1> to vector<100x1000xi32>
    %convert_element_type3A_20 = arith.sitofp %convert_element_type3A : vector<100x1000xi32> to vector<100x1000xf32>
    %dot_general3A_21 = arith.constant dense<0.000000e+00> : vector<100x128xf32>
    %dot_general3A_22 = tpu.matmul %convert_element_type3A_20, %max3A_11, %dot_general3A_21 {dimension_numbers = #tpu.dot_dimension_numbers<[1], [0], [0], [1], [0, 0, 1, 1], [], []>, transpose_lhs_hint = false} : vector<100x1000xf32>, vector<1000x128xf32>, vector<100x128xf32> -> vector<100x128xf32>
    %eq3A_23 = arith.constant 0 : i32
    %eq3A_24 = arith.cmpi eq, %arg0, %eq3A_23 : i32
    %convert_element_type3A_25 = arith.extui %eq3A_24 : i1 to i32
    %cond3A = arith.constant 0 : i32
    %cond3A_26 = arith.cmpi ne, %convert_element_type3A_25, %cond3A : i32
    scf.if %cond3A_26 {
      %broadcast_in_dim3A = arith.constant 0.000000e+00 : f32
      %broadcast_in_dim3A_39 = vector.broadcast %broadcast_in_dim3A : f32 to vector<100x128xf32>
      %swap3A_40 = arith.constant 0 : index
      %swap3A_41 = arith.constant 0 : index
      %swap3A_42 = vector.load %arg6[%swap3A_40, %swap3A_41] : memref<100x128xf32, #tpu.memory_space<vmem>>, vector<100x128xf32>
      tpu.vector_store %arg6[%swap3A_40, %swap3A_41], %broadcast_in_dim3A_39 {strides = array<i32>} : memref<100x128xf32, #tpu.memory_space<vmem>>, vector<100x128xf32>,
    } else {
    }
    %get3A_27 = arith.constant 0 : index
    %get3A_28 = arith.constant 0 : index
    %get3A_29 = vector.load %arg6[%get3A_27, %get3A_28] : memref<100x128xf32, #tpu.memory_space<vmem>>, vector<100x128xf32>
    %add3A_30 = arith.addf %get3A_29, %dot_general3A_22 : vector<100x128xf32>
    %eq3A_31 = arith.constant 9 : i32
    %eq3A_32 = arith.cmpi eq, %arg0, %eq3A_31 : i32
    %max3A_33 = arith.constant 0.000000e+00 : f32
    %max3A_34 = vector.broadcast %max3A_33 : f32 to vector<100x128xf32>
    %max3A_35 = arith.maximumf %add3A_30, %max3A_34 : vector<100x128xf32>
    %select_n3A = arith.select %eq3A_32, %max3A_35, %add3A_30 : vector<100x128xf32>
    %swap3A_36 = arith.constant 0 : index
    %swap3A_37 = arith.constant 0 : index
    %swap3A_38 = vector.load %arg6[%swap3A_36, %swap3A_37] : memref<100x128xf32, #tpu.memory_space<vmem>>, vector<100x128xf32>
    tpu.vector_store %arg6[%swap3A_36, %swap3A_37], %select_n3A {strides = array<i32>} : memref<100x128xf32, #tpu.memory_space<vmem>>, vector<100x128xf32>,
    return
  }
  func.func @transform_0(%arg0: i32) -> (i32, i32) {
    %c0_i32 = arith.constant 0 : i32
    %c0_i32_0 = arith.constant 0 : i32
    return %arg0, %c0_i32 : i32, i32
  }
  func.func @transform_1(%arg0: i32) -> (i32, i32, i32) {
    %c0_i32 = arith.constant 0 : i32
    %c0_i32_0 = arith.constant 0 : i32
    %c0_i32_1 = arith.constant 0 : i32
    return %arg0, %c0_i32, %c0_i32_0 : i32, i32, i32
  }
  func.func @transform_2(%arg0: i32) -> (i32, i32) {
    %c0_i32 = arith.constant 0 : i32
    %c0_i32_0 = arith.constant 0 : i32
    %c0_i32_1 = arith.constant 0 : i32
    return %c0_i32, %c0_i32_0 : i32, i32
  }
  func.func @transform_3(%arg0: i32) -> (i32, i32) {
    %c0_i32 = arith.constant 0 : i32
    %c0_i32_0 = arith.constant 0 : i32
    %c0_i32_1 = arith.constant 0 : i32
    return %c0_i32, %c0_i32_0 : i32, i32
  }
  func.func @transform_4(%arg0: i32) -> (i32, i32) {
    %c0_i32 = arith.constant 0 : i32
    %c0_i32_0 = arith.constant 0 : i32
    return %arg0, %c0_i32 : i32, i32
  }
  func.func @transform_5(%arg0: i32) -> (i32, i32) {
    %c0_i32 = arith.constant 0 : i32
    %c0_i32_0 = arith.constant 0 : i32
    %c0_i32_1 = arith.constant 0 : i32
    return %c0_i32, %c0_i32_0 : i32, i32
  }
}

</mosaic_0001>

<sc_bundles>
// kernel: sc_segsum_128.12.cloned.1.call-start
scs
__scs_entry_jumppad:
0x0: {  	(pc) =	sbr.rel $0x88, $3  }
0x1: {  	(tag) =	ssettag $0x0;
	lr =	simm.s32 $0x1  }
0x2: {  	[smem:$0x3F95] =	sst lr;
	_ =	strace $0xD0000000  }
0x3: {  	_ = 	snop  }
0x4: {  	_ = 	snop  }
0x5: {  	_ = 	snop  }
0x6: {  	_ = 	snop  }
0x7: {  	_ = 	snop  }
__scs_overlays_trampoline_lowered:
0x8: {  	[smem:$0x3FA4] =	sst s0  }
0x9: {  	[smem:$0x3FA5] =	sst s1  }
0xa: {  	[smem:$0x3FA6] =	sst s2  }
0xb: {  	[smem:$0x3FA7] =	sst s3  }
0xc: {  	[smem:$0x3FA8] =	sst s4  }
0xd: {  	[smem:$0x3FA9] =	sst s5  }
0xe: {  	[smem:$0x3FAA] =	sst s6  }
0xf: {  	[smem:$0x3FAB] =	sst s7  }
0x10: {  	[smem:$0x3FAC] =	sst s8  }
0x11: {  	[smem:$0x3FAD] =	sst s9;
	s0 =	simm.s32 @!p0 $0x0  }
0x12: {  	s1 =	sld [smem:$0x3F93];
	s0 =	simm.s32 @p0 $0x1  }
0x13: {  	[smem:$0x3FAE] =	sst s0;
	s0 =	simm.s32 @!p1 $0x0  }
0x14: {  	s2 =	sld [smem:$0x3F92];
	s0 =	simm.s32 @p1 $0x1  }
0x15: {  	[smem:$0x3FAF] =	sst s0;
	s0 =	simm.s32 @!p2 $0x0  }
0x16: {  	s3 =	sld [smem:$0x3FDB];
	s0 =	simm.s32 @p2 $0x1  }
0x17: {  	s4 =	simm.s32 $0x1BF5;
	[smem:$0x3FB1] =	sst s0  }
0x18: {  	s0 =	sld [smem:$0x3F94];
	_ =	swait.ge [sflag:s4], $0x0  }
0x19: {  	s7 =	sld [smem:$0x3F95]  }
0x1a: {  	s8 =	sadd.s32 $0xFFFFE003, lr  }
0x1b: {  	s9 =	sadd.s32 $0xFFFFFEF7, lr;
	s5 =	simm.s32 $0xFFFFFFFF;
	p2 =	slt.u32 s8, $0xFFFFF086  }
0x1c: {  	p1 =	slt.u32 s9, $0xF7A;
	s5 =	simm.s32 @!p2 $0x0  }
0x1d: {  	s5 =	simm.s32 @p1 $0x1;
	p0 =	seq.s32 s7, s2  }
0x1e: {  	s7 =	smul.u32 @!p0 $0xF7A, s2;
	p2 =	seq.s32 @!p0 s5, $0x0  }
0x1f: {  	s9 =	smul.u32 $0xF7A, s1;
	s8 =	simm.s32 @!p0 $0x1BF5;
	p2 =	por !p2, p0  }
0x20: {  	[sflag:s8] =	ssyncset.s32 @!p0 $0xFFFFF086;
	s6 =	sadd.s32 @!p0 s3, s7;
	s7 =	simm.s32 @!p0 $0x108  }
0x21: {  	s3 =	sadd.s32 s3, s9;
	s6 =	sadd.s32 @!p0 $0x88, s6;
	s7 =	simm.s32 @p2 $0x1082  }
0x22: {  	[simem:s7], [sflag:s8] =	dma.local @!p0 [hbm:s6], $0xF7A  }
0x23: {  	s9 =	sor.u32 $0xD0000000, s2;
	s6 =	simm.s32 $0x108;
	_ =	swait.ge @!p0 [sflag:s8], $0x0  }
0x24: {  	s3 =	sadd.s32 $0x88, s3;
	s6 =	simm.s32 @!p1 $0x1082;
	[sflag:s4] =	ssyncset.s32 $0xFFFFF086  }
0x25: {  	[simem:s6], [sflag:s4] =	dma.local [hbm:s3], $0xF7A  }
0x26: {  	[smem:$0x3F95] =	sst s1;
	(tag) =	ssettag s2;
	_ =	strace s9  }
0x27: {  	s1 =	sld [smem:$0x3FA5]  }
0x28: {  	s2 =	sld [smem:$0x3FA6]  }
0x29: {  	s4 =	sld [smem:$0x3FA8]  }
0x2a: {  	p0 =	seq.s32 s5, $0x0;
	s5 =	sld [smem:$0x3FA9]  }
0x2b: {  	s6 =	sld [smem:$0x3FAA]  }
0x2c: {  	s7 =	sld [smem:$0x3FAB]  }
0x2d: {  	s3 =	simm.s32 $0x108;
	s8 =	sld [smem:$0x3FAC]  }
0x2e: {  	s3 =	simm.s32 @!p0 $0x1082;
	s9 =	sld [smem:$0x3FAD]  }
0x2f: {  	lr =	sadd.s32 s0, s3;
	s0 =	sld [smem:$0x3FA4]  }
0x30: {  	s3 =	sld [smem:$0x3FA7]  }
0x31: {  	[smem:$0x3FB0] =	sst s10  }
0x32: {  	s10 =	sld [smem:$0x3FAE];
	_ =	sdelay $0x3  }
0x33: {  	p0 =	seq.s32 s10, $0x1;
	s10 =	sld [smem:$0x3FB0];
	_ =	sdelay $0x3  }
0x34: {  	[smem:$0x3FB0] =	sst s10  }
0x35: {  	s10 =	sld [smem:$0x3FAF];
	_ =	sdelay $0x3  }
0x36: {  	p1 =	seq.s32 s10, $0x1;
	s10 =	sld [smem:$0x3FB0];
	_ =	sdelay $0x3  }
0x37: {  	[smem:$0x3FB0] =	sst s10  }
0x38: {  	s10 =	sld [smem:$0x3FB1]  }
0x39: {  	_ = 	snop;
	(pc) =	sbr.ind lr, $3  }
0x3a: {  	_ = 	snop  }
0x3b: {  	_ = 	snop  }
0x3c: {  	p2 =	seq.s32 s10, $0x1;
	s10 =	sld [smem:$0x3FB0]  }
0x3d: {  	_ =	shalt  }
0x3e: {  	_ =	shalt  }
0x3f: {  	_ =	shalt  }
0x40: {  	_ =	shalt  }
0x41: {  	_ =	shalt  }
0x42: {  	_ =	shalt  }
0x43: {  	_ =	shalt  }
0x44: {  	_ =	shalt  }
0x45: {  	_ =	shalt  }
0x46: {  	_ =	shalt  }
0x47: {  	_ =	shalt  }
0x48: {  	_ =	shalt  }
0x49: {  	_ =	shalt  }
0x4a: {  	_ =	shalt  }
0x4b: {  	_ =	shalt  }
0x4c: {  	_ =	shalt  }
0x4d: {  	_ =	shalt  }
0x4e: {  	_ =	shalt  }
0x4f: {  	_ =	shalt  }
0x50: {  	_ =	shalt  }
0x51: {  	_ =	shalt  }
0x52: {  	_ =	shalt  }
0x53: {  	_ =	shalt  }
0x54: {  	_ =	shalt  }
0x55: {  	_ =	shalt  }
0x56: {  	_ =	shalt  }
0x57: {  	_ =	shalt  }
0x58: {  	_ =	shalt  }
0x59: {  	_ =	shalt  }
0x5a: {  	_ =	shalt  }
0x5b: {  	_ =	shalt  }
0x5c: {  	_ =	shalt  }
0x5d: {  	_ =	shalt  }
0x5e: {  	_ =	shalt  }
0x5f: {  	_ =	shalt  }
0x60: {  	_ =	shalt  }
0x61: {  	_ =	shalt  }
0x62: {  	_ =	shalt  }
0x63: {  	_ =	shalt  }
0x64: {  	_ =	shalt  }
0x65: {  	_ =	shalt  }
0x66: {  	_ =	shalt  }
0x67: {  	_ =	shalt  }
0x68: {  	_ =	shalt  }
0x69: {  	_ =	shalt  }
0x6a: {  	_ =	shalt  }
0x6b: {  	_ =	shalt  }
0x6c: {  	_ =	shalt  }
0x6d: {  	_ =	shalt  }
0x6e: {  	_ =	shalt  }
0x6f: {  	_ =	shalt  }
0x70: {  	_ =	shalt  }
0x71: {  	_ =	shalt  }
0x72: {  	_ =	shalt  }
0x73: {  	_ =	shalt  }
0x74: {  	_ =	shalt  }
0x75: {  	_ =	shalt  }
0x76: {  	_ =	shalt  }
0x77: {  	_ =	shalt  }
0x78: {  	_ =	shalt  }
0x79: {  	_ =	shalt  }
0x7a: {  	_ =	shalt  }
0x7b: {  	_ =	shalt  }
0x7c: {  	_ =	shalt  }
0x7d: {  	_ =	shalt  }
0x7e: {  	_ =	shalt  }
0x7f: {  	_ =	shalt  }
0x80: {  	_ =	shalt  }
0x81: {  	_ =	shalt  }
0x82: {  	_ =	shalt  }
0x83: {  	_ =	shalt  }
0x84: {  	_ =	shalt  }
0x85: {  	_ =	shalt  }
0x86: {  	_ =	shalt  }
0x87: {  	_ =	shalt  }
.Lfunc_end0:
.L_simem_size_0:
called_computation.2_lowered:
.L_overlay_start_0:
0x88: {  	s2 =	sld [smem:$0x3FD9]  }
0x89: {  	s3 =	sld [smem:$0x3FFE];
	_ =	sdelay $0x1  }
0x8a: {  	s1 =	srdreg.scid  }
0x8b: {  	s0 =	sand.u32 $0x1, s1  }
0x8c: {  	s14 =	sshll.u32 s0, $0xA;
	s2 =	sadd.s32 s3, s2  }
0x8d: {  	s2 =	sadd.s32 s2, s14  }
0x8e: {  	[smem:$0x3FBC] =	sst s2  }
0x8f: {  	_ = 	snop  }
0x90: {  	s2 =	sld [smem:$0x3FD0];
	_ =	sdelay $0x2  }
0x91: {  	s15 =	simm.s32 $0xA;
	s4 =	simm.s32 $0x10  }
0x92: {  	[smem:s4], [sflag:s15] =	dma.local [hbm:s2], $0x1  }
0x93: {  	_ =	swait.eq [sflag:s15], $0x1  }
0x94: {  	[sflag:s15] =	ssyncset.done $0x0  }
0x95: {  	s16 =	sld [smem:$0x10];
	[sflag:s15] =	ssyncadd.s32 $0xFFFFFFFF  }
0x96: {  	s17 =	sld [smem:$0x11];
	(tm) =	ssettm $0x1  }
0x97: {  	s18 =	sld [smem:$0x3FFB];
	_ =	sdelay $0x3  }
0x98: {  	_ =	strace s18  }
0x99: {  	s4 =	sld [smem:$0x3FFC];
	_ =	sdelay $0x3  }
0x9a: {  	_ =	strace s4  }
0x9b: {  	s4 =	sld [smem:$0x3FFD];
	_ =	sdelay $0x3  }
0x9c: {  	_ =	strace s4  }
0x9d: {  	_ =	strace $0x8FFFFFFF  }
0x9e: {  	s19 =	sld [smem:$0x3FDB];
	_ =	sdelay $0x1  }
0x9f: {  	s5 =	simm.s32 $_scs_section_size  }
0xa0: {  	s6 =	simm.s32 $_size__tile_overlayer_lowered;
	s7 =	simm.s32 $_tile_overlayer_lowered  }
0xa1: {  	s22 =	simm.s32 $0x1BFF;
	s21 =	sshll.u32 s7, $0x1;
	s4 =	sadd.s32 s5, s19  }
0xa2: {  	s8 =	simm.s32 $0x0;
	s20 =	sshll.u32 s6, $0x1;
	s6 =	sadd.s32 s21, s4  }
0xa3: {  	[timem:s8], [sflag:s22] =	dma.local [hbm:s6], s20  }
0xa4: {  	_ =	swait.ge [sflag:s22], s20  }
0xa5: {  	s5 =	ssub.s32 $0x0, s20;
	[sflag:s22] =	ssyncset.done $0x0  }
0xa6: {  	[sflag:s22] =	ssyncadd.s32 s5;
	_ =	sdelay $0x1  }
0xa7: {  	s23 =	simm.s32 $0x1B8B  }
0xa8: {  	_ =	swait.ge [sflag:s23], $0x1  }
0xa9: {  	[sflag:s23] =	ssyncset.done $0x0  }
0xaa: {  	s25 =	simm.s32 $0x1B8E;
	s24 =	sld [smem:$0x3FFE];
	[sflag:s23] =	ssyncadd.s32 $0xFFFFFFFF  }
0xab: {  	s26 =	simm.s32 $execute0_lowered;
	[smem:$0x3FD2] =	sst s25  }
0xac: {  	s6 =	sshll.u32 s26, $0x1;
	_ =	strace $0x8000004C;
	[dreg:$0x1] =	wrdreg $0xFFFFFFFF  }
0xad: {  	s28 =	simm.s32 $_size_execute0_lowered;
	s4 =	sadd.s32 s4, s6;
	[dreg:$0x0] =	wrdreg $0x0  }
0xae: {  	s6 =	sshll.u32 s28, $0x1;
	[dreg:$0x2] =	wrdreg s4  }
0xaf: {  	[dreg:$0x3] =	wrdreg s6  }
0xb0: {  	[dreg:$0x4] =	wrdreg $0xC0  }
0xb1: {  	_ =	task [dreg:s8], $0x5FFFF  }
0xb2: {  	[dreg:$0x1] =	wrdreg $0xFFFFFFFF  }
0xb3: {  	[dreg:$0x0] =	wrdreg $0x60  }
0xb4: {  	[dreg:$0x2] =	wrdreg s16  }
0xb5: {  	[dreg:$0x3] =	wrdreg s24  }
0xb6: {  	[dreg:$0x4] =	wrdreg s17  }
0xb7: {  	[dreg:$0x5] =	wrdreg $0xA8000  }
0xb8: {  	[dreg:$0x6] =	wrdreg $0x9  }
0xb9: {  	_ =	task.clear_ibuf [dreg:s8], $0x7FFFF;
	_ =	strace $0x9000004C  }
0xba: {  	s29 =	simm.s32 $0x9;
	_ =	strace $0x8000004E  }
0xbb: {  	_ =	swait.ge [sflag:s29], $0x1  }
0xbc: {  	[sflag:s29] =	ssyncadd.s32 $0xFFFFFFFF  }
0xbd: {  	_ =	strace $0x9000004E  }
0xbe: {  	_ =	sfence  }
0xbf: {  	s30 =	sld [smem:$0x0];
	_ =	sdelay $0x2  }
0xc0: {  	s31 =	sshll.u32 s1, $0xD;
	s1 =	sshrl.u32 s1, $0x2  }
0xc1: {  	s3 =	sand.u32 $0x4000, s31;
	s1 =	sadd.s32 s1, s30  }
0xc2: {  	s0 =	sor.u32 s3, s0;
	s1 =	sshll.u32 s1, $0x11  }
0xc3: {  	s0 =	sor.u32 s1, s0  }
0xc4: {  	s0 =	sadd.s32 $0x8F2B, s0  }
0xc5: {  	[sflag:s0] =	ssyncadd.remote.s32 $0x1  }
0xc6: {  	_ =	sfence.sel $0xFFFF  }
0xc7: {  	[dreg:$0x0] =	wrdreg $0xFFFFFFFF;
	(pc) =	sbr.abs _section_cstart, $3  }
0xc8: {  	[dreg:$0x1] =	wrdreg $0xFFFFFFFF  }
0xc9: {  	_ =	task.clear_ibuf [dreg:s8], $0x2FFFF;
	_ =	strace $0x9FFFFFFF  }
0xca: {  	(tm) =	ssettm $0x7FFFFFFF  }
0xcb: {  	_ =	shalt  }
tec
execute0_lowered:
.L_overlay_start_1:
0x0: {  	(tag) =	ssettag $0x1  }
0x1: {  	s0 =	rddreg [dreg:$0x0]  }
0x2: {  	s8 =	rddreg [dreg:$0x1]  }
0x3: {  	s3 =	rddreg [dreg:$0x2];
	s1 =	srdreg.scid  }
0x4: {  	s4 =	rddreg [dreg:$0x3];
	s2 =	stileid.u32  }
0x5: {  	s5 =	simm.s32 $0x0;
	s16 =	simm.s32 $0x80;
	s17 =	simm.s32 $0x2800  }
0x6: {  	s18 =	simm.s32 $0x6800;
	s19 =	simm.s32 $0x1;
	s7 =	smul.u32 $0x14000, s2  }
0x7: {  	s9 =	sand.u32 $0x1, s1;
	s1 =	rddreg [dreg:$0x4];
	s11 =	smul.u32 $0x280, s2  }
0x8: {  	s20 =	simm.s32 $0x2;
	[smem:$0x7FF] =	sst s5;
	s12 =	smul.u32 $0x50000, s2  }
0x9: {  	s13 =	sshll.u32 s2, $0x6;
	s6 =	smul.u32 $0x138800, s9;
	_ =	strace $0x8000004D  }
0xa: {  	s29 =	ssub.s32 $0x2, s9;
	s9 =	sshll.u32 s9, $0x4;
	s30 =	ssub.s32 $0x2710, s11  }
0xb: {  	s31 =	sshrl.u32 s29, $0x1;
	s9 =	sor.u32 s2, s9;
	s15 =	sshrl.u32 s12, $0x2  }
0xc: {  	s12 =	sor.u32 $0x1C03, s13;
	s10 =	sadd.s32 s7, s6;
	s6 =	sadd.s32 $0x51000, s8  }
0xd: {  	s7 =	sadd.s32 $0x4EEC00, s8;
	p0 =	sne.s32 s9, $0x1F;
	s10 =	sshrl.u32 s10, $0x3  }
0xe: {  	s9 =	smul.u32 $0x50, s9;
	s14 =	sadd.s32 s10, s8;
	s10 =	smin.u32 s30, $0x280  }
0xf: {  	s11 =	ssub.s32 s29, s31;
	s13 =	sadd.s32 s15, s4;
	s10 =	smul.u32 $0x334, s10  }
0x10: {  	s15 =	simm.s32 $0x3;
	s11 =	smax.u32 s11, $0x1;
	s8 =	simm.s32 $0x14  }
0x11: {  	s8 =	simm.s32 @!p0 $0xA;
	s14 =	sadd.s32 $0x2E00, s14;
	s10 =	sshrl.u32 s10, $0x10  }
.LBB2_1:
0x12: {  	p1 =	sne.s32 s10, $0x1  }
.Ltmp0:
0x13: {  	_ = 	snop;
	(pc) =	sbr.rel @!p1 .LBB2_3-.Ltmp0, $4  }
0x14: {  	s21 =	sshrl.u32 s13, $0x3  }
0x15: {  	[spmem:s21], [sflag:s12] =	dma.local [hbm:s3], $0x500  }
0x16: {  	_ =	swait.ge [sflag:s15], $0x500  }
0x17: {  	s22 =	sadd.s32 $0xFFFFFFFF, s10;
	s23 =	sadd.s32 $0x2800, s13;
	[sflag:s15] =	ssyncset.done $0x0  }
.LBB2_2:
0x18: {  	s24 =	sshrl.u32 s23, $0x3;
	[sflag:s15] =	ssyncadd.s32 $0xFFFFFB00;
	p2 =	sne.s32 s22, $0x1  }
0x19: {  	[spmem:s24], [sflag:s12] =	dma.local [hbm:s3], $0x500  }
.Ltmp1:
0x1a: {  	_ = 	snop;
	(pc) =	sbr.rel @p2 .LBB2_2-.Ltmp1, $4  }
0x1b: {  	_ = 	snop  }
0x1c: {  	s22 =	sadd.s32 $0xFFFFFFFF, s22  }
0x1d: {  	_ =	swait.ge [sflag:s15], $0x500  }
0x1e: {  	s23 =	sadd.s32 $0x2800, s23;
	[sflag:s15] =	ssyncset.done $0x0  }
.LBB2_3:
0x1f: {  	[sflag:s15] =	ssyncadd.s32 $0xFFFFFB00;
	s22 =	simm.s32 $0x0  }
0x20: {  	p2 =	por p0, p0;
	s23 =	simm.s32 $0x0;
	[bflag:$0x0] =	sbarrier.arrive $0xFFFF  }
.LBB2_4:
0x21: {  	s23 =	sadd.s32 s9, s23  }
0x22: {  	s23 =	sshll.u32 s23, $0x4  }
0x23: {  	s24 =	sadd.s32 s6, s23  }
0x24: {  	[tilespmem:s22], [sflag:$0x3] =	stream.linear.gather [hbm4b:s24+s22], $0x1400, $0x38;
	[tilespmem:$0x1E080] =	vst v63  }
0x25: {  	_ =	swait.ge [sflag:s15], $0x1400  }
0x26: {  	p4 =	sne.s32 s8, $0x1;
	[sflag:s15] =	ssyncset.done $0x0  }
0x27: {  	s31 =	sadd.s32 s7, s23;
	s23 =	simm.s32 $0x1400;
	[sflag:s15] =	ssyncadd.s32 $0xFFFFEC00  }
0x28: {  	[tilespmem:s23], [sflag:$0x3] =	stream.linear.gather [hbm4b:s31+s22], $0x1400, $0x38;
	[tilespmem:$0x1E080] =	vst v63  }
.Ltmp2:
0x29: {  	_ = 	snop;
	(pc) =	sbr.rel @!p4 .LBB2_5-.Ltmp2, $4  }
0x2a: {  	_ =	swait.ge [sflag:s15], $0x1400  }
0x2b: {  	p3 =	por p2, p2;
	s25 =	simm.s32 $0x1;
	[sflag:s15] =	ssyncset.done $0x0  }
0x2c: {  	p2 =	por $0x0, $0x0;
	s24 =	simm.s32 $0x100;
	[sflag:s15] =	ssyncadd.s32 $0xFFFFEC00  }
0x2d: {  	[tilespmem:s17], [sflag:$0x1] =	stream.indirect.gather [hbm4b:s0+s16], $0x80, s22, s16, $0xb8;
	[tilespmem:$0x1E080] =	vst v63  }
0x2e: {  	s25 =	simm.s32 $0x80  }
0x2f: {  	[tilespmem:s18], [sflag:$0x2] =	stream.indirect.gather [hbm4b:s0+s16], $0x80, s25, s16, $0xb8;
	[tilespmem:$0x1E080] =	vst v63  }
0x30: {  	_ =	swait.ge [sflag:s19], $0x4000  }
0x31: {  	[sflag:s19] =	ssyncset.done $0x0  }
0x32: {  	[sflag:s19] =	ssyncadd.s32 $0xFFFFC000  }
0x33: {  	[spmem:s4] =	stream.indirect.scatter.add.f32 [tilespmem:s17], [sflag:$0x3], $0x80, s23, s16, $0xb8;
	[tilespmem:$0x1E080] =	vst v63  }
0x34: {  	_ =	swait.ge [sflag:s15], $0x4000  }
0x35: {  	p4 =	sle.u32 s8, $0x1;
	[sflag:s15] =	ssyncset.done $0x0  }
0x36: {  	s25 =	simm.s32 @!p4 $0x2800;
	s23 =	simm.s32 @!p4 $0x80;
	[sflag:s15] =	ssyncadd.s32 $0xFFFFC000  }
0x37: {  	[tilespmem:s25], [sflag:$0x1] =	stream.indirect.gather @!p4 [hbm4b:s0+s23], $0x80, s24, s23, $0xb8;
	[tilespmem:$0x1E080] =	vst v63  }
0x38: {  	p5 =	sne.s32 s8, $0x2;
	_ =	swait.ge [sflag:s20], $0x4000  }
.Ltmp3:
0x39: {  	[sflag:s20] =	ssyncset.done $0x0;
	(pc) =	sbr.rel @!p5 .LBB2_8-.Ltmp3, $4  }
0x3a: {  	s31 =	simm.s32 $0x1480;
	s26 =	simm.s32 $0x2;
	[sflag:s20] =	ssyncadd.s32 $0xFFFFC000  }
0x3b: {  	[spmem:s4] =	stream.indirect.scatter.add.f32 [tilespmem:s18], [sflag:$0x3], $0x80, s31, s16, $0xb8;
	[tilespmem:$0x1E080] =	vst v63  }
0x3c: {  	s25 =	simm.s32 $0x2;
	s24 =	simm.s32 $0x200;
	_ =	swait.ge [sflag:s15], $0x4000  }
0x3d: {  	s23 =	simm.s32 $0x1500;
	p4 =	por $0x1, $0x1;
	[sflag:s15] =	ssyncset.done $0x0  }
.LBB2_7:
0x3e: {  	s26 =	sadd.s32 $0x1, s26;
	s28 =	sadd.s32 $0xFFFFFF80, s24;
	[sflag:s15] =	ssyncadd.s32 $0xFFFFC000  }
0x3f: {  	[tilespmem:s18], [sflag:$0x2] =	stream.indirect.gather [hbm4b:s0+s16], $0x80, s28, s16, $0xb8;
	[tilespmem:$0x1E080] =	vst v63  }
0x40: {  	p5 =	sne.s32 s8, s26;
	_ =	swait.ge [sflag:s19], $0x4000  }
0x41: {  	[sflag:s19] =	ssyncset.done $0x0  }
0x42: {  	[sflag:s19] =	ssyncadd.s32 $0xFFFFC000  }
0x43: {  	[spmem:s4] =	stream.indirect.scatter.add.f32 [tilespmem:s17], [sflag:$0x3], $0x80, s23, s16, $0xb8;
	[tilespmem:$0x1E080] =	vst v63  }
0x44: {  	_ =	swait.ge [sflag:s15], $0x4000  }
0x45: {  	p6 =	sge.u32 s25, s8;
	s25 =	smov.u32 s26;
	[sflag:s15] =	ssyncset.done $0x0  }
0x46: {  	s28 =	simm.s32 @!p6 $0x80;
	s29 =	simm.s32 @!p6 $0x2800;
	[sflag:s15] =	ssyncadd.s32 $0xFFFFC000  }
0x47: {  	[tilespmem:s29], [sflag:$0x1] =	stream.indirect.gather @!p6 [hbm4b:s0+s28], $0x80, s24, s28, $0xb8;
	[tilespmem:$0x1E080] =	vst v63  }
0x48: {  	_ =	swait.ge [sflag:s20], $0x4000  }
.Ltmp4:
0x49: {  	[sflag:s20] =	ssyncset.done $0x0;
	(pc) =	sbr.rel @p5 .LBB2_7-.Ltmp4, $4  }
0x4a: {  	s28 =	sadd.s32 $0x80, s23;
	[sflag:s20] =	ssyncadd.s32 $0xFFFFC000  }
0x4b: {  	[spmem:s4] =	stream.indirect.scatter.add.f32 [tilespmem:s18], [sflag:$0x3], $0x80, s28, s16, $0xb8;
	[tilespmem:$0x1E080] =	vst v63  }
0x4c: {  	_ =	swait.ge [sflag:s15], $0x4000  }
0x4d: {  	s24 =	sadd.s32 $0x100, s24;
	s23 =	sadd.s32 $0x100, s23;
	[sflag:s15] =	ssyncset.done $0x0  }
.LBB2_8:
0x4e: {  	s26 =	sadd.s32 $0xFFFFFF80, s24;
	[sflag:s15] =	ssyncadd.s32 @p4 $0xFFFFC000  }
0x4f: {  	[tilespmem:s18], [sflag:$0x2] =	stream.indirect.gather [hbm4b:s0+s16], $0x80, s26, s16, $0xb8;
	[tilespmem:$0x1E080] =	vst v63  }
0x50: {  	_ =	swait.ge [sflag:s19], $0x4000  }
0x51: {  	[sflag:s19] =	ssyncset.done $0x0  }
0x52: {  	[sflag:s19] =	ssyncadd.s32 $0xFFFFC000  }
0x53: {  	[spmem:s4] =	stream.indirect.scatter.add.f32 [tilespmem:s17], [sflag:$0x3], $0x80, s23, s16, $0xb8;
	[tilespmem:$0x1E080] =	vst v63  }
0x54: {  	_ =	swait.ge [sflag:s15], $0x4000  }
0x55: {  	p4 =	sge.u32 s25, s8;
	[sflag:s15] =	ssyncset.done $0x0  }
0x56: {  	s25 =	simm.s32 @!p4 $0x80;
	s26 =	simm.s32 @!p4 $0x2800;
	[sflag:s15] =	ssyncadd.s32 $0xFFFFC000  }
0x57: {  	[tilespmem:s26], [sflag:$0x1] =	stream.indirect.gather @!p4 [hbm4b:s0+s25], $0x80, s24, s25, $0xb8;
	[tilespmem:$0x1E080] =	vst v63  }
0x58: {  	_ =	swait.ge [sflag:s20], $0x4000  }
0x59: {  	[sflag:s20] =	ssyncset.done $0x0  }
0x5a: {  	s31 =	sadd.s32 $0x80, s23;
	[sflag:s20] =	ssyncadd.s32 $0xFFFFC000  }
0x5b: {  	[spmem:s4] =	stream.indirect.scatter.add.f32 [tilespmem:s18], [sflag:$0x3], $0x80, s31, s16, $0xb8;
	[tilespmem:$0x1E080] =	vst v63  }
.Ltmp5:
0x5c: {  	_ = 	snop;
	(pc) =	sbr.rel @p3 .LBB2_4-.Ltmp5, $4  }
.Ltmp6:
0x5d: {  	_ = 	snop;
	(pc) =	sbr.rel @!p3 .LBB2_9-.Ltmp6, $4  }
0x5e: {  	_ =	swait.ge [sflag:s15], $0x4000  }
0x5f: {  	[sflag:s15] =	ssyncset.done $0x0  }
0x60: {  	s23 =	simm.s32 $0x28;
	[sflag:s15] =	ssyncadd.s32 $0xFFFFC000  }
0x61: {  	_ = 	snop  }
.LBB2_5:
.Ltmp7:
0x62: {  	(pc) =	sbr.rel .LBB2_8-.Ltmp7, $2  }
0x63: {  	_ =	sdelay $0x2  }
0x64: {  	p4 =	por $0x0, $0x0  }
.LBB2_9:
.Ltmp8:
0x65: {  	(pc) =	sbr.rel @!p1 .LBB2_11-.Ltmp8, $4  }
0x66: {  	[bflag:$0x0] =	sbarrier.arrive $0xFFFF  }
0x67: {  	[hbm:s14], [sflag:s12] =	dma.local [spmem:s21], $0x500  }
0x68: {  	s22 =	sadd.s32 $0x2800, s13;
	_ =	swait.ge [sflag:s15], $0x500  }
0x69: {  	s23 =	smov.u32 s14;
	s21 =	sadd.s32 $0xFFFFFFFF, s10;
	[sflag:s15] =	ssyncset.done $0x0  }
.LBB2_10:
0x6a: {  	s24 =	sshrl.u32 s22, $0x3  }
0x6b: {  	[sflag:s15] =	ssyncadd.s32 $0xFFFFFB00;
	s23 =	sadd.s32 $0x500, s23;
	p1 =	sne.s32 s21, $0x1  }
0x6c: {  	[hbm:s23], [sflag:s12] =	dma.local [spmem:s24], $0x500  }
.Ltmp9:
0x6d: {  	_ = 	snop;
	(pc) =	sbr.rel @p1 .LBB2_10-.Ltmp9, $4  }
0x6e: {  	_ = 	snop  }
0x6f: {  	s21 =	sadd.s32 $0xFFFFFFFF, s21  }
0x70: {  	_ =	swait.ge [sflag:s15], $0x500  }
0x71: {  	s22 =	sadd.s32 $0x2800, s22;
	[sflag:s15] =	ssyncset.done $0x0  }
.LBB2_11:
0x72: {  	s5 =	sadd.s32 $0x1, s5  }
0x73: {  	p1 =	sne.s32 s5, s11  }
.Ltmp10:
0x74: {  	_ = 	snop;
	(pc) =	sbr.rel @p1 .LBB2_1-.Ltmp10, $2  }
0x75: {  	_ =	sdelay $0x2  }
0x76: {  	[sflag:s15] =	ssyncadd.s32 $0xFFFFFB00  }
0x77: {  	_ =	sfence.sel $0x180000  }
0x78: {  	[bflag:$0x0] =	sbarrier.arrive $0xFFFF  }
0x79: {  	p0 =	sne.s32 s2, $0x0;
	_ =	strace $0x9000004D  }
0x7a: {  	s0 =	sadd.s32 @!p0 $0x100000, s1;
	[bflag:$0x2] =	sbarrier.arrive $0xFFFF  }
0x7b: {  	[sflag:s0] =	ssyncadd.tile.s32 @!p0 $0x1;
	_ =	shalt  }
.Lfunc_end2:
_tile_overlayer_lowered:
.L_overlay_start_2:
0x7c: {  	(tag) =	ssettag $0x2  }
0x7d: {  	s0 =	rddreg [dreg:$0x0];
	s2 =	stileid.u32  }
0x7e: {  	s1 =	rddreg [dreg:$0x1];
	p0 =	sne.s32 s2, $0x0  }
0x7f: {  	s3 =	rddreg [dreg:$0x2];
	[bflag:$0x3] =	sbarrier.arrive $0xFFFF;
	s2 =	simm.s32 @!p0 $0x1C03  }
0x80: {  	[timem:s3], [sflag:s2] =	dma.local @!p0 [hbm:s0], s1  }
0x81: {  	s0 =	simm.s32 @!p0 $0x3  }
0x82: {  	_ =	swait.ge @!p0 [sflag:s0], s1  }
0x83: {  	s1 =	ssub.s32 @!p0 $0x0, s1;
	[sflag:s0] =	ssyncset.done @!p0 $0x0  }
0x84: {  	[sflag:s0] =	ssyncadd.s32 @!p0 s1  }
0x85: {  	[bflag:$0x3] =	sbarrier.arrive $0xFFFF  }
0x86: {  	_ =	shalt  }

// kernel: sc_segsum_128.15.cloned.1.call-start
scs
__scs_entry_jumppad:
0x0: {  	(pc) =	sbr.rel $0x88, $3  }
0x1: {  	(tag) =	ssettag $0x0;
	lr =	simm.s32 $0x1  }
0x2: {  	[smem:$0x3F95] =	sst lr;
	_ =	strace $0xD0000000  }
0x3: {  	_ = 	snop  }
0x4: {  	_ = 	snop  }
0x5: {  	_ = 	snop  }
0x6: {  	_ = 	snop  }
0x7: {  	_ = 	snop  }
__scs_overlays_trampoline_lowered:
0x8: {  	[smem:$0x3FA4] =	sst s0  }
0x9: {  	[smem:$0x3FA5] =	sst s1  }
0xa: {  	[smem:$0x3FA6] =	sst s2  }
0xb: {  	[smem:$0x3FA7] =	sst s3  }
0xc: {  	[smem:$0x3FA8] =	sst s4  }
0xd: {  	[smem:$0x3FA9] =	sst s5  }
0xe: {  	[smem:$0x3FAA] =	sst s6  }
0xf: {  	[smem:$0x3FAB] =	sst s7  }
0x10: {  	[smem:$0x3FAC] =	sst s8  }
0x11: {  	[smem:$0x3FAD] =	sst s9;
	s0 =	simm.s32 @!p0 $0x0  }
0x12: {  	s1 =	sld [smem:$0x3F93];
	s0 =	simm.s32 @p0 $0x1  }
0x13: {  	[smem:$0x3FAE] =	sst s0;
	s0 =	simm.s32 @!p1 $0x0  }
0x14: {  	s2 =	sld [smem:$0x3F92];
	s0 =	simm.s32 @p1 $0x1  }
0x15: {  	[smem:$0x3FAF] =	sst s0;
	s0 =	simm.s32 @!p2 $0x0  }
0x16: {  	s3 =	sld [smem:$0x3FDB];
	s0 =	simm.s32 @p2 $0x1  }
0x17: {  	s4 =	simm.s32 $0x1BF5;
	[smem:$0x3FB1] =	sst s0  }
0x18: {  	s0 =	sld [smem:$0x3F94];
	_ =	swait.ge [sflag:s4], $0x0  }
0x19: {  	s7 =	sld [smem:$0x3F95]  }
0x1a: {  	s8 =	sadd.s32 $0xFFFFE003, lr  }
0x1b: {  	s9 =	sadd.s32 $0xFFFFFEF7, lr;
	s5 =	simm.s32 $0xFFFFFFFF;
	p2 =	slt.u32 s8, $0xFFFFF086  }
0x1c: {  	p1 =	slt.u32 s9, $0xF7A;
	s5 =	simm.s32 @!p2 $0x0  }
0x1d: {  	s5 =	simm.s32 @p1 $0x1;
	p0 =	seq.s32 s7, s2  }
0x1e: {  	s7 =	smul.u32 @!p0 $0xF7A, s2;
	p2 =	seq.s32 @!p0 s5, $0x0  }
0x1f: {  	s9 =	smul.u32 $0xF7A, s1;
	s8 =	simm.s32 @!p0 $0x1BF5;
	p2 =	por !p2, p0  }
0x20: {  	[sflag:s8] =	ssyncset.s32 @!p0 $0xFFFFF086;
	s6 =	sadd.s32 @!p0 s3, s7;
	s7 =	simm.s32 @!p0 $0x108  }
0x21: {  	s3 =	sadd.s32 s3, s9;
	s6 =	sadd.s32 @!p0 $0x88, s6;
	s7 =	simm.s32 @p2 $0x1082  }
0x22: {  	[simem:s7], [sflag:s8] =	dma.local @!p0 [hbm:s6], $0xF7A  }
0x23: {  	s9 =	sor.u32 $0xD0000000, s2;
	s6 =	simm.s32 $0x108;
	_ =	swait.ge @!p0 [sflag:s8], $0x0  }
0x24: {  	s3 =	sadd.s32 $0x88, s3;
	s6 =	simm.s32 @!p1 $0x1082;
	[sflag:s4] =	ssyncset.s32 $0xFFFFF086  }
0x25: {  	[simem:s6], [sflag:s4] =	dma.local [hbm:s3], $0xF7A  }
0x26: {  	[smem:$0x3F95] =	sst s1;
	(tag) =	ssettag s2;
	_ =	strace s9  }
0x27: {  	s1 =	sld [smem:$0x3FA5]  }
0x28: {  	s2 =	sld [smem:$0x3FA6]  }
0x29: {  	s4 =	sld [smem:$0x3FA8]  }
0x2a: {  	p0 =	seq.s32 s5, $0x0;
	s5 =	sld [smem:$0x3FA9]  }
0x2b: {  	s6 =	sld [smem:$0x3FAA]  }
0x2c: {  	s7 =	sld [smem:$0x3FAB]  }
0x2d: {  	s3 =	simm.s32 $0x108;
	s8 =	sld [smem:$0x3FAC]  }
0x2e: {  	s3 =	simm.s32 @!p0 $0x1082;
	s9 =	sld [smem:$0x3FAD]  }
0x2f: {  	lr =	sadd.s32 s0, s3;
	s0 =	sld [smem:$0x3FA4]  }
0x30: {  	s3 =	sld [smem:$0x3FA7]  }
0x31: {  	[smem:$0x3FB0] =	sst s10  }
0x32: {  	s10 =	sld [smem:$0x3FAE];
	_ =	sdelay $0x3  }
0x33: {  	p0 =	seq.s32 s10, $0x1;
	s10 =	sld [smem:$0x3FB0];
	_ =	sdelay $0x3  }
0x34: {  	[smem:$0x3FB0] =	sst s10  }
0x35: {  	s10 =	sld [smem:$0x3FAF];
	_ =	sdelay $0x3  }
0x36: {  	p1 =	seq.s32 s10, $0x1;
	s10 =	sld [smem:$0x3FB0];
	_ =	sdelay $0x3  }
0x37: {  	[smem:$0x3FB0] =	sst s10  }
0x38: {  	s10 =	sld [smem:$0x3FB1]  }
0x39: {  	_ = 	snop;
	(pc) =	sbr.ind lr, $3  }
0x3a: {  	_ = 	snop  }
0x3b: {  	_ = 	snop  }
0x3c: {  	p2 =	seq.s32 s10, $0x1;
	s10 =	sld [smem:$0x3FB0]  }
0x3d: {  	_ =	shalt  }
0x3e: {  	_ =	shalt  }
0x3f: {  	_ =	shalt  }
0x40: {  	_ =	shalt  }
0x41: {  	_ =	shalt  }
0x42: {  	_ =	shalt  }
0x43: {  	_ =	shalt  }
0x44: {  	_ =	shalt  }
0x45: {  	_ =	shalt  }
0x46: {  	_ =	shalt  }
0x47: {  	_ =	shalt  }
0x48: {  	_ =	shalt  }
0x49: {  	_ =	shalt  }
0x4a: {  	_ =	shalt  }
0x4b: {  	_ =	shalt  }
0x4c: {  	_ =	shalt  }
0x4d: {  	_ =	shalt  }
0x4e: {  	_ =	shalt  }
0x4f: {  	_ =	shalt  }
0x50: {  	_ =	shalt  }
0x51: {  	_ =	shalt  }
0x52: {  	_ =	shalt  }
0x53: {  	_ =	shalt  }
0x54: {  	_ =	shalt  }
0x55: {  	_ =	shalt  }
0x56: {  	_ =	shalt  }
0x57: {  	_ =	shalt  }
0x58: {  	_ =	shalt  }
0x59: {  	_ =	shalt  }
0x5a: {  	_ =	shalt  }
0x5b: {  	_ =	shalt  }
0x5c: {  	_ =	shalt  }
0x5d: {  	_ =	shalt  }
0x5e: {  	_ =	shalt  }
0x5f: {  	_ =	shalt  }
0x60: {  	_ =	shalt  }
0x61: {  	_ =	shalt  }
0x62: {  	_ =	shalt  }
0x63: {  	_ =	shalt  }
0x64: {  	_ =	shalt  }
0x65: {  	_ =	shalt  }
0x66: {  	_ =	shalt  }
0x67: {  	_ =	shalt  }
0x68: {  	_ =	shalt  }
0x69: {  	_ =	shalt  }
0x6a: {  	_ =	shalt  }
0x6b: {  	_ =	shalt  }
0x6c: {  	_ =	shalt  }
0x6d: {  	_ =	shalt  }
0x6e: {  	_ =	shalt  }
0x6f: {  	_ =	shalt  }
0x70: {  	_ =	shalt  }
0x71: {  	_ =	shalt  }
0x72: {  	_ =	shalt  }
0x73: {  	_ =	shalt  }
0x74: {  	_ =	shalt  }
0x75: {  	_ =	shalt  }
0x76: {  	_ =	shalt  }
0x77: {  	_ =	shalt  }
0x78: {  	_ =	shalt  }
0x79: {  	_ =	shalt  }
0x7a: {  	_ =	shalt  }
0x7b: {  	_ =	shalt  }
0x7c: {  	_ =	shalt  }
0x7d: {  	_ =	shalt  }
0x7e: {  	_ =	shalt  }
0x7f: {  	_ =	shalt  }
0x80: {  	_ =	shalt  }
0x81: {  	_ =	shalt  }
0x82: {  	_ =	shalt  }
0x83: {  	_ =	shalt  }
0x84: {  	_ =	shalt  }
0x85: {  	_ =	shalt  }
0x86: {  	_ =	shalt  }
0x87: {  	_ =	shalt  }
.Lfunc_end0:
.L_simem_size_0:
called_computation.3_lowered:
.L_overlay_start_0:
0x88: {  	s2 =	sld [smem:$0x3FD9]  }
0x89: {  	s3 =	sld [smem:$0x3FFE];
	_ =	sdelay $0x1  }
0x8a: {  	s1 =	srdreg.scid  }
0x8b: {  	s0 =	sand.u32 $0x1, s1  }
0x8c: {  	s14 =	sshll.u32 s0, $0xA;
	s2 =	sadd.s32 s3, s2  }
0x8d: {  	s2 =	sadd.s32 s2, s14  }
0x8e: {  	[smem:$0x3FBC] =	sst s2  }
0x8f: {  	_ = 	snop  }
0x90: {  	s2 =	sld [smem:$0x3FD0];
	_ =	sdelay $0x2  }
0x91: {  	s15 =	simm.s32 $0xA;
	s4 =	simm.s32 $0x10  }
0x92: {  	[smem:s4], [sflag:s15] =	dma.local [hbm:s2], $0x1  }
0x93: {  	_ =	swait.eq [sflag:s15], $0x1  }
0x94: {  	[sflag:s15] =	ssyncset.done $0x0  }
0x95: {  	s16 =	sld [smem:$0x10];
	[sflag:s15] =	ssyncadd.s32 $0xFFFFFFFF  }
0x96: {  	s17 =	sld [smem:$0x11];
	(tm) =	ssettm $0x1  }
0x97: {  	s18 =	sld [smem:$0x3FFB];
	_ =	sdelay $0x3  }
0x98: {  	_ =	strace s18  }
0x99: {  	s4 =	sld [smem:$0x3FFC];
	_ =	sdelay $0x3  }
0x9a: {  	_ =	strace s4  }
0x9b: {  	s4 =	sld [smem:$0x3FFD];
	_ =	sdelay $0x3  }
0x9c: {  	_ =	strace s4  }
0x9d: {  	_ =	strace $0x8FFFFFFF  }
0x9e: {  	s19 =	sld [smem:$0x3FDB];
	_ =	sdelay $0x1  }
0x9f: {  	s5 =	simm.s32 $_scs_section_size  }
0xa0: {  	s6 =	simm.s32 $_size__tile_overlayer_lowered;
	s7 =	simm.s32 $_tile_overlayer_lowered  }
0xa1: {  	s22 =	simm.s32 $0x1BFF;
	s21 =	sshll.u32 s7, $0x1;
	s4 =	sadd.s32 s5, s19  }
0xa2: {  	s8 =	simm.s32 $0x0;
	s20 =	sshll.u32 s6, $0x1;
	s6 =	sadd.s32 s21, s4  }
0xa3: {  	[timem:s8], [sflag:s22] =	dma.local [hbm:s6], s20  }
0xa4: {  	_ =	swait.ge [sflag:s22], s20  }
0xa5: {  	s5 =	ssub.s32 $0x0, s20;
	[sflag:s22] =	ssyncset.done $0x0  }
0xa6: {  	[sflag:s22] =	ssyncadd.s32 s5;
	_ =	sdelay $0x1  }
0xa7: {  	s23 =	simm.s32 $0x1B8B  }
0xa8: {  	_ =	swait.ge [sflag:s23], $0x1  }
0xa9: {  	[sflag:s23] =	ssyncset.done $0x0  }
0xaa: {  	s25 =	simm.s32 $0x1B8E;
	s24 =	sld [smem:$0x3FFE];
	[sflag:s23] =	ssyncadd.s32 $0xFFFFFFFF  }
0xab: {  	s26 =	simm.s32 $execute0_lowered;
	[smem:$0x3FD2] =	sst s25  }
0xac: {  	s6 =	sshll.u32 s26, $0x1;
	_ =	strace $0x8000004F;
	[dreg:$0x1] =	wrdreg $0xFFFFFFFF  }
0xad: {  	s28 =	simm.s32 $_size_execute0_lowered;
	s4 =	sadd.s32 s4, s6;
	[dreg:$0x0] =	wrdreg $0x0  }
0xae: {  	s6 =	sshll.u32 s28, $0x1;
	[dreg:$0x2] =	wrdreg s4  }
0xaf: {  	[dreg:$0x3] =	wrdreg s6  }
0xb0: {  	[dreg:$0x4] =	wrdreg $0xC0  }
0xb1: {  	_ =	task [dreg:s8], $0x5FFFF  }
0xb2: {  	[dreg:$0x1] =	wrdreg $0xFFFFFFFF  }
0xb3: {  	[dreg:$0x0] =	wrdreg $0x60  }
0xb4: {  	[dreg:$0x2] =	wrdreg s16  }
0xb5: {  	[dreg:$0x3] =	wrdreg s24  }
0xb6: {  	[dreg:$0x4] =	wrdreg s17  }
0xb7: {  	[dreg:$0x5] =	wrdreg $0xA8000  }
0xb8: {  	[dreg:$0x6] =	wrdreg $0x9  }
0xb9: {  	_ =	task.clear_ibuf [dreg:s8], $0x7FFFF;
	_ =	strace $0x9000004F  }
0xba: {  	s29 =	simm.s32 $0x9;
	_ =	strace $0x80000051  }
0xbb: {  	_ =	swait.ge [sflag:s29], $0x1  }
0xbc: {  	[sflag:s29] =	ssyncadd.s32 $0xFFFFFFFF  }
0xbd: {  	_ =	strace $0x90000051  }
0xbe: {  	_ =	sfence  }
0xbf: {  	s30 =	sld [smem:$0x0];
	_ =	sdelay $0x2  }
0xc0: {  	s31 =	sshll.u32 s1, $0xD;
	s1 =	sshrl.u32 s1, $0x2  }
0xc1: {  	s3 =	sand.u32 $0x4000, s31;
	s1 =	sadd.s32 s1, s30  }
0xc2: {  	s0 =	sor.u32 s3, s0;
	s1 =	sshll.u32 s1, $0x11  }
0xc3: {  	s0 =	sor.u32 s1, s0  }
0xc4: {  	s0 =	sadd.s32 $0x8F2B, s0  }
0xc5: {  	[sflag:s0] =	ssyncadd.remote.s32 $0x1  }
0xc6: {  	_ =	sfence.sel $0xFFFF  }
0xc7: {  	[dreg:$0x0] =	wrdreg $0xFFFFFFFF;
	(pc) =	sbr.abs _section_cstart, $3  }
0xc8: {  	[dreg:$0x1] =	wrdreg $0xFFFFFFFF  }
0xc9: {  	_ =	task.clear_ibuf [dreg:s8], $0x2FFFF;
	_ =	strace $0x9FFFFFFF  }
0xca: {  	(tm) =	ssettm $0x7FFFFFFF  }
0xcb: {  	_ =	shalt  }
tec
execute0_lowered:
.L_overlay_start_1:
0x0: {  	(tag) =	ssettag $0x1  }
0x1: {  	s0 =	rddreg [dreg:$0x0]  }
0x2: {  	s8 =	rddreg [dreg:$0x1]  }
0x3: {  	s3 =	rddreg [dreg:$0x2];
	s1 =	srdreg.scid  }
0x4: {  	s4 =	rddreg [dreg:$0x3];
	s2 =	stileid.u32  }
0x5: {  	s5 =	simm.s32 $0x0;
	s16 =	simm.s32 $0x80;
	s17 =	simm.s32 $0x2800  }
0x6: {  	s18 =	simm.s32 $0x6800;
	s19 =	simm.s32 $0x1;
	s7 =	smul.u32 $0x14000, s2  }
0x7: {  	s9 =	sand.u32 $0x1, s1;
	s1 =	rddreg [dreg:$0x4];
	s11 =	smul.u32 $0x280, s2  }
0x8: {  	s20 =	simm.s32 $0x2;
	[smem:$0x7FF] =	sst s5;
	s12 =	smul.u32 $0x50000, s2  }
0x9: {  	s13 =	sshll.u32 s2, $0x6;
	s6 =	smul.u32 $0x138800, s9;
	_ =	strace $0x80000050  }
0xa: {  	s29 =	ssub.s32 $0x2, s9;
	s9 =	sshll.u32 s9, $0x4;
	s30 =	ssub.s32 $0x2710, s11  }
0xb: {  	s31 =	sshrl.u32 s29, $0x1;
	s9 =	sor.u32 s2, s9;
	s15 =	sshrl.u32 s12, $0x2  }
0xc: {  	s12 =	sor.u32 $0x1C03, s13;
	s10 =	sadd.s32 s7, s6;
	s6 =	sadd.s32 $0x51000, s8  }
0xd: {  	s7 =	sadd.s32 $0x4EEC00, s8;
	p0 =	sne.s32 s9, $0x1F;
	s10 =	sshrl.u32 s10, $0x3  }
0xe: {  	s9 =	smul.u32 $0x50, s9;
	s14 =	sadd.s32 s10, s8;
	s10 =	smin.u32 s30, $0x280  }
0xf: {  	s11 =	ssub.s32 s29, s31;
	s13 =	sadd.s32 s15, s4;
	s10 =	smul.u32 $0x334, s10  }
0x10: {  	s15 =	simm.s32 $0x3;
	s11 =	smax.u32 s11, $0x1;
	s8 =	simm.s32 $0x14  }
0x11: {  	s8 =	simm.s32 @!p0 $0xA;
	s14 =	sadd.s32 $0x2E00, s14;
	s10 =	sshrl.u32 s10, $0x10  }
.LBB2_1:
0x12: {  	p1 =	sne.s32 s10, $0x1  }
.Ltmp0:
0x13: {  	_ = 	snop;
	(pc) =	sbr.rel @!p1 .LBB2_3-.Ltmp0, $4  }
0x14: {  	s21 =	sshrl.u32 s13, $0x3  }
0x15: {  	[spmem:s21], [sflag:s12] =	dma.local [hbm:s3], $0x500  }
0x16: {  	_ =	swait.ge [sflag:s15], $0x500  }
0x17: {  	s22 =	sadd.s32 $0xFFFFFFFF, s10;
	s23 =	sadd.s32 $0x2800, s13;
	[sflag:s15] =	ssyncset.done $0x0  }
.LBB2_2:
0x18: {  	s24 =	sshrl.u32 s23, $0x3;
	[sflag:s15] =	ssyncadd.s32 $0xFFFFFB00;
	p2 =	sne.s32 s22, $0x1  }
0x19: {  	[spmem:s24], [sflag:s12] =	dma.local [hbm:s3], $0x500  }
.Ltmp1:
0x1a: {  	_ = 	snop;
	(pc) =	sbr.rel @p2 .LBB2_2-.Ltmp1, $4  }
0x1b: {  	_ = 	snop  }
0x1c: {  	s22 =	sadd.s32 $0xFFFFFFFF, s22  }
0x1d: {  	_ =	swait.ge [sflag:s15], $0x500  }
0x1e: {  	s23 =	sadd.s32 $0x2800, s23;
	[sflag:s15] =	ssyncset.done $0x0  }
.LBB2_3:
0x1f: {  	[sflag:s15] =	ssyncadd.s32 $0xFFFFFB00;
	s22 =	simm.s32 $0x0  }
0x20: {  	p2 =	por p0, p0;
	s23 =	simm.s32 $0x0;
	[bflag:$0x0] =	sbarrier.arrive $0xFFFF  }
.LBB2_4:
0x21: {  	s23 =	sadd.s32 s9, s23  }
0x22: {  	s23 =	sshll.u32 s23, $0x4  }
0x23: {  	s24 =	sadd.s32 s6, s23  }
0x24: {  	[tilespmem:s22], [sflag:$0x3] =	stream.linear.gather [hbm4b:s24+s22], $0x1400, $0x38;
	[tilespmem:$0x1E080] =	vst v63  }
0x25: {  	_ =	swait.ge [sflag:s15], $0x1400  }
0x26: {  	p4 =	sne.s32 s8, $0x1;
	[sflag:s15] =	ssyncset.done $0x0  }
0x27: {  	s31 =	sadd.s32 s7, s23;
	s23 =	simm.s32 $0x1400;
	[sflag:s15] =	ssyncadd.s32 $0xFFFFEC00  }
0x28: {  	[tilespmem:s23], [sflag:$0x3] =	stream.linear.gather [hbm4b:s31+s22], $0x1400, $0x38;
	[tilespmem:$0x1E080] =	vst v63  }
.Ltmp2:
0x29: {  	_ = 	snop;
	(pc) =	sbr.rel @!p4 .LBB2_5-.Ltmp2, $4  }
0x2a: {  	_ =	swait.ge [sflag:s15], $0x1400  }
0x2b: {  	p3 =	por p2, p2;
	s25 =	simm.s32 $0x1;
	[sflag:s15] =	ssyncset.done $0x0  }
0x2c: {  	p2 =	por $0x0, $0x0;
	s24 =	simm.s32 $0x100;
	[sflag:s15] =	ssyncadd.s32 $0xFFFFEC00  }
0x2d: {  	[tilespmem:s17], [sflag:$0x1] =	stream.indirect.gather [hbm4b:s0+s16], $0x80, s22, s16, $0xb8;
	[tilespmem:$0x1E080] =	vst v63  }
0x2e: {  	s25 =	simm.s32 $0x80  }
0x2f: {  	[tilespmem:s18], [sflag:$0x2] =	stream.indirect.gather [hbm4b:s0+s16], $0x80, s25, s16, $0xb8;
	[tilespmem:$0x1E080] =	vst v63  }
0x30: {  	_ =	swait.ge [sflag:s19], $0x4000  }
0x31: {  	[sflag:s19] =	ssyncset.done $0x0  }
0x32: {  	[sflag:s19] =	ssyncadd.s32 $0xFFFFC000  }
0x33: {  	[spmem:s4] =	stream.indirect.scatter.add.f32 [tilespmem:s17], [sflag:$0x3], $0x80, s23, s16, $0xb8;
	[tilespmem:$0x1E080] =	vst v63  }
0x34: {  	_ =	swait.ge [sflag:s15], $0x4000  }
0x35: {  	p4 =	sle.u32 s8, $0x1;
	[sflag:s15] =	ssyncset.done $0x0  }
0x36: {  	s25 =	simm.s32 @!p4 $0x2800;
	s23 =	simm.s32 @!p4 $0x80;
	[sflag:s15] =	ssyncadd.s32 $0xFFFFC000  }
0x37: {  	[tilespmem:s25], [sflag:$0x1] =	stream.indirect.gather @!p4 [hbm4b:s0+s23], $0x80, s24, s23, $0xb8;
	[tilespmem:$0x1E080] =	vst v63  }
0x38: {  	p5 =	sne.s32 s8, $0x2;
	_ =	swait.ge [sflag:s20], $0x4000  }
.Ltmp3:
0x39: {  	[sflag:s20] =	ssyncset.done $0x0;
	(pc) =	sbr.rel @!p5 .LBB2_8-.Ltmp3, $4  }
0x3a: {  	s31 =	simm.s32 $0x1480;
	s26 =	simm.s32 $0x2;
	[sflag:s20] =	ssyncadd.s32 $0xFFFFC000  }
0x3b: {  	[spmem:s4] =	stream.indirect.scatter.add.f32 [tilespmem:s18], [sflag:$0x3], $0x80, s31, s16, $0xb8;
	[tilespmem:$0x1E080] =	vst v63  }
0x3c: {  	s25 =	simm.s32 $0x2;
	s24 =	simm.s32 $0x200;
	_ =	swait.ge [sflag:s15], $0x4000  }
0x3d: {  	s23 =	simm.s32 $0x1500;
	p4 =	por $0x1, $0x1;
	[sflag:s15] =	ssyncset.done $0x0  }
.LBB2_7:
0x3e: {  	s26 =	sadd.s32 $0x1, s26;
	s28 =	sadd.s32 $0xFFFFFF80, s24;
	[sflag:s15] =	ssyncadd.s32 $0xFFFFC000  }
0x3f: {  	[tilespmem:s18], [sflag:$0x2] =	stream.indirect.gather [hbm4b:s0+s16], $0x80, s28, s16, $0xb8;
	[tilespmem:$0x1E080] =	vst v63  }
0x40: {  	p5 =	sne.s32 s8, s26;
	_ =	swait.ge [sflag:s19], $0x4000  }
0x41: {  	[sflag:s19] =	ssyncset.done $0x0  }
0x42: {  	[sflag:s19] =	ssyncadd.s32 $0xFFFFC000  }
0x43: {  	[spmem:s4] =	stream.indirect.scatter.add.f32 [tilespmem:s17], [sflag:$0x3], $0x80, s23, s16, $0xb8;
	[tilespmem:$0x1E080] =	vst v63  }
0x44: {  	_ =	swait.ge [sflag:s15], $0x4000  }
0x45: {  	p6 =	sge.u32 s25, s8;
	s25 =	smov.u32 s26;
	[sflag:s15] =	ssyncset.done $0x0  }
0x46: {  	s28 =	simm.s32 @!p6 $0x80;
	s29 =	simm.s32 @!p6 $0x2800;
	[sflag:s15] =	ssyncadd.s32 $0xFFFFC000  }
0x47: {  	[tilespmem:s29], [sflag:$0x1] =	stream.indirect.gather @!p6 [hbm4b:s0+s28], $0x80, s24, s28, $0xb8;
	[tilespmem:$0x1E080] =	vst v63  }
0x48: {  	_ =	swait.ge [sflag:s20], $0x4000  }
.Ltmp4:
0x49: {  	[sflag:s20] =	ssyncset.done $0x0;
	(pc) =	sbr.rel @p5 .LBB2_7-.Ltmp4, $4  }
0x4a: {  	s28 =	sadd.s32 $0x80, s23;
	[sflag:s20] =	ssyncadd.s32 $0xFFFFC000  }
0x4b: {  	[spmem:s4] =	stream.indirect.scatter.add.f32 [tilespmem:s18], [sflag:$0x3], $0x80, s28, s16, $0xb8;
	[tilespmem:$0x1E080] =	vst v63  }
0x4c: {  	_ =	swait.ge [sflag:s15], $0x4000  }
0x4d: {  	s24 =	sadd.s32 $0x100, s24;
	s23 =	sadd.s32 $0x100, s23;
	[sflag:s15] =	ssyncset.done $0x0  }
.LBB2_8:
0x4e: {  	s26 =	sadd.s32 $0xFFFFFF80, s24;
	[sflag:s15] =	ssyncadd.s32 @p4 $0xFFFFC000  }
0x4f: {  	[tilespmem:s18], [sflag:$0x2] =	stream.indirect.gather [hbm4b:s0+s16], $0x80, s26, s16, $0xb8;
	[tilespmem:$0x1E080] =	vst v63  }
0x50: {  	_ =	swait.ge [sflag:s19], $0x4000  }
0x51: {  	[sflag:s19] =	ssyncset.done $0x0  }
0x52: {  	[sflag:s19] =	ssyncadd.s32 $0xFFFFC000  }
0x53: {  	[spmem:s4] =	stream.indirect.scatter.add.f32 [tilespmem:s17], [sflag:$0x3], $0x80, s23, s16, $0xb8;
	[tilespmem:$0x1E080] =	vst v63  }
0x54: {  	_ =	swait.ge [sflag:s15], $0x4000  }
0x55: {  	p4 =	sge.u32 s25, s8;
	[sflag:s15] =	ssyncset.done $0x0  }
0x56: {  	s25 =	simm.s32 @!p4 $0x80;
	s26 =	simm.s32 @!p4 $0x2800;
	[sflag:s15] =	ssyncadd.s32 $0xFFFFC000  }
0x57: {  	[tilespmem:s26], [sflag:$0x1] =	stream.indirect.gather @!p4 [hbm4b:s0+s25], $0x80, s24, s25, $0xb8;
	[tilespmem:$0x1E080] =	vst v63  }
0x58: {  	_ =	swait.ge [sflag:s20], $0x4000  }
0x59: {  	[sflag:s20] =	ssyncset.done $0x0  }
0x5a: {  	s31 =	sadd.s32 $0x80, s23;
	[sflag:s20] =	ssyncadd.s32 $0xFFFFC000  }
0x5b: {  	[spmem:s4] =	stream.indirect.scatter.add.f32 [tilespmem:s18], [sflag:$0x3], $0x80, s31, s16, $0xb8;
	[tilespmem:$0x1E080] =	vst v63  }
.Ltmp5:
0x5c: {  	_ = 	snop;
	(pc) =	sbr.rel @p3 .LBB2_4-.Ltmp5, $4  }
.Ltmp6:
0x5d: {  	_ = 	snop;
	(pc) =	sbr.rel @!p3 .LBB2_9-.Ltmp6, $4  }
0x5e: {  	_ =	swait.ge [sflag:s15], $0x4000  }
0x5f: {  	[sflag:s15] =	ssyncset.done $0x0  }
0x60: {  	s23 =	simm.s32 $0x28;
	[sflag:s15] =	ssyncadd.s32 $0xFFFFC000  }
0x61: {  	_ = 	snop  }
.LBB2_5:
.Ltmp7:
0x62: {  	(pc) =	sbr.rel .LBB2_8-.Ltmp7, $2  }
0x63: {  	_ =	sdelay $0x2  }
0x64: {  	p4 =	por $0x0, $0x0  }
.LBB2_9:
.Ltmp8:
0x65: {  	(pc) =	sbr.rel @!p1 .LBB2_11-.Ltmp8, $4  }
0x66: {  	[bflag:$0x0] =	sbarrier.arrive $0xFFFF  }
0x67: {  	[hbm:s14], [sflag:s12] =	dma.local [spmem:s21], $0x500  }
0x68: {  	s22 =	sadd.s32 $0x2800, s13;
	_ =	swait.ge [sflag:s15], $0x500  }
0x69: {  	s23 =	smov.u32 s14;
	s21 =	sadd.s32 $0xFFFFFFFF, s10;
	[sflag:s15] =	ssyncset.done $0x0  }
.LBB2_10:
0x6a: {  	s24 =	sshrl.u32 s22, $0x3  }
0x6b: {  	[sflag:s15] =	ssyncadd.s32 $0xFFFFFB00;
	s23 =	sadd.s32 $0x500, s23;
	p1 =	sne.s32 s21, $0x1  }
0x6c: {  	[hbm:s23], [sflag:s12] =	dma.local [spmem:s24], $0x500  }
.Ltmp9:
0x6d: {  	_ = 	snop;
	(pc) =	sbr.rel @p1 .LBB2_10-.Ltmp9, $4  }
0x6e: {  	_ = 	snop  }
0x6f: {  	s21 =	sadd.s32 $0xFFFFFFFF, s21  }
0x70: {  	_ =	swait.ge [sflag:s15], $0x500  }
0x71: {  	s22 =	sadd.s32 $0x2800, s22;
	[sflag:s15] =	ssyncset.done $0x0  }
.LBB2_11:
0x72: {  	s5 =	sadd.s32 $0x1, s5  }
0x73: {  	p1 =	sne.s32 s5, s11  }
.Ltmp10:
0x74: {  	_ = 	snop;
	(pc) =	sbr.rel @p1 .LBB2_1-.Ltmp10, $2  }
0x75: {  	_ =	sdelay $0x2  }
0x76: {  	[sflag:s15] =	ssyncadd.s32 $0xFFFFFB00  }
0x77: {  	_ =	sfence.sel $0x180000  }
0x78: {  	[bflag:$0x0] =	sbarrier.arrive $0xFFFF  }
0x79: {  	p0 =	sne.s32 s2, $0x0;
	_ =	strace $0x90000050  }
0x7a: {  	s0 =	sadd.s32 @!p0 $0x100000, s1;
	[bflag:$0x2] =	sbarrier.arrive $0xFFFF  }
0x7b: {  	[sflag:s0] =	ssyncadd.tile.s32 @!p0 $0x1;
	_ =	shalt  }
.Lfunc_end2:
_tile_overlayer_lowered:
.L_overlay_start_2:
0x7c: {  	(tag) =	ssettag $0x2  }
0x7d: {  	s0 =	rddreg [dreg:$0x0];
	s2 =	stileid.u32  }
0x7e: {  	s1 =	rddreg [dreg:$0x1];
	p0 =	sne.s32 s2, $0x0  }
0x7f: {  	s3 =	rddreg [dreg:$0x2];
	[bflag:$0x3] =	sbarrier.arrive $0xFFFF;
	s2 =	simm.s32 @!p0 $0x1C03  }
0x80: {  	[timem:s3], [sflag:s2] =	dma.local @!p0 [hbm:s0], s1  }
0x81: {  	s0 =	simm.s32 @!p0 $0x3  }
0x82: {  	_ =	swait.ge @!p0 [sflag:s0], s1  }
0x83: {  	s1 =	ssub.s32 @!p0 $0x0, s1;
	[sflag:s0] =	ssyncset.done @!p0 $0x0  }
0x84: {  	[sflag:s0] =	ssyncadd.s32 @!p0 s1  }
0x85: {  	[bflag:$0x3] =	sbarrier.arrive $0xFFFF  }
0x86: {  	_ =	shalt  }

// kernel: sc_segsum_128.6.cloned.1.call-start
scs
__scs_entry_jumppad:
0x0: {  	(pc) =	sbr.rel $0x88, $3  }
0x1: {  	(tag) =	ssettag $0x0;
	lr =	simm.s32 $0x1  }
0x2: {  	[smem:$0x3F95] =	sst lr;
	_ =	strace $0xD0000000  }
0x3: {  	_ = 	snop  }
0x4: {  	_ = 	snop  }
0x5: {  	_ = 	snop  }
0x6: {  	_ = 	snop  }
0x7: {  	_ = 	snop  }
__scs_overlays_trampoline_lowered:
0x8: {  	[smem:$0x3FA4] =	sst s0  }
0x9: {  	[smem:$0x3FA5] =	sst s1  }
0xa: {  	[smem:$0x3FA6] =	sst s2  }
0xb: {  	[smem:$0x3FA7] =	sst s3  }
0xc: {  	[smem:$0x3FA8] =	sst s4  }
0xd: {  	[smem:$0x3FA9] =	sst s5  }
0xe: {  	[smem:$0x3FAA] =	sst s6  }
0xf: {  	[smem:$0x3FAB] =	sst s7  }
0x10: {  	[smem:$0x3FAC] =	sst s8  }
0x11: {  	[smem:$0x3FAD] =	sst s9;
	s0 =	simm.s32 @!p0 $0x0  }
0x12: {  	s1 =	sld [smem:$0x3F93];
	s0 =	simm.s32 @p0 $0x1  }
0x13: {  	[smem:$0x3FAE] =	sst s0;
	s0 =	simm.s32 @!p1 $0x0  }
0x14: {  	s2 =	sld [smem:$0x3F92];
	s0 =	simm.s32 @p1 $0x1  }
0x15: {  	[smem:$0x3FAF] =	sst s0;
	s0 =	simm.s32 @!p2 $0x0  }
0x16: {  	s3 =	sld [smem:$0x3FDB];
	s0 =	simm.s32 @p2 $0x1  }
0x17: {  	s4 =	simm.s32 $0x1BF5;
	[smem:$0x3FB1] =	sst s0  }
0x18: {  	s0 =	sld [smem:$0x3F94];
	_ =	swait.ge [sflag:s4], $0x0  }
0x19: {  	s7 =	sld [smem:$0x3F95]  }
0x1a: {  	s8 =	sadd.s32 $0xFFFFE003, lr  }
0x1b: {  	s9 =	sadd.s32 $0xFFFFFEF7, lr;
	s5 =	simm.s32 $0xFFFFFFFF;
	p2 =	slt.u32 s8, $0xFFFFF086  }
0x1c: {  	p1 =	slt.u32 s9, $0xF7A;
	s5 =	simm.s32 @!p2 $0x0  }
0x1d: {  	s5 =	simm.s32 @p1 $0x1;
	p0 =	seq.s32 s7, s2  }
0x1e: {  	s7 =	smul.u32 @!p0 $0xF7A, s2;
	p2 =	seq.s32 @!p0 s5, $0x0  }
0x1f: {  	s9 =	smul.u32 $0xF7A, s1;
	s8 =	simm.s32 @!p0 $0x1BF5;
	p2 =	por !p2, p0  }
0x20: {  	[sflag:s8] =	ssyncset.s32 @!p0 $0xFFFFF086;
	s6 =	sadd.s32 @!p0 s3, s7;
	s7 =	simm.s32 @!p0 $0x108  }
0x21: {  	s3 =	sadd.s32 s3, s9;
	s6 =	sadd.s32 @!p0 $0x88, s6;
	s7 =	simm.s32 @p2 $0x1082  }
0x22: {  	[simem:s7], [sflag:s8] =	dma.local @!p0 [hbm:s6], $0xF7A  }
0x23: {  	s9 =	sor.u32 $0xD0000000, s2;
	s6 =	simm.s32 $0x108;
	_ =	swait.ge @!p0 [sflag:s8], $0x0  }
0x24: {  	s3 =	sadd.s32 $0x88, s3;
	s6 =	simm.s32 @!p1 $0x1082;
	[sflag:s4] =	ssyncset.s32 $0xFFFFF086  }
0x25: {  	[simem:s6], [sflag:s4] =	dma.local [hbm:s3], $0xF7A  }
0x26: {  	[smem:$0x3F95] =	sst s1;
	(tag) =	ssettag s2;
	_ =	strace s9  }
0x27: {  	s1 =	sld [smem:$0x3FA5]  }
0x28: {  	s2 =	sld [smem:$0x3FA6]  }
0x29: {  	s4 =	sld [smem:$0x3FA8]  }
0x2a: {  	p0 =	seq.s32 s5, $0x0;
	s5 =	sld [smem:$0x3FA9]  }
0x2b: {  	s6 =	sld [smem:$0x3FAA]  }
0x2c: {  	s7 =	sld [smem:$0x3FAB]  }
0x2d: {  	s3 =	simm.s32 $0x108;
	s8 =	sld [smem:$0x3FAC]  }
0x2e: {  	s3 =	simm.s32 @!p0 $0x1082;
	s9 =	sld [smem:$0x3FAD]  }
0x2f: {  	lr =	sadd.s32 s0, s3;
	s0 =	sld [smem:$0x3FA4]  }
0x30: {  	s3 =	sld [smem:$0x3FA7]  }
0x31: {  	[smem:$0x3FB0] =	sst s10  }
0x32: {  	s10 =	sld [smem:$0x3FAE];
	_ =	sdelay $0x3  }
0x33: {  	p0 =	seq.s32 s10, $0x1;
	s10 =	sld [smem:$0x3FB0];
	_ =	sdelay $0x3  }
0x34: {  	[smem:$0x3FB0] =	sst s10  }
0x35: {  	s10 =	sld [smem:$0x3FAF];
	_ =	sdelay $0x3  }
0x36: {  	p1 =	seq.s32 s10, $0x1;
	s10 =	sld [smem:$0x3FB0];
	_ =	sdelay $0x3  }
0x37: {  	[smem:$0x3FB0] =	sst s10  }
0x38: {  	s10 =	sld [smem:$0x3FB1]  }
0x39: {  	_ = 	snop;
	(pc) =	sbr.ind lr, $3  }
0x3a: {  	_ = 	snop  }
0x3b: {  	_ = 	snop  }
0x3c: {  	p2 =	seq.s32 s10, $0x1;
	s10 =	sld [smem:$0x3FB0]  }
0x3d: {  	_ =	shalt  }
0x3e: {  	_ =	shalt  }
0x3f: {  	_ =	shalt  }
0x40: {  	_ =	shalt  }
0x41: {  	_ =	shalt  }
0x42: {  	_ =	shalt  }
0x43: {  	_ =	shalt  }
0x44: {  	_ =	shalt  }
0x45: {  	_ =	shalt  }
0x46: {  	_ =	shalt  }
0x47: {  	_ =	shalt  }
0x48: {  	_ =	shalt  }
0x49: {  	_ =	shalt  }
0x4a: {  	_ =	shalt  }
0x4b: {  	_ =	shalt  }
0x4c: {  	_ =	shalt  }
0x4d: {  	_ =	shalt  }
0x4e: {  	_ =	shalt  }
0x4f: {  	_ =	shalt  }
0x50: {  	_ =	shalt  }
0x51: {  	_ =	shalt  }
0x52: {  	_ =	shalt  }
0x53: {  	_ =	shalt  }
0x54: {  	_ =	shalt  }
0x55: {  	_ =	shalt  }
0x56: {  	_ =	shalt  }
0x57: {  	_ =	shalt  }
0x58: {  	_ =	shalt  }
0x59: {  	_ =	shalt  }
0x5a: {  	_ =	shalt  }
0x5b: {  	_ =	shalt  }
0x5c: {  	_ =	shalt  }
0x5d: {  	_ =	shalt  }
0x5e: {  	_ =	shalt  }
0x5f: {  	_ =	shalt  }
0x60: {  	_ =	shalt  }
0x61: {  	_ =	shalt  }
0x62: {  	_ =	shalt  }
0x63: {  	_ =	shalt  }
0x64: {  	_ =	shalt  }
0x65: {  	_ =	shalt  }
0x66: {  	_ =	shalt  }
0x67: {  	_ =	shalt  }
0x68: {  	_ =	shalt  }
0x69: {  	_ =	shalt  }
0x6a: {  	_ =	shalt  }
0x6b: {  	_ =	shalt  }
0x6c: {  	_ =	shalt  }
0x6d: {  	_ =	shalt  }
0x6e: {  	_ =	shalt  }
0x6f: {  	_ =	shalt  }
0x70: {  	_ =	shalt  }
0x71: {  	_ =	shalt  }
0x72: {  	_ =	shalt  }
0x73: {  	_ =	shalt  }
0x74: {  	_ =	shalt  }
0x75: {  	_ =	shalt  }
0x76: {  	_ =	shalt  }
0x77: {  	_ =	shalt  }
0x78: {  	_ =	shalt  }
0x79: {  	_ =	shalt  }
0x7a: {  	_ =	shalt  }
0x7b: {  	_ =	shalt  }
0x7c: {  	_ =	shalt  }
0x7d: {  	_ =	shalt  }
0x7e: {  	_ =	shalt  }
0x7f: {  	_ =	shalt  }
0x80: {  	_ =	shalt  }
0x81: {  	_ =	shalt  }
0x82: {  	_ =	shalt  }
0x83: {  	_ =	shalt  }
0x84: {  	_ =	shalt  }
0x85: {  	_ =	shalt  }
0x86: {  	_ =	shalt  }
0x87: {  	_ =	shalt  }
.Lfunc_end0:
.L_simem_size_0:
called_computation_lowered:
.L_overlay_start_0:
0x88: {  	s2 =	sld [smem:$0x3FD9]  }
0x89: {  	s3 =	sld [smem:$0x3FFE];
	_ =	sdelay $0x1  }
0x8a: {  	s1 =	srdreg.scid  }
0x8b: {  	s0 =	sand.u32 $0x1, s1  }
0x8c: {  	s14 =	sshll.u32 s0, $0xA;
	s2 =	sadd.s32 s3, s2  }
0x8d: {  	s2 =	sadd.s32 s2, s14  }
0x8e: {  	[smem:$0x3FBC] =	sst s2  }
0x8f: {  	_ = 	snop  }
0x90: {  	s2 =	sld [smem:$0x3FD0];
	_ =	sdelay $0x2  }
0x91: {  	s15 =	simm.s32 $0xA;
	s4 =	simm.s32 $0x10  }
0x92: {  	[smem:s4], [sflag:s15] =	dma.local [hbm:s2], $0x1  }
0x93: {  	_ =	swait.eq [sflag:s15], $0x1  }
0x94: {  	[sflag:s15] =	ssyncset.done $0x0  }
0x95: {  	s16 =	sld [smem:$0x10];
	[sflag:s15] =	ssyncadd.s32 $0xFFFFFFFF  }
0x96: {  	s17 =	sld [smem:$0x11];
	(tm) =	ssettm $0x1  }
0x97: {  	s18 =	sld [smem:$0x3FFB];
	_ =	sdelay $0x3  }
0x98: {  	_ =	strace s18  }
0x99: {  	s4 =	sld [smem:$0x3FFC];
	_ =	sdelay $0x3  }
0x9a: {  	_ =	strace s4  }
0x9b: {  	s4 =	sld [smem:$0x3FFD];
	_ =	sdelay $0x3  }
0x9c: {  	_ =	strace s4  }
0x9d: {  	_ =	strace $0x8FFFFFFF  }
0x9e: {  	s19 =	sld [smem:$0x3FDB];
	_ =	sdelay $0x1  }
0x9f: {  	s5 =	simm.s32 $_scs_section_size  }
0xa0: {  	s6 =	simm.s32 $_size__tile_overlayer_lowered;
	s7 =	simm.s32 $_tile_overlayer_lowered  }
0xa1: {  	s22 =	simm.s32 $0x1BFF;
	s21 =	sshll.u32 s7, $0x1;
	s4 =	sadd.s32 s5, s19  }
0xa2: {  	s8 =	simm.s32 $0x0;
	s20 =	sshll.u32 s6, $0x1;
	s6 =	sadd.s32 s21, s4  }
0xa3: {  	[timem:s8], [sflag:s22] =	dma.local [hbm:s6], s20  }
0xa4: {  	_ =	swait.ge [sflag:s22], s20  }
0xa5: {  	s5 =	ssub.s32 $0x0, s20;
	[sflag:s22] =	ssyncset.done $0x0  }
0xa6: {  	[sflag:s22] =	ssyncadd.s32 s5;
	_ =	sdelay $0x1  }
0xa7: {  	s23 =	simm.s32 $0x1B8B  }
0xa8: {  	_ =	swait.ge [sflag:s23], $0x1  }
0xa9: {  	[sflag:s23] =	ssyncset.done $0x0  }
0xaa: {  	s25 =	simm.s32 $0x1B8E;
	s24 =	sld [smem:$0x3FFE];
	[sflag:s23] =	ssyncadd.s32 $0xFFFFFFFF  }
0xab: {  	s26 =	simm.s32 $execute0_lowered;
	[smem:$0x3FD2] =	sst s25  }
0xac: {  	s6 =	sshll.u32 s26, $0x1;
	_ =	strace $0x80000046;
	[dreg:$0x1] =	wrdreg $0xFFFFFFFF  }
0xad: {  	s28 =	simm.s32 $_size_execute0_lowered;
	s4 =	sadd.s32 s4, s6;
	[dreg:$0x0] =	wrdreg $0x0  }
0xae: {  	s6 =	sshll.u32 s28, $0x1;
	[dreg:$0x2] =	wrdreg s4  }
0xaf: {  	[dreg:$0x3] =	wrdreg s6  }
0xb0: {  	[dreg:$0x4] =	wrdreg $0xC0  }
0xb1: {  	_ =	task [dreg:s8], $0x5FFFF  }
0xb2: {  	[dreg:$0x1] =	wrdreg $0xFFFFFFFF  }
0xb3: {  	[dreg:$0x0] =	wrdreg $0x60  }
0xb4: {  	[dreg:$0x2] =	wrdreg s24  }
0xb5: {  	[dreg:$0x3] =	wrdreg s16  }
0xb6: {  	[dreg:$0x4] =	wrdreg s17  }
0xb7: {  	[dreg:$0x5] =	wrdreg $0xA8000  }
0xb8: {  	[dreg:$0x6] =	wrdreg $0x9  }
0xb9: {  	_ =	task.clear_ibuf [dreg:s8], $0x7FFFF;
	_ =	strace $0x90000046  }
0xba: {  	s29 =	simm.s32 $0x9;
	_ =	strace $0x80000048  }
0xbb: {  	_ =	swait.ge [sflag:s29], $0x1  }
0xbc: {  	[sflag:s29] =	ssyncadd.s32 $0xFFFFFFFF  }
0xbd: {  	_ =	strace $0x90000048  }
0xbe: {  	_ =	sfence  }
0xbf: {  	s30 =	sld [smem:$0x0];
	_ =	sdelay $0x2  }
0xc0: {  	s31 =	sshll.u32 s1, $0xD;
	s1 =	sshrl.u32 s1, $0x2  }
0xc1: {  	s3 =	sand.u32 $0x4000, s31;
	s1 =	sadd.s32 s1, s30  }
0xc2: {  	s0 =	sor.u32 s3, s0;
	s1 =	sshll.u32 s1, $0x11  }
0xc3: {  	s0 =	sor.u32 s1, s0  }
0xc4: {  	s0 =	sadd.s32 $0x8F2B, s0  }
0xc5: {  	[sflag:s0] =	ssyncadd.remote.s32 $0x1  }
0xc6: {  	_ =	sfence.sel $0xFFFF  }
0xc7: {  	[dreg:$0x0] =	wrdreg $0xFFFFFFFF;
	(pc) =	sbr.abs _section_cstart, $3  }
0xc8: {  	[dreg:$0x1] =	wrdreg $0xFFFFFFFF  }
0xc9: {  	_ =	task.clear_ibuf [dreg:s8], $0x2FFFF;
	_ =	strace $0x9FFFFFFF  }
0xca: {  	(tm) =	ssettm $0x7FFFFFFF  }
0xcb: {  	_ =	shalt  }
tec
execute0_lowered:
.L_overlay_start_1:
0x0: {  	(tag) =	ssettag $0x1  }
0x1: {  	s8 =	rddreg [dreg:$0x0]  }
0x2: {  	s0 =	rddreg [dreg:$0x1]  }
0x3: {  	s3 =	rddreg [dreg:$0x2];
	s1 =	srdreg.scid  }
0x4: {  	s4 =	rddreg [dreg:$0x3];
	s2 =	stileid.u32  }
0x5: {  	s5 =	simm.s32 $0x0;
	s16 =	simm.s32 $0x80;
	s17 =	simm.s32 $0x2800  }
0x6: {  	s18 =	simm.s32 $0x6800;
	s19 =	simm.s32 $0x1;
	s7 =	smul.u32 $0x14000, s2  }
0x7: {  	s9 =	sand.u32 $0x1, s1;
	s1 =	rddreg [dreg:$0x4];
	s11 =	smul.u32 $0x280, s2  }
0x8: {  	s20 =	simm.s32 $0x2;
	[smem:$0x7FF] =	sst s5;
	s12 =	smul.u32 $0x50000, s2  }
0x9: {  	s13 =	sshll.u32 s2, $0x6;
	s6 =	smul.u32 $0x138800, s9;
	_ =	strace $0x80000047  }
0xa: {  	s29 =	ssub.s32 $0x2, s9;
	s9 =	sshll.u32 s9, $0x4;
	s30 =	ssub.s32 $0x2710, s11  }
0xb: {  	s31 =	sshrl.u32 s29, $0x1;
	s9 =	sor.u32 s2, s9;
	s15 =	sshrl.u32 s12, $0x2  }
0xc: {  	s12 =	sor.u32 $0x1C03, s13;
	s10 =	sadd.s32 s7, s6;
	s6 =	sadd.s32 $0x4F8C00, s8  }
0xd: {  	s7 =	sadd.s32 $0x4EEC00, s8;
	p0 =	sne.s32 s9, $0x1F;
	s10 =	sshrl.u32 s10, $0x3  }
0xe: {  	s9 =	smul.u32 $0x50, s9;
	s14 =	sadd.s32 s10, s8;
	s10 =	smin.u32 s30, $0x280  }
0xf: {  	s11 =	ssub.s32 s29, s31;
	s13 =	sadd.s32 s15, s4;
	s10 =	smul.u32 $0x334, s10  }
0x10: {  	s15 =	simm.s32 $0x3;
	s11 =	smax.u32 s11, $0x1;
	s8 =	simm.s32 $0x14  }
0x11: {  	s8 =	simm.s32 @!p0 $0xA;
	s14 =	sadd.s32 $0x2E00, s14;
	s10 =	sshrl.u32 s10, $0x10  }
.LBB2_1:
0x12: {  	p1 =	sne.s32 s10, $0x1  }
.Ltmp0:
0x13: {  	_ = 	snop;
	(pc) =	sbr.rel @!p1 .LBB2_3-.Ltmp0, $4  }
0x14: {  	s21 =	sshrl.u32 s13, $0x3  }
0x15: {  	[spmem:s21], [sflag:s12] =	dma.local [hbm:s3], $0x500  }
0x16: {  	_ =	swait.ge [sflag:s15], $0x500  }
0x17: {  	s22 =	sadd.s32 $0xFFFFFFFF, s10;
	s23 =	sadd.s32 $0x2800, s13;
	[sflag:s15] =	ssyncset.done $0x0  }
.LBB2_2:
0x18: {  	s24 =	sshrl.u32 s23, $0x3;
	[sflag:s15] =	ssyncadd.s32 $0xFFFFFB00;
	p2 =	sne.s32 s22, $0x1  }
0x19: {  	[spmem:s24], [sflag:s12] =	dma.local [hbm:s3], $0x500  }
.Ltmp1:
0x1a: {  	_ = 	snop;
	(pc) =	sbr.rel @p2 .LBB2_2-.Ltmp1, $4  }
0x1b: {  	_ = 	snop  }
0x1c: {  	s22 =	sadd.s32 $0xFFFFFFFF, s22  }
0x1d: {  	_ =	swait.ge [sflag:s15], $0x500  }
0x1e: {  	s23 =	sadd.s32 $0x2800, s23;
	[sflag:s15] =	ssyncset.done $0x0  }
.LBB2_3:
0x1f: {  	[sflag:s15] =	ssyncadd.s32 $0xFFFFFB00;
	s22 =	simm.s32 $0x0  }
0x20: {  	p2 =	por p0, p0;
	s23 =	simm.s32 $0x0;
	[bflag:$0x0] =	sbarrier.arrive $0xFFFF  }
.LBB2_4:
0x21: {  	s23 =	sadd.s32 s9, s23  }
0x22: {  	s23 =	sshll.u32 s23, $0x4  }
0x23: {  	s24 =	sadd.s32 s0, s23  }
0x24: {  	[tilespmem:s22], [sflag:$0x3] =	stream.linear.gather [hbm4b:s24+s22], $0x1400, $0x38;
	[tilespmem:$0x1E080] =	vst v63  }
0x25: {  	_ =	swait.ge [sflag:s15], $0x1400  }
0x26: {  	p4 =	sne.s32 s8, $0x1;
	[sflag:s15] =	ssyncset.done $0x0  }
0x27: {  	s31 =	sadd.s32 s7, s23;
	s23 =	simm.s32 $0x1400;
	[sflag:s15] =	ssyncadd.s32 $0xFFFFEC00  }
0x28: {  	[tilespmem:s23], [sflag:$0x3] =	stream.linear.gather [hbm4b:s31+s22], $0x1400, $0x38;
	[tilespmem:$0x1E080] =	vst v63  }
.Ltmp2:
0x29: {  	_ = 	snop;
	(pc) =	sbr.rel @!p4 .LBB2_5-.Ltmp2, $4  }
0x2a: {  	_ =	swait.ge [sflag:s15], $0x1400  }
0x2b: {  	p3 =	por p2, p2;
	s25 =	simm.s32 $0x1;
	[sflag:s15] =	ssyncset.done $0x0  }
0x2c: {  	p2 =	por $0x0, $0x0;
	s24 =	simm.s32 $0x100;
	[sflag:s15] =	ssyncadd.s32 $0xFFFFEC00  }
0x2d: {  	[tilespmem:s17], [sflag:$0x1] =	stream.indirect.gather [hbm4b:s6+s16], $0x80, s22, s16, $0xb8;
	[tilespmem:$0x1E080] =	vst v63  }
0x2e: {  	s25 =	simm.s32 $0x80  }
0x2f: {  	[tilespmem:s18], [sflag:$0x2] =	stream.indirect.gather [hbm4b:s6+s16], $0x80, s25, s16, $0xb8;
	[tilespmem:$0x1E080] =	vst v63  }
0x30: {  	_ =	swait.ge [sflag:s19], $0x4000  }
0x31: {  	[sflag:s19] =	ssyncset.done $0x0  }
0x32: {  	[sflag:s19] =	ssyncadd.s32 $0xFFFFC000  }
0x33: {  	[spmem:s4] =	stream.indirect.scatter.add.f32 [tilespmem:s17], [sflag:$0x3], $0x80, s23, s16, $0xb8;
	[tilespmem:$0x1E080] =	vst v63  }
0x34: {  	_ =	swait.ge [sflag:s15], $0x4000  }
0x35: {  	p4 =	sle.u32 s8, $0x1;
	[sflag:s15] =	ssyncset.done $0x0  }
0x36: {  	s25 =	simm.s32 @!p4 $0x2800;
	s23 =	simm.s32 @!p4 $0x80;
	[sflag:s15] =	ssyncadd.s32 $0xFFFFC000  }
0x37: {  	[tilespmem:s25], [sflag:$0x1] =	stream.indirect.gather @!p4 [hbm4b:s6+s23], $0x80, s24, s23, $0xb8;
	[tilespmem:$0x1E080] =	vst v63  }
0x38: {  	p5 =	sne.s32 s8, $0x2;
	_ =	swait.ge [sflag:s20], $0x4000  }
.Ltmp3:
0x39: {  	[sflag:s20] =	ssyncset.done $0x0;
	(pc) =	sbr.rel @!p5 .LBB2_8-.Ltmp3, $4  }
0x3a: {  	s31 =	simm.s32 $0x1480;
	s26 =	simm.s32 $0x2;
	[sflag:s20] =	ssyncadd.s32 $0xFFFFC000  }
0x3b: {  	[spmem:s4] =	stream.indirect.scatter.add.f32 [tilespmem:s18], [sflag:$0x3], $0x80, s31, s16, $0xb8;
	[tilespmem:$0x1E080] =	vst v63  }
0x3c: {  	s25 =	simm.s32 $0x2;
	s24 =	simm.s32 $0x200;
	_ =	swait.ge [sflag:s15], $0x4000  }
0x3d: {  	s23 =	simm.s32 $0x1500;
	p4 =	por $0x1, $0x1;
	[sflag:s15] =	ssyncset.done $0x0  }
.LBB2_7:
0x3e: {  	s26 =	sadd.s32 $0x1, s26;
	s28 =	sadd.s32 $0xFFFFFF80, s24;
	[sflag:s15] =	ssyncadd.s32 $0xFFFFC000  }
0x3f: {  	[tilespmem:s18], [sflag:$0x2] =	stream.indirect.gather [hbm4b:s6+s16], $0x80, s28, s16, $0xb8;
	[tilespmem:$0x1E080] =	vst v63  }
0x40: {  	p5 =	sne.s32 s8, s26;
	_ =	swait.ge [sflag:s19], $0x4000  }
0x41: {  	[sflag:s19] =	ssyncset.done $0x0  }
0x42: {  	[sflag:s19] =	ssyncadd.s32 $0xFFFFC000  }
0x43: {  	[spmem:s4] =	stream.indirect.scatter.add.f32 [tilespmem:s17], [sflag:$0x3], $0x80, s23, s16, $0xb8;
	[tilespmem:$0x1E080] =	vst v63  }
0x44: {  	_ =	swait.ge [sflag:s15], $0x4000  }
0x45: {  	p6 =	sge.u32 s25, s8;
	s25 =	smov.u32 s26;
	[sflag:s15] =	ssyncset.done $0x0  }
0x46: {  	s28 =	simm.s32 @!p6 $0x80;
	s29 =	simm.s32 @!p6 $0x2800;
	[sflag:s15] =	ssyncadd.s32 $0xFFFFC000  }
0x47: {  	[tilespmem:s29], [sflag:$0x1] =	stream.indirect.gather @!p6 [hbm4b:s6+s28], $0x80, s24, s28, $0xb8;
	[tilespmem:$0x1E080] =	vst v63  }
0x48: {  	_ =	swait.ge [sflag:s20], $0x4000  }
.Ltmp4:
0x49: {  	[sflag:s20] =	ssyncset.done $0x0;
	(pc) =	sbr.rel @p5 .LBB2_7-.Ltmp4, $4  }
0x4a: {  	s28 =	sadd.s32 $0x80, s23;
	[sflag:s20] =	ssyncadd.s32 $0xFFFFC000  }
0x4b: {  	[spmem:s4] =	stream.indirect.scatter.add.f32 [tilespmem:s18], [sflag:$0x3], $0x80, s28, s16, $0xb8;
	[tilespmem:$0x1E080] =	vst v63  }
0x4c: {  	_ =	swait.ge [sflag:s15], $0x4000  }
0x4d: {  	s24 =	sadd.s32 $0x100, s24;
	s23 =	sadd.s32 $0x100, s23;
	[sflag:s15] =	ssyncset.done $0x0  }
.LBB2_8:
0x4e: {  	s26 =	sadd.s32 $0xFFFFFF80, s24;
	[sflag:s15] =	ssyncadd.s32 @p4 $0xFFFFC000  }
0x4f: {  	[tilespmem:s18], [sflag:$0x2] =	stream.indirect.gather [hbm4b:s6+s16], $0x80, s26, s16, $0xb8;
	[tilespmem:$0x1E080] =	vst v63  }
0x50: {  	_ =	swait.ge [sflag:s19], $0x4000  }
0x51: {  	[sflag:s19] =	ssyncset.done $0x0  }
0x52: {  	[sflag:s19] =	ssyncadd.s32 $0xFFFFC000  }
0x53: {  	[spmem:s4] =	stream.indirect.scatter.add.f32 [tilespmem:s17], [sflag:$0x3], $0x80, s23, s16, $0xb8;
	[tilespmem:$0x1E080] =	vst v63  }
0x54: {  	_ =	swait.ge [sflag:s15], $0x4000  }
0x55: {  	p4 =	sge.u32 s25, s8;
	[sflag:s15] =	ssyncset.done $0x0  }
0x56: {  	s25 =	simm.s32 @!p4 $0x80;
	s26 =	simm.s32 @!p4 $0x2800;
	[sflag:s15] =	ssyncadd.s32 $0xFFFFC000  }
0x57: {  	[tilespmem:s26], [sflag:$0x1] =	stream.indirect.gather @!p4 [hbm4b:s6+s25], $0x80, s24, s25, $0xb8;
	[tilespmem:$0x1E080] =	vst v63  }
0x58: {  	_ =	swait.ge [sflag:s20], $0x4000  }
0x59: {  	[sflag:s20] =	ssyncset.done $0x0  }
0x5a: {  	s31 =	sadd.s32 $0x80, s23;
	[sflag:s20] =	ssyncadd.s32 $0xFFFFC000  }
0x5b: {  	[spmem:s4] =	stream.indirect.scatter.add.f32 [tilespmem:s18], [sflag:$0x3], $0x80, s31, s16, $0xb8;
	[tilespmem:$0x1E080] =	vst v63  }
.Ltmp5:
0x5c: {  	_ = 	snop;
	(pc) =	sbr.rel @p3 .LBB2_4-.Ltmp5, $4  }
.Ltmp6:
0x5d: {  	_ = 	snop;
	(pc) =	sbr.rel @!p3 .LBB2_9-.Ltmp6, $4  }
0x5e: {  	_ =	swait.ge [sflag:s15], $0x4000  }
0x5f: {  	[sflag:s15] =	ssyncset.done $0x0  }
0x60: {  	s23 =	simm.s32 $0x28;
	[sflag:s15] =	ssyncadd.s32 $0xFFFFC000  }
0x61: {  	_ = 	snop  }
.LBB2_5:
.Ltmp7:
0x62: {  	(pc) =	sbr.rel .LBB2_8-.Ltmp7, $2  }
0x63: {  	_ =	sdelay $0x2  }
0x64: {  	p4 =	por $0x0, $0x0  }
.LBB2_9:
.Ltmp8:
0x65: {  	(pc) =	sbr.rel @!p1 .LBB2_11-.Ltmp8, $4  }
0x66: {  	[bflag:$0x0] =	sbarrier.arrive $0xFFFF  }
0x67: {  	[hbm:s14], [sflag:s12] =	dma.local [spmem:s21], $0x500  }
0x68: {  	s22 =	sadd.s32 $0x2800, s13;
	_ =	swait.ge [sflag:s15], $0x500  }
0x69: {  	s23 =	smov.u32 s14;
	s21 =	sadd.s32 $0xFFFFFFFF, s10;
	[sflag:s15] =	ssyncset.done $0x0  }
.LBB2_10:
0x6a: {  	s24 =	sshrl.u32 s22, $0x3  }
0x6b: {  	[sflag:s15] =	ssyncadd.s32 $0xFFFFFB00;
	s23 =	sadd.s32 $0x500, s23;
	p1 =	sne.s32 s21, $0x1  }
0x6c: {  	[hbm:s23], [sflag:s12] =	dma.local [spmem:s24], $0x500  }
.Ltmp9:
0x6d: {  	_ = 	snop;
	(pc) =	sbr.rel @p1 .LBB2_10-.Ltmp9, $4  }
0x6e: {  	_ = 	snop  }
0x6f: {  	s21 =	sadd.s32 $0xFFFFFFFF, s21  }
0x70: {  	_ =	swait.ge [sflag:s15], $0x500  }
0x71: {  	s22 =	sadd.s32 $0x2800, s22;
	[sflag:s15] =	ssyncset.done $0x0  }
.LBB2_11:
0x72: {  	s5 =	sadd.s32 $0x1, s5  }
0x73: {  	p1 =	sne.s32 s5, s11  }
.Ltmp10:
0x74: {  	_ = 	snop;
	(pc) =	sbr.rel @p1 .LBB2_1-.Ltmp10, $2  }
0x75: {  	_ =	sdelay $0x2  }
0x76: {  	[sflag:s15] =	ssyncadd.s32 $0xFFFFFB00  }
0x77: {  	_ =	sfence.sel $0x180000  }
0x78: {  	[bflag:$0x0] =	sbarrier.arrive $0xFFFF  }
0x79: {  	p0 =	sne.s32 s2, $0x0;
	_ =	strace $0x90000047  }
0x7a: {  	s0 =	sadd.s32 @!p0 $0x100000, s1;
	[bflag:$0x2] =	sbarrier.arrive $0xFFFF  }
0x7b: {  	[sflag:s0] =	ssyncadd.tile.s32 @!p0 $0x1;
	_ =	shalt  }
.Lfunc_end2:
_tile_overlayer_lowered:
.L_overlay_start_2:
0x7c: {  	(tag) =	ssettag $0x2  }
0x7d: {  	s0 =	rddreg [dreg:$0x0];
	s2 =	stileid.u32  }
0x7e: {  	s1 =	rddreg [dreg:$0x1];
	p0 =	sne.s32 s2, $0x0  }
0x7f: {  	s3 =	rddreg [dreg:$0x2];
	[bflag:$0x3] =	sbarrier.arrive $0xFFFF;
	s2 =	simm.s32 @!p0 $0x1C03  }
0x80: {  	[timem:s3], [sflag:s2] =	dma.local @!p0 [hbm:s0], s1  }
0x81: {  	s0 =	simm.s32 @!p0 $0x3  }
0x82: {  	_ =	swait.ge @!p0 [sflag:s0], s1  }
0x83: {  	s1 =	ssub.s32 @!p0 $0x0, s1;
	[sflag:s0] =	ssyncset.done @!p0 $0x0  }
0x84: {  	[sflag:s0] =	ssyncadd.s32 @!p0 s1  }
0x85: {  	[bflag:$0x3] =	sbarrier.arrive $0xFFFF  }
0x86: {  	_ =	shalt  }

// kernel: sc_segsum_128.9.cloned.1.call-start
scs
__scs_entry_jumppad:
0x0: {  	(pc) =	sbr.rel $0x88, $3  }
0x1: {  	(tag) =	ssettag $0x0;
	lr =	simm.s32 $0x1  }
0x2: {  	[smem:$0x3F95] =	sst lr;
	_ =	strace $0xD0000000  }
0x3: {  	_ = 	snop  }
0x4: {  	_ = 	snop  }
0x5: {  	_ = 	snop  }
0x6: {  	_ = 	snop  }
0x7: {  	_ = 	snop  }
__scs_overlays_trampoline_lowered:
0x8: {  	[smem:$0x3FA4] =	sst s0  }
0x9: {  	[smem:$0x3FA5] =	sst s1  }
0xa: {  	[smem:$0x3FA6] =	sst s2  }
0xb: {  	[smem:$0x3FA7] =	sst s3  }
0xc: {  	[smem:$0x3FA8] =	sst s4  }
0xd: {  	[smem:$0x3FA9] =	sst s5  }
0xe: {  	[smem:$0x3FAA] =	sst s6  }
0xf: {  	[smem:$0x3FAB] =	sst s7  }
0x10: {  	[smem:$0x3FAC] =	sst s8  }
0x11: {  	[smem:$0x3FAD] =	sst s9;
	s0 =	simm.s32 @!p0 $0x0  }
0x12: {  	s1 =	sld [smem:$0x3F93];
	s0 =	simm.s32 @p0 $0x1  }
0x13: {  	[smem:$0x3FAE] =	sst s0;
	s0 =	simm.s32 @!p1 $0x0  }
0x14: {  	s2 =	sld [smem:$0x3F92];
	s0 =	simm.s32 @p1 $0x1  }
0x15: {  	[smem:$0x3FAF] =	sst s0;
	s0 =	simm.s32 @!p2 $0x0  }
0x16: {  	s3 =	sld [smem:$0x3FDB];
	s0 =	simm.s32 @p2 $0x1  }
0x17: {  	s4 =	simm.s32 $0x1BF5;
	[smem:$0x3FB1] =	sst s0  }
0x18: {  	s0 =	sld [smem:$0x3F94];
	_ =	swait.ge [sflag:s4], $0x0  }
0x19: {  	s7 =	sld [smem:$0x3F95]  }
0x1a: {  	s8 =	sadd.s32 $0xFFFFE003, lr  }
0x1b: {  	s9 =	sadd.s32 $0xFFFFFEF7, lr;
	s5 =	simm.s32 $0xFFFFFFFF;
	p2 =	slt.u32 s8, $0xFFFFF086  }
0x1c: {  	p1 =	slt.u32 s9, $0xF7A;
	s5 =	simm.s32 @!p2 $0x0  }
0x1d: {  	s5 =	simm.s32 @p1 $0x1;
	p0 =	seq.s32 s7, s2  }
0x1e: {  	s7 =	smul.u32 @!p0 $0xF7A, s2;
	p2 =	seq.s32 @!p0 s5, $0x0  }
0x1f: {  	s9 =	smul.u32 $0xF7A, s1;
	s8 =	simm.s32 @!p0 $0x1BF5;
	p2 =	por !p2, p0  }
0x20: {  	[sflag:s8] =	ssyncset.s32 @!p0 $0xFFFFF086;
	s6 =	sadd.s32 @!p0 s3, s7;
	s7 =	simm.s32 @!p0 $0x108  }
0x21: {  	s3 =	sadd.s32 s3, s9;
	s6 =	sadd.s32 @!p0 $0x88, s6;
	s7 =	simm.s32 @p2 $0x1082  }
0x22: {  	[simem:s7], [sflag:s8] =	dma.local @!p0 [hbm:s6], $0xF7A  }
0x23: {  	s9 =	sor.u32 $0xD0000000, s2;
	s6 =	simm.s32 $0x108;
	_ =	swait.ge @!p0 [sflag:s8], $0x0  }
0x24: {  	s3 =	sadd.s32 $0x88, s3;
	s6 =	simm.s32 @!p1 $0x1082;
	[sflag:s4] =	ssyncset.s32 $0xFFFFF086  }
0x25: {  	[simem:s6], [sflag:s4] =	dma.local [hbm:s3], $0xF7A  }
0x26: {  	[smem:$0x3F95] =	sst s1;
	(tag) =	ssettag s2;
	_ =	strace s9  }
0x27: {  	s1 =	sld [smem:$0x3FA5]  }
0x28: {  	s2 =	sld [smem:$0x3FA6]  }
0x29: {  	s4 =	sld [smem:$0x3FA8]  }
0x2a: {  	p0 =	seq.s32 s5, $0x0;
	s5 =	sld [smem:$0x3FA9]  }
0x2b: {  	s6 =	sld [smem:$0x3FAA]  }
0x2c: {  	s7 =	sld [smem:$0x3FAB]  }
0x2d: {  	s3 =	simm.s32 $0x108;
	s8 =	sld [smem:$0x3FAC]  }
0x2e: {  	s3 =	simm.s32 @!p0 $0x1082;
	s9 =	sld [smem:$0x3FAD]  }
0x2f: {  	lr =	sadd.s32 s0, s3;
	s0 =	sld [smem:$0x3FA4]  }
0x30: {  	s3 =	sld [smem:$0x3FA7]  }
0x31: {  	[smem:$0x3FB0] =	sst s10  }
0x32: {  	s10 =	sld [smem:$0x3FAE];
	_ =	sdelay $0x3  }
0x33: {  	p0 =	seq.s32 s10, $0x1;
	s10 =	sld [smem:$0x3FB0];
	_ =	sdelay $0x3  }
0x34: {  	[smem:$0x3FB0] =	sst s10  }
0x35: {  	s10 =	sld [smem:$0x3FAF];
	_ =	sdelay $0x3  }
0x36: {  	p1 =	seq.s32 s10, $0x1;
	s10 =	sld [smem:$0x3FB0];
	_ =	sdelay $0x3  }
0x37: {  	[smem:$0x3FB0] =	sst s10  }
0x38: {  	s10 =	sld [smem:$0x3FB1]  }
0x39: {  	_ = 	snop;
	(pc) =	sbr.ind lr, $3  }
0x3a: {  	_ = 	snop  }
0x3b: {  	_ = 	snop  }
0x3c: {  	p2 =	seq.s32 s10, $0x1;
	s10 =	sld [smem:$0x3FB0]  }
0x3d: {  	_ =	shalt  }
0x3e: {  	_ =	shalt  }
0x3f: {  	_ =	shalt  }
0x40: {  	_ =	shalt  }
0x41: {  	_ =	shalt  }
0x42: {  	_ =	shalt  }
0x43: {  	_ =	shalt  }
0x44: {  	_ =	shalt  }
0x45: {  	_ =	shalt  }
0x46: {  	_ =	shalt  }
0x47: {  	_ =	shalt  }
0x48: {  	_ =	shalt  }
0x49: {  	_ =	shalt  }
0x4a: {  	_ =	shalt  }
0x4b: {  	_ =	shalt  }
0x4c: {  	_ =	shalt  }
0x4d: {  	_ =	shalt  }
0x4e: {  	_ =	shalt  }
0x4f: {  	_ =	shalt  }
0x50: {  	_ =	shalt  }
0x51: {  	_ =	shalt  }
0x52: {  	_ =	shalt  }
0x53: {  	_ =	shalt  }
0x54: {  	_ =	shalt  }
0x55: {  	_ =	shalt  }
0x56: {  	_ =	shalt  }
0x57: {  	_ =	shalt  }
0x58: {  	_ =	shalt  }
0x59: {  	_ =	shalt  }
0x5a: {  	_ =	shalt  }
0x5b: {  	_ =	shalt  }
0x5c: {  	_ =	shalt  }
0x5d: {  	_ =	shalt  }
0x5e: {  	_ =	shalt  }
0x5f: {  	_ =	shalt  }
0x60: {  	_ =	shalt  }
0x61: {  	_ =	shalt  }
0x62: {  	_ =	shalt  }
0x63: {  	_ =	shalt  }
0x64: {  	_ =	shalt  }
0x65: {  	_ =	shalt  }
0x66: {  	_ =	shalt  }
0x67: {  	_ =	shalt  }
0x68: {  	_ =	shalt  }
0x69: {  	_ =	shalt  }
0x6a: {  	_ =	shalt  }
0x6b: {  	_ =	shalt  }
0x6c: {  	_ =	shalt  }
0x6d: {  	_ =	shalt  }
0x6e: {  	_ =	shalt  }
0x6f: {  	_ =	shalt  }
0x70: {  	_ =	shalt  }
0x71: {  	_ =	shalt  }
0x72: {  	_ =	shalt  }
0x73: {  	_ =	shalt  }
0x74: {  	_ =	shalt  }
0x75: {  	_ =	shalt  }
0x76: {  	_ =	shalt  }
0x77: {  	_ =	shalt  }
0x78: {  	_ =	shalt  }
0x79: {  	_ =	shalt  }
0x7a: {  	_ =	shalt  }
0x7b: {  	_ =	shalt  }
0x7c: {  	_ =	shalt  }
0x7d: {  	_ =	shalt  }
0x7e: {  	_ =	shalt  }
0x7f: {  	_ =	shalt  }
0x80: {  	_ =	shalt  }
0x81: {  	_ =	shalt  }
0x82: {  	_ =	shalt  }
0x83: {  	_ =	shalt  }
0x84: {  	_ =	shalt  }
0x85: {  	_ =	shalt  }
0x86: {  	_ =	shalt  }
0x87: {  	_ =	shalt  }
.Lfunc_end0:
.L_simem_size_0:
called_computation.1_lowered:
.L_overlay_start_0:
0x88: {  	s2 =	sld [smem:$0x3FD9]  }
0x89: {  	s3 =	sld [smem:$0x3FFE];
	_ =	sdelay $0x1  }
0x8a: {  	s1 =	srdreg.scid  }
0x8b: {  	s0 =	sand.u32 $0x1, s1  }
0x8c: {  	s14 =	sshll.u32 s0, $0xA;
	s2 =	sadd.s32 s3, s2  }
0x8d: {  	s2 =	sadd.s32 s2, s14  }
0x8e: {  	[smem:$0x3FBC] =	sst s2  }
0x8f: {  	_ = 	snop  }
0x90: {  	s2 =	sld [smem:$0x3FD0];
	_ =	sdelay $0x2  }
0x91: {  	s15 =	simm.s32 $0xA;
	s4 =	simm.s32 $0x10  }
0x92: {  	[smem:s4], [sflag:s15] =	dma.local [hbm:s2], $0x1  }
0x93: {  	_ =	swait.eq [sflag:s15], $0x1  }
0x94: {  	[sflag:s15] =	ssyncset.done $0x0  }
0x95: {  	s16 =	sld [smem:$0x10];
	[sflag:s15] =	ssyncadd.s32 $0xFFFFFFFF  }
0x96: {  	s17 =	sld [smem:$0x11];
	(tm) =	ssettm $0x1  }
0x97: {  	s18 =	sld [smem:$0x3FFB];
	_ =	sdelay $0x3  }
0x98: {  	_ =	strace s18  }
0x99: {  	s4 =	sld [smem:$0x3FFC];
	_ =	sdelay $0x3  }
0x9a: {  	_ =	strace s4  }
0x9b: {  	s4 =	sld [smem:$0x3FFD];
	_ =	sdelay $0x3  }
0x9c: {  	_ =	strace s4  }
0x9d: {  	_ =	strace $0x8FFFFFFF  }
0x9e: {  	s19 =	sld [smem:$0x3FDB];
	_ =	sdelay $0x1  }
0x9f: {  	s5 =	simm.s32 $_scs_section_size  }
0xa0: {  	s6 =	simm.s32 $_size__tile_overlayer_lowered;
	s7 =	simm.s32 $_tile_overlayer_lowered  }
0xa1: {  	s22 =	simm.s32 $0x1BFF;
	s21 =	sshll.u32 s7, $0x1;
	s4 =	sadd.s32 s5, s19  }
0xa2: {  	s8 =	simm.s32 $0x0;
	s20 =	sshll.u32 s6, $0x1;
	s6 =	sadd.s32 s21, s4  }
0xa3: {  	[timem:s8], [sflag:s22] =	dma.local [hbm:s6], s20  }
0xa4: {  	_ =	swait.ge [sflag:s22], s20  }
0xa5: {  	s5 =	ssub.s32 $0x0, s20;
	[sflag:s22] =	ssyncset.done $0x0  }
0xa6: {  	[sflag:s22] =	ssyncadd.s32 s5;
	_ =	sdelay $0x1  }
0xa7: {  	s23 =	simm.s32 $0x1B8B  }
0xa8: {  	_ =	swait.ge [sflag:s23], $0x1  }
0xa9: {  	[sflag:s23] =	ssyncset.done $0x0  }
0xaa: {  	s25 =	simm.s32 $0x1B8E;
	s24 =	sld [smem:$0x3FFE];
	[sflag:s23] =	ssyncadd.s32 $0xFFFFFFFF  }
0xab: {  	s26 =	simm.s32 $execute0_lowered;
	[smem:$0x3FD2] =	sst s25  }
0xac: {  	s6 =	sshll.u32 s26, $0x1;
	_ =	strace $0x80000049;
	[dreg:$0x1] =	wrdreg $0xFFFFFFFF  }
0xad: {  	s28 =	simm.s32 $_size_execute0_lowered;
	s4 =	sadd.s32 s4, s6;
	[dreg:$0x0] =	wrdreg $0x0  }
0xae: {  	s6 =	sshll.u32 s28, $0x1;
	[dreg:$0x2] =	wrdreg s4  }
0xaf: {  	[dreg:$0x3] =	wrdreg s6  }
0xb0: {  	[dreg:$0x4] =	wrdreg $0xC0  }
0xb1: {  	_ =	task [dreg:s8], $0x5FFFF  }
0xb2: {  	[dreg:$0x1] =	wrdreg $0xFFFFFFFF  }
0xb3: {  	[dreg:$0x0] =	wrdreg $0x60  }
0xb4: {  	[dreg:$0x2] =	wrdreg s16  }
0xb5: {  	[dreg:$0x3] =	wrdreg s24  }
0xb6: {  	[dreg:$0x4] =	wrdreg s17  }
0xb7: {  	[dreg:$0x5] =	wrdreg $0xA8000  }
0xb8: {  	[dreg:$0x6] =	wrdreg $0x9  }
0xb9: {  	_ =	task.clear_ibuf [dreg:s8], $0x7FFFF;
	_ =	strace $0x90000049  }
0xba: {  	s29 =	simm.s32 $0x9;
	_ =	strace $0x8000004B  }
0xbb: {  	_ =	swait.ge [sflag:s29], $0x1  }
0xbc: {  	[sflag:s29] =	ssyncadd.s32 $0xFFFFFFFF  }
0xbd: {  	_ =	strace $0x9000004B  }
0xbe: {  	_ =	sfence  }
0xbf: {  	s30 =	sld [smem:$0x0];
	_ =	sdelay $0x2  }
0xc0: {  	s31 =	sshll.u32 s1, $0xD;
	s1 =	sshrl.u32 s1, $0x2  }
0xc1: {  	s3 =	sand.u32 $0x4000, s31;
	s1 =	sadd.s32 s1, s30  }
0xc2: {  	s0 =	sor.u32 s3, s0;
	s1 =	sshll.u32 s1, $0x11  }
0xc3: {  	s0 =	sor.u32 s1, s0  }
0xc4: {  	s0 =	sadd.s32 $0x8F2B, s0  }
0xc5: {  	[sflag:s0] =	ssyncadd.remote.s32 $0x1  }
0xc6: {  	_ =	sfence.sel $0xFFFF  }
0xc7: {  	[dreg:$0x0] =	wrdreg $0xFFFFFFFF;
	(pc) =	sbr.abs _section_cstart, $3  }
0xc8: {  	[dreg:$0x1] =	wrdreg $0xFFFFFFFF  }
0xc9: {  	_ =	task.clear_ibuf [dreg:s8], $0x2FFFF;
	_ =	strace $0x9FFFFFFF  }
0xca: {  	(tm) =	ssettm $0x7FFFFFFF  }
0xcb: {  	_ =	shalt  }
tec
execute0_lowered:
.L_overlay_start_1:
0x0: {  	(tag) =	ssettag $0x1  }
0x1: {  	s0 =	rddreg [dreg:$0x0]  }
0x2: {  	s8 =	rddreg [dreg:$0x1]  }
0x3: {  	s3 =	rddreg [dreg:$0x2];
	s1 =	srdreg.scid  }
0x4: {  	s4 =	rddreg [dreg:$0x3];
	s2 =	stileid.u32  }
0x5: {  	s5 =	simm.s32 $0x0;
	s16 =	simm.s32 $0x80;
	s17 =	simm.s32 $0x2800  }
0x6: {  	s18 =	simm.s32 $0x6800;
	s19 =	simm.s32 $0x1;
	s7 =	smul.u32 $0x14000, s2  }
0x7: {  	s9 =	sand.u32 $0x1, s1;
	s1 =	rddreg [dreg:$0x4];
	s11 =	smul.u32 $0x280, s2  }
0x8: {  	s20 =	simm.s32 $0x2;
	[smem:$0x7FF] =	sst s5;
	s12 =	smul.u32 $0x50000, s2  }
0x9: {  	s13 =	sshll.u32 s2, $0x6;
	s6 =	smul.u32 $0x138800, s9;
	_ =	strace $0x8000004A  }
0xa: {  	s29 =	ssub.s32 $0x2, s9;
	s9 =	sshll.u32 s9, $0x4;
	s30 =	ssub.s32 $0x2710, s11  }
0xb: {  	s31 =	sshrl.u32 s29, $0x1;
	s9 =	sor.u32 s2, s9;
	s15 =	sshrl.u32 s12, $0x2  }
0xc: {  	s12 =	sor.u32 $0x1C03, s13;
	s10 =	sadd.s32 s7, s6;
	s6 =	sadd.s32 $0x51000, s8  }
0xd: {  	s7 =	sadd.s32 $0x4EEC00, s8;
	p0 =	sne.s32 s9, $0x1F;
	s10 =	sshrl.u32 s10, $0x3  }
0xe: {  	s9 =	smul.u32 $0x50, s9;
	s14 =	sadd.s32 s10, s8;
	s10 =	smin.u32 s30, $0x280  }
0xf: {  	s11 =	ssub.s32 s29, s31;
	s13 =	sadd.s32 s15, s4;
	s10 =	smul.u32 $0x334, s10  }
0x10: {  	s15 =	simm.s32 $0x3;
	s11 =	smax.u32 s11, $0x1;
	s8 =	simm.s32 $0x14  }
0x11: {  	s8 =	simm.s32 @!p0 $0xA;
	s14 =	sadd.s32 $0x2E00, s14;
	s10 =	sshrl.u32 s10, $0x10  }
.LBB2_1:
0x12: {  	p1 =	sne.s32 s10, $0x1  }
.Ltmp0:
0x13: {  	_ = 	snop;
	(pc) =	sbr.rel @!p1 .LBB2_3-.Ltmp0, $4  }
0x14: {  	s21 =	sshrl.u32 s13, $0x3  }
0x15: {  	[spmem:s21], [sflag:s12] =	dma.local [hbm:s3], $0x500  }
0x16: {  	_ =	swait.ge [sflag:s15], $0x500  }
0x17: {  	s22 =	sadd.s32 $0xFFFFFFFF, s10;
	s23 =	sadd.s32 $0x2800, s13;
	[sflag:s15] =	ssyncset.done $0x0  }
.LBB2_2:
0x18: {  	s24 =	sshrl.u32 s23, $0x3;
	[sflag:s15] =	ssyncadd.s32 $0xFFFFFB00;
	p2 =	sne.s32 s22, $0x1  }
0x19: {  	[spmem:s24], [sflag:s12] =	dma.local [hbm:s3], $0x500  }
.Ltmp1:
0x1a: {  	_ = 	snop;
	(pc) =	sbr.rel @p2 .LBB2_2-.Ltmp1, $4  }
0x1b: {  	_ = 	snop  }
0x1c: {  	s22 =	sadd.s32 $0xFFFFFFFF, s22  }
0x1d: {  	_ =	swait.ge [sflag:s15], $0x500  }
0x1e: {  	s23 =	sadd.s32 $0x2800, s23;
	[sflag:s15] =	ssyncset.done $0x0  }
.LBB2_3:
0x1f: {  	[sflag:s15] =	ssyncadd.s32 $0xFFFFFB00;
	s22 =	simm.s32 $0x0  }
0x20: {  	p2 =	por p0, p0;
	s23 =	simm.s32 $0x0;
	[bflag:$0x0] =	sbarrier.arrive $0xFFFF  }
.LBB2_4:
0x21: {  	s23 =	sadd.s32 s9, s23  }
0x22: {  	s23 =	sshll.u32 s23, $0x4  }
0x23: {  	s24 =	sadd.s32 s6, s23  }
0x24: {  	[tilespmem:s22], [sflag:$0x3] =	stream.linear.gather [hbm4b:s24+s22], $0x1400, $0x38;
	[tilespmem:$0x1E080] =	vst v63  }
0x25: {  	_ =	swait.ge [sflag:s15], $0x1400  }
0x26: {  	p4 =	sne.s32 s8, $0x1;
	[sflag:s15] =	ssyncset.done $0x0  }
0x27: {  	s31 =	sadd.s32 s7, s23;
	s23 =	simm.s32 $0x1400;
	[sflag:s15] =	ssyncadd.s32 $0xFFFFEC00  }
0x28: {  	[tilespmem:s23], [sflag:$0x3] =	stream.linear.gather [hbm4b:s31+s22], $0x1400, $0x38;
	[tilespmem:$0x1E080] =	vst v63  }
.Ltmp2:
0x29: {  	_ = 	snop;
	(pc) =	sbr.rel @!p4 .LBB2_5-.Ltmp2, $4  }
0x2a: {  	_ =	swait.ge [sflag:s15], $0x1400  }
0x2b: {  	p3 =	por p2, p2;
	s25 =	simm.s32 $0x1;
	[sflag:s15] =	ssyncset.done $0x0  }
0x2c: {  	p2 =	por $0x0, $0x0;
	s24 =	simm.s32 $0x100;
	[sflag:s15] =	ssyncadd.s32 $0xFFFFEC00  }
0x2d: {  	[tilespmem:s17], [sflag:$0x1] =	stream.indirect.gather [hbm4b:s0+s16], $0x80, s22, s16, $0xb8;
	[tilespmem:$0x1E080] =	vst v63  }
0x2e: {  	s25 =	simm.s32 $0x80  }
0x2f: {  	[tilespmem:s18], [sflag:$0x2] =	stream.indirect.gather [hbm4b:s0+s16], $0x80, s25, s16, $0xb8;
	[tilespmem:$0x1E080] =	vst v63  }
0x30: {  	_ =	swait.ge [sflag:s19], $0x4000  }
0x31: {  	[sflag:s19] =	ssyncset.done $0x0  }
0x32: {  	[sflag:s19] =	ssyncadd.s32 $0xFFFFC000  }
0x33: {  	[spmem:s4] =	stream.indirect.scatter.add.f32 [tilespmem:s17], [sflag:$0x3], $0x80, s23, s16, $0xb8;
	[tilespmem:$0x1E080] =	vst v63  }
0x34: {  	_ =	swait.ge [sflag:s15], $0x4000  }
0x35: {  	p4 =	sle.u32 s8, $0x1;
	[sflag:s15] =	ssyncset.done $0x0  }
0x36: {  	s25 =	simm.s32 @!p4 $0x2800;
	s23 =	simm.s32 @!p4 $0x80;
	[sflag:s15] =	ssyncadd.s32 $0xFFFFC000  }
0x37: {  	[tilespmem:s25], [sflag:$0x1] =	stream.indirect.gather @!p4 [hbm4b:s0+s23], $0x80, s24, s23, $0xb8;
	[tilespmem:$0x1E080] =	vst v63  }
0x38: {  	p5 =	sne.s32 s8, $0x2;
	_ =	swait.ge [sflag:s20], $0x4000  }
.Ltmp3:
0x39: {  	[sflag:s20] =	ssyncset.done $0x0;
	(pc) =	sbr.rel @!p5 .LBB2_8-.Ltmp3, $4  }
0x3a: {  	s31 =	simm.s32 $0x1480;
	s26 =	simm.s32 $0x2;
	[sflag:s20] =	ssyncadd.s32 $0xFFFFC000  }
0x3b: {  	[spmem:s4] =	stream.indirect.scatter.add.f32 [tilespmem:s18], [sflag:$0x3], $0x80, s31, s16, $0xb8;
	[tilespmem:$0x1E080] =	vst v63  }
0x3c: {  	s25 =	simm.s32 $0x2;
	s24 =	simm.s32 $0x200;
	_ =	swait.ge [sflag:s15], $0x4000  }
0x3d: {  	s23 =	simm.s32 $0x1500;
	p4 =	por $0x1, $0x1;
	[sflag:s15] =	ssyncset.done $0x0  }
.LBB2_7:
0x3e: {  	s26 =	sadd.s32 $0x1, s26;
	s28 =	sadd.s32 $0xFFFFFF80, s24;
	[sflag:s15] =	ssyncadd.s32 $0xFFFFC000  }
0x3f: {  	[tilespmem:s18], [sflag:$0x2] =	stream.indirect.gather [hbm4b:s0+s16], $0x80, s28, s16, $0xb8;
	[tilespmem:$0x1E080] =	vst v63  }
0x40: {  	p5 =	sne.s32 s8, s26;
	_ =	swait.ge [sflag:s19], $0x4000  }
0x41: {  	[sflag:s19] =	ssyncset.done $0x0  }
0x42: {  	[sflag:s19] =	ssyncadd.s32 $0xFFFFC000  }
0x43: {  	[spmem:s4] =	stream.indirect.scatter.add.f32 [tilespmem:s17], [sflag:$0x3], $0x80, s23, s16, $0xb8;
	[tilespmem:$0x1E080] =	vst v63  }
0x44: {  	_ =	swait.ge [sflag:s15], $0x4000  }
0x45: {  	p6 =	sge.u32 s25, s8;
	s25 =	smov.u32 s26;
	[sflag:s15] =	ssyncset.done $0x0  }
0x46: {  	s28 =	simm.s32 @!p6 $0x80;
	s29 =	simm.s32 @!p6 $0x2800;
	[sflag:s15] =	ssyncadd.s32 $0xFFFFC000  }
0x47: {  	[tilespmem:s29], [sflag:$0x1] =	stream.indirect.gather @!p6 [hbm4b:s0+s28], $0x80, s24, s28, $0xb8;
	[tilespmem:$0x1E080] =	vst v63  }
0x48: {  	_ =	swait.ge [sflag:s20], $0x4000  }
.Ltmp4:
0x49: {  	[sflag:s20] =	ssyncset.done $0x0;
	(pc) =	sbr.rel @p5 .LBB2_7-.Ltmp4, $4  }
0x4a: {  	s28 =	sadd.s32 $0x80, s23;
	[sflag:s20] =	ssyncadd.s32 $0xFFFFC000  }
0x4b: {  	[spmem:s4] =	stream.indirect.scatter.add.f32 [tilespmem:s18], [sflag:$0x3], $0x80, s28, s16, $0xb8;
	[tilespmem:$0x1E080] =	vst v63  }
0x4c: {  	_ =	swait.ge [sflag:s15], $0x4000  }
0x4d: {  	s24 =	sadd.s32 $0x100, s24;
	s23 =	sadd.s32 $0x100, s23;
	[sflag:s15] =	ssyncset.done $0x0  }
.LBB2_8:
0x4e: {  	s26 =	sadd.s32 $0xFFFFFF80, s24;
	[sflag:s15] =	ssyncadd.s32 @p4 $0xFFFFC000  }
0x4f: {  	[tilespmem:s18], [sflag:$0x2] =	stream.indirect.gather [hbm4b:s0+s16], $0x80, s26, s16, $0xb8;
	[tilespmem:$0x1E080] =	vst v63  }
0x50: {  	_ =	swait.ge [sflag:s19], $0x4000  }
0x51: {  	[sflag:s19] =	ssyncset.done $0x0  }
0x52: {  	[sflag:s19] =	ssyncadd.s32 $0xFFFFC000  }
0x53: {  	[spmem:s4] =	stream.indirect.scatter.add.f32 [tilespmem:s17], [sflag:$0x3], $0x80, s23, s16, $0xb8;
	[tilespmem:$0x1E080] =	vst v63  }
0x54: {  	_ =	swait.ge [sflag:s15], $0x4000  }
0x55: {  	p4 =	sge.u32 s25, s8;
	[sflag:s15] =	ssyncset.done $0x0  }
0x56: {  	s25 =	simm.s32 @!p4 $0x80;
	s26 =	simm.s32 @!p4 $0x2800;
	[sflag:s15] =	ssyncadd.s32 $0xFFFFC000  }
0x57: {  	[tilespmem:s26], [sflag:$0x1] =	stream.indirect.gather @!p4 [hbm4b:s0+s25], $0x80, s24, s25, $0xb8;
	[tilespmem:$0x1E080] =	vst v63  }
0x58: {  	_ =	swait.ge [sflag:s20], $0x4000  }
0x59: {  	[sflag:s20] =	ssyncset.done $0x0  }
0x5a: {  	s31 =	sadd.s32 $0x80, s23;
	[sflag:s20] =	ssyncadd.s32 $0xFFFFC000  }
0x5b: {  	[spmem:s4] =	stream.indirect.scatter.add.f32 [tilespmem:s18], [sflag:$0x3], $0x80, s31, s16, $0xb8;
	[tilespmem:$0x1E080] =	vst v63  }
.Ltmp5:
0x5c: {  	_ = 	snop;
	(pc) =	sbr.rel @p3 .LBB2_4-.Ltmp5, $4  }
.Ltmp6:
0x5d: {  	_ = 	snop;
	(pc) =	sbr.rel @!p3 .LBB2_9-.Ltmp6, $4  }
0x5e: {  	_ =	swait.ge [sflag:s15], $0x4000  }
0x5f: {  	[sflag:s15] =	ssyncset.done $0x0  }
0x60: {  	s23 =	simm.s32 $0x28;
	[sflag:s15] =	ssyncadd.s32 $0xFFFFC000  }
0x61: {  	_ = 	snop  }
.LBB2_5:
.Ltmp7:
0x62: {  	(pc) =	sbr.rel .LBB2_8-.Ltmp7, $2  }
0x63: {  	_ =	sdelay $0x2  }
0x64: {  	p4 =	por $0x0, $0x0  }
.LBB2_9:
.Ltmp8:
0x65: {  	(pc) =	sbr.rel @!p1 .LBB2_11-.Ltmp8, $4  }
0x66: {  	[bflag:$0x0] =	sbarrier.arrive $0xFFFF  }
0x67: {  	[hbm:s14], [sflag:s12] =	dma.local [spmem:s21], $0x500  }
0x68: {  	s22 =	sadd.s32 $0x2800, s13;
	_ =	swait.ge [sflag:s15], $0x500  }
0x69: {  	s23 =	smov.u32 s14;
	s21 =	sadd.s32 $0xFFFFFFFF, s10;
	[sflag:s15] =	ssyncset.done $0x0  }
.LBB2_10:
0x6a: {  	s24 =	sshrl.u32 s22, $0x3  }
0x6b: {  	[sflag:s15] =	ssyncadd.s32 $0xFFFFFB00;
	s23 =	sadd.s32 $0x500, s23;
	p1 =	sne.s32 s21, $0x1  }
0x6c: {  	[hbm:s23], [sflag:s12] =	dma.local [spmem:s24], $0x500  }
.Ltmp9:
0x6d: {  	_ = 	snop;
	(pc) =	sbr.rel @p1 .LBB2_10-.Ltmp9, $4  }
0x6e: {  	_ = 	snop  }
0x6f: {  	s21 =	sadd.s32 $0xFFFFFFFF, s21  }
0x70: {  	_ =	swait.ge [sflag:s15], $0x500  }
0x71: {  	s22 =	sadd.s32 $0x2800, s22;
	[sflag:s15] =	ssyncset.done $0x0  }
.LBB2_11:
0x72: {  	s5 =	sadd.s32 $0x1, s5  }
0x73: {  	p1 =	sne.s32 s5, s11  }
.Ltmp10:
0x74: {  	_ = 	snop;
	(pc) =	sbr.rel @p1 .LBB2_1-.Ltmp10, $2  }
0x75: {  	_ =	sdelay $0x2  }
0x76: {  	[sflag:s15] =	ssyncadd.s32 $0xFFFFFB00  }
0x77: {  	_ =	sfence.sel $0x180000  }
0x78: {  	[bflag:$0x0] =	sbarrier.arrive $0xFFFF  }
0x79: {  	p0 =	sne.s32 s2, $0x0;
	_ =	strace $0x9000004A  }
0x7a: {  	s0 =	sadd.s32 @!p0 $0x100000, s1;
	[bflag:$0x2] =	sbarrier.arrive $0xFFFF  }
0x7b: {  	[sflag:s0] =	ssyncadd.tile.s32 @!p0 $0x1;
	_ =	shalt  }
.Lfunc_end2:
_tile_overlayer_lowered:
.L_overlay_start_2:
0x7c: {  	(tag) =	ssettag $0x2  }
0x7d: {  	s0 =	rddreg [dreg:$0x0];
	s2 =	stileid.u32  }
0x7e: {  	s1 =	rddreg [dreg:$0x1];
	p0 =	sne.s32 s2, $0x0  }
0x7f: {  	s3 =	rddreg [dreg:$0x2];
	[bflag:$0x3] =	sbarrier.arrive $0xFFFF;
	s2 =	simm.s32 @!p0 $0x1C03  }
0x80: {  	[timem:s3], [sflag:s2] =	dma.local @!p0 [hbm:s0], s1  }
0x81: {  	s0 =	simm.s32 @!p0 $0x3  }
0x82: {  	_ =	swait.ge @!p0 [sflag:s0], s1  }
0x83: {  	s1 =	ssub.s32 @!p0 $0x0, s1;
	[sflag:s0] =	ssyncset.done @!p0 $0x0  }
0x84: {  	[sflag:s0] =	ssyncadd.s32 @!p0 s1  }
0x85: {  	[bflag:$0x3] =	sbarrier.arrive $0xFFFF  }
0x86: {  	_ =	shalt  }

</sc_bundles>
